<compile_context>
chip_gen: v7x
topology: tpu7x:2x2x1
jax: 0.10.2.dev20260603
libtpu: 0.0.44.dev20260713+nightly
codegen_flags: <defaults>
</compile_context>

<pallas_src>
import functools

import jax
import jax.numpy as jnp
from jax import lax
from jax.experimental import pallas as pl
from jax.experimental.pallas import tpu as pltpu
from jax.experimental.pallas import tpu_sc as plsc

N = 10000
E = 320000
NC = 2
NS = 16
K = 128
CHUNK_ROWS = 2560
EPAD = CHUNK_ROWS * K - E
NTRASH = 128
ACC_ROWS = N + NTRASH
RPT = 624
DEGW = 128

BR = 1000
GRID = N // BR

_mesh = plsc.VectorSubcoreMesh(
    core_axis_name="c", subcore_axis_name="s", num_cores=NC, num_subcores=NS)


def _tilewise_copy(src_at, dst_at, s):
  off = pl.multiple_of(s * RPT, 8)
  pltpu.sync_copy(src_at(off, RPT), dst_at(off, RPT))

  @pl.when(s == NS - 1)
  def _():
    pltpu.sync_copy(src_at(NS * RPT, N - NS * RPT), dst_at(NS * RPT, N - NS * RPT))


RB = 40


def _edge_pipeline(start_row, rows_per_tile, y_hbm, src2_hbm, dst2_hbm,
                   srcv, dstv, rows2, acc, gsems, ssems):
  rows0, rows1 = rows2
  gs0, gs1 = gsems
  ss0, ss1 = ssems
  H = K // 2

  def g_issue(j, buf, sem):
    pltpu.async_copy(y_hbm.at[srcv.at[j, pl.ds(0, H)]],
                     buf.at[pl.ds(0, H)], sem)
    pltpu.async_copy(y_hbm.at[srcv.at[j, pl.ds(H, H)]],
                     buf.at[pl.ds(H, H)], sem)

  def g_wait(buf, sem):
    pltpu.make_async_copy(y_hbm.at[srcv.at[0, pl.ds(0, H)]],
                          buf.at[pl.ds(0, H)], sem).wait()
    pltpu.make_async_copy(y_hbm.at[srcv.at[0, pl.ds(H, H)]],
                          buf.at[pl.ds(H, H)], sem).wait()

  def s_issue(j, buf, sem):
    pltpu.async_copy(buf, acc.at[dstv.at[j]], sem, add=True)

  def s_wait(buf, sem):
    pltpu.make_async_copy(buf, acc.at[dstv.at[0]], sem).wait()

  def blk(b, carry):
    r0 = pl.multiple_of(start_row + b * RB, 8)
    pltpu.sync_copy(src2_hbm.at[pl.ds(r0, RB)], srcv)
    pltpu.sync_copy(dst2_hbm.at[pl.ds(r0, RB)], dstv)
    g_issue(0, rows0, gs0)
    g_issue(1, rows1, gs1)
    g_wait(rows0, gs0)
    s_issue(0, rows0, ss0)
    g_wait(rows1, gs1)
    s_issue(1, rows1, ss1)

    def pair(i, c):
      j0 = i * 2
      s_wait(rows0, ss0)
      g_issue(j0, rows0, gs0)
      s_wait(rows1, ss1)
      g_issue(j0 + 1, rows1, gs1)
      g_wait(rows0, gs0)
      s_issue(j0, rows0, ss0)
      g_wait(rows1, gs1)
      s_issue(j0 + 1, rows1, ss1)
      return c

    lax.fori_loop(1, RB // 2, pair, 0)
    s_wait(rows0, ss0)
    s_wait(rows1, ss1)
    return carry

  lax.fori_loop(0, rows_per_tile // RB, blk, 0)


def _prop_split():
  rpt_edges = CHUNK_ROWS // NS

  @functools.partial(
      pl.kernel,
      out_type=jax.ShapeDtypeStruct((NC * N, 128), jnp.float32),
      mesh=_mesh,
      scratch_types=[
          pltpu.VMEM((RB, K), jnp.int32),
          pltpu.VMEM((RB, K), jnp.int32),
          pltpu.VMEM((K, 128), jnp.float32),
          pltpu.VMEM((K, 128), jnp.float32),
          pltpu.VMEM_SHARED((ACC_ROWS, 128), jnp.float32),
          pltpu.SemaphoreType.DMA,
          pltpu.SemaphoreType.DMA,
          pltpu.SemaphoreType.DMA,
          pltpu.SemaphoreType.DMA,
      ],
  )
  def prop(y0_hbm, y1_hbm, src2_hbm, dst2_hbm, zeros_hbm,
           out_hbm, srcv, dstv, rows0, rows1, acc, sem0, sem1, sem2, sem3):
    c = lax.axis_index("c")
    s = lax.axis_index("s")
    _tilewise_copy(lambda o, n: zeros_hbm.at[pl.ds(o, n)],
                   lambda o, n: acc.at[pl.ds(o, n)], s)
    plsc.subcore_barrier()

    @pl.when(c == 0)
    def _():
      _edge_pipeline(s * rpt_edges, rpt_edges, y0_hbm, src2_hbm, dst2_hbm,
                     srcv, dstv, (rows0, rows1), acc, (sem0, sem1),
                     (sem2, sem3))

    @pl.when(c == 1)
    def _():
      _edge_pipeline(s * rpt_edges, rpt_edges, y1_hbm, src2_hbm, dst2_hbm,
                     srcv, dstv, (rows0, rows1), acc, (sem0, sem1),
                     (sem2, sem3))

    plsc.subcore_barrier()
    base = pl.multiple_of(c * N, 8)
    _tilewise_copy(lambda o, n: acc.at[pl.ds(o, n)],
                   lambda o, n: out_hbm.at[pl.ds(base + o, n)], s)

  return prop


def _prop_full():
  rpt_edges = CHUNK_ROWS // (NC * NS)

  @functools.partial(
      pl.kernel,
      out_type=jax.ShapeDtypeStruct((NC * N, 128), jnp.float32),
      mesh=_mesh,
      scratch_types=[
          pltpu.VMEM((RB, K), jnp.int32),
          pltpu.VMEM((RB, K), jnp.int32),
          pltpu.VMEM((K, 128), jnp.float32),
          pltpu.VMEM((K, 128), jnp.float32),
          pltpu.VMEM_SHARED((ACC_ROWS, 128), jnp.float32),
          pltpu.SemaphoreType.DMA,
          pltpu.SemaphoreType.DMA,
          pltpu.SemaphoreType.DMA,
          pltpu.SemaphoreType.DMA,
      ],
  )
  def prop(y_hbm, src2_hbm, dst2_hbm, zeros_hbm,
           out_hbm, srcv, dstv, rows0, rows1, acc, sem0, sem1, sem2, sem3):
    c = lax.axis_index("c")
    s = lax.axis_index("s")
    _tilewise_copy(lambda o, n: zeros_hbm.at[pl.ds(o, n)],
                   lambda o, n: acc.at[pl.ds(o, n)], s)
    plsc.subcore_barrier()
    _edge_pipeline((c * NS + s) * rpt_edges, rpt_edges, y_hbm,
                   src2_hbm, dst2_hbm, srcv, dstv, (rows0, rows1), acc,
                   (sem0, sem1), (sem2, sem3))
    plsc.subcore_barrier()
    base = pl.multiple_of(c * N, 8)
    _tilewise_copy(lambda o, n: acc.at[pl.ds(o, n)],
                   lambda o, n: out_hbm.at[pl.ds(base + o, n)], s)

  return prop


_prop256 = _prop_split()
_prop128 = _prop_full()


@functools.partial(
    pl.kernel,
    out_type=jax.ShapeDtypeStruct((NC * N, DEGW), jnp.float32),
    mesh=_mesh,
    scratch_types=[
        pltpu.VMEM((CHUNK_ROWS // NS, K), jnp.int32),
        pltpu.VMEM((K, DEGW), jnp.float32),
        pltpu.VMEM_SHARED((ACC_ROWS, DEGW), jnp.float32),
        pltpu.SemaphoreType.DMA,
    ],
)
def _deg_kernel(srcc2_hbm, dstp2_hbm, zeros_hbm, ones_hbm,
                out_hbm, idxv, onesv, acc, dsem):
  c = lax.axis_index("c")
  s = lax.axis_index("s")
  rpt_edges = CHUNK_ROWS // NS
  _tilewise_copy(lambda o, n: zeros_hbm.at[pl.ds(o, n)],
                 lambda o, n: acc.at[pl.ds(o, n)], s)
  pltpu.sync_copy(ones_hbm, onesv)
  r0 = pl.multiple_of(s * rpt_edges, 8)

  @pl.when(c == 0)
  def _():
    pltpu.sync_copy(srcc2_hbm.at[pl.ds(r0, rpt_edges)], idxv)

  @pl.when(c == 1)
  def _():
    pltpu.sync_copy(dstp2_hbm.at[pl.ds(r0, rpt_edges)], idxv)

  plsc.subcore_barrier()

  for j in range(4):
    pltpu.async_copy(onesv, acc.at[idxv.at[j]], dsem, add=True)

  def chunk(j, carry):
    pltpu.async_copy(onesv, acc.at[idxv.at[j]], dsem, add=True)
    pltpu.make_async_copy(onesv, acc.at[idxv.at[0]], dsem).wait()
    return carry

  lax.fori_loop(4, rpt_edges, chunk, 0)
  for _ in range(4):
    pltpu.make_async_copy(onesv, acc.at[idxv.at[0]], dsem).wait()
  plsc.subcore_barrier()
  base = pl.multiple_of(c * N, 8)
  _tilewise_copy(lambda o, n: acc.at[pl.ds(o, n)],
                 lambda o, n: out_hbm.at[pl.ds(base + o, n)], s)


def _norm(deg_col):
  return jnp.where(deg_col > 0.0, lax.rsqrt(jnp.maximum(deg_col, 1.0)), 0.0)


def _tc_pre_body(x_ref, deg_ref, y_ref):
  ns = _norm(deg_ref[:, 0:1])
  y_ref[...] = x_ref[...] * ns


def _tc_pre(x, deg8):
  return pl.pallas_call(
      _tc_pre_body,
      grid=(GRID,),
      in_specs=[
          pl.BlockSpec((BR, 128), lambda i: (i, 0)),
          pl.BlockSpec((BR, DEGW), lambda i: (i, 0)),
      ],
      out_specs=pl.BlockSpec((BR, 128), lambda i: (i, 0)),
      out_shape=jax.ShapeDtypeStruct((N, 128), jnp.float32),
  )(x, deg8)


def _tc_layer_body(mode, fout, split_y, p0_ref, p1_ref, dego_ref, degi_ref,
                   w_ref, b_ref, w4_ref, *out_refs):
  nd = _norm(degi_ref[:, 0:1])
  if mode == "sum":
    a = (p0_ref[...] + p1_ref[...]) * nd
    acc = jnp.dot(a, w_ref[...], preferred_element_type=jnp.float32)
  else:
    acc = jnp.dot(p0_ref[...] * nd, w_ref[:128, :],
                  preferred_element_type=jnp.float32)
    acc += jnp.dot(p1_ref[...] * nd, w_ref[128:, :],
                   preferred_element_type=jnp.float32)
  h = jnp.maximum(acc + b_ref[...], 0.0)
  out_refs[0][...] = h
  ns = _norm(dego_ref[:, 0:1])
  y = h * ns
  if w4_ref is not None:
    y = jnp.dot(y, w4_ref[...], preferred_element_type=jnp.float32)
  if split_y:
    out_refs[1][...] = y[:, :128]
    out_refs[2][...] = y[:, 128:]
  else:
    out_refs[1][...] = y


def _tc_layer(p, deg8, w, b, mode, fout, split_y, w4=None):
  fin = w.shape[0]
  yw = w4.shape[1] if w4 is not None else fout
  in_specs = [
      pl.BlockSpec((BR, 128), lambda i: (i, 0)),
      pl.BlockSpec((BR, 128), lambda i: (i + GRID, 0)),
      pl.BlockSpec((BR, DEGW), lambda i: (i, 0)),
      pl.BlockSpec((BR, DEGW), lambda i: (i + GRID, 0)),
      pl.BlockSpec((fin, fout), lambda i: (0, 0)),
      pl.BlockSpec((1, fout), lambda i: (0, 0)),
  ]
  args = [p, p, deg8, deg8, w, b]
  if w4 is not None:
    in_specs.append(pl.BlockSpec(w4.shape, lambda i: (0, 0)))
    args.append(w4)
  out_specs = [pl.BlockSpec((BR, fout), lambda i: (i, 0))]
  out_shape = [jax.ShapeDtypeStruct((N, fout), jnp.float32)]
  if split_y:
    out_specs += [pl.BlockSpec((BR, 128), lambda i: (i, 0))] * 2
    out_shape += [jax.ShapeDtypeStruct((N, 128), jnp.float32)] * 2
  else:
    out_specs.append(pl.BlockSpec((BR, yw), lambda i: (i, 0)))
    out_shape.append(jax.ShapeDtypeStruct((N, yw), jnp.float32))

  body = functools.partial(_tc_layer_body, mode, fout, split_y)
  if w4 is None:
    body2 = lambda a0, a1, a2, a3, a4, a5, *o: body(a0, a1, a2, a3, a4, a5,
                                                    None, *o)
  else:
    body2 = body
  return pl.pallas_call(
      body2,
      grid=(GRID,),
      in_specs=in_specs,
      out_specs=out_specs,
      out_shape=out_shape,
  )(*args)


def _tc_post_body(p0_ref, p1_ref, degi_ref, b_ref, h_ref):
  nd = _norm(degi_ref[:, 0:1])
  h_ref[...] = (p0_ref[...] + p1_ref[...]) * nd + b_ref[...]


def _tc_post(p4, deg8, b4):
  return pl.pallas_call(
      _tc_post_body,
      grid=(GRID,),
      in_specs=[
          pl.BlockSpec((BR, 128), lambda i: (i, 0)),
          pl.BlockSpec((BR, 128), lambda i: (i + GRID, 0)),
          pl.BlockSpec((BR, DEGW), lambda i: (i + GRID, 0)),
          pl.BlockSpec((1, 128), lambda i: (0, 0)),
      ],
      out_specs=pl.BlockSpec((BR, 128), lambda i: (i, 0)),
      out_shape=jax.ShapeDtypeStruct((N, 128), jnp.float32),
  )(p4, p4, deg8, b4)


def kernel(inputs, edge_index, W1, b1, W2, b2, W3, b3, W4, b4):
  src = edge_index[0]
  dst = edge_index[1]
  srcg2 = jnp.concatenate(
      [src, jnp.arange(EPAD, dtype=jnp.int32) % N]).reshape(CHUNK_ROWS, K)
  trash_idx = N + (jnp.arange(EPAD, dtype=jnp.int32) % NTRASH)
  srcc2 = jnp.concatenate([src, trash_idx]).reshape(CHUNK_ROWS, K)
  dstp2 = jnp.concatenate([dst, trash_idx]).reshape(CHUNK_ROWS, K)
  zeros128 = jnp.zeros((N, 128), jnp.float32)
  zerosdeg = jnp.zeros((N, DEGW), jnp.float32)
  onesk = jnp.ones((K, DEGW), jnp.float32)

  deg8 = _deg_kernel(srcc2, dstp2, zerosdeg, onesk)

  y1 = _tc_pre(inputs, deg8[:N])
  p1 = _prop128(y1, srcg2, dstp2, zeros128)
  h1, y2lo, y2hi = _tc_layer(p1, deg8, W1, b1.reshape(1, -1), "sum", 256, True)
  p2 = _prop256(y2lo, y2hi, srcg2, dstp2, zeros128)
  h2, y3lo, y3hi = _tc_layer(p2, deg8, W2, b2.reshape(1, -1), "split", 256, True)
  p3 = _prop256(y3lo, y3hi, srcg2, dstp2, zeros128)
  h3, t4 = _tc_layer(p3, deg8, W3, b3.reshape(1, -1), "split", 256, False, W4)
  p4 = _prop128(t4, srcg2, dstp2, zeros128)
  h4 = _tc_post(p4, deg8, b4.reshape(1, -1))
  return (h4, h3, h2, h1)

# --- scband reference (transcript-rebuilt; emitter-appended) ---
"""Pipeline reference for scband-gcn-4-layers-10574209483125 (READ-ONLY COPY).

The authoritative reference and input builder live on the scoring server;
editing this copy changes nothing except your own understanding.
"""

import jax, jax.numpy as jnp
import numpy as np

N = 10000
E = 320000
IN_FEATS = 128
H_FEATS = 256
OUT_FEATS = 128


def setup_inputs(seed: int = 0) -> dict:
    key = jax.random.key(seed)
    ks = jax.random.split(key, 12)
    x = jax.random.normal(ks[0], (N, IN_FEATS), dtype=jnp.float32)
    edge_index = jax.random.randint(ks[1], (2, E), 0, N, dtype=jnp.int32)
    W1 = jax.random.normal(ks[2], (IN_FEATS, H_FEATS), dtype=jnp.float32) * (1.0 / np.sqrt(IN_FEATS))
    b1 = jnp.zeros((H_FEATS,), dtype=jnp.float32)
    W2 = jax.random.normal(ks[3], (H_FEATS, H_FEATS), dtype=jnp.float32) * (1.0 / np.sqrt(H_FEATS))
    b2 = jnp.zeros((H_FEATS,), dtype=jnp.float32)
    W3 = jax.random.normal(ks[4], (H_FEATS, H_FEATS), dtype=jnp.float32) * (1.0 / np.sqrt(H_FEATS))
    b3 = jnp.zeros((H_FEATS,), dtype=jnp.float32)
    W4 = jax.random.normal(ks[5], (H_FEATS, OUT_FEATS), dtype=jnp.float32) * (1.0 / np.sqrt(H_FEATS))
    b4 = jnp.zeros((OUT_FEATS,), dtype=jnp.float32)
    return {"inputs": x, "edge_index": edge_index, "W1": W1, "b1": b1, "W2": W2, "b2": b2, "W3": W3, "b3": b3, "W4": W4, "b4": b4}


def _gcn_conv(x, W, b, src, dst):
    # DGL GraphConv with norm='both': h = D_dst^{-1/2} A D_src^{-1/2} X W + b
    deg_out = jnp.bincount(src, length=N).astype(jnp.float32)
    deg_in = jnp.bincount(dst, length=N).astype(jnp.float32)
    norm_src = jnp.where(deg_out > 0, jax.lax.rsqrt(jnp.maximum(deg_out, 1.0)), 0.0)
    norm_dst = jnp.where(deg_in > 0, jax.lax.rsqrt(jnp.maximum(deg_in, 1.0)), 0.0)
    xw = x @ W
    msg = jnp.take(xw, src, axis=0) * norm_src[src][:, None]
    agg = jax.ops.segment_sum(msg, dst, num_segments=N)
    return agg * norm_dst[:, None] + b


def reference(inputs, edge_index, W1, b1, W2, b2, W3, b3, W4, b4):
    src = edge_index[0]
    dst = edge_index[1]
    h1 = jax.nn.relu(_gcn_conv(inputs, W1, b1, src, dst))
    h2 = jax.nn.relu(_gcn_conv(h1, W2, b2, src, dst))
    h3 = jax.nn.relu(_gcn_conv(h2, W3, b3, src, dst))
    h4 = _gcn_conv(h3, W4, b4, src, dst)
    return (h4, h3, h2, h1)

if __name__ == "__main__":
    import jax
    _d = setup_inputs()
    print(jax.jit(kernel)(*tuple(_d.values())))

</pallas_src>

<mosaic_0001>
#map = affine_map<(d0, d1) -> (0, 0)>
module attributes {stable_mosaic.version = 14 : i64} {
  func.func @_deg_kernel(%arg0: i32, %arg1: i32, %arg2: memref<2560x128xi32, #tpu.memory_space<hbm>>, %arg3: memref<2560x128xi32, #tpu.memory_space<hbm>>, %arg4: memref<10000x128xf32, #tpu.memory_space<hbm>>, %arg5: memref<128x128xf32, #tpu.memory_space<hbm>>, %arg6: memref<20000x128xf32, #tpu.memory_space<hbm>>, %arg7: memref<160x128xi32, #tpu.memory_space<vmem>>, %arg8: memref<128x128xf32, #tpu.memory_space<vmem>>, %arg9: memref<10128x128xf32, #tpu.memory_space<vmem_shared>>, %arg10: memref<!tpu.dma_semaphore, #tpu.memory_space<semaphore_mem>>) attributes {dimension_semantics = [#tpu.dimension_semantics<core_parallel>, #tpu.dimension_semantics<subcore_parallel>], iteration_bounds = array<i64: 2, 16>, scalar_prefetch = 0 : i64, scratch_operands = 4 : i64, tpu.core_type = #tpu.core_type<sc_vector_subcore>, window_params = [{transform_indices = #map}, {transform_indices = #map}, {transform_indices = #map}, {transform_indices = #map}, {transform_indices = #map}]} {
    %mul3A = arith.constant 624 : i32
    %mul3A_0 = arith.muli %arg1, %mul3A : i32
    %multiple_of3A = tpu.assume_multiple %mul3A_0, 8 : i32
    "tpu.region"() ({
      %run_scoped3A = tpu.sem_alloc : memref<!tpu.dma_semaphore, #tpu.memory_space<semaphore_mem>>
      %dma_start3A_87 = arith.constant 0 : i32
      %dma_start3A_88 = tpu.memref_slice %arg9[%multiple_of3A, %dma_start3A_87] : memref<10128x128xf32, #tpu.memory_space<vmem_shared>> -> memref<624x128xf32, #tpu.memory_space<vmem_shared>>
      %dma_start3A_89 = arith.constant 0 : i32
      %dma_start3A_90 = tpu.memref_slice %arg4[%multiple_of3A, %dma_start3A_89] : memref<10000x128xf32, #tpu.memory_space<hbm>> -> memref<624x128xf32, #tpu.memory_space<hbm>>
      tpu.enqueue_dma source(%dma_start3A_90 : memref<624x128xf32, #tpu.memory_space<hbm>>) target(%dma_start3A_88 : memref<624x128xf32, #tpu.memory_space<vmem_shared>>) target_semaphore(%run_scoped3A : memref<!tpu.dma_semaphore, #tpu.memory_space<semaphore_mem>>)
      %dma_wait3A_91 = arith.constant 0 : i32
      %dma_wait3A_92 = tpu.memref_slice %arg9[%multiple_of3A, %dma_wait3A_91] : memref<10128x128xf32, #tpu.memory_space<vmem_shared>> -> memref<624x128xf32, #tpu.memory_space<vmem_shared>>
      %dma_wait3A_93 = arith.constant 0 : i32
      %dma_wait3A_94 = tpu.memref_slice %arg4[%multiple_of3A, %dma_wait3A_93] : memref<10000x128xf32, #tpu.memory_space<hbm>> -> memref<624x128xf32, #tpu.memory_space<hbm>>
      tpu.wait_dma2 semaphore(%run_scoped3A : memref<!tpu.dma_semaphore, #tpu.memory_space<semaphore_mem>>) src(%dma_wait3A_94 : memref<624x128xf32, #tpu.memory_space<hbm>>) dst(%dma_wait3A_92 : memref<624x128xf32, #tpu.memory_space<vmem_shared>>)
      tpu.yield
    }) : () -> ()
    %eq3A = arith.constant 15 : i32
    %eq3A_1 = arith.cmpi eq, %arg1, %eq3A : i32
    %convert_element_type3A = arith.extui %eq3A_1 : i1 to i32
    %cond3A = arith.constant 0 : i32
    %cond3A_2 = arith.cmpi ne, %convert_element_type3A, %cond3A : i32
    scf.if %cond3A_2 {
      "tpu.region"() ({
        %run_scoped3A = tpu.sem_alloc : memref<!tpu.dma_semaphore, #tpu.memory_space<semaphore_mem>>
        %dma_start3A_87 = arith.constant 9984 : i32
        %dma_start3A_88 = arith.constant 0 : i32
        %dma_start3A_89 = tpu.memref_slice %arg9[%dma_start3A_87, %dma_start3A_88] : memref<10128x128xf32, #tpu.memory_space<vmem_shared>> -> memref<16x128xf32, #tpu.memory_space<vmem_shared>>
        %dma_start3A_90 = arith.constant 9984 : i32
        %dma_start3A_91 = arith.constant 0 : i32
        %dma_start3A_92 = tpu.memref_slice %arg4[%dma_start3A_90, %dma_start3A_91] : memref<10000x128xf32, #tpu.memory_space<hbm>> -> memref<16x128xf32, #tpu.memory_space<hbm>>
        tpu.enqueue_dma source(%dma_start3A_92 : memref<16x128xf32, #tpu.memory_space<hbm>>) target(%dma_start3A_89 : memref<16x128xf32, #tpu.memory_space<vmem_shared>>) target_semaphore(%run_scoped3A : memref<!tpu.dma_semaphore, #tpu.memory_space<semaphore_mem>>)
        %dma_wait3A_93 = arith.constant 9984 : i32
        %dma_wait3A_94 = arith.constant 0 : i32
        %dma_wait3A_95 = tpu.memref_slice %arg9[%dma_wait3A_93, %dma_wait3A_94] : memref<10128x128xf32, #tpu.memory_space<vmem_shared>> -> memref<16x128xf32, #tpu.memory_space<vmem_shared>>
        %dma_wait3A_96 = arith.constant 9984 : i32
        %dma_wait3A_97 = arith.constant 0 : i32
        %dma_wait3A_98 = tpu.memref_slice %arg4[%dma_wait3A_96, %dma_wait3A_97] : memref<10000x128xf32, #tpu.memory_space<hbm>> -> memref<16x128xf32, #tpu.memory_space<hbm>>
        tpu.wait_dma2 semaphore(%run_scoped3A : memref<!tpu.dma_semaphore, #tpu.memory_space<semaphore_mem>>) src(%dma_wait3A_98 : memref<16x128xf32, #tpu.memory_space<hbm>>) dst(%dma_wait3A_95 : memref<16x128xf32, #tpu.memory_space<vmem_shared>>)
        tpu.yield
      }) : () -> ()
    } else {
    }
    "tpu.region"() ({
      %run_scoped3A = tpu.sem_alloc : memref<!tpu.dma_semaphore, #tpu.memory_space<semaphore_mem>>
      tpu.enqueue_dma source(%arg5 : memref<128x128xf32, #tpu.memory_space<hbm>>) target(%arg8 : memref<128x128xf32, #tpu.memory_space<vmem>>) target_semaphore(%run_scoped3A : memref<!tpu.dma_semaphore, #tpu.memory_space<semaphore_mem>>)
      tpu.wait_dma2 semaphore(%run_scoped3A : memref<!tpu.dma_semaphore, #tpu.memory_space<semaphore_mem>>) src(%arg5 : memref<128x128xf32, #tpu.memory_space<hbm>>) dst(%arg8 : memref<128x128xf32, #tpu.memory_space<vmem>>)
      tpu.yield
    }) : () -> ()
    %mul3A_3 = arith.constant 160 : i32
    %mul3A_4 = arith.muli %arg1, %mul3A_3 : i32
    %multiple_of3A_5 = tpu.assume_multiple %mul3A_4, 8 : i32
    %eq3A_6 = arith.constant 0 : i32
    %eq3A_7 = arith.cmpi eq, %arg0, %eq3A_6 : i32
    %convert_element_type3A_8 = arith.extui %eq3A_7 : i1 to i32
    %cond3A_9 = arith.constant 0 : i32
    %cond3A_10 = arith.cmpi ne, %convert_element_type3A_8, %cond3A_9 : i32
    scf.if %cond3A_10 {
      "tpu.region"() ({
        %run_scoped3A = tpu.sem_alloc : memref<!tpu.dma_semaphore, #tpu.memory_space<semaphore_mem>>
        %dma_start3A_87 = arith.constant 0 : i32
        %dma_start3A_88 = tpu.memref_slice %arg2[%multiple_of3A_5, %dma_start3A_87] : memref<2560x128xi32, #tpu.memory_space<hbm>> -> memref<160x128xi32, #tpu.memory_space<hbm>>
        %dma_start3A_89 = arith.constant 0 : i32
        %dma_start3A_90 = tpu.memref_slice %arg2[%multiple_of3A_5, %dma_start3A_89] : memref<2560x128xi32, #tpu.memory_space<hbm>> -> memref<160x128xi32, #tpu.memory_space<hbm>>
        tpu.enqueue_dma source(%dma_start3A_90 : memref<160x128xi32, #tpu.memory_space<hbm>>) target(%arg7 : memref<160x128xi32, #tpu.memory_space<vmem>>) target_semaphore(%run_scoped3A : memref<!tpu.dma_semaphore, #tpu.memory_space<semaphore_mem>>)
        %dma_wait3A_91 = arith.constant 0 : i32
        %dma_wait3A_92 = tpu.memref_slice %arg2[%multiple_of3A_5, %dma_wait3A_91] : memref<2560x128xi32, #tpu.memory_space<hbm>> -> memref<160x128xi32, #tpu.memory_space<hbm>>
        %dma_wait3A_93 = arith.constant 0 : i32
        %dma_wait3A_94 = tpu.memref_slice %arg2[%multiple_of3A_5, %dma_wait3A_93] : memref<2560x128xi32, #tpu.memory_space<hbm>> -> memref<160x128xi32, #tpu.memory_space<hbm>>
        tpu.wait_dma2 semaphore(%run_scoped3A : memref<!tpu.dma_semaphore, #tpu.memory_space<semaphore_mem>>) src(%dma_wait3A_94 : memref<160x128xi32, #tpu.memory_space<hbm>>) dst(%arg7 : memref<160x128xi32, #tpu.memory_space<vmem>>)
        tpu.yield
      }) : () -> ()
    } else {
    }
    %eq3A_11 = arith.constant 1 : i32
    %eq3A_12 = arith.cmpi eq, %arg0, %eq3A_11 : i32
    %convert_element_type3A_13 = arith.extui %eq3A_12 : i1 to i32
    %cond3A_14 = arith.constant 0 : i32
    %cond3A_15 = arith.cmpi ne, %convert_element_type3A_13, %cond3A_14 : i32
    scf.if %cond3A_15 {
      "tpu.region"() ({
        %run_scoped3A = tpu.sem_alloc : memref<!tpu.dma_semaphore, #tpu.memory_space<semaphore_mem>>
        %dma_start3A_87 = arith.constant 0 : i32
        %dma_start3A_88 = tpu.memref_slice %arg3[%multiple_of3A_5, %dma_start3A_87] : memref<2560x128xi32, #tpu.memory_space<hbm>> -> memref<160x128xi32, #tpu.memory_space<hbm>>
        %dma_start3A_89 = arith.constant 0 : i32
        %dma_start3A_90 = tpu.memref_slice %arg3[%multiple_of3A_5, %dma_start3A_89] : memref<2560x128xi32, #tpu.memory_space<hbm>> -> memref<160x128xi32, #tpu.memory_space<hbm>>
        tpu.enqueue_dma source(%dma_start3A_90 : memref<160x128xi32, #tpu.memory_space<hbm>>) target(%arg7 : memref<160x128xi32, #tpu.memory_space<vmem>>) target_semaphore(%run_scoped3A : memref<!tpu.dma_semaphore, #tpu.memory_space<semaphore_mem>>)
        %dma_wait3A_91 = arith.constant 0 : i32
        %dma_wait3A_92 = tpu.memref_slice %arg3[%multiple_of3A_5, %dma_wait3A_91] : memref<2560x128xi32, #tpu.memory_space<hbm>> -> memref<160x128xi32, #tpu.memory_space<hbm>>
        %dma_wait3A_93 = arith.constant 0 : i32
        %dma_wait3A_94 = tpu.memref_slice %arg3[%multiple_of3A_5, %dma_wait3A_93] : memref<2560x128xi32, #tpu.memory_space<hbm>> -> memref<160x128xi32, #tpu.memory_space<hbm>>
        tpu.wait_dma2 semaphore(%run_scoped3A : memref<!tpu.dma_semaphore, #tpu.memory_space<semaphore_mem>>) src(%dma_wait3A_94 : memref<160x128xi32, #tpu.memory_space<hbm>>) dst(%arg7 : memref<160x128xi32, #tpu.memory_space<vmem>>)
        tpu.yield
      }) : () -> ()
    } else {
    }
    %barrier3A = arith.constant 0 : index
    tpu.barrier barrier_id(%barrier3A)
    %dma_start3A = arith.constant 0 : i32
    %dma_start3A_16 = arith.constant 0 : i32
    %dma_start3A_17 = tpu.memref_slice %arg7[%dma_start3A, %dma_start3A_16] : memref<160x128xi32, #tpu.memory_space<vmem>> -> memref<1x128xi32, #tpu.memory_space<vmem>>
    %dma_start3A_18 = tpu.memref_squeeze %dma_start3A_17 : memref<1x128xi32, #tpu.memory_space<vmem>> -> memref<128xi32, #tpu.memory_space<vmem>>
    %dma_start3A_19 = arith.constant 0 : i32
    %dma_start3A_20 = arith.constant 0 : i32
    %dma_start3A_21 = tpu.memref_slice %arg9[%dma_start3A_19, %dma_start3A_20] : memref<10128x128xf32, #tpu.memory_space<vmem_shared>> -> memref<10128x128xf32, #tpu.memory_space<vmem_shared>>
    tpu.enqueue_indirect_dma source(%arg8 : memref<128x128xf32, #tpu.memory_space<vmem>>) target(%dma_start3A_21 : memref<10128x128xf32, #tpu.memory_space<vmem_shared>>) offsets(%dma_start3A_18 : memref<128xi32, #tpu.memory_space<vmem>>) semaphore(%arg10 : memref<!tpu.dma_semaphore, #tpu.memory_space<semaphore_mem>>) {add = true}
    %dma_start3A_22 = arith.constant 1 : i32
    %dma_start3A_23 = arith.constant 0 : i32
    %dma_start3A_24 = tpu.memref_slice %arg7[%dma_start3A_22, %dma_start3A_23] : memref<160x128xi32, #tpu.memory_space<vmem>> -> memref<1x128xi32, #tpu.memory_space<vmem>>
    %dma_start3A_25 = tpu.memref_squeeze %dma_start3A_24 : memref<1x128xi32, #tpu.memory_space<vmem>> -> memref<128xi32, #tpu.memory_space<vmem>>
    %dma_start3A_26 = arith.constant 0 : i32
    %dma_start3A_27 = arith.constant 0 : i32
    %dma_start3A_28 = tpu.memref_slice %arg9[%dma_start3A_26, %dma_start3A_27] : memref<10128x128xf32, #tpu.memory_space<vmem_shared>> -> memref<10128x128xf32, #tpu.memory_space<vmem_shared>>
    tpu.enqueue_indirect_dma source(%arg8 : memref<128x128xf32, #tpu.memory_space<vmem>>) target(%dma_start3A_28 : memref<10128x128xf32, #tpu.memory_space<vmem_shared>>) offsets(%dma_start3A_25 : memref<128xi32, #tpu.memory_space<vmem>>) semaphore(%arg10 : memref<!tpu.dma_semaphore, #tpu.memory_space<semaphore_mem>>) {add = true}
    %dma_start3A_29 = arith.constant 2 : i32
    %dma_start3A_30 = arith.constant 0 : i32
    %dma_start3A_31 = tpu.memref_slice %arg7[%dma_start3A_29, %dma_start3A_30] : memref<160x128xi32, #tpu.memory_space<vmem>> -> memref<1x128xi32, #tpu.memory_space<vmem>>
    %dma_start3A_32 = tpu.memref_squeeze %dma_start3A_31 : memref<1x128xi32, #tpu.memory_space<vmem>> -> memref<128xi32, #tpu.memory_space<vmem>>
    %dma_start3A_33 = arith.constant 0 : i32
    %dma_start3A_34 = arith.constant 0 : i32
    %dma_start3A_35 = tpu.memref_slice %arg9[%dma_start3A_33, %dma_start3A_34] : memref<10128x128xf32, #tpu.memory_space<vmem_shared>> -> memref<10128x128xf32, #tpu.memory_space<vmem_shared>>
    tpu.enqueue_indirect_dma source(%arg8 : memref<128x128xf32, #tpu.memory_space<vmem>>) target(%dma_start3A_35 : memref<10128x128xf32, #tpu.memory_space<vmem_shared>>) offsets(%dma_start3A_32 : memref<128xi32, #tpu.memory_space<vmem>>) semaphore(%arg10 : memref<!tpu.dma_semaphore, #tpu.memory_space<semaphore_mem>>) {add = true}
    %dma_start3A_36 = arith.constant 3 : i32
    %dma_start3A_37 = arith.constant 0 : i32
    %dma_start3A_38 = tpu.memref_slice %arg7[%dma_start3A_36, %dma_start3A_37] : memref<160x128xi32, #tpu.memory_space<vmem>> -> memref<1x128xi32, #tpu.memory_space<vmem>>
    %dma_start3A_39 = tpu.memref_squeeze %dma_start3A_38 : memref<1x128xi32, #tpu.memory_space<vmem>> -> memref<128xi32, #tpu.memory_space<vmem>>
    %dma_start3A_40 = arith.constant 0 : i32
    %dma_start3A_41 = arith.constant 0 : i32
    %dma_start3A_42 = tpu.memref_slice %arg9[%dma_start3A_40, %dma_start3A_41] : memref<10128x128xf32, #tpu.memory_space<vmem_shared>> -> memref<10128x128xf32, #tpu.memory_space<vmem_shared>>
    tpu.enqueue_indirect_dma source(%arg8 : memref<128x128xf32, #tpu.memory_space<vmem>>) target(%dma_start3A_42 : memref<10128x128xf32, #tpu.memory_space<vmem_shared>>) offsets(%dma_start3A_39 : memref<128xi32, #tpu.memory_space<vmem>>) semaphore(%arg10 : memref<!tpu.dma_semaphore, #tpu.memory_space<semaphore_mem>>) {add = true}
    %scan3A = arith.constant 0 : i32
    %scan3A_43 = arith.constant 4 : i32
    %scan3A_44 = arith.constant 156 : i32
    %scan3A_45 = arith.addi %scan3A_43, %scan3A_44 : i32
    %scan3A_46 = arith.constant 1 : i32
    scf.for %scan3A_87 = %scan3A_43 to %scan3A_45 step %scan3A_46  : i32 {
      %dma_start3A_88 = arith.constant 0 : i32
      %dma_start3A_89 = tpu.memref_slice %arg7[%scan3A_87, %dma_start3A_88] : memref<160x128xi32, #tpu.memory_space<vmem>> -> memref<1x128xi32, #tpu.memory_space<vmem>>
      %dma_start3A_90 = tpu.memref_squeeze %dma_start3A_89 : memref<1x128xi32, #tpu.memory_space<vmem>> -> memref<128xi32, #tpu.memory_space<vmem>>
      %dma_start3A_91 = arith.constant 0 : i32
      %dma_start3A_92 = arith.constant 0 : i32
      %dma_start3A_93 = tpu.memref_slice %arg9[%dma_start3A_91, %dma_start3A_92] : memref<10128x128xf32, #tpu.memory_space<vmem_shared>> -> memref<10128x128xf32, #tpu.memory_space<vmem_shared>>
      tpu.enqueue_indirect_dma source(%arg8 : memref<128x128xf32, #tpu.memory_space<vmem>>) target(%dma_start3A_93 : memref<10128x128xf32, #tpu.memory_space<vmem_shared>>) offsets(%dma_start3A_90 : memref<128xi32, #tpu.memory_space<vmem>>) semaphore(%arg10 : memref<!tpu.dma_semaphore, #tpu.memory_space<semaphore_mem>>) {add = true}
      %dma_wait3A_94 = arith.constant 0 : i32
      %dma_wait3A_95 = arith.constant 0 : i32
      %dma_wait3A_96 = tpu.memref_slice %arg7[%dma_wait3A_94, %dma_wait3A_95] : memref<160x128xi32, #tpu.memory_space<vmem>> -> memref<1x128xi32, #tpu.memory_space<vmem>>
      %dma_wait3A_97 = tpu.memref_squeeze %dma_wait3A_96 : memref<1x128xi32, #tpu.memory_space<vmem>> -> memref<128xi32, #tpu.memory_space<vmem>>
      %dma_wait3A_98 = arith.constant 0 : i32
      %dma_wait3A_99 = arith.constant 0 : i32
      %dma_wait3A_100 = tpu.memref_slice %arg9[%dma_wait3A_98, %dma_wait3A_99] : memref<10128x128xf32, #tpu.memory_space<vmem_shared>> -> memref<10128x128xf32, #tpu.memory_space<vmem_shared>>
      tpu.wait_indirect_dma semaphore(%arg10 : memref<!tpu.dma_semaphore, #tpu.memory_space<semaphore_mem>>) src(%arg8 : memref<128x128xf32, #tpu.memory_space<vmem>>) dst(%dma_wait3A_100 : memref<10128x128xf32, #tpu.memory_space<vmem_shared>>)
    }
    %scan3A_47 = arith.constant 156 : i32
    %dma_wait3A = arith.constant 0 : i32
    %dma_wait3A_48 = arith.constant 0 : i32
    %dma_wait3A_49 = tpu.memref_slice %arg7[%dma_wait3A, %dma_wait3A_48] : memref<160x128xi32, #tpu.memory_space<vmem>> -> memref<1x128xi32, #tpu.memory_space<vmem>>
    %dma_wait3A_50 = tpu.memref_squeeze %dma_wait3A_49 : memref<1x128xi32, #tpu.memory_space<vmem>> -> memref<128xi32, #tpu.memory_space<vmem>>
    %dma_wait3A_51 = arith.constant 0 : i32
    %dma_wait3A_52 = arith.constant 0 : i32
    %dma_wait3A_53 = tpu.memref_slice %arg9[%dma_wait3A_51, %dma_wait3A_52] : memref<10128x128xf32, #tpu.memory_space<vmem_shared>> -> memref<10128x128xf32, #tpu.memory_space<vmem_shared>>
    tpu.wait_indirect_dma semaphore(%arg10 : memref<!tpu.dma_semaphore, #tpu.memory_space<semaphore_mem>>) src(%arg8 : memref<128x128xf32, #tpu.memory_space<vmem>>) dst(%dma_wait3A_53 : memref<10128x128xf32, #tpu.memory_space<vmem_shared>>)
    %dma_wait3A_54 = arith.constant 0 : i32
    %dma_wait3A_55 = arith.constant 0 : i32
    %dma_wait3A_56 = tpu.memref_slice %arg7[%dma_wait3A_54, %dma_wait3A_55] : memref<160x128xi32, #tpu.memory_space<vmem>> -> memref<1x128xi32, #tpu.memory_space<vmem>>
    %dma_wait3A_57 = tpu.memref_squeeze %dma_wait3A_56 : memref<1x128xi32, #tpu.memory_space<vmem>> -> memref<128xi32, #tpu.memory_space<vmem>>
    %dma_wait3A_58 = arith.constant 0 : i32
    %dma_wait3A_59 = arith.constant 0 : i32
    %dma_wait3A_60 = tpu.memref_slice %arg9[%dma_wait3A_58, %dma_wait3A_59] : memref<10128x128xf32, #tpu.memory_space<vmem_shared>> -> memref<10128x128xf32, #tpu.memory_space<vmem_shared>>
    tpu.wait_indirect_dma semaphore(%arg10 : memref<!tpu.dma_semaphore, #tpu.memory_space<semaphore_mem>>) src(%arg8 : memref<128x128xf32, #tpu.memory_space<vmem>>) dst(%dma_wait3A_60 : memref<10128x128xf32, #tpu.memory_space<vmem_shared>>)
    %dma_wait3A_61 = arith.constant 0 : i32
    %dma_wait3A_62 = arith.constant 0 : i32
    %dma_wait3A_63 = tpu.memref_slice %arg7[%dma_wait3A_61, %dma_wait3A_62] : memref<160x128xi32, #tpu.memory_space<vmem>> -> memref<1x128xi32, #tpu.memory_space<vmem>>
    %dma_wait3A_64 = tpu.memref_squeeze %dma_wait3A_63 : memref<1x128xi32, #tpu.memory_space<vmem>> -> memref<128xi32, #tpu.memory_space<vmem>>
    %dma_wait3A_65 = arith.constant 0 : i32
    %dma_wait3A_66 = arith.constant 0 : i32
    %dma_wait3A_67 = tpu.memref_slice %arg9[%dma_wait3A_65, %dma_wait3A_66] : memref<10128x128xf32, #tpu.memory_space<vmem_shared>> -> memref<10128x128xf32, #tpu.memory_space<vmem_shared>>
    tpu.wait_indirect_dma semaphore(%arg10 : memref<!tpu.dma_semaphore, #tpu.memory_space<semaphore_mem>>) src(%arg8 : memref<128x128xf32, #tpu.memory_space<vmem>>) dst(%dma_wait3A_67 : memref<10128x128xf32, #tpu.memory_space<vmem_shared>>)
    %dma_wait3A_68 = arith.constant 0 : i32
    %dma_wait3A_69 = arith.constant 0 : i32
    %dma_wait3A_70 = tpu.memref_slice %arg7[%dma_wait3A_68, %dma_wait3A_69] : memref<160x128xi32, #tpu.memory_space<vmem>> -> memref<1x128xi32, #tpu.memory_space<vmem>>
    %dma_wait3A_71 = tpu.memref_squeeze %dma_wait3A_70 : memref<1x128xi32, #tpu.memory_space<vmem>> -> memref<128xi32, #tpu.memory_space<vmem>>
    %dma_wait3A_72 = arith.constant 0 : i32
    %dma_wait3A_73 = arith.constant 0 : i32
    %dma_wait3A_74 = tpu.memref_slice %arg9[%dma_wait3A_72, %dma_wait3A_73] : memref<10128x128xf32, #tpu.memory_space<vmem_shared>> -> memref<10128x128xf32, #tpu.memory_space<vmem_shared>>
    tpu.wait_indirect_dma semaphore(%arg10 : memref<!tpu.dma_semaphore, #tpu.memory_space<semaphore_mem>>) src(%arg8 : memref<128x128xf32, #tpu.memory_space<vmem>>) dst(%dma_wait3A_74 : memref<10128x128xf32, #tpu.memory_space<vmem_shared>>)
    %barrier3A_75 = arith.constant 0 : index
    tpu.barrier barrier_id(%barrier3A_75)
    %mul3A_76 = arith.constant 10000 : i32
    %mul3A_77 = arith.muli %arg0, %mul3A_76 : i32
    %multiple_of3A_78 = tpu.assume_multiple %mul3A_77, 8 : i32
    %mul3A_79 = arith.constant 624 : i32
    %mul3A_80 = arith.muli %arg1, %mul3A_79 : i32
    %multiple_of3A_81 = tpu.assume_multiple %mul3A_80, 8 : i32
    %add3A = arith.addi %multiple_of3A_78, %multiple_of3A_81 : i32
    "tpu.region"() ({
      %run_scoped3A = tpu.sem_alloc : memref<!tpu.dma_semaphore, #tpu.memory_space<semaphore_mem>>
      %dma_start3A_87 = arith.constant 0 : i32
      %dma_start3A_88 = tpu.memref_slice %arg6[%add3A, %dma_start3A_87] : memref<20000x128xf32, #tpu.memory_space<hbm>> -> memref<624x128xf32, #tpu.memory_space<hbm>>
      %dma_start3A_89 = arith.constant 0 : i32
      %dma_start3A_90 = tpu.memref_slice %arg9[%multiple_of3A_81, %dma_start3A_89] : memref<10128x128xf32, #tpu.memory_space<vmem_shared>> -> memref<624x128xf32, #tpu.memory_space<vmem_shared>>
      tpu.enqueue_dma source(%dma_start3A_90 : memref<624x128xf32, #tpu.memory_space<vmem_shared>>) target(%dma_start3A_88 : memref<624x128xf32, #tpu.memory_space<hbm>>) target_semaphore(%run_scoped3A : memref<!tpu.dma_semaphore, #tpu.memory_space<semaphore_mem>>)
      %dma_wait3A_91 = arith.constant 0 : i32
      %dma_wait3A_92 = tpu.memref_slice %arg6[%add3A, %dma_wait3A_91] : memref<20000x128xf32, #tpu.memory_space<hbm>> -> memref<624x128xf32, #tpu.memory_space<hbm>>
      %dma_wait3A_93 = arith.constant 0 : i32
      %dma_wait3A_94 = tpu.memref_slice %arg9[%multiple_of3A_81, %dma_wait3A_93] : memref<10128x128xf32, #tpu.memory_space<vmem_shared>> -> memref<624x128xf32, #tpu.memory_space<vmem_shared>>
      tpu.wait_dma2 semaphore(%run_scoped3A : memref<!tpu.dma_semaphore, #tpu.memory_space<semaphore_mem>>) src(%dma_wait3A_94 : memref<624x128xf32, #tpu.memory_space<vmem_shared>>) dst(%dma_wait3A_92 : memref<624x128xf32, #tpu.memory_space<hbm>>)
      tpu.yield
    }) : () -> ()
    %eq3A_82 = arith.constant 15 : i32
    %eq3A_83 = arith.cmpi eq, %arg1, %eq3A_82 : i32
    %convert_element_type3A_84 = arith.extui %eq3A_83 : i1 to i32
    %cond3A_85 = arith.constant 0 : i32
    %cond3A_86 = arith.cmpi ne, %convert_element_type3A_84, %cond3A_85 : i32
    scf.if %cond3A_86 {
      %add3A_87 = arith.constant 9984 : i32
      %add3A_88 = arith.addi %multiple_of3A_78, %add3A_87 : i32
      "tpu.region"() ({
        %run_scoped3A = tpu.sem_alloc : memref<!tpu.dma_semaphore, #tpu.memory_space<semaphore_mem>>
        %dma_start3A_89 = arith.constant 0 : i32
        %dma_start3A_90 = tpu.memref_slice %arg6[%add3A_88, %dma_start3A_89] : memref<20000x128xf32, #tpu.memory_space<hbm>> -> memref<16x128xf32, #tpu.memory_space<hbm>>
        %dma_start3A_91 = arith.constant 9984 : i32
        %dma_start3A_92 = arith.constant 0 : i32
        %dma_start3A_93 = tpu.memref_slice %arg9[%dma_start3A_91, %dma_start3A_92] : memref<10128x128xf32, #tpu.memory_space<vmem_shared>> -> memref<16x128xf32, #tpu.memory_space<vmem_shared>>
        tpu.enqueue_dma source(%dma_start3A_93 : memref<16x128xf32, #tpu.memory_space<vmem_shared>>) target(%dma_start3A_90 : memref<16x128xf32, #tpu.memory_space<hbm>>) target_semaphore(%run_scoped3A : memref<!tpu.dma_semaphore, #tpu.memory_space<semaphore_mem>>)
        %dma_wait3A_94 = arith.constant 0 : i32
        %dma_wait3A_95 = tpu.memref_slice %arg6[%add3A_88, %dma_wait3A_94] : memref<20000x128xf32, #tpu.memory_space<hbm>> -> memref<16x128xf32, #tpu.memory_space<hbm>>
        %dma_wait3A_96 = arith.constant 9984 : i32
        %dma_wait3A_97 = arith.constant 0 : i32
        %dma_wait3A_98 = tpu.memref_slice %arg9[%dma_wait3A_96, %dma_wait3A_97] : memref<10128x128xf32, #tpu.memory_space<vmem_shared>> -> memref<16x128xf32, #tpu.memory_space<vmem_shared>>
        tpu.wait_dma2 semaphore(%run_scoped3A : memref<!tpu.dma_semaphore, #tpu.memory_space<semaphore_mem>>) src(%dma_wait3A_98 : memref<16x128xf32, #tpu.memory_space<vmem_shared>>) dst(%dma_wait3A_95 : memref<16x128xf32, #tpu.memory_space<hbm>>)
        tpu.yield
      }) : () -> ()
    } else {
    }
    return
  }
}

#map = affine_map<(d0, d1) -> (0, 0)>
module attributes {stable_mosaic.version = 14 : i64} {
  func.func @prop(%arg0: i32, %arg1: i32, %arg2: memref<10000x128xf32, #tpu.memory_space<hbm>>, %arg3: memref<10000x128xf32, #tpu.memory_space<hbm>>, %arg4: memref<2560x128xi32, #tpu.memory_space<hbm>>, %arg5: memref<2560x128xi32, #tpu.memory_space<hbm>>, %arg6: memref<10000x128xf32, #tpu.memory_space<hbm>>, %arg7: memref<20000x128xf32, #tpu.memory_space<hbm>>, %arg8: memref<40x128xi32, #tpu.memory_space<vmem>>, %arg9: memref<40x128xi32, #tpu.memory_space<vmem>>, %arg10: memref<128x128xf32, #tpu.memory_space<vmem>>, %arg11: memref<128x128xf32, #tpu.memory_space<vmem>>, %arg12: memref<10128x128xf32, #tpu.memory_space<vmem_shared>>, %arg13: memref<!tpu.dma_semaphore, #tpu.memory_space<semaphore_mem>>, %arg14: memref<!tpu.dma_semaphore, #tpu.memory_space<semaphore_mem>>, %arg15: memref<!tpu.dma_semaphore, #tpu.memory_space<semaphore_mem>>, %arg16: memref<!tpu.dma_semaphore, #tpu.memory_space<semaphore_mem>>) attributes {dimension_semantics = [#tpu.dimension_semantics<core_parallel>, #tpu.dimension_semantics<subcore_parallel>], iteration_bounds = array<i64: 2, 16>, scalar_prefetch = 0 : i64, scratch_operands = 9 : i64, tpu.core_type = #tpu.core_type<sc_vector_subcore>, window_params = [{transform_indices = #map}, {transform_indices = #map}, {transform_indices = #map}, {transform_indices = #map}, {transform_indices = #map}, {transform_indices = #map}]} {
    %mul3A = arith.constant 624 : i32
    %mul3A_0 = arith.muli %arg1, %mul3A : i32
    %multiple_of3A = tpu.assume_multiple %mul3A_0, 8 : i32
    "tpu.region"() ({
      %run_scoped3A = tpu.sem_alloc : memref<!tpu.dma_semaphore, #tpu.memory_space<semaphore_mem>>
      %dma_start3A = arith.constant 0 : i32
      %dma_start3A_25 = tpu.memref_slice %arg12[%multiple_of3A, %dma_start3A] : memref<10128x128xf32, #tpu.memory_space<vmem_shared>> -> memref<624x128xf32, #tpu.memory_space<vmem_shared>>
      %dma_start3A_26 = arith.constant 0 : i32
      %dma_start3A_27 = tpu.memref_slice %arg6[%multiple_of3A, %dma_start3A_26] : memref<10000x128xf32, #tpu.memory_space<hbm>> -> memref<624x128xf32, #tpu.memory_space<hbm>>
      tpu.enqueue_dma source(%dma_start3A_27 : memref<624x128xf32, #tpu.memory_space<hbm>>) target(%dma_start3A_25 : memref<624x128xf32, #tpu.memory_space<vmem_shared>>) target_semaphore(%run_scoped3A : memref<!tpu.dma_semaphore, #tpu.memory_space<semaphore_mem>>)
      %dma_wait3A = arith.constant 0 : i32
      %dma_wait3A_28 = tpu.memref_slice %arg12[%multiple_of3A, %dma_wait3A] : memref<10128x128xf32, #tpu.memory_space<vmem_shared>> -> memref<624x128xf32, #tpu.memory_space<vmem_shared>>
      %dma_wait3A_29 = arith.constant 0 : i32
      %dma_wait3A_30 = tpu.memref_slice %arg6[%multiple_of3A, %dma_wait3A_29] : memref<10000x128xf32, #tpu.memory_space<hbm>> -> memref<624x128xf32, #tpu.memory_space<hbm>>
      tpu.wait_dma2 semaphore(%run_scoped3A : memref<!tpu.dma_semaphore, #tpu.memory_space<semaphore_mem>>) src(%dma_wait3A_30 : memref<624x128xf32, #tpu.memory_space<hbm>>) dst(%dma_wait3A_28 : memref<624x128xf32, #tpu.memory_space<vmem_shared>>)
      tpu.yield
    }) : () -> ()
    %eq3A = arith.constant 15 : i32
    %eq3A_1 = arith.cmpi eq, %arg1, %eq3A : i32
    %convert_element_type3A = arith.extui %eq3A_1 : i1 to i32
    %cond3A = arith.constant 0 : i32
    %cond3A_2 = arith.cmpi ne, %convert_element_type3A, %cond3A : i32
    scf.if %cond3A_2 {
      "tpu.region"() ({
        %run_scoped3A = tpu.sem_alloc : memref<!tpu.dma_semaphore, #tpu.memory_space<semaphore_mem>>
        %dma_start3A = arith.constant 9984 : i32
        %dma_start3A_25 = arith.constant 0 : i32
        %dma_start3A_26 = tpu.memref_slice %arg12[%dma_start3A, %dma_start3A_25] : memref<10128x128xf32, #tpu.memory_space<vmem_shared>> -> memref<16x128xf32, #tpu.memory_space<vmem_shared>>
        %dma_start3A_27 = arith.constant 9984 : i32
        %dma_start3A_28 = arith.constant 0 : i32
        %dma_start3A_29 = tpu.memref_slice %arg6[%dma_start3A_27, %dma_start3A_28] : memref<10000x128xf32, #tpu.memory_space<hbm>> -> memref<16x128xf32, #tpu.memory_space<hbm>>
        tpu.enqueue_dma source(%dma_start3A_29 : memref<16x128xf32, #tpu.memory_space<hbm>>) target(%dma_start3A_26 : memref<16x128xf32, #tpu.memory_space<vmem_shared>>) target_semaphore(%run_scoped3A : memref<!tpu.dma_semaphore, #tpu.memory_space<semaphore_mem>>)
        %dma_wait3A = arith.constant 9984 : i32
        %dma_wait3A_30 = arith.constant 0 : i32
        %dma_wait3A_31 = tpu.memref_slice %arg12[%dma_wait3A, %dma_wait3A_30] : memref<10128x128xf32, #tpu.memory_space<vmem_shared>> -> memref<16x128xf32, #tpu.memory_space<vmem_shared>>
        %dma_wait3A_32 = arith.constant 9984 : i32
        %dma_wait3A_33 = arith.constant 0 : i32
        %dma_wait3A_34 = tpu.memref_slice %arg6[%dma_wait3A_32, %dma_wait3A_33] : memref<10000x128xf32, #tpu.memory_space<hbm>> -> memref<16x128xf32, #tpu.memory_space<hbm>>
        tpu.wait_dma2 semaphore(%run_scoped3A : memref<!tpu.dma_semaphore, #tpu.memory_space<semaphore_mem>>) src(%dma_wait3A_34 : memref<16x128xf32, #tpu.memory_space<hbm>>) dst(%dma_wait3A_31 : memref<16x128xf32, #tpu.memory_space<vmem_shared>>)
        tpu.yield
      }) : () -> ()
    } else {
    }
    %barrier3A = arith.constant 0 : index
    tpu.barrier barrier_id(%barrier3A)
    %eq3A_3 = arith.constant 0 : i32
    %eq3A_4 = arith.cmpi eq, %arg0, %eq3A_3 : i32
    %convert_element_type3A_5 = arith.extui %eq3A_4 : i1 to i32
    %cond3A_6 = arith.constant 0 : i32
    %cond3A_7 = arith.cmpi ne, %convert_element_type3A_5, %cond3A_6 : i32
    scf.if %cond3A_7 {
      %mul3A_25 = arith.constant 160 : i32
      %mul3A_26 = arith.muli %arg1, %mul3A_25 : i32
      %scan3A = arith.constant 0 : i32
      %scan3A_27 = arith.constant 0 : i32
      %scan3A_28 = arith.constant 4 : i32
      %scan3A_29 = arith.addi %scan3A_27, %scan3A_28 : i32
      %scan3A_30 = arith.constant 1 : i32
      scf.for %scan3A_32 = %scan3A_27 to %scan3A_29 step %scan3A_30  : i32 {
        %mul3A_33 = arith.constant 40 : i32
        %mul3A_34 = arith.muli %scan3A_32, %mul3A_33 : i32
        %add3A_35 = arith.addi %mul3A_26, %mul3A_34 : i32
        %multiple_of3A_36 = tpu.assume_multiple %add3A_35, 8 : i32
        "tpu.region"() ({
          %run_scoped3A = tpu.sem_alloc : memref<!tpu.dma_semaphore, #tpu.memory_space<semaphore_mem>>
          %dma_start3A_149 = arith.constant 0 : i32
          %dma_start3A_150 = tpu.memref_slice %arg4[%multiple_of3A_36, %dma_start3A_149] : memref<2560x128xi32, #tpu.memory_space<hbm>> -> memref<40x128xi32, #tpu.memory_space<hbm>>
          %dma_start3A_151 = arith.constant 0 : i32
          %dma_start3A_152 = tpu.memref_slice %arg4[%multiple_of3A_36, %dma_start3A_151] : memref<2560x128xi32, #tpu.memory_space<hbm>> -> memref<40x128xi32, #tpu.memory_space<hbm>>
          tpu.enqueue_dma source(%dma_start3A_152 : memref<40x128xi32, #tpu.memory_space<hbm>>) target(%arg8 : memref<40x128xi32, #tpu.memory_space<vmem>>) target_semaphore(%run_scoped3A : memref<!tpu.dma_semaphore, #tpu.memory_space<semaphore_mem>>)
          %dma_wait3A_153 = arith.constant 0 : i32
          %dma_wait3A_154 = tpu.memref_slice %arg4[%multiple_of3A_36, %dma_wait3A_153] : memref<2560x128xi32, #tpu.memory_space<hbm>> -> memref<40x128xi32, #tpu.memory_space<hbm>>
          %dma_wait3A_155 = arith.constant 0 : i32
          %dma_wait3A_156 = tpu.memref_slice %arg4[%multiple_of3A_36, %dma_wait3A_155] : memref<2560x128xi32, #tpu.memory_space<hbm>> -> memref<40x128xi32, #tpu.memory_space<hbm>>
          tpu.wait_dma2 semaphore(%run_scoped3A : memref<!tpu.dma_semaphore, #tpu.memory_space<semaphore_mem>>) src(%dma_wait3A_156 : memref<40x128xi32, #tpu.memory_space<hbm>>) dst(%arg8 : memref<40x128xi32, #tpu.memory_space<vmem>>)
          tpu.yield
        }) : () -> ()
        "tpu.region"() ({
          %run_scoped3A = tpu.sem_alloc : memref<!tpu.dma_semaphore, #tpu.memory_space<semaphore_mem>>
          %dma_start3A_149 = arith.constant 0 : i32
          %dma_start3A_150 = tpu.memref_slice %arg5[%multiple_of3A_36, %dma_start3A_149] : memref<2560x128xi32, #tpu.memory_space<hbm>> -> memref<40x128xi32, #tpu.memory_space<hbm>>
          %dma_start3A_151 = arith.constant 0 : i32
          %dma_start3A_152 = tpu.memref_slice %arg5[%multiple_of3A_36, %dma_start3A_151] : memref<2560x128xi32, #tpu.memory_space<hbm>> -> memref<40x128xi32, #tpu.memory_space<hbm>>
          tpu.enqueue_dma source(%dma_start3A_152 : memref<40x128xi32, #tpu.memory_space<hbm>>) target(%arg9 : memref<40x128xi32, #tpu.memory_space<vmem>>) target_semaphore(%run_scoped3A : memref<!tpu.dma_semaphore, #tpu.memory_space<semaphore_mem>>)
          %dma_wait3A_153 = arith.constant 0 : i32
          %dma_wait3A_154 = tpu.memref_slice %arg5[%multiple_of3A_36, %dma_wait3A_153] : memref<2560x128xi32, #tpu.memory_space<hbm>> -> memref<40x128xi32, #tpu.memory_space<hbm>>
          %dma_wait3A_155 = arith.constant 0 : i32
          %dma_wait3A_156 = tpu.memref_slice %arg5[%multiple_of3A_36, %dma_wait3A_155] : memref<2560x128xi32, #tpu.memory_space<hbm>> -> memref<40x128xi32, #tpu.memory_space<hbm>>
          tpu.wait_dma2 semaphore(%run_scoped3A : memref<!tpu.dma_semaphore, #tpu.memory_space<semaphore_mem>>) src(%dma_wait3A_156 : memref<40x128xi32, #tpu.memory_space<hbm>>) dst(%arg9 : memref<40x128xi32, #tpu.memory_space<vmem>>)
          tpu.yield
        }) : () -> ()
        %dma_start3A = arith.constant 0 : i32
        %dma_start3A_37 = arith.constant 0 : i32
        %dma_start3A_38 = arith.constant 0 : i32
        %dma_start3A_39 = tpu.memref_slice %arg10[%dma_start3A_37, %dma_start3A_38] : memref<128x128xf32, #tpu.memory_space<vmem>> -> memref<64x128xf32, #tpu.memory_space<vmem>>
        %dma_start3A_40 = arith.constant 0 : i32
        %dma_start3A_41 = tpu.memref_slice %arg8[%dma_start3A, %dma_start3A_40] : memref<40x128xi32, #tpu.memory_space<vmem>> -> memref<1x64xi32, #tpu.memory_space<vmem>>
        %dma_start3A_42 = tpu.memref_squeeze %dma_start3A_41 : memref<1x64xi32, #tpu.memory_space<vmem>> -> memref<64xi32, #tpu.memory_space<vmem>>
        %dma_start3A_43 = arith.constant 0 : i32
        %dma_start3A_44 = arith.constant 0 : i32
        %dma_start3A_45 = tpu.memref_slice %arg2[%dma_start3A_43, %dma_start3A_44] : memref<10000x128xf32, #tpu.memory_space<hbm>> -> memref<10000x128xf32, #tpu.memory_space<hbm>>
        tpu.enqueue_indirect_dma source(%dma_start3A_45 : memref<10000x128xf32, #tpu.memory_space<hbm>>) target(%dma_start3A_39 : memref<64x128xf32, #tpu.memory_space<vmem>>) offsets(%dma_start3A_42 : memref<64xi32, #tpu.memory_space<vmem>>) semaphore(%arg13 : memref<!tpu.dma_semaphore, #tpu.memory_space<semaphore_mem>>)
        %dma_start3A_46 = arith.constant 0 : i32
        %dma_start3A_47 = arith.constant 64 : i32
        %dma_start3A_48 = arith.constant 0 : i32
        %dma_start3A_49 = tpu.memref_slice %arg10[%dma_start3A_47, %dma_start3A_48] : memref<128x128xf32, #tpu.memory_space<vmem>> -> memref<64x128xf32, #tpu.memory_space<vmem>>
        %dma_start3A_50 = arith.constant 64 : i32
        %dma_start3A_51 = tpu.memref_slice %arg8[%dma_start3A_46, %dma_start3A_50] : memref<40x128xi32, #tpu.memory_space<vmem>> -> memref<1x64xi32, #tpu.memory_space<vmem>>
        %dma_start3A_52 = tpu.memref_squeeze %dma_start3A_51 : memref<1x64xi32, #tpu.memory_space<vmem>> -> memref<64xi32, #tpu.memory_space<vmem>>
        %dma_start3A_53 = arith.constant 0 : i32
        %dma_start3A_54 = arith.constant 0 : i32
        %dma_start3A_55 = tpu.memref_slice %arg2[%dma_start3A_53, %dma_start3A_54] : memref<10000x128xf32, #tpu.memory_space<hbm>> -> memref<10000x128xf32, #tpu.memory_space<hbm>>
        tpu.enqueue_indirect_dma source(%dma_start3A_55 : memref<10000x128xf32, #tpu.memory_space<hbm>>) target(%dma_start3A_49 : memref<64x128xf32, #tpu.memory_space<vmem>>) offsets(%dma_start3A_52 : memref<64xi32, #tpu.memory_space<vmem>>) semaphore(%arg13 : memref<!tpu.dma_semaphore, #tpu.memory_space<semaphore_mem>>)
        %dma_start3A_56 = arith.constant 1 : i32
        %dma_start3A_57 = arith.constant 0 : i32
        %dma_start3A_58 = arith.constant 0 : i32
        %dma_start3A_59 = tpu.memref_slice %arg11[%dma_start3A_57, %dma_start3A_58] : memref<128x128xf32, #tpu.memory_space<vmem>> -> memref<64x128xf32, #tpu.memory_space<vmem>>
        %dma_start3A_60 = arith.constant 0 : i32
        %dma_start3A_61 = tpu.memref_slice %arg8[%dma_start3A_56, %dma_start3A_60] : memref<40x128xi32, #tpu.memory_space<vmem>> -> memref<1x64xi32, #tpu.memory_space<vmem>>
        %dma_start3A_62 = tpu.memref_squeeze %dma_start3A_61 : memref<1x64xi32, #tpu.memory_space<vmem>> -> memref<64xi32, #tpu.memory_space<vmem>>
        %dma_start3A_63 = arith.constant 0 : i32
        %dma_start3A_64 = arith.constant 0 : i32
        %dma_start3A_65 = tpu.memref_slice %arg2[%dma_start3A_63, %dma_start3A_64] : memref<10000x128xf32, #tpu.memory_space<hbm>> -> memref<10000x128xf32, #tpu.memory_space<hbm>>
        tpu.enqueue_indirect_dma source(%dma_start3A_65 : memref<10000x128xf32, #tpu.memory_space<hbm>>) target(%dma_start3A_59 : memref<64x128xf32, #tpu.memory_space<vmem>>) offsets(%dma_start3A_62 : memref<64xi32, #tpu.memory_space<vmem>>) semaphore(%arg14 : memref<!tpu.dma_semaphore, #tpu.memory_space<semaphore_mem>>)
        %dma_start3A_66 = arith.constant 1 : i32
        %dma_start3A_67 = arith.constant 64 : i32
        %dma_start3A_68 = arith.constant 0 : i32
        %dma_start3A_69 = tpu.memref_slice %arg11[%dma_start3A_67, %dma_start3A_68] : memref<128x128xf32, #tpu.memory_space<vmem>> -> memref<64x128xf32, #tpu.memory_space<vmem>>
        %dma_start3A_70 = arith.constant 64 : i32
        %dma_start3A_71 = tpu.memref_slice %arg8[%dma_start3A_66, %dma_start3A_70] : memref<40x128xi32, #tpu.memory_space<vmem>> -> memref<1x64xi32, #tpu.memory_space<vmem>>
        %dma_start3A_72 = tpu.memref_squeeze %dma_start3A_71 : memref<1x64xi32, #tpu.memory_space<vmem>> -> memref<64xi32, #tpu.memory_space<vmem>>
        %dma_start3A_73 = arith.constant 0 : i32
        %dma_start3A_74 = arith.constant 0 : i32
        %dma_start3A_75 = tpu.memref_slice %arg2[%dma_start3A_73, %dma_start3A_74] : memref<10000x128xf32, #tpu.memory_space<hbm>> -> memref<10000x128xf32, #tpu.memory_space<hbm>>
        tpu.enqueue_indirect_dma source(%dma_start3A_75 : memref<10000x128xf32, #tpu.memory_space<hbm>>) target(%dma_start3A_69 : memref<64x128xf32, #tpu.memory_space<vmem>>) offsets(%dma_start3A_72 : memref<64xi32, #tpu.memory_space<vmem>>) semaphore(%arg14 : memref<!tpu.dma_semaphore, #tpu.memory_space<semaphore_mem>>)
        %dma_wait3A = arith.constant 0 : i32
        %dma_wait3A_76 = arith.constant 0 : i32
        %dma_wait3A_77 = arith.constant 0 : i32
        %dma_wait3A_78 = tpu.memref_slice %arg10[%dma_wait3A_76, %dma_wait3A_77] : memref<128x128xf32, #tpu.memory_space<vmem>> -> memref<64x128xf32, #tpu.memory_space<vmem>>
        %dma_wait3A_79 = arith.constant 0 : i32
        %dma_wait3A_80 = tpu.memref_slice %arg8[%dma_wait3A, %dma_wait3A_79] : memref<40x128xi32, #tpu.memory_space<vmem>> -> memref<1x64xi32, #tpu.memory_space<vmem>>
        %dma_wait3A_81 = tpu.memref_squeeze %dma_wait3A_80 : memref<1x64xi32, #tpu.memory_space<vmem>> -> memref<64xi32, #tpu.memory_space<vmem>>
        %dma_wait3A_82 = arith.constant 0 : i32
        %dma_wait3A_83 = arith.constant 0 : i32
        %dma_wait3A_84 = tpu.memref_slice %arg2[%dma_wait3A_82, %dma_wait3A_83] : memref<10000x128xf32, #tpu.memory_space<hbm>> -> memref<10000x128xf32, #tpu.memory_space<hbm>>
        tpu.wait_indirect_dma semaphore(%arg13 : memref<!tpu.dma_semaphore, #tpu.memory_space<semaphore_mem>>) src(%dma_wait3A_84 : memref<10000x128xf32, #tpu.memory_space<hbm>>) dst(%dma_wait3A_78 : memref<64x128xf32, #tpu.memory_space<vmem>>)
        %dma_wait3A_85 = arith.constant 0 : i32
        %dma_wait3A_86 = arith.constant 64 : i32
        %dma_wait3A_87 = arith.constant 0 : i32
        %dma_wait3A_88 = tpu.memref_slice %arg10[%dma_wait3A_86, %dma_wait3A_87] : memref<128x128xf32, #tpu.memory_space<vmem>> -> memref<64x128xf32, #tpu.memory_space<vmem>>
        %dma_wait3A_89 = arith.constant 64 : i32
        %dma_wait3A_90 = tpu.memref_slice %arg8[%dma_wait3A_85, %dma_wait3A_89] : memref<40x128xi32, #tpu.memory_space<vmem>> -> memref<1x64xi32, #tpu.memory_space<vmem>>
        %dma_wait3A_91 = tpu.memref_squeeze %dma_wait3A_90 : memref<1x64xi32, #tpu.memory_space<vmem>> -> memref<64xi32, #tpu.memory_space<vmem>>
        %dma_wait3A_92 = arith.constant 0 : i32
        %dma_wait3A_93 = arith.constant 0 : i32
        %dma_wait3A_94 = tpu.memref_slice %arg2[%dma_wait3A_92, %dma_wait3A_93] : memref<10000x128xf32, #tpu.memory_space<hbm>> -> memref<10000x128xf32, #tpu.memory_space<hbm>>
        tpu.wait_indirect_dma semaphore(%arg13 : memref<!tpu.dma_semaphore, #tpu.memory_space<semaphore_mem>>) src(%dma_wait3A_94 : memref<10000x128xf32, #tpu.memory_space<hbm>>) dst(%dma_wait3A_88 : memref<64x128xf32, #tpu.memory_space<vmem>>)
        %dma_start3A_95 = arith.constant 0 : i32
        %dma_start3A_96 = arith.constant 0 : i32
        %dma_start3A_97 = tpu.memref_slice %arg9[%dma_start3A_95, %dma_start3A_96] : memref<40x128xi32, #tpu.memory_space<vmem>> -> memref<1x128xi32, #tpu.memory_space<vmem>>
        %dma_start3A_98 = tpu.memref_squeeze %dma_start3A_97 : memref<1x128xi32, #tpu.memory_space<vmem>> -> memref<128xi32, #tpu.memory_space<vmem>>
        %dma_start3A_99 = arith.constant 0 : i32
        %dma_start3A_100 = arith.constant 0 : i32
        %dma_start3A_101 = tpu.memref_slice %arg12[%dma_start3A_99, %dma_start3A_100] : memref<10128x128xf32, #tpu.memory_space<vmem_shared>> -> memref<10128x128xf32, #tpu.memory_space<vmem_shared>>
        tpu.enqueue_indirect_dma source(%arg10 : memref<128x128xf32, #tpu.memory_space<vmem>>) target(%dma_start3A_101 : memref<10128x128xf32, #tpu.memory_space<vmem_shared>>) offsets(%dma_start3A_98 : memref<128xi32, #tpu.memory_space<vmem>>) semaphore(%arg15 : memref<!tpu.dma_semaphore, #tpu.memory_space<semaphore_mem>>) {add = true}
        %dma_wait3A_102 = arith.constant 0 : i32
        %dma_wait3A_103 = arith.constant 0 : i32
        %dma_wait3A_104 = arith.constant 0 : i32
        %dma_wait3A_105 = tpu.memref_slice %arg11[%dma_wait3A_103, %dma_wait3A_104] : memref<128x128xf32, #tpu.memory_space<vmem>> -> memref<64x128xf32, #tpu.memory_space<vmem>>
        %dma_wait3A_106 = arith.constant 0 : i32
        %dma_wait3A_107 = tpu.memref_slice %arg8[%dma_wait3A_102, %dma_wait3A_106] : memref<40x128xi32, #tpu.memory_space<vmem>> -> memref<1x64xi32, #tpu.memory_space<vmem>>
        %dma_wait3A_108 = tpu.memref_squeeze %dma_wait3A_107 : memref<1x64xi32, #tpu.memory_space<vmem>> -> memref<64xi32, #tpu.memory_space<vmem>>
        %dma_wait3A_109 = arith.constant 0 : i32
        %dma_wait3A_110 = arith.constant 0 : i32
        %dma_wait3A_111 = tpu.memref_slice %arg2[%dma_wait3A_109, %dma_wait3A_110] : memref<10000x128xf32, #tpu.memory_space<hbm>> -> memref<10000x128xf32, #tpu.memory_space<hbm>>
        tpu.wait_indirect_dma semaphore(%arg14 : memref<!tpu.dma_semaphore, #tpu.memory_space<semaphore_mem>>) src(%dma_wait3A_111 : memref<10000x128xf32, #tpu.memory_space<hbm>>) dst(%dma_wait3A_105 : memref<64x128xf32, #tpu.memory_space<vmem>>)
        %dma_wait3A_112 = arith.constant 0 : i32
        %dma_wait3A_113 = arith.constant 64 : i32
        %dma_wait3A_114 = arith.constant 0 : i32
        %dma_wait3A_115 = tpu.memref_slice %arg11[%dma_wait3A_113, %dma_wait3A_114] : memref<128x128xf32, #tpu.memory_space<vmem>> -> memref<64x128xf32, #tpu.memory_space<vmem>>
        %dma_wait3A_116 = arith.constant 64 : i32
        %dma_wait3A_117 = tpu.memref_slice %arg8[%dma_wait3A_112, %dma_wait3A_116] : memref<40x128xi32, #tpu.memory_space<vmem>> -> memref<1x64xi32, #tpu.memory_space<vmem>>
        %dma_wait3A_118 = tpu.memref_squeeze %dma_wait3A_117 : memref<1x64xi32, #tpu.memory_space<vmem>> -> memref<64xi32, #tpu.memory_space<vmem>>
        %dma_wait3A_119 = arith.constant 0 : i32
        %dma_wait3A_120 = arith.constant 0 : i32
        %dma_wait3A_121 = tpu.memref_slice %arg2[%dma_wait3A_119, %dma_wait3A_120] : memref<10000x128xf32, #tpu.memory_space<hbm>> -> memref<10000x128xf32, #tpu.memory_space<hbm>>
        tpu.wait_indirect_dma semaphore(%arg14 : memref<!tpu.dma_semaphore, #tpu.memory_space<semaphore_mem>>) src(%dma_wait3A_121 : memref<10000x128xf32, #tpu.memory_space<hbm>>) dst(%dma_wait3A_115 : memref<64x128xf32, #tpu.memory_space<vmem>>)
        %dma_start3A_122 = arith.constant 1 : i32
        %dma_start3A_123 = arith.constant 0 : i32
        %dma_start3A_124 = tpu.memref_slice %arg9[%dma_start3A_122, %dma_start3A_123] : memref<40x128xi32, #tpu.memory_space<vmem>> -> memref<1x128xi32, #tpu.memory_space<vmem>>
        %dma_start3A_125 = tpu.memref_squeeze %dma_start3A_124 : memref<1x128xi32, #tpu.memory_space<vmem>> -> memref<128xi32, #tpu.memory_space<vmem>>
        %dma_start3A_126 = arith.constant 0 : i32
        %dma_start3A_127 = arith.constant 0 : i32
        %dma_start3A_128 = tpu.memref_slice %arg12[%dma_start3A_126, %dma_start3A_127] : memref<10128x128xf32, #tpu.memory_space<vmem_shared>> -> memref<10128x128xf32, #tpu.memory_space<vmem_shared>>
        tpu.enqueue_indirect_dma source(%arg11 : memref<128x128xf32, #tpu.memory_space<vmem>>) target(%dma_start3A_128 : memref<10128x128xf32, #tpu.memory_space<vmem_shared>>) offsets(%dma_start3A_125 : memref<128xi32, #tpu.memory_space<vmem>>) semaphore(%arg16 : memref<!tpu.dma_semaphore, #tpu.memory_space<semaphore_mem>>) {add = true}
        %scan3A_129 = arith.constant 0 : i32
        %scan3A_130 = arith.constant 1 : i32
        %scan3A_131 = arith.constant 19 : i32
        %scan3A_132 = arith.addi %scan3A_130, %scan3A_131 : i32
        %scan3A_133 = arith.constant 1 : i32
        scf.for %scan3A_149 = %scan3A_130 to %scan3A_132 step %scan3A_133  : i32 {
          %mul3A_150 = arith.constant 2 : i32
          %mul3A_151 = arith.muli %scan3A_149, %mul3A_150 : i32
          %dma_wait3A_152 = arith.constant 0 : i32
          %dma_wait3A_153 = arith.constant 0 : i32
          %dma_wait3A_154 = tpu.memref_slice %arg9[%dma_wait3A_152, %dma_wait3A_153] : memref<40x128xi32, #tpu.memory_space<vmem>> -> memref<1x128xi32, #tpu.memory_space<vmem>>
          %dma_wait3A_155 = tpu.memref_squeeze %dma_wait3A_154 : memref<1x128xi32, #tpu.memory_space<vmem>> -> memref<128xi32, #tpu.memory_space<vmem>>
          %dma_wait3A_156 = arith.constant 0 : i32
          %dma_wait3A_157 = arith.constant 0 : i32
          %dma_wait3A_158 = tpu.memref_slice %arg12[%dma_wait3A_156, %dma_wait3A_157] : memref<10128x128xf32, #tpu.memory_space<vmem_shared>> -> memref<10128x128xf32, #tpu.memory_space<vmem_shared>>
          tpu.wait_indirect_dma semaphore(%arg15 : memref<!tpu.dma_semaphore, #tpu.memory_space<semaphore_mem>>) src(%arg10 : memref<128x128xf32, #tpu.memory_space<vmem>>) dst(%dma_wait3A_158 : memref<10128x128xf32, #tpu.memory_space<vmem_shared>>)
          %dma_start3A_159 = arith.constant 0 : i32
          %dma_start3A_160 = arith.constant 0 : i32
          %dma_start3A_161 = tpu.memref_slice %arg10[%dma_start3A_159, %dma_start3A_160] : memref<128x128xf32, #tpu.memory_space<vmem>> -> memref<64x128xf32, #tpu.memory_space<vmem>>
          %dma_start3A_162 = arith.constant 0 : i32
          %dma_start3A_163 = tpu.memref_slice %arg8[%mul3A_151, %dma_start3A_162] : memref<40x128xi32, #tpu.memory_space<vmem>> -> memref<1x64xi32, #tpu.memory_space<vmem>>
          %dma_start3A_164 = tpu.memref_squeeze %dma_start3A_163 : memref<1x64xi32, #tpu.memory_space<vmem>> -> memref<64xi32, #tpu.memory_space<vmem>>
          %dma_start3A_165 = arith.constant 0 : i32
          %dma_start3A_166 = arith.constant 0 : i32
          %dma_start3A_167 = tpu.memref_slice %arg2[%dma_start3A_165, %dma_start3A_166] : memref<10000x128xf32, #tpu.memory_space<hbm>> -> memref<10000x128xf32, #tpu.memory_space<hbm>>
          tpu.enqueue_indirect_dma source(%dma_start3A_167 : memref<10000x128xf32, #tpu.memory_space<hbm>>) target(%dma_start3A_161 : memref<64x128xf32, #tpu.memory_space<vmem>>) offsets(%dma_start3A_164 : memref<64xi32, #tpu.memory_space<vmem>>) semaphore(%arg13 : memref<!tpu.dma_semaphore, #tpu.memory_space<semaphore_mem>>)
          %dma_start3A_168 = arith.constant 64 : i32
          %dma_start3A_169 = arith.constant 0 : i32
          %dma_start3A_170 = tpu.memref_slice %arg10[%dma_start3A_168, %dma_start3A_169] : memref<128x128xf32, #tpu.memory_space<vmem>> -> memref<64x128xf32, #tpu.memory_space<vmem>>
          %dma_start3A_171 = arith.constant 64 : i32
          %dma_start3A_172 = tpu.memref_slice %arg8[%mul3A_151, %dma_start3A_171] : memref<40x128xi32, #tpu.memory_space<vmem>> -> memref<1x64xi32, #tpu.memory_space<vmem>>
          %dma_start3A_173 = tpu.memref_squeeze %dma_start3A_172 : memref<1x64xi32, #tpu.memory_space<vmem>> -> memref<64xi32, #tpu.memory_space<vmem>>
          %dma_start3A_174 = arith.constant 0 : i32
          %dma_start3A_175 = arith.constant 0 : i32
          %dma_start3A_176 = tpu.memref_slice %arg2[%dma_start3A_174, %dma_start3A_175] : memref<10000x128xf32, #tpu.memory_space<hbm>> -> memref<10000x128xf32, #tpu.memory_space<hbm>>
          tpu.enqueue_indirect_dma source(%dma_start3A_176 : memref<10000x128xf32, #tpu.memory_space<hbm>>) target(%dma_start3A_170 : memref<64x128xf32, #tpu.memory_space<vmem>>) offsets(%dma_start3A_173 : memref<64xi32, #tpu.memory_space<vmem>>) semaphore(%arg13 : memref<!tpu.dma_semaphore, #tpu.memory_space<semaphore_mem>>)
          %dma_wait3A_177 = arith.constant 0 : i32
          %dma_wait3A_178 = arith.constant 0 : i32
          %dma_wait3A_179 = tpu.memref_slice %arg9[%dma_wait3A_177, %dma_wait3A_178] : memref<40x128xi32, #tpu.memory_space<vmem>> -> memref<1x128xi32, #tpu.memory_space<vmem>>
          %dma_wait3A_180 = tpu.memref_squeeze %dma_wait3A_179 : memref<1x128xi32, #tpu.memory_space<vmem>> -> memref<128xi32, #tpu.memory_space<vmem>>
          %dma_wait3A_181 = arith.constant 0 : i32
          %dma_wait3A_182 = arith.constant 0 : i32
          %dma_wait3A_183 = tpu.memref_slice %arg12[%dma_wait3A_181, %dma_wait3A_182] : memref<10128x128xf32, #tpu.memory_space<vmem_shared>> -> memref<10128x128xf32, #tpu.memory_space<vmem_shared>>
          tpu.wait_indirect_dma semaphore(%arg16 : memref<!tpu.dma_semaphore, #tpu.memory_space<semaphore_mem>>) src(%arg11 : memref<128x128xf32, #tpu.memory_space<vmem>>) dst(%dma_wait3A_183 : memref<10128x128xf32, #tpu.memory_space<vmem_shared>>)
          %add3A_184 = arith.constant 1 : i32
          %add3A_185 = arith.addi %mul3A_151, %add3A_184 : i32
          %dma_start3A_186 = arith.constant 0 : i32
          %dma_start3A_187 = arith.constant 0 : i32
          %dma_start3A_188 = tpu.memref_slice %arg11[%dma_start3A_186, %dma_start3A_187] : memref<128x128xf32, #tpu.memory_space<vmem>> -> memref<64x128xf32, #tpu.memory_space<vmem>>
          %dma_start3A_189 = arith.constant 0 : i32
          %dma_start3A_190 = tpu.memref_slice %arg8[%add3A_185, %dma_start3A_189] : memref<40x128xi32, #tpu.memory_space<vmem>> -> memref<1x64xi32, #tpu.memory_space<vmem>>
          %dma_start3A_191 = tpu.memref_squeeze %dma_start3A_190 : memref<1x64xi32, #tpu.memory_space<vmem>> -> memref<64xi32, #tpu.memory_space<vmem>>
          %dma_start3A_192 = arith.constant 0 : i32
          %dma_start3A_193 = arith.constant 0 : i32
          %dma_start3A_194 = tpu.memref_slice %arg2[%dma_start3A_192, %dma_start3A_193] : memref<10000x128xf32, #tpu.memory_space<hbm>> -> memref<10000x128xf32, #tpu.memory_space<hbm>>
          tpu.enqueue_indirect_dma source(%dma_start3A_194 : memref<10000x128xf32, #tpu.memory_space<hbm>>) target(%dma_start3A_188 : memref<64x128xf32, #tpu.memory_space<vmem>>) offsets(%dma_start3A_191 : memref<64xi32, #tpu.memory_space<vmem>>) semaphore(%arg14 : memref<!tpu.dma_semaphore, #tpu.memory_space<semaphore_mem>>)
          %dma_start3A_195 = arith.constant 64 : i32
          %dma_start3A_196 = arith.constant 0 : i32
          %dma_start3A_197 = tpu.memref_slice %arg11[%dma_start3A_195, %dma_start3A_196] : memref<128x128xf32, #tpu.memory_space<vmem>> -> memref<64x128xf32, #tpu.memory_space<vmem>>
          %dma_start3A_198 = arith.constant 64 : i32
          %dma_start3A_199 = tpu.memref_slice %arg8[%add3A_185, %dma_start3A_198] : memref<40x128xi32, #tpu.memory_space<vmem>> -> memref<1x64xi32, #tpu.memory_space<vmem>>
          %dma_start3A_200 = tpu.memref_squeeze %dma_start3A_199 : memref<1x64xi32, #tpu.memory_space<vmem>> -> memref<64xi32, #tpu.memory_space<vmem>>
          %dma_start3A_201 = arith.constant 0 : i32
          %dma_start3A_202 = arith.constant 0 : i32
          %dma_start3A_203 = tpu.memref_slice %arg2[%dma_start3A_201, %dma_start3A_202] : memref<10000x128xf32, #tpu.memory_space<hbm>> -> memref<10000x128xf32, #tpu.memory_space<hbm>>
          tpu.enqueue_indirect_dma source(%dma_start3A_203 : memref<10000x128xf32, #tpu.memory_space<hbm>>) target(%dma_start3A_197 : memref<64x128xf32, #tpu.memory_space<vmem>>) offsets(%dma_start3A_200 : memref<64xi32, #tpu.memory_space<vmem>>) semaphore(%arg14 : memref<!tpu.dma_semaphore, #tpu.memory_space<semaphore_mem>>)
          %dma_wait3A_204 = arith.constant 0 : i32
          %dma_wait3A_205 = arith.constant 0 : i32
          %dma_wait3A_206 = arith.constant 0 : i32
          %dma_wait3A_207 = tpu.memref_slice %arg10[%dma_wait3A_205, %dma_wait3A_206] : memref<128x128xf32, #tpu.memory_space<vmem>> -> memref<64x128xf32, #tpu.memory_space<vmem>>
          %dma_wait3A_208 = arith.constant 0 : i32
          %dma_wait3A_209 = tpu.memref_slice %arg8[%dma_wait3A_204, %dma_wait3A_208] : memref<40x128xi32, #tpu.memory_space<vmem>> -> memref<1x64xi32, #tpu.memory_space<vmem>>
          %dma_wait3A_210 = tpu.memref_squeeze %dma_wait3A_209 : memref<1x64xi32, #tpu.memory_space<vmem>> -> memref<64xi32, #tpu.memory_space<vmem>>
          %dma_wait3A_211 = arith.constant 0 : i32
          %dma_wait3A_212 = arith.constant 0 : i32
          %dma_wait3A_213 = tpu.memref_slice %arg2[%dma_wait3A_211, %dma_wait3A_212] : memref<10000x128xf32, #tpu.memory_space<hbm>> -> memref<10000x128xf32, #tpu.memory_space<hbm>>
          tpu.wait_indirect_dma semaphore(%arg13 : memref<!tpu.dma_semaphore, #tpu.memory_space<semaphore_mem>>) src(%dma_wait3A_213 : memref<10000x128xf32, #tpu.memory_space<hbm>>) dst(%dma_wait3A_207 : memref<64x128xf32, #tpu.memory_space<vmem>>)
          %dma_wait3A_214 = arith.constant 0 : i32
          %dma_wait3A_215 = arith.constant 64 : i32
          %dma_wait3A_216 = arith.constant 0 : i32
          %dma_wait3A_217 = tpu.memref_slice %arg10[%dma_wait3A_215, %dma_wait3A_216] : memref<128x128xf32, #tpu.memory_space<vmem>> -> memref<64x128xf32, #tpu.memory_space<vmem>>
          %dma_wait3A_218 = arith.constant 64 : i32
          %dma_wait3A_219 = tpu.memref_slice %arg8[%dma_wait3A_214, %dma_wait3A_218] : memref<40x128xi32, #tpu.memory_space<vmem>> -> memref<1x64xi32, #tpu.memory_space<vmem>>
          %dma_wait3A_220 = tpu.memref_squeeze %dma_wait3A_219 : memref<1x64xi32, #tpu.memory_space<vmem>> -> memref<64xi32, #tpu.memory_space<vmem>>
          %dma_wait3A_221 = arith.constant 0 : i32
          %dma_wait3A_222 = arith.constant 0 : i32
          %dma_wait3A_223 = tpu.memref_slice %arg2[%dma_wait3A_221, %dma_wait3A_222] : memref<10000x128xf32, #tpu.memory_space<hbm>> -> memref<10000x128xf32, #tpu.memory_space<hbm>>
          tpu.wait_indirect_dma semaphore(%arg13 : memref<!tpu.dma_semaphore, #tpu.memory_space<semaphore_mem>>) src(%dma_wait3A_223 : memref<10000x128xf32, #tpu.memory_space<hbm>>) dst(%dma_wait3A_217 : memref<64x128xf32, #tpu.memory_space<vmem>>)
          %dma_start3A_224 = arith.constant 0 : i32
          %dma_start3A_225 = tpu.memref_slice %arg9[%mul3A_151, %dma_start3A_224] : memref<40x128xi32, #tpu.memory_space<vmem>> -> memref<1x128xi32, #tpu.memory_space<vmem>>
          %dma_start3A_226 = tpu.memref_squeeze %dma_start3A_225 : memref<1x128xi32, #tpu.memory_space<vmem>> -> memref<128xi32, #tpu.memory_space<vmem>>
          %dma_start3A_227 = arith.constant 0 : i32
          %dma_start3A_228 = arith.constant 0 : i32
          %dma_start3A_229 = tpu.memref_slice %arg12[%dma_start3A_227, %dma_start3A_228] : memref<10128x128xf32, #tpu.memory_space<vmem_shared>> -> memref<10128x128xf32, #tpu.memory_space<vmem_shared>>
          tpu.enqueue_indirect_dma source(%arg10 : memref<128x128xf32, #tpu.memory_space<vmem>>) target(%dma_start3A_229 : memref<10128x128xf32, #tpu.memory_space<vmem_shared>>) offsets(%dma_start3A_226 : memref<128xi32, #tpu.memory_space<vmem>>) semaphore(%arg15 : memref<!tpu.dma_semaphore, #tpu.memory_space<semaphore_mem>>) {add = true}
          %dma_wait3A_230 = arith.constant 0 : i32
          %dma_wait3A_231 = arith.constant 0 : i32
          %dma_wait3A_232 = arith.constant 0 : i32
          %dma_wait3A_233 = tpu.memref_slice %arg11[%dma_wait3A_231, %dma_wait3A_232] : memref<128x128xf32, #tpu.memory_space<vmem>> -> memref<64x128xf32, #tpu.memory_space<vmem>>
          %dma_wait3A_234 = arith.constant 0 : i32
          %dma_wait3A_235 = tpu.memref_slice %arg8[%dma_wait3A_230, %dma_wait3A_234] : memref<40x128xi32, #tpu.memory_space<vmem>> -> memref<1x64xi32, #tpu.memory_space<vmem>>
          %dma_wait3A_236 = tpu.memref_squeeze %dma_wait3A_235 : memref<1x64xi32, #tpu.memory_space<vmem>> -> memref<64xi32, #tpu.memory_space<vmem>>
          %dma_wait3A_237 = arith.constant 0 : i32
          %dma_wait3A_238 = arith.constant 0 : i32
          %dma_wait3A_239 = tpu.memref_slice %arg2[%dma_wait3A_237, %dma_wait3A_238] : memref<10000x128xf32, #tpu.memory_space<hbm>> -> memref<10000x128xf32, #tpu.memory_space<hbm>>
          tpu.wait_indirect_dma semaphore(%arg14 : memref<!tpu.dma_semaphore, #tpu.memory_space<semaphore_mem>>) src(%dma_wait3A_239 : memref<10000x128xf32, #tpu.memory_space<hbm>>) dst(%dma_wait3A_233 : memref<64x128xf32, #tpu.memory_space<vmem>>)
          %dma_wait3A_240 = arith.constant 0 : i32
          %dma_wait3A_241 = arith.constant 64 : i32
          %dma_wait3A_242 = arith.constant 0 : i32
          %dma_wait3A_243 = tpu.memref_slice %arg11[%dma_wait3A_241, %dma_wait3A_242] : memref<128x128xf32, #tpu.memory_space<vmem>> -> memref<64x128xf32, #tpu.memory_space<vmem>>
          %dma_wait3A_244 = arith.constant 64 : i32
          %dma_wait3A_245 = tpu.memref_slice %arg8[%dma_wait3A_240, %dma_wait3A_244] : memref<40x128xi32, #tpu.memory_space<vmem>> -> memref<1x64xi32, #tpu.memory_space<vmem>>
          %dma_wait3A_246 = tpu.memref_squeeze %dma_wait3A_245 : memref<1x64xi32, #tpu.memory_space<vmem>> -> memref<64xi32, #tpu.memory_space<vmem>>
          %dma_wait3A_247 = arith.constant 0 : i32
          %dma_wait3A_248 = arith.constant 0 : i32
          %dma_wait3A_249 = tpu.memref_slice %arg2[%dma_wait3A_247, %dma_wait3A_248] : memref<10000x128xf32, #tpu.memory_space<hbm>> -> memref<10000x128xf32, #tpu.memory_space<hbm>>
          tpu.wait_indirect_dma semaphore(%arg14 : memref<!tpu.dma_semaphore, #tpu.memory_space<semaphore_mem>>) src(%dma_wait3A_249 : memref<10000x128xf32, #tpu.memory_space<hbm>>) dst(%dma_wait3A_243 : memref<64x128xf32, #tpu.memory_space<vmem>>)
          %add3A_250 = arith.constant 1 : i32
          %add3A_251 = arith.addi %mul3A_151, %add3A_250 : i32
          %dma_start3A_252 = arith.constant 0 : i32
          %dma_start3A_253 = tpu.memref_slice %arg9[%add3A_251, %dma_start3A_252] : memref<40x128xi32, #tpu.memory_space<vmem>> -> memref<1x128xi32, #tpu.memory_space<vmem>>
          %dma_start3A_254 = tpu.memref_squeeze %dma_start3A_253 : memref<1x128xi32, #tpu.memory_space<vmem>> -> memref<128xi32, #tpu.memory_space<vmem>>
          %dma_start3A_255 = arith.constant 0 : i32
          %dma_start3A_256 = arith.constant 0 : i32
          %dma_start3A_257 = tpu.memref_slice %arg12[%dma_start3A_255, %dma_start3A_256] : memref<10128x128xf32, #tpu.memory_space<vmem_shared>> -> memref<10128x128xf32, #tpu.memory_space<vmem_shared>>
          tpu.enqueue_indirect_dma source(%arg11 : memref<128x128xf32, #tpu.memory_space<vmem>>) target(%dma_start3A_257 : memref<10128x128xf32, #tpu.memory_space<vmem_shared>>) offsets(%dma_start3A_254 : memref<128xi32, #tpu.memory_space<vmem>>) semaphore(%arg16 : memref<!tpu.dma_semaphore, #tpu.memory_space<semaphore_mem>>) {add = true}
        }
        %scan3A_134 = arith.constant 19 : i32
        %dma_wait3A_135 = arith.constant 0 : i32
        %dma_wait3A_136 = arith.constant 0 : i32
        %dma_wait3A_137 = tpu.memref_slice %arg9[%dma_wait3A_135, %dma_wait3A_136] : memref<40x128xi32, #tpu.memory_space<vmem>> -> memref<1x128xi32, #tpu.memory_space<vmem>>
        %dma_wait3A_138 = tpu.memref_squeeze %dma_wait3A_137 : memref<1x128xi32, #tpu.memory_space<vmem>> -> memref<128xi32, #tpu.memory_space<vmem>>
        %dma_wait3A_139 = arith.constant 0 : i32
        %dma_wait3A_140 = arith.constant 0 : i32
        %dma_wait3A_141 = tpu.memref_slice %arg12[%dma_wait3A_139, %dma_wait3A_140] : memref<10128x128xf32, #tpu.memory_space<vmem_shared>> -> memref<10128x128xf32, #tpu.memory_space<vmem_shared>>
        tpu.wait_indirect_dma semaphore(%arg15 : memref<!tpu.dma_semaphore, #tpu.memory_space<semaphore_mem>>) src(%arg10 : memref<128x128xf32, #tpu.memory_space<vmem>>) dst(%dma_wait3A_141 : memref<10128x128xf32, #tpu.memory_space<vmem_shared>>)
        %dma_wait3A_142 = arith.constant 0 : i32
        %dma_wait3A_143 = arith.constant 0 : i32
        %dma_wait3A_144 = tpu.memref_slice %arg9[%dma_wait3A_142, %dma_wait3A_143] : memref<40x128xi32, #tpu.memory_space<vmem>> -> memref<1x128xi32, #tpu.memory_space<vmem>>
        %dma_wait3A_145 = tpu.memref_squeeze %dma_wait3A_144 : memref<1x128xi32, #tpu.memory_space<vmem>> -> memref<128xi32, #tpu.memory_space<vmem>>
        %dma_wait3A_146 = arith.constant 0 : i32
        %dma_wait3A_147 = arith.constant 0 : i32
        %dma_wait3A_148 = tpu.memref_slice %arg12[%dma_wait3A_146, %dma_wait3A_147] : memref<10128x128xf32, #tpu.memory_space<vmem_shared>> -> memref<10128x128xf32, #tpu.memory_space<vmem_shared>>
        tpu.wait_indirect_dma semaphore(%arg16 : memref<!tpu.dma_semaphore, #tpu.memory_space<semaphore_mem>>) src(%arg11 : memref<128x128xf32, #tpu.memory_space<vmem>>) dst(%dma_wait3A_148 : memref<10128x128xf32, #tpu.memory_space<vmem_shared>>)
      }
      %scan3A_31 = arith.constant 4 : i32
    } else {
    }
    %eq3A_8 = arith.constant 1 : i32
    %eq3A_9 = arith.cmpi eq, %arg0, %eq3A_8 : i32
    %convert_element_type3A_10 = arith.extui %eq3A_9 : i1 to i32
    %cond3A_11 = arith.constant 0 : i32
    %cond3A_12 = arith.cmpi ne, %convert_element_type3A_10, %cond3A_11 : i32
    scf.if %cond3A_12 {
      %mul3A_25 = arith.constant 160 : i32
      %mul3A_26 = arith.muli %arg1, %mul3A_25 : i32
      %scan3A = arith.constant 0 : i32
      %scan3A_27 = arith.constant 0 : i32
      %scan3A_28 = arith.constant 4 : i32
      %scan3A_29 = arith.addi %scan3A_27, %scan3A_28 : i32
      %scan3A_30 = arith.constant 1 : i32
      scf.for %scan3A_32 = %scan3A_27 to %scan3A_29 step %scan3A_30  : i32 {
        %mul3A_33 = arith.constant 40 : i32
        %mul3A_34 = arith.muli %scan3A_32, %mul3A_33 : i32
        %add3A_35 = arith.addi %mul3A_26, %mul3A_34 : i32
        %multiple_of3A_36 = tpu.assume_multiple %add3A_35, 8 : i32
        "tpu.region"() ({
          %run_scoped3A = tpu.sem_alloc : memref<!tpu.dma_semaphore, #tpu.memory_space<semaphore_mem>>
          %dma_start3A_149 = arith.constant 0 : i32
          %dma_start3A_150 = tpu.memref_slice %arg4[%multiple_of3A_36, %dma_start3A_149] : memref<2560x128xi32, #tpu.memory_space<hbm>> -> memref<40x128xi32, #tpu.memory_space<hbm>>
          %dma_start3A_151 = arith.constant 0 : i32
          %dma_start3A_152 = tpu.memref_slice %arg4[%multiple_of3A_36, %dma_start3A_151] : memref<2560x128xi32, #tpu.memory_space<hbm>> -> memref<40x128xi32, #tpu.memory_space<hbm>>
          tpu.enqueue_dma source(%dma_start3A_152 : memref<40x128xi32, #tpu.memory_space<hbm>>) target(%arg8 : memref<40x128xi32, #tpu.memory_space<vmem>>) target_semaphore(%run_scoped3A : memref<!tpu.dma_semaphore, #tpu.memory_space<semaphore_mem>>)
          %dma_wait3A_153 = arith.constant 0 : i32
          %dma_wait3A_154 = tpu.memref_slice %arg4[%multiple_of3A_36, %dma_wait3A_153] : memref<2560x128xi32, #tpu.memory_space<hbm>> -> memref<40x128xi32, #tpu.memory_space<hbm>>
          %dma_wait3A_155 = arith.constant 0 : i32
          %dma_wait3A_156 = tpu.memref_slice %arg4[%multiple_of3A_36, %dma_wait3A_155] : memref<2560x128xi32, #tpu.memory_space<hbm>> -> memref<40x128xi32, #tpu.memory_space<hbm>>
          tpu.wait_dma2 semaphore(%run_scoped3A : memref<!tpu.dma_semaphore, #tpu.memory_space<semaphore_mem>>) src(%dma_wait3A_156 : memref<40x128xi32, #tpu.memory_space<hbm>>) dst(%arg8 : memref<40x128xi32, #tpu.memory_space<vmem>>)
          tpu.yield
        }) : () -> ()
        "tpu.region"() ({
          %run_scoped3A = tpu.sem_alloc : memref<!tpu.dma_semaphore, #tpu.memory_space<semaphore_mem>>
          %dma_start3A_149 = arith.constant 0 : i32
          %dma_start3A_150 = tpu.memref_slice %arg5[%multiple_of3A_36, %dma_start3A_149] : memref<2560x128xi32, #tpu.memory_space<hbm>> -> memref<40x128xi32, #tpu.memory_space<hbm>>
          %dma_start3A_151 = arith.constant 0 : i32
          %dma_start3A_152 = tpu.memref_slice %arg5[%multiple_of3A_36, %dma_start3A_151] : memref<2560x128xi32, #tpu.memory_space<hbm>> -> memref<40x128xi32, #tpu.memory_space<hbm>>
          tpu.enqueue_dma source(%dma_start3A_152 : memref<40x128xi32, #tpu.memory_space<hbm>>) target(%arg9 : memref<40x128xi32, #tpu.memory_space<vmem>>) target_semaphore(%run_scoped3A : memref<!tpu.dma_semaphore, #tpu.memory_space<semaphore_mem>>)
          %dma_wait3A_153 = arith.constant 0 : i32
          %dma_wait3A_154 = tpu.memref_slice %arg5[%multiple_of3A_36, %dma_wait3A_153] : memref<2560x128xi32, #tpu.memory_space<hbm>> -> memref<40x128xi32, #tpu.memory_space<hbm>>
          %dma_wait3A_155 = arith.constant 0 : i32
          %dma_wait3A_156 = tpu.memref_slice %arg5[%multiple_of3A_36, %dma_wait3A_155] : memref<2560x128xi32, #tpu.memory_space<hbm>> -> memref<40x128xi32, #tpu.memory_space<hbm>>
          tpu.wait_dma2 semaphore(%run_scoped3A : memref<!tpu.dma_semaphore, #tpu.memory_space<semaphore_mem>>) src(%dma_wait3A_156 : memref<40x128xi32, #tpu.memory_space<hbm>>) dst(%arg9 : memref<40x128xi32, #tpu.memory_space<vmem>>)
          tpu.yield
        }) : () -> ()
        %dma_start3A = arith.constant 0 : i32
        %dma_start3A_37 = arith.constant 0 : i32
        %dma_start3A_38 = arith.constant 0 : i32
        %dma_start3A_39 = tpu.memref_slice %arg10[%dma_start3A_37, %dma_start3A_38] : memref<128x128xf32, #tpu.memory_space<vmem>> -> memref<64x128xf32, #tpu.memory_space<vmem>>
        %dma_start3A_40 = arith.constant 0 : i32
        %dma_start3A_41 = tpu.memref_slice %arg8[%dma_start3A, %dma_start3A_40] : memref<40x128xi32, #tpu.memory_space<vmem>> -> memref<1x64xi32, #tpu.memory_space<vmem>>
        %dma_start3A_42 = tpu.memref_squeeze %dma_start3A_41 : memref<1x64xi32, #tpu.memory_space<vmem>> -> memref<64xi32, #tpu.memory_space<vmem>>
        %dma_start3A_43 = arith.constant 0 : i32
        %dma_start3A_44 = arith.constant 0 : i32
        %dma_start3A_45 = tpu.memref_slice %arg3[%dma_start3A_43, %dma_start3A_44] : memref<10000x128xf32, #tpu.memory_space<hbm>> -> memref<10000x128xf32, #tpu.memory_space<hbm>>
        tpu.enqueue_indirect_dma source(%dma_start3A_45 : memref<10000x128xf32, #tpu.memory_space<hbm>>) target(%dma_start3A_39 : memref<64x128xf32, #tpu.memory_space<vmem>>) offsets(%dma_start3A_42 : memref<64xi32, #tpu.memory_space<vmem>>) semaphore(%arg13 : memref<!tpu.dma_semaphore, #tpu.memory_space<semaphore_mem>>)
        %dma_start3A_46 = arith.constant 0 : i32
        %dma_start3A_47 = arith.constant 64 : i32
        %dma_start3A_48 = arith.constant 0 : i32
        %dma_start3A_49 = tpu.memref_slice %arg10[%dma_start3A_47, %dma_start3A_48] : memref<128x128xf32, #tpu.memory_space<vmem>> -> memref<64x128xf32, #tpu.memory_space<vmem>>
        %dma_start3A_50 = arith.constant 64 : i32
        %dma_start3A_51 = tpu.memref_slice %arg8[%dma_start3A_46, %dma_start3A_50] : memref<40x128xi32, #tpu.memory_space<vmem>> -> memref<1x64xi32, #tpu.memory_space<vmem>>
        %dma_start3A_52 = tpu.memref_squeeze %dma_start3A_51 : memref<1x64xi32, #tpu.memory_space<vmem>> -> memref<64xi32, #tpu.memory_space<vmem>>
        %dma_start3A_53 = arith.constant 0 : i32
        %dma_start3A_54 = arith.constant 0 : i32
        %dma_start3A_55 = tpu.memref_slice %arg3[%dma_start3A_53, %dma_start3A_54] : memref<10000x128xf32, #tpu.memory_space<hbm>> -> memref<10000x128xf32, #tpu.memory_space<hbm>>
        tpu.enqueue_indirect_dma source(%dma_start3A_55 : memref<10000x128xf32, #tpu.memory_space<hbm>>) target(%dma_start3A_49 : memref<64x128xf32, #tpu.memory_space<vmem>>) offsets(%dma_start3A_52 : memref<64xi32, #tpu.memory_space<vmem>>) semaphore(%arg13 : memref<!tpu.dma_semaphore, #tpu.memory_space<semaphore_mem>>)
        %dma_start3A_56 = arith.constant 1 : i32
        %dma_start3A_57 = arith.constant 0 : i32
        %dma_start3A_58 = arith.constant 0 : i32
        %dma_start3A_59 = tpu.memref_slice %arg11[%dma_start3A_57, %dma_start3A_58] : memref<128x128xf32, #tpu.memory_space<vmem>> -> memref<64x128xf32, #tpu.memory_space<vmem>>
        %dma_start3A_60 = arith.constant 0 : i32
        %dma_start3A_61 = tpu.memref_slice %arg8[%dma_start3A_56, %dma_start3A_60] : memref<40x128xi32, #tpu.memory_space<vmem>> -> memref<1x64xi32, #tpu.memory_space<vmem>>
        %dma_start3A_62 = tpu.memref_squeeze %dma_start3A_61 : memref<1x64xi32, #tpu.memory_space<vmem>> -> memref<64xi32, #tpu.memory_space<vmem>>
        %dma_start3A_63 = arith.constant 0 : i32
        %dma_start3A_64 = arith.constant 0 : i32
        %dma_start3A_65 = tpu.memref_slice %arg3[%dma_start3A_63, %dma_start3A_64] : memref<10000x128xf32, #tpu.memory_space<hbm>> -> memref<10000x128xf32, #tpu.memory_space<hbm>>
        tpu.enqueue_indirect_dma source(%dma_start3A_65 : memref<10000x128xf32, #tpu.memory_space<hbm>>) target(%dma_start3A_59 : memref<64x128xf32, #tpu.memory_space<vmem>>) offsets(%dma_start3A_62 : memref<64xi32, #tpu.memory_space<vmem>>) semaphore(%arg14 : memref<!tpu.dma_semaphore, #tpu.memory_space<semaphore_mem>>)
        %dma_start3A_66 = arith.constant 1 : i32
        %dma_start3A_67 = arith.constant 64 : i32
        %dma_start3A_68 = arith.constant 0 : i32
        %dma_start3A_69 = tpu.memref_slice %arg11[%dma_start3A_67, %dma_start3A_68] : memref<128x128xf32, #tpu.memory_space<vmem>> -> memref<64x128xf32, #tpu.memory_space<vmem>>
        %dma_start3A_70 = arith.constant 64 : i32
        %dma_start3A_71 = tpu.memref_slice %arg8[%dma_start3A_66, %dma_start3A_70] : memref<40x128xi32, #tpu.memory_space<vmem>> -> memref<1x64xi32, #tpu.memory_space<vmem>>
        %dma_start3A_72 = tpu.memref_squeeze %dma_start3A_71 : memref<1x64xi32, #tpu.memory_space<vmem>> -> memref<64xi32, #tpu.memory_space<vmem>>
        %dma_start3A_73 = arith.constant 0 : i32
        %dma_start3A_74 = arith.constant 0 : i32
        %dma_start3A_75 = tpu.memref_slice %arg3[%dma_start3A_73, %dma_start3A_74] : memref<10000x128xf32, #tpu.memory_space<hbm>> -> memref<10000x128xf32, #tpu.memory_space<hbm>>
        tpu.enqueue_indirect_dma source(%dma_start3A_75 : memref<10000x128xf32, #tpu.memory_space<hbm>>) target(%dma_start3A_69 : memref<64x128xf32, #tpu.memory_space<vmem>>) offsets(%dma_start3A_72 : memref<64xi32, #tpu.memory_space<vmem>>) semaphore(%arg14 : memref<!tpu.dma_semaphore, #tpu.memory_space<semaphore_mem>>)
        %dma_wait3A = arith.constant 0 : i32
        %dma_wait3A_76 = arith.constant 0 : i32
        %dma_wait3A_77 = arith.constant 0 : i32
        %dma_wait3A_78 = tpu.memref_slice %arg10[%dma_wait3A_76, %dma_wait3A_77] : memref<128x128xf32, #tpu.memory_space<vmem>> -> memref<64x128xf32, #tpu.memory_space<vmem>>
        %dma_wait3A_79 = arith.constant 0 : i32
        %dma_wait3A_80 = tpu.memref_slice %arg8[%dma_wait3A, %dma_wait3A_79] : memref<40x128xi32, #tpu.memory_space<vmem>> -> memref<1x64xi32, #tpu.memory_space<vmem>>
        %dma_wait3A_81 = tpu.memref_squeeze %dma_wait3A_80 : memref<1x64xi32, #tpu.memory_space<vmem>> -> memref<64xi32, #tpu.memory_space<vmem>>
        %dma_wait3A_82 = arith.constant 0 : i32
        %dma_wait3A_83 = arith.constant 0 : i32
        %dma_wait3A_84 = tpu.memref_slice %arg3[%dma_wait3A_82, %dma_wait3A_83] : memref<10000x128xf32, #tpu.memory_space<hbm>> -> memref<10000x128xf32, #tpu.memory_space<hbm>>
        tpu.wait_indirect_dma semaphore(%arg13 : memref<!tpu.dma_semaphore, #tpu.memory_space<semaphore_mem>>) src(%dma_wait3A_84 : memref<10000x128xf32, #tpu.memory_space<hbm>>) dst(%dma_wait3A_78 : memref<64x128xf32, #tpu.memory_space<vmem>>)
        %dma_wait3A_85 = arith.constant 0 : i32
        %dma_wait3A_86 = arith.constant 64 : i32
        %dma_wait3A_87 = arith.constant 0 : i32
        %dma_wait3A_88 = tpu.memref_slice %arg10[%dma_wait3A_86, %dma_wait3A_87] : memref<128x128xf32, #tpu.memory_space<vmem>> -> memref<64x128xf32, #tpu.memory_space<vmem>>
        %dma_wait3A_89 = arith.constant 64 : i32
        %dma_wait3A_90 = tpu.memref_slice %arg8[%dma_wait3A_85, %dma_wait3A_89] : memref<40x128xi32, #tpu.memory_space<vmem>> -> memref<1x64xi32, #tpu.memory_space<vmem>>
        %dma_wait3A_91 = tpu.memref_squeeze %dma_wait3A_90 : memref<1x64xi32, #tpu.memory_space<vmem>> -> memref<64xi32, #tpu.memory_space<vmem>>
        %dma_wait3A_92 = arith.constant 0 : i32
        %dma_wait3A_93 = arith.constant 0 : i32
        %dma_wait3A_94 = tpu.memref_slice %arg3[%dma_wait3A_92, %dma_wait3A_93] : memref<10000x128xf32, #tpu.memory_space<hbm>> -> memref<10000x128xf32, #tpu.memory_space<hbm>>
        tpu.wait_indirect_dma semaphore(%arg13 : memref<!tpu.dma_semaphore, #tpu.memory_space<semaphore_mem>>) src(%dma_wait3A_94 : memref<10000x128xf32, #tpu.memory_space<hbm>>) dst(%dma_wait3A_88 : memref<64x128xf32, #tpu.memory_space<vmem>>)
        %dma_start3A_95 = arith.constant 0 : i32
        %dma_start3A_96 = arith.constant 0 : i32
        %dma_start3A_97 = tpu.memref_slice %arg9[%dma_start3A_95, %dma_start3A_96] : memref<40x128xi32, #tpu.memory_space<vmem>> -> memref<1x128xi32, #tpu.memory_space<vmem>>
        %dma_start3A_98 = tpu.memref_squeeze %dma_start3A_97 : memref<1x128xi32, #tpu.memory_space<vmem>> -> memref<128xi32, #tpu.memory_space<vmem>>
        %dma_start3A_99 = arith.constant 0 : i32
        %dma_start3A_100 = arith.constant 0 : i32
        %dma_start3A_101 = tpu.memref_slice %arg12[%dma_start3A_99, %dma_start3A_100] : memref<10128x128xf32, #tpu.memory_space<vmem_shared>> -> memref<10128x128xf32, #tpu.memory_space<vmem_shared>>
        tpu.enqueue_indirect_dma source(%arg10 : memref<128x128xf32, #tpu.memory_space<vmem>>) target(%dma_start3A_101 : memref<10128x128xf32, #tpu.memory_space<vmem_shared>>) offsets(%dma_start3A_98 : memref<128xi32, #tpu.memory_space<vmem>>) semaphore(%arg15 : memref<!tpu.dma_semaphore, #tpu.memory_space<semaphore_mem>>) {add = true}
        %dma_wait3A_102 = arith.constant 0 : i32
        %dma_wait3A_103 = arith.constant 0 : i32
        %dma_wait3A_104 = arith.constant 0 : i32
        %dma_wait3A_105 = tpu.memref_slice %arg11[%dma_wait3A_103, %dma_wait3A_104] : memref<128x128xf32, #tpu.memory_space<vmem>> -> memref<64x128xf32, #tpu.memory_space<vmem>>
        %dma_wait3A_106 = arith.constant 0 : i32
        %dma_wait3A_107 = tpu.memref_slice %arg8[%dma_wait3A_102, %dma_wait3A_106] : memref<40x128xi32, #tpu.memory_space<vmem>> -> memref<1x64xi32, #tpu.memory_space<vmem>>
        %dma_wait3A_108 = tpu.memref_squeeze %dma_wait3A_107 : memref<1x64xi32, #tpu.memory_space<vmem>> -> memref<64xi32, #tpu.memory_space<vmem>>
        %dma_wait3A_109 = arith.constant 0 : i32
        %dma_wait3A_110 = arith.constant 0 : i32
        %dma_wait3A_111 = tpu.memref_slice %arg3[%dma_wait3A_109, %dma_wait3A_110] : memref<10000x128xf32, #tpu.memory_space<hbm>> -> memref<10000x128xf32, #tpu.memory_space<hbm>>
        tpu.wait_indirect_dma semaphore(%arg14 : memref<!tpu.dma_semaphore, #tpu.memory_space<semaphore_mem>>) src(%dma_wait3A_111 : memref<10000x128xf32, #tpu.memory_space<hbm>>) dst(%dma_wait3A_105 : memref<64x128xf32, #tpu.memory_space<vmem>>)
        %dma_wait3A_112 = arith.constant 0 : i32
        %dma_wait3A_113 = arith.constant 64 : i32
        %dma_wait3A_114 = arith.constant 0 : i32
        %dma_wait3A_115 = tpu.memref_slice %arg11[%dma_wait3A_113, %dma_wait3A_114] : memref<128x128xf32, #tpu.memory_space<vmem>> -> memref<64x128xf32, #tpu.memory_space<vmem>>
        %dma_wait3A_116 = arith.constant 64 : i32
        %dma_wait3A_117 = tpu.memref_slice %arg8[%dma_wait3A_112, %dma_wait3A_116] : memref<40x128xi32, #tpu.memory_space<vmem>> -> memref<1x64xi32, #tpu.memory_space<vmem>>
        %dma_wait3A_118 = tpu.memref_squeeze %dma_wait3A_117 : memref<1x64xi32, #tpu.memory_space<vmem>> -> memref<64xi32, #tpu.memory_space<vmem>>
        %dma_wait3A_119 = arith.constant 0 : i32
        %dma_wait3A_120 = arith.constant 0 : i32
        %dma_wait3A_121 = tpu.memref_slice %arg3[%dma_wait3A_119, %dma_wait3A_120] : memref<10000x128xf32, #tpu.memory_space<hbm>> -> memref<10000x128xf32, #tpu.memory_space<hbm>>
        tpu.wait_indirect_dma semaphore(%arg14 : memref<!tpu.dma_semaphore, #tpu.memory_space<semaphore_mem>>) src(%dma_wait3A_121 : memref<10000x128xf32, #tpu.memory_space<hbm>>) dst(%dma_wait3A_115 : memref<64x128xf32, #tpu.memory_space<vmem>>)
        %dma_start3A_122 = arith.constant 1 : i32
        %dma_start3A_123 = arith.constant 0 : i32
        %dma_start3A_124 = tpu.memref_slice %arg9[%dma_start3A_122, %dma_start3A_123] : memref<40x128xi32, #tpu.memory_space<vmem>> -> memref<1x128xi32, #tpu.memory_space<vmem>>
        %dma_start3A_125 = tpu.memref_squeeze %dma_start3A_124 : memref<1x128xi32, #tpu.memory_space<vmem>> -> memref<128xi32, #tpu.memory_space<vmem>>
        %dma_start3A_126 = arith.constant 0 : i32
        %dma_start3A_127 = arith.constant 0 : i32
        %dma_start3A_128 = tpu.memref_slice %arg12[%dma_start3A_126, %dma_start3A_127] : memref<10128x128xf32, #tpu.memory_space<vmem_shared>> -> memref<10128x128xf32, #tpu.memory_space<vmem_shared>>
        tpu.enqueue_indirect_dma source(%arg11 : memref<128x128xf32, #tpu.memory_space<vmem>>) target(%dma_start3A_128 : memref<10128x128xf32, #tpu.memory_space<vmem_shared>>) offsets(%dma_start3A_125 : memref<128xi32, #tpu.memory_space<vmem>>) semaphore(%arg16 : memref<!tpu.dma_semaphore, #tpu.memory_space<semaphore_mem>>) {add = true}
        %scan3A_129 = arith.constant 0 : i32
        %scan3A_130 = arith.constant 1 : i32
        %scan3A_131 = arith.constant 19 : i32
        %scan3A_132 = arith.addi %scan3A_130, %scan3A_131 : i32
        %scan3A_133 = arith.constant 1 : i32
        scf.for %scan3A_149 = %scan3A_130 to %scan3A_132 step %scan3A_133  : i32 {
          %mul3A_150 = arith.constant 2 : i32
          %mul3A_151 = arith.muli %scan3A_149, %mul3A_150 : i32
          %dma_wait3A_152 = arith.constant 0 : i32
          %dma_wait3A_153 = arith.constant 0 : i32
          %dma_wait3A_154 = tpu.memref_slice %arg9[%dma_wait3A_152, %dma_wait3A_153] : memref<40x128xi32, #tpu.memory_space<vmem>> -> memref<1x128xi32, #tpu.memory_space<vmem>>
          %dma_wait3A_155 = tpu.memref_squeeze %dma_wait3A_154 : memref<1x128xi32, #tpu.memory_space<vmem>> -> memref<128xi32, #tpu.memory_space<vmem>>
          %dma_wait3A_156 = arith.constant 0 : i32
          %dma_wait3A_157 = arith.constant 0 : i32
          %dma_wait3A_158 = tpu.memref_slice %arg12[%dma_wait3A_156, %dma_wait3A_157] : memref<10128x128xf32, #tpu.memory_space<vmem_shared>> -> memref<10128x128xf32, #tpu.memory_space<vmem_shared>>
          tpu.wait_indirect_dma semaphore(%arg15 : memref<!tpu.dma_semaphore, #tpu.memory_space<semaphore_mem>>) src(%arg10 : memref<128x128xf32, #tpu.memory_space<vmem>>) dst(%dma_wait3A_158 : memref<10128x128xf32, #tpu.memory_space<vmem_shared>>)
          %dma_start3A_159 = arith.constant 0 : i32
          %dma_start3A_160 = arith.constant 0 : i32
          %dma_start3A_161 = tpu.memref_slice %arg10[%dma_start3A_159, %dma_start3A_160] : memref<128x128xf32, #tpu.memory_space<vmem>> -> memref<64x128xf32, #tpu.memory_space<vmem>>
          %dma_start3A_162 = arith.constant 0 : i32
          %dma_start3A_163 = tpu.memref_slice %arg8[%mul3A_151, %dma_start3A_162] : memref<40x128xi32, #tpu.memory_space<vmem>> -> memref<1x64xi32, #tpu.memory_space<vmem>>
          %dma_start3A_164 = tpu.memref_squeeze %dma_start3A_163 : memref<1x64xi32, #tpu.memory_space<vmem>> -> memref<64xi32, #tpu.memory_space<vmem>>
          %dma_start3A_165 = arith.constant 0 : i32
          %dma_start3A_166 = arith.constant 0 : i32
          %dma_start3A_167 = tpu.memref_slice %arg3[%dma_start3A_165, %dma_start3A_166] : memref<10000x128xf32, #tpu.memory_space<hbm>> -> memref<10000x128xf32, #tpu.memory_space<hbm>>
          tpu.enqueue_indirect_dma source(%dma_start3A_167 : memref<10000x128xf32, #tpu.memory_space<hbm>>) target(%dma_start3A_161 : memref<64x128xf32, #tpu.memory_space<vmem>>) offsets(%dma_start3A_164 : memref<64xi32, #tpu.memory_space<vmem>>) semaphore(%arg13 : memref<!tpu.dma_semaphore, #tpu.memory_space<semaphore_mem>>)
          %dma_start3A_168 = arith.constant 64 : i32
          %dma_start3A_169 = arith.constant 0 : i32
          %dma_start3A_170 = tpu.memref_slice %arg10[%dma_start3A_168, %dma_start3A_169] : memref<128x128xf32, #tpu.memory_space<vmem>> -> memref<64x128xf32, #tpu.memory_space<vmem>>
          %dma_start3A_171 = arith.constant 64 : i32
          %dma_start3A_172 = tpu.memref_slice %arg8[%mul3A_151, %dma_start3A_171] : memref<40x128xi32, #tpu.memory_space<vmem>> -> memref<1x64xi32, #tpu.memory_space<vmem>>
          %dma_start3A_173 = tpu.memref_squeeze %dma_start3A_172 : memref<1x64xi32, #tpu.memory_space<vmem>> -> memref<64xi32, #tpu.memory_space<vmem>>
          %dma_start3A_174 = arith.constant 0 : i32
          %dma_start3A_175 = arith.constant 0 : i32
          %dma_start3A_176 = tpu.memref_slice %arg3[%dma_start3A_174, %dma_start3A_175] : memref<10000x128xf32, #tpu.memory_space<hbm>> -> memref<10000x128xf32, #tpu.memory_space<hbm>>
          tpu.enqueue_indirect_dma source(%dma_start3A_176 : memref<10000x128xf32, #tpu.memory_space<hbm>>) target(%dma_start3A_170 : memref<64x128xf32, #tpu.memory_space<vmem>>) offsets(%dma_start3A_173 : memref<64xi32, #tpu.memory_space<vmem>>) semaphore(%arg13 : memref<!tpu.dma_semaphore, #tpu.memory_space<semaphore_mem>>)
          %dma_wait3A_177 = arith.constant 0 : i32
          %dma_wait3A_178 = arith.constant 0 : i32
          %dma_wait3A_179 = tpu.memref_slice %arg9[%dma_wait3A_177, %dma_wait3A_178] : memref<40x128xi32, #tpu.memory_space<vmem>> -> memref<1x128xi32, #tpu.memory_space<vmem>>
          %dma_wait3A_180 = tpu.memref_squeeze %dma_wait3A_179 : memref<1x128xi32, #tpu.memory_space<vmem>> -> memref<128xi32, #tpu.memory_space<vmem>>
          %dma_wait3A_181 = arith.constant 0 : i32
          %dma_wait3A_182 = arith.constant 0 : i32
          %dma_wait3A_183 = tpu.memref_slice %arg12[%dma_wait3A_181, %dma_wait3A_182] : memref<10128x128xf32, #tpu.memory_space<vmem_shared>> -> memref<10128x128xf32, #tpu.memory_space<vmem_shared>>
          tpu.wait_indirect_dma semaphore(%arg16 : memref<!tpu.dma_semaphore, #tpu.memory_space<semaphore_mem>>) src(%arg11 : memref<128x128xf32, #tpu.memory_space<vmem>>) dst(%dma_wait3A_183 : memref<10128x128xf32, #tpu.memory_space<vmem_shared>>)
          %add3A_184 = arith.constant 1 : i32
          %add3A_185 = arith.addi %mul3A_151, %add3A_184 : i32
          %dma_start3A_186 = arith.constant 0 : i32
          %dma_start3A_187 = arith.constant 0 : i32
          %dma_start3A_188 = tpu.memref_slice %arg11[%dma_start3A_186, %dma_start3A_187] : memref<128x128xf32, #tpu.memory_space<vmem>> -> memref<64x128xf32, #tpu.memory_space<vmem>>
          %dma_start3A_189 = arith.constant 0 : i32
          %dma_start3A_190 = tpu.memref_slice %arg8[%add3A_185, %dma_start3A_189] : memref<40x128xi32, #tpu.memory_space<vmem>> -> memref<1x64xi32, #tpu.memory_space<vmem>>
          %dma_start3A_191 = tpu.memref_squeeze %dma_start3A_190 : memref<1x64xi32, #tpu.memory_space<vmem>> -> memref<64xi32, #tpu.memory_space<vmem>>
          %dma_start3A_192 = arith.constant 0 : i32
          %dma_start3A_193 = arith.constant 0 : i32
          %dma_start3A_194 = tpu.memref_slice %arg3[%dma_start3A_192, %dma_start3A_193] : memref<10000x128xf32, #tpu.memory_space<hbm>> -> memref<10000x128xf32, #tpu.memory_space<hbm>>
          tpu.enqueue_indirect_dma source(%dma_start3A_194 : memref<10000x128xf32, #tpu.memory_space<hbm>>) target(%dma_start3A_188 : memref<64x128xf32, #tpu.memory_space<vmem>>) offsets(%dma_start3A_191 : memref<64xi32, #tpu.memory_space<vmem>>) semaphore(%arg14 : memref<!tpu.dma_semaphore, #tpu.memory_space<semaphore_mem>>)
          %dma_start3A_195 = arith.constant 64 : i32
          %dma_start3A_196 = arith.constant 0 : i32
          %dma_start3A_197 = tpu.memref_slice %arg11[%dma_start3A_195, %dma_start3A_196] : memref<128x128xf32, #tpu.memory_space<vmem>> -> memref<64x128xf32, #tpu.memory_space<vmem>>
          %dma_start3A_198 = arith.constant 64 : i32
          %dma_start3A_199 = tpu.memref_slice %arg8[%add3A_185, %dma_start3A_198] : memref<40x128xi32, #tpu.memory_space<vmem>> -> memref<1x64xi32, #tpu.memory_space<vmem>>
          %dma_start3A_200 = tpu.memref_squeeze %dma_start3A_199 : memref<1x64xi32, #tpu.memory_space<vmem>> -> memref<64xi32, #tpu.memory_space<vmem>>
          %dma_start3A_201 = arith.constant 0 : i32
          %dma_start3A_202 = arith.constant 0 : i32
          %dma_start3A_203 = tpu.memref_slice %arg3[%dma_start3A_201, %dma_start3A_202] : memref<10000x128xf32, #tpu.memory_space<hbm>> -> memref<10000x128xf32, #tpu.memory_space<hbm>>
          tpu.enqueue_indirect_dma source(%dma_start3A_203 : memref<10000x128xf32, #tpu.memory_space<hbm>>) target(%dma_start3A_197 : memref<64x128xf32, #tpu.memory_space<vmem>>) offsets(%dma_start3A_200 : memref<64xi32, #tpu.memory_space<vmem>>) semaphore(%arg14 : memref<!tpu.dma_semaphore, #tpu.memory_space<semaphore_mem>>)
          %dma_wait3A_204 = arith.constant 0 : i32
          %dma_wait3A_205 = arith.constant 0 : i32
          %dma_wait3A_206 = arith.constant 0 : i32
          %dma_wait3A_207 = tpu.memref_slice %arg10[%dma_wait3A_205, %dma_wait3A_206] : memref<128x128xf32, #tpu.memory_space<vmem>> -> memref<64x128xf32, #tpu.memory_space<vmem>>
          %dma_wait3A_208 = arith.constant 0 : i32
          %dma_wait3A_209 = tpu.memref_slice %arg8[%dma_wait3A_204, %dma_wait3A_208] : memref<40x128xi32, #tpu.memory_space<vmem>> -> memref<1x64xi32, #tpu.memory_space<vmem>>
          %dma_wait3A_210 = tpu.memref_squeeze %dma_wait3A_209 : memref<1x64xi32, #tpu.memory_space<vmem>> -> memref<64xi32, #tpu.memory_space<vmem>>
          %dma_wait3A_211 = arith.constant 0 : i32
          %dma_wait3A_212 = arith.constant 0 : i32
          %dma_wait3A_213 = tpu.memref_slice %arg3[%dma_wait3A_211, %dma_wait3A_212] : memref<10000x128xf32, #tpu.memory_space<hbm>> -> memref<10000x128xf32, #tpu.memory_space<hbm>>
          tpu.wait_indirect_dma semaphore(%arg13 : memref<!tpu.dma_semaphore, #tpu.memory_space<semaphore_mem>>) src(%dma_wait3A_213 : memref<10000x128xf32, #tpu.memory_space<hbm>>) dst(%dma_wait3A_207 : memref<64x128xf32, #tpu.memory_space<vmem>>)
          %dma_wait3A_214 = arith.constant 0 : i32
          %dma_wait3A_215 = arith.constant 64 : i32
          %dma_wait3A_216 = arith.constant 0 : i32
          %dma_wait3A_217 = tpu.memref_slice %arg10[%dma_wait3A_215, %dma_wait3A_216] : memref<128x128xf32, #tpu.memory_space<vmem>> -> memref<64x128xf32, #tpu.memory_space<vmem>>
          %dma_wait3A_218 = arith.constant 64 : i32
          %dma_wait3A_219 = tpu.memref_slice %arg8[%dma_wait3A_214, %dma_wait3A_218] : memref<40x128xi32, #tpu.memory_space<vmem>> -> memref<1x64xi32, #tpu.memory_space<vmem>>
          %dma_wait3A_220 = tpu.memref_squeeze %dma_wait3A_219 : memref<1x64xi32, #tpu.memory_space<vmem>> -> memref<64xi32, #tpu.memory_space<vmem>>
          %dma_wait3A_221 = arith.constant 0 : i32
          %dma_wait3A_222 = arith.constant 0 : i32
          %dma_wait3A_223 = tpu.memref_slice %arg3[%dma_wait3A_221, %dma_wait3A_222] : memref<10000x128xf32, #tpu.memory_space<hbm>> -> memref<10000x128xf32, #tpu.memory_space<hbm>>
          tpu.wait_indirect_dma semaphore(%arg13 : memref<!tpu.dma_semaphore, #tpu.memory_space<semaphore_mem>>) src(%dma_wait3A_223 : memref<10000x128xf32, #tpu.memory_space<hbm>>) dst(%dma_wait3A_217 : memref<64x128xf32, #tpu.memory_space<vmem>>)
          %dma_start3A_224 = arith.constant 0 : i32
          %dma_start3A_225 = tpu.memref_slice %arg9[%mul3A_151, %dma_start3A_224] : memref<40x128xi32, #tpu.memory_space<vmem>> -> memref<1x128xi32, #tpu.memory_space<vmem>>
          %dma_start3A_226 = tpu.memref_squeeze %dma_start3A_225 : memref<1x128xi32, #tpu.memory_space<vmem>> -> memref<128xi32, #tpu.memory_space<vmem>>
          %dma_start3A_227 = arith.constant 0 : i32
          %dma_start3A_228 = arith.constant 0 : i32
          %dma_start3A_229 = tpu.memref_slice %arg12[%dma_start3A_227, %dma_start3A_228] : memref<10128x128xf32, #tpu.memory_space<vmem_shared>> -> memref<10128x128xf32, #tpu.memory_space<vmem_shared>>
          tpu.enqueue_indirect_dma source(%arg10 : memref<128x128xf32, #tpu.memory_space<vmem>>) target(%dma_start3A_229 : memref<10128x128xf32, #tpu.memory_space<vmem_shared>>) offsets(%dma_start3A_226 : memref<128xi32, #tpu.memory_space<vmem>>) semaphore(%arg15 : memref<!tpu.dma_semaphore, #tpu.memory_space<semaphore_mem>>) {add = true}
          %dma_wait3A_230 = arith.constant 0 : i32
          %dma_wait3A_231 = arith.constant 0 : i32
          %dma_wait3A_232 = arith.constant 0 : i32
          %dma_wait3A_233 = tpu.memref_slice %arg11[%dma_wait3A_231, %dma_wait3A_232] : memref<128x128xf32, #tpu.memory_space<vmem>> -> memref<64x128xf32, #tpu.memory_space<vmem>>
          %dma_wait3A_234 = arith.constant 0 : i32
          %dma_wait3A_235 = tpu.memref_slice %arg8[%dma_wait3A_230, %dma_wait3A_234] : memref<40x128xi32, #tpu.memory_space<vmem>> -> memref<1x64xi32, #tpu.memory_space<vmem>>
          %dma_wait3A_236 = tpu.memref_squeeze %dma_wait3A_235 : memref<1x64xi32, #tpu.memory_space<vmem>> -> memref<64xi32, #tpu.memory_space<vmem>>
          %dma_wait3A_237 = arith.constant 0 : i32
          %dma_wait3A_238 = arith.constant 0 : i32
          %dma_wait3A_239 = tpu.memref_slice %arg3[%dma_wait3A_237, %dma_wait3A_238] : memref<10000x128xf32, #tpu.memory_space<hbm>> -> memref<10000x128xf32, #tpu.memory_space<hbm>>
          tpu.wait_indirect_dma semaphore(%arg14 : memref<!tpu.dma_semaphore, #tpu.memory_space<semaphore_mem>>) src(%dma_wait3A_239 : memref<10000x128xf32, #tpu.memory_space<hbm>>) dst(%dma_wait3A_233 : memref<64x128xf32, #tpu.memory_space<vmem>>)
          %dma_wait3A_240 = arith.constant 0 : i32
          %dma_wait3A_241 = arith.constant 64 : i32
          %dma_wait3A_242 = arith.constant 0 : i32
          %dma_wait3A_243 = tpu.memref_slice %arg11[%dma_wait3A_241, %dma_wait3A_242] : memref<128x128xf32, #tpu.memory_space<vmem>> -> memref<64x128xf32, #tpu.memory_space<vmem>>
          %dma_wait3A_244 = arith.constant 64 : i32
          %dma_wait3A_245 = tpu.memref_slice %arg8[%dma_wait3A_240, %dma_wait3A_244] : memref<40x128xi32, #tpu.memory_space<vmem>> -> memref<1x64xi32, #tpu.memory_space<vmem>>
          %dma_wait3A_246 = tpu.memref_squeeze %dma_wait3A_245 : memref<1x64xi32, #tpu.memory_space<vmem>> -> memref<64xi32, #tpu.memory_space<vmem>>
          %dma_wait3A_247 = arith.constant 0 : i32
          %dma_wait3A_248 = arith.constant 0 : i32
          %dma_wait3A_249 = tpu.memref_slice %arg3[%dma_wait3A_247, %dma_wait3A_248] : memref<10000x128xf32, #tpu.memory_space<hbm>> -> memref<10000x128xf32, #tpu.memory_space<hbm>>
          tpu.wait_indirect_dma semaphore(%arg14 : memref<!tpu.dma_semaphore, #tpu.memory_space<semaphore_mem>>) src(%dma_wait3A_249 : memref<10000x128xf32, #tpu.memory_space<hbm>>) dst(%dma_wait3A_243 : memref<64x128xf32, #tpu.memory_space<vmem>>)
          %add3A_250 = arith.constant 1 : i32
          %add3A_251 = arith.addi %mul3A_151, %add3A_250 : i32
          %dma_start3A_252 = arith.constant 0 : i32
          %dma_start3A_253 = tpu.memref_slice %arg9[%add3A_251, %dma_start3A_252] : memref<40x128xi32, #tpu.memory_space<vmem>> -> memref<1x128xi32, #tpu.memory_space<vmem>>
          %dma_start3A_254 = tpu.memref_squeeze %dma_start3A_253 : memref<1x128xi32, #tpu.memory_space<vmem>> -> memref<128xi32, #tpu.memory_space<vmem>>
          %dma_start3A_255 = arith.constant 0 : i32
          %dma_start3A_256 = arith.constant 0 : i32
          %dma_start3A_257 = tpu.memref_slice %arg12[%dma_start3A_255, %dma_start3A_256] : memref<10128x128xf32, #tpu.memory_space<vmem_shared>> -> memref<10128x128xf32, #tpu.memory_space<vmem_shared>>
          tpu.enqueue_indirect_dma source(%arg11 : memref<128x128xf32, #tpu.memory_space<vmem>>) target(%dma_start3A_257 : memref<10128x128xf32, #tpu.memory_space<vmem_shared>>) offsets(%dma_start3A_254 : memref<128xi32, #tpu.memory_space<vmem>>) semaphore(%arg16 : memref<!tpu.dma_semaphore, #tpu.memory_space<semaphore_mem>>) {add = true}
        }
        %scan3A_134 = arith.constant 19 : i32
        %dma_wait3A_135 = arith.constant 0 : i32
        %dma_wait3A_136 = arith.constant 0 : i32
        %dma_wait3A_137 = tpu.memref_slice %arg9[%dma_wait3A_135, %dma_wait3A_136] : memref<40x128xi32, #tpu.memory_space<vmem>> -> memref<1x128xi32, #tpu.memory_space<vmem>>
        %dma_wait3A_138 = tpu.memref_squeeze %dma_wait3A_137 : memref<1x128xi32, #tpu.memory_space<vmem>> -> memref<128xi32, #tpu.memory_space<vmem>>
        %dma_wait3A_139 = arith.constant 0 : i32
        %dma_wait3A_140 = arith.constant 0 : i32
        %dma_wait3A_141 = tpu.memref_slice %arg12[%dma_wait3A_139, %dma_wait3A_140] : memref<10128x128xf32, #tpu.memory_space<vmem_shared>> -> memref<10128x128xf32, #tpu.memory_space<vmem_shared>>
        tpu.wait_indirect_dma semaphore(%arg15 : memref<!tpu.dma_semaphore, #tpu.memory_space<semaphore_mem>>) src(%arg10 : memref<128x128xf32, #tpu.memory_space<vmem>>) dst(%dma_wait3A_141 : memref<10128x128xf32, #tpu.memory_space<vmem_shared>>)
        %dma_wait3A_142 = arith.constant 0 : i32
        %dma_wait3A_143 = arith.constant 0 : i32
        %dma_wait3A_144 = tpu.memref_slice %arg9[%dma_wait3A_142, %dma_wait3A_143] : memref<40x128xi32, #tpu.memory_space<vmem>> -> memref<1x128xi32, #tpu.memory_space<vmem>>
        %dma_wait3A_145 = tpu.memref_squeeze %dma_wait3A_144 : memref<1x128xi32, #tpu.memory_space<vmem>> -> memref<128xi32, #tpu.memory_space<vmem>>
        %dma_wait3A_146 = arith.constant 0 : i32
        %dma_wait3A_147 = arith.constant 0 : i32
        %dma_wait3A_148 = tpu.memref_slice %arg12[%dma_wait3A_146, %dma_wait3A_147] : memref<10128x128xf32, #tpu.memory_space<vmem_shared>> -> memref<10128x128xf32, #tpu.memory_space<vmem_shared>>
        tpu.wait_indirect_dma semaphore(%arg16 : memref<!tpu.dma_semaphore, #tpu.memory_space<semaphore_mem>>) src(%arg11 : memref<128x128xf32, #tpu.memory_space<vmem>>) dst(%dma_wait3A_148 : memref<10128x128xf32, #tpu.memory_space<vmem_shared>>)
      }
      %scan3A_31 = arith.constant 4 : i32
    } else {
    }
    %barrier3A_13 = arith.constant 0 : index
    tpu.barrier barrier_id(%barrier3A_13)
    %mul3A_14 = arith.constant 10000 : i32
    %mul3A_15 = arith.muli %arg0, %mul3A_14 : i32
    %multiple_of3A_16 = tpu.assume_multiple %mul3A_15, 8 : i32
    %mul3A_17 = arith.constant 624 : i32
    %mul3A_18 = arith.muli %arg1, %mul3A_17 : i32
    %multiple_of3A_19 = tpu.assume_multiple %mul3A_18, 8 : i32
    %add3A = arith.addi %multiple_of3A_16, %multiple_of3A_19 : i32
    "tpu.region"() ({
      %run_scoped3A = tpu.sem_alloc : memref<!tpu.dma_semaphore, #tpu.memory_space<semaphore_mem>>
      %dma_start3A = arith.constant 0 : i32
      %dma_start3A_25 = tpu.memref_slice %arg7[%add3A, %dma_start3A] : memref<20000x128xf32, #tpu.memory_space<hbm>> -> memref<624x128xf32, #tpu.memory_space<hbm>>
      %dma_start3A_26 = arith.constant 0 : i32
      %dma_start3A_27 = tpu.memref_slice %arg12[%multiple_of3A_19, %dma_start3A_26] : memref<10128x128xf32, #tpu.memory_space<vmem_shared>> -> memref<624x128xf32, #tpu.memory_space<vmem_shared>>
      tpu.enqueue_dma source(%dma_start3A_27 : memref<624x128xf32, #tpu.memory_space<vmem_shared>>) target(%dma_start3A_25 : memref<624x128xf32, #tpu.memory_space<hbm>>) target_semaphore(%run_scoped3A : memref<!tpu.dma_semaphore, #tpu.memory_space<semaphore_mem>>)
      %dma_wait3A = arith.constant 0 : i32
      %dma_wait3A_28 = tpu.memref_slice %arg7[%add3A, %dma_wait3A] : memref<20000x128xf32, #tpu.memory_space<hbm>> -> memref<624x128xf32, #tpu.memory_space<hbm>>
      %dma_wait3A_29 = arith.constant 0 : i32
      %dma_wait3A_30 = tpu.memref_slice %arg12[%multiple_of3A_19, %dma_wait3A_29] : memref<10128x128xf32, #tpu.memory_space<vmem_shared>> -> memref<624x128xf32, #tpu.memory_space<vmem_shared>>
      tpu.wait_dma2 semaphore(%run_scoped3A : memref<!tpu.dma_semaphore, #tpu.memory_space<semaphore_mem>>) src(%dma_wait3A_30 : memref<624x128xf32, #tpu.memory_space<vmem_shared>>) dst(%dma_wait3A_28 : memref<624x128xf32, #tpu.memory_space<hbm>>)
      tpu.yield
    }) : () -> ()
    %eq3A_20 = arith.constant 15 : i32
    %eq3A_21 = arith.cmpi eq, %arg1, %eq3A_20 : i32
    %convert_element_type3A_22 = arith.extui %eq3A_21 : i1 to i32
    %cond3A_23 = arith.constant 0 : i32
    %cond3A_24 = arith.cmpi ne, %convert_element_type3A_22, %cond3A_23 : i32
    scf.if %cond3A_24 {
      %add3A_25 = arith.constant 9984 : i32
      %add3A_26 = arith.addi %multiple_of3A_16, %add3A_25 : i32
      "tpu.region"() ({
        %run_scoped3A = tpu.sem_alloc : memref<!tpu.dma_semaphore, #tpu.memory_space<semaphore_mem>>
        %dma_start3A = arith.constant 0 : i32
        %dma_start3A_27 = tpu.memref_slice %arg7[%add3A_26, %dma_start3A] : memref<20000x128xf32, #tpu.memory_space<hbm>> -> memref<16x128xf32, #tpu.memory_space<hbm>>
        %dma_start3A_28 = arith.constant 9984 : i32
        %dma_start3A_29 = arith.constant 0 : i32
        %dma_start3A_30 = tpu.memref_slice %arg12[%dma_start3A_28, %dma_start3A_29] : memref<10128x128xf32, #tpu.memory_space<vmem_shared>> -> memref<16x128xf32, #tpu.memory_space<vmem_shared>>
        tpu.enqueue_dma source(%dma_start3A_30 : memref<16x128xf32, #tpu.memory_space<vmem_shared>>) target(%dma_start3A_27 : memref<16x128xf32, #tpu.memory_space<hbm>>) target_semaphore(%run_scoped3A : memref<!tpu.dma_semaphore, #tpu.memory_space<semaphore_mem>>)
        %dma_wait3A = arith.constant 0 : i32
        %dma_wait3A_31 = tpu.memref_slice %arg7[%add3A_26, %dma_wait3A] : memref<20000x128xf32, #tpu.memory_space<hbm>> -> memref<16x128xf32, #tpu.memory_space<hbm>>
        %dma_wait3A_32 = arith.constant 9984 : i32
        %dma_wait3A_33 = arith.constant 0 : i32
        %dma_wait3A_34 = tpu.memref_slice %arg12[%dma_wait3A_32, %dma_wait3A_33] : memref<10128x128xf32, #tpu.memory_space<vmem_shared>> -> memref<16x128xf32, #tpu.memory_space<vmem_shared>>
        tpu.wait_dma2 semaphore(%run_scoped3A : memref<!tpu.dma_semaphore, #tpu.memory_space<semaphore_mem>>) src(%dma_wait3A_34 : memref<16x128xf32, #tpu.memory_space<vmem_shared>>) dst(%dma_wait3A_31 : memref<16x128xf32, #tpu.memory_space<hbm>>)
        tpu.yield
      }) : () -> ()
    } else {
    }
    return
  }
}

#map = affine_map<(d0, d1) -> (0, 0)>
module attributes {stable_mosaic.version = 14 : i64} {
  func.func @prop(%arg0: i32, %arg1: i32, %arg2: memref<10000x128xf32, #tpu.memory_space<hbm>>, %arg3: memref<2560x128xi32, #tpu.memory_space<hbm>>, %arg4: memref<2560x128xi32, #tpu.memory_space<hbm>>, %arg5: memref<10000x128xf32, #tpu.memory_space<hbm>>, %arg6: memref<20000x128xf32, #tpu.memory_space<hbm>>, %arg7: memref<40x128xi32, #tpu.memory_space<vmem>>, %arg8: memref<40x128xi32, #tpu.memory_space<vmem>>, %arg9: memref<128x128xf32, #tpu.memory_space<vmem>>, %arg10: memref<128x128xf32, #tpu.memory_space<vmem>>, %arg11: memref<10128x128xf32, #tpu.memory_space<vmem_shared>>, %arg12: memref<!tpu.dma_semaphore, #tpu.memory_space<semaphore_mem>>, %arg13: memref<!tpu.dma_semaphore, #tpu.memory_space<semaphore_mem>>, %arg14: memref<!tpu.dma_semaphore, #tpu.memory_space<semaphore_mem>>, %arg15: memref<!tpu.dma_semaphore, #tpu.memory_space<semaphore_mem>>) attributes {dimension_semantics = [#tpu.dimension_semantics<core_parallel>, #tpu.dimension_semantics<subcore_parallel>], iteration_bounds = array<i64: 2, 16>, scalar_prefetch = 0 : i64, scratch_operands = 9 : i64, tpu.core_type = #tpu.core_type<sc_vector_subcore>, window_params = [{transform_indices = #map}, {transform_indices = #map}, {transform_indices = #map}, {transform_indices = #map}, {transform_indices = #map}]} {
    %mul3A = arith.constant 624 : i32
    %mul3A_0 = arith.muli %arg1, %mul3A : i32
    %multiple_of3A = tpu.assume_multiple %mul3A_0, 8 : i32
    "tpu.region"() ({
      %run_scoped3A = tpu.sem_alloc : memref<!tpu.dma_semaphore, #tpu.memory_space<semaphore_mem>>
      %dma_start3A = arith.constant 0 : i32
      %dma_start3A_25 = tpu.memref_slice %arg11[%multiple_of3A, %dma_start3A] : memref<10128x128xf32, #tpu.memory_space<vmem_shared>> -> memref<624x128xf32, #tpu.memory_space<vmem_shared>>
      %dma_start3A_26 = arith.constant 0 : i32
      %dma_start3A_27 = tpu.memref_slice %arg5[%multiple_of3A, %dma_start3A_26] : memref<10000x128xf32, #tpu.memory_space<hbm>> -> memref<624x128xf32, #tpu.memory_space<hbm>>
      tpu.enqueue_dma source(%dma_start3A_27 : memref<624x128xf32, #tpu.memory_space<hbm>>) target(%dma_start3A_25 : memref<624x128xf32, #tpu.memory_space<vmem_shared>>) target_semaphore(%run_scoped3A : memref<!tpu.dma_semaphore, #tpu.memory_space<semaphore_mem>>)
      %dma_wait3A = arith.constant 0 : i32
      %dma_wait3A_28 = tpu.memref_slice %arg11[%multiple_of3A, %dma_wait3A] : memref<10128x128xf32, #tpu.memory_space<vmem_shared>> -> memref<624x128xf32, #tpu.memory_space<vmem_shared>>
      %dma_wait3A_29 = arith.constant 0 : i32
      %dma_wait3A_30 = tpu.memref_slice %arg5[%multiple_of3A, %dma_wait3A_29] : memref<10000x128xf32, #tpu.memory_space<hbm>> -> memref<624x128xf32, #tpu.memory_space<hbm>>
      tpu.wait_dma2 semaphore(%run_scoped3A : memref<!tpu.dma_semaphore, #tpu.memory_space<semaphore_mem>>) src(%dma_wait3A_30 : memref<624x128xf32, #tpu.memory_space<hbm>>) dst(%dma_wait3A_28 : memref<624x128xf32, #tpu.memory_space<vmem_shared>>)
      tpu.yield
    }) : () -> ()
    %eq3A = arith.constant 15 : i32
    %eq3A_1 = arith.cmpi eq, %arg1, %eq3A : i32
    %convert_element_type3A = arith.extui %eq3A_1 : i1 to i32
    %cond3A = arith.constant 0 : i32
    %cond3A_2 = arith.cmpi ne, %convert_element_type3A, %cond3A : i32
    scf.if %cond3A_2 {
      "tpu.region"() ({
        %run_scoped3A = tpu.sem_alloc : memref<!tpu.dma_semaphore, #tpu.memory_space<semaphore_mem>>
        %dma_start3A = arith.constant 9984 : i32
        %dma_start3A_25 = arith.constant 0 : i32
        %dma_start3A_26 = tpu.memref_slice %arg11[%dma_start3A, %dma_start3A_25] : memref<10128x128xf32, #tpu.memory_space<vmem_shared>> -> memref<16x128xf32, #tpu.memory_space<vmem_shared>>
        %dma_start3A_27 = arith.constant 9984 : i32
        %dma_start3A_28 = arith.constant 0 : i32
        %dma_start3A_29 = tpu.memref_slice %arg5[%dma_start3A_27, %dma_start3A_28] : memref<10000x128xf32, #tpu.memory_space<hbm>> -> memref<16x128xf32, #tpu.memory_space<hbm>>
        tpu.enqueue_dma source(%dma_start3A_29 : memref<16x128xf32, #tpu.memory_space<hbm>>) target(%dma_start3A_26 : memref<16x128xf32, #tpu.memory_space<vmem_shared>>) target_semaphore(%run_scoped3A : memref<!tpu.dma_semaphore, #tpu.memory_space<semaphore_mem>>)
        %dma_wait3A = arith.constant 9984 : i32
        %dma_wait3A_30 = arith.constant 0 : i32
        %dma_wait3A_31 = tpu.memref_slice %arg11[%dma_wait3A, %dma_wait3A_30] : memref<10128x128xf32, #tpu.memory_space<vmem_shared>> -> memref<16x128xf32, #tpu.memory_space<vmem_shared>>
        %dma_wait3A_32 = arith.constant 9984 : i32
        %dma_wait3A_33 = arith.constant 0 : i32
        %dma_wait3A_34 = tpu.memref_slice %arg5[%dma_wait3A_32, %dma_wait3A_33] : memref<10000x128xf32, #tpu.memory_space<hbm>> -> memref<16x128xf32, #tpu.memory_space<hbm>>
        tpu.wait_dma2 semaphore(%run_scoped3A : memref<!tpu.dma_semaphore, #tpu.memory_space<semaphore_mem>>) src(%dma_wait3A_34 : memref<16x128xf32, #tpu.memory_space<hbm>>) dst(%dma_wait3A_31 : memref<16x128xf32, #tpu.memory_space<vmem_shared>>)
        tpu.yield
      }) : () -> ()
    } else {
    }
    %barrier3A = arith.constant 0 : index
    tpu.barrier barrier_id(%barrier3A)
    %mul3A_3 = arith.constant 16 : i32
    %mul3A_4 = arith.muli %arg0, %mul3A_3 : i32
    %add3A = arith.addi %mul3A_4, %arg1 : i32
    %mul3A_5 = arith.constant 80 : i32
    %mul3A_6 = arith.muli %add3A, %mul3A_5 : i32
    %scan3A = arith.constant 0 : i32
    %scan3A_7 = arith.constant 0 : i32
    %scan3A_8 = arith.constant 2 : i32
    %scan3A_9 = arith.addi %scan3A_7, %scan3A_8 : i32
    %scan3A_10 = arith.constant 1 : i32
    scf.for %scan3A_25 = %scan3A_7 to %scan3A_9 step %scan3A_10  : i32 {
      %mul3A_26 = arith.constant 40 : i32
      %mul3A_27 = arith.muli %scan3A_25, %mul3A_26 : i32
      %add3A_28 = arith.addi %mul3A_6, %mul3A_27 : i32
      %multiple_of3A_29 = tpu.assume_multiple %add3A_28, 8 : i32
      "tpu.region"() ({
        %run_scoped3A = tpu.sem_alloc : memref<!tpu.dma_semaphore, #tpu.memory_space<semaphore_mem>>
        %dma_start3A_142 = arith.constant 0 : i32
        %dma_start3A_143 = tpu.memref_slice %arg3[%multiple_of3A_29, %dma_start3A_142] : memref<2560x128xi32, #tpu.memory_space<hbm>> -> memref<40x128xi32, #tpu.memory_space<hbm>>
        %dma_start3A_144 = arith.constant 0 : i32
        %dma_start3A_145 = tpu.memref_slice %arg3[%multiple_of3A_29, %dma_start3A_144] : memref<2560x128xi32, #tpu.memory_space<hbm>> -> memref<40x128xi32, #tpu.memory_space<hbm>>
        tpu.enqueue_dma source(%dma_start3A_145 : memref<40x128xi32, #tpu.memory_space<hbm>>) target(%arg7 : memref<40x128xi32, #tpu.memory_space<vmem>>) target_semaphore(%run_scoped3A : memref<!tpu.dma_semaphore, #tpu.memory_space<semaphore_mem>>)
        %dma_wait3A_146 = arith.constant 0 : i32
        %dma_wait3A_147 = tpu.memref_slice %arg3[%multiple_of3A_29, %dma_wait3A_146] : memref<2560x128xi32, #tpu.memory_space<hbm>> -> memref<40x128xi32, #tpu.memory_space<hbm>>
        %dma_wait3A_148 = arith.constant 0 : i32
        %dma_wait3A_149 = tpu.memref_slice %arg3[%multiple_of3A_29, %dma_wait3A_148] : memref<2560x128xi32, #tpu.memory_space<hbm>> -> memref<40x128xi32, #tpu.memory_space<hbm>>
        tpu.wait_dma2 semaphore(%run_scoped3A : memref<!tpu.dma_semaphore, #tpu.memory_space<semaphore_mem>>) src(%dma_wait3A_149 : memref<40x128xi32, #tpu.memory_space<hbm>>) dst(%arg7 : memref<40x128xi32, #tpu.memory_space<vmem>>)
        tpu.yield
      }) : () -> ()
      "tpu.region"() ({
        %run_scoped3A = tpu.sem_alloc : memref<!tpu.dma_semaphore, #tpu.memory_space<semaphore_mem>>
        %dma_start3A_142 = arith.constant 0 : i32
        %dma_start3A_143 = tpu.memref_slice %arg4[%multiple_of3A_29, %dma_start3A_142] : memref<2560x128xi32, #tpu.memory_space<hbm>> -> memref<40x128xi32, #tpu.memory_space<hbm>>
        %dma_start3A_144 = arith.constant 0 : i32
        %dma_start3A_145 = tpu.memref_slice %arg4[%multiple_of3A_29, %dma_start3A_144] : memref<2560x128xi32, #tpu.memory_space<hbm>> -> memref<40x128xi32, #tpu.memory_space<hbm>>
        tpu.enqueue_dma source(%dma_start3A_145 : memref<40x128xi32, #tpu.memory_space<hbm>>) target(%arg8 : memref<40x128xi32, #tpu.memory_space<vmem>>) target_semaphore(%run_scoped3A : memref<!tpu.dma_semaphore, #tpu.memory_space<semaphore_mem>>)
        %dma_wait3A_146 = arith.constant 0 : i32
        %dma_wait3A_147 = tpu.memref_slice %arg4[%multiple_of3A_29, %dma_wait3A_146] : memref<2560x128xi32, #tpu.memory_space<hbm>> -> memref<40x128xi32, #tpu.memory_space<hbm>>
        %dma_wait3A_148 = arith.constant 0 : i32
        %dma_wait3A_149 = tpu.memref_slice %arg4[%multiple_of3A_29, %dma_wait3A_148] : memref<2560x128xi32, #tpu.memory_space<hbm>> -> memref<40x128xi32, #tpu.memory_space<hbm>>
        tpu.wait_dma2 semaphore(%run_scoped3A : memref<!tpu.dma_semaphore, #tpu.memory_space<semaphore_mem>>) src(%dma_wait3A_149 : memref<40x128xi32, #tpu.memory_space<hbm>>) dst(%arg8 : memref<40x128xi32, #tpu.memory_space<vmem>>)
        tpu.yield
      }) : () -> ()
      %dma_start3A = arith.constant 0 : i32
      %dma_start3A_30 = arith.constant 0 : i32
      %dma_start3A_31 = arith.constant 0 : i32
      %dma_start3A_32 = tpu.memref_slice %arg9[%dma_start3A_30, %dma_start3A_31] : memref<128x128xf32, #tpu.memory_space<vmem>> -> memref<64x128xf32, #tpu.memory_space<vmem>>
      %dma_start3A_33 = arith.constant 0 : i32
      %dma_start3A_34 = tpu.memref_slice %arg7[%dma_start3A, %dma_start3A_33] : memref<40x128xi32, #tpu.memory_space<vmem>> -> memref<1x64xi32, #tpu.memory_space<vmem>>
      %dma_start3A_35 = tpu.memref_squeeze %dma_start3A_34 : memref<1x64xi32, #tpu.memory_space<vmem>> -> memref<64xi32, #tpu.memory_space<vmem>>
      %dma_start3A_36 = arith.constant 0 : i32
      %dma_start3A_37 = arith.constant 0 : i32
      %dma_start3A_38 = tpu.memref_slice %arg2[%dma_start3A_36, %dma_start3A_37] : memref<10000x128xf32, #tpu.memory_space<hbm>> -> memref<10000x128xf32, #tpu.memory_space<hbm>>
      tpu.enqueue_indirect_dma source(%dma_start3A_38 : memref<10000x128xf32, #tpu.memory_space<hbm>>) target(%dma_start3A_32 : memref<64x128xf32, #tpu.memory_space<vmem>>) offsets(%dma_start3A_35 : memref<64xi32, #tpu.memory_space<vmem>>) semaphore(%arg12 : memref<!tpu.dma_semaphore, #tpu.memory_space<semaphore_mem>>)
      %dma_start3A_39 = arith.constant 0 : i32
      %dma_start3A_40 = arith.constant 64 : i32
      %dma_start3A_41 = arith.constant 0 : i32
      %dma_start3A_42 = tpu.memref_slice %arg9[%dma_start3A_40, %dma_start3A_41] : memref<128x128xf32, #tpu.memory_space<vmem>> -> memref<64x128xf32, #tpu.memory_space<vmem>>
      %dma_start3A_43 = arith.constant 64 : i32
      %dma_start3A_44 = tpu.memref_slice %arg7[%dma_start3A_39, %dma_start3A_43] : memref<40x128xi32, #tpu.memory_space<vmem>> -> memref<1x64xi32, #tpu.memory_space<vmem>>
      %dma_start3A_45 = tpu.memref_squeeze %dma_start3A_44 : memref<1x64xi32, #tpu.memory_space<vmem>> -> memref<64xi32, #tpu.memory_space<vmem>>
      %dma_start3A_46 = arith.constant 0 : i32
      %dma_start3A_47 = arith.constant 0 : i32
      %dma_start3A_48 = tpu.memref_slice %arg2[%dma_start3A_46, %dma_start3A_47] : memref<10000x128xf32, #tpu.memory_space<hbm>> -> memref<10000x128xf32, #tpu.memory_space<hbm>>
      tpu.enqueue_indirect_dma source(%dma_start3A_48 : memref<10000x128xf32, #tpu.memory_space<hbm>>) target(%dma_start3A_42 : memref<64x128xf32, #tpu.memory_space<vmem>>) offsets(%dma_start3A_45 : memref<64xi32, #tpu.memory_space<vmem>>) semaphore(%arg12 : memref<!tpu.dma_semaphore, #tpu.memory_space<semaphore_mem>>)
      %dma_start3A_49 = arith.constant 1 : i32
      %dma_start3A_50 = arith.constant 0 : i32
      %dma_start3A_51 = arith.constant 0 : i32
      %dma_start3A_52 = tpu.memref_slice %arg10[%dma_start3A_50, %dma_start3A_51] : memref<128x128xf32, #tpu.memory_space<vmem>> -> memref<64x128xf32, #tpu.memory_space<vmem>>
      %dma_start3A_53 = arith.constant 0 : i32
      %dma_start3A_54 = tpu.memref_slice %arg7[%dma_start3A_49, %dma_start3A_53] : memref<40x128xi32, #tpu.memory_space<vmem>> -> memref<1x64xi32, #tpu.memory_space<vmem>>
      %dma_start3A_55 = tpu.memref_squeeze %dma_start3A_54 : memref<1x64xi32, #tpu.memory_space<vmem>> -> memref<64xi32, #tpu.memory_space<vmem>>
      %dma_start3A_56 = arith.constant 0 : i32
      %dma_start3A_57 = arith.constant 0 : i32
      %dma_start3A_58 = tpu.memref_slice %arg2[%dma_start3A_56, %dma_start3A_57] : memref<10000x128xf32, #tpu.memory_space<hbm>> -> memref<10000x128xf32, #tpu.memory_space<hbm>>
      tpu.enqueue_indirect_dma source(%dma_start3A_58 : memref<10000x128xf32, #tpu.memory_space<hbm>>) target(%dma_start3A_52 : memref<64x128xf32, #tpu.memory_space<vmem>>) offsets(%dma_start3A_55 : memref<64xi32, #tpu.memory_space<vmem>>) semaphore(%arg13 : memref<!tpu.dma_semaphore, #tpu.memory_space<semaphore_mem>>)
      %dma_start3A_59 = arith.constant 1 : i32
      %dma_start3A_60 = arith.constant 64 : i32
      %dma_start3A_61 = arith.constant 0 : i32
      %dma_start3A_62 = tpu.memref_slice %arg10[%dma_start3A_60, %dma_start3A_61] : memref<128x128xf32, #tpu.memory_space<vmem>> -> memref<64x128xf32, #tpu.memory_space<vmem>>
      %dma_start3A_63 = arith.constant 64 : i32
      %dma_start3A_64 = tpu.memref_slice %arg7[%dma_start3A_59, %dma_start3A_63] : memref<40x128xi32, #tpu.memory_space<vmem>> -> memref<1x64xi32, #tpu.memory_space<vmem>>
      %dma_start3A_65 = tpu.memref_squeeze %dma_start3A_64 : memref<1x64xi32, #tpu.memory_space<vmem>> -> memref<64xi32, #tpu.memory_space<vmem>>
      %dma_start3A_66 = arith.constant 0 : i32
      %dma_start3A_67 = arith.constant 0 : i32
      %dma_start3A_68 = tpu.memref_slice %arg2[%dma_start3A_66, %dma_start3A_67] : memref<10000x128xf32, #tpu.memory_space<hbm>> -> memref<10000x128xf32, #tpu.memory_space<hbm>>
      tpu.enqueue_indirect_dma source(%dma_start3A_68 : memref<10000x128xf32, #tpu.memory_space<hbm>>) target(%dma_start3A_62 : memref<64x128xf32, #tpu.memory_space<vmem>>) offsets(%dma_start3A_65 : memref<64xi32, #tpu.memory_space<vmem>>) semaphore(%arg13 : memref<!tpu.dma_semaphore, #tpu.memory_space<semaphore_mem>>)
      %dma_wait3A = arith.constant 0 : i32
      %dma_wait3A_69 = arith.constant 0 : i32
      %dma_wait3A_70 = arith.constant 0 : i32
      %dma_wait3A_71 = tpu.memref_slice %arg9[%dma_wait3A_69, %dma_wait3A_70] : memref<128x128xf32, #tpu.memory_space<vmem>> -> memref<64x128xf32, #tpu.memory_space<vmem>>
      %dma_wait3A_72 = arith.constant 0 : i32
      %dma_wait3A_73 = tpu.memref_slice %arg7[%dma_wait3A, %dma_wait3A_72] : memref<40x128xi32, #tpu.memory_space<vmem>> -> memref<1x64xi32, #tpu.memory_space<vmem>>
      %dma_wait3A_74 = tpu.memref_squeeze %dma_wait3A_73 : memref<1x64xi32, #tpu.memory_space<vmem>> -> memref<64xi32, #tpu.memory_space<vmem>>
      %dma_wait3A_75 = arith.constant 0 : i32
      %dma_wait3A_76 = arith.constant 0 : i32
      %dma_wait3A_77 = tpu.memref_slice %arg2[%dma_wait3A_75, %dma_wait3A_76] : memref<10000x128xf32, #tpu.memory_space<hbm>> -> memref<10000x128xf32, #tpu.memory_space<hbm>>
      tpu.wait_indirect_dma semaphore(%arg12 : memref<!tpu.dma_semaphore, #tpu.memory_space<semaphore_mem>>) src(%dma_wait3A_77 : memref<10000x128xf32, #tpu.memory_space<hbm>>) dst(%dma_wait3A_71 : memref<64x128xf32, #tpu.memory_space<vmem>>)
      %dma_wait3A_78 = arith.constant 0 : i32
      %dma_wait3A_79 = arith.constant 64 : i32
      %dma_wait3A_80 = arith.constant 0 : i32
      %dma_wait3A_81 = tpu.memref_slice %arg9[%dma_wait3A_79, %dma_wait3A_80] : memref<128x128xf32, #tpu.memory_space<vmem>> -> memref<64x128xf32, #tpu.memory_space<vmem>>
      %dma_wait3A_82 = arith.constant 64 : i32
      %dma_wait3A_83 = tpu.memref_slice %arg7[%dma_wait3A_78, %dma_wait3A_82] : memref<40x128xi32, #tpu.memory_space<vmem>> -> memref<1x64xi32, #tpu.memory_space<vmem>>
      %dma_wait3A_84 = tpu.memref_squeeze %dma_wait3A_83 : memref<1x64xi32, #tpu.memory_space<vmem>> -> memref<64xi32, #tpu.memory_space<vmem>>
      %dma_wait3A_85 = arith.constant 0 : i32
      %dma_wait3A_86 = arith.constant 0 : i32
      %dma_wait3A_87 = tpu.memref_slice %arg2[%dma_wait3A_85, %dma_wait3A_86] : memref<10000x128xf32, #tpu.memory_space<hbm>> -> memref<10000x128xf32, #tpu.memory_space<hbm>>
      tpu.wait_indirect_dma semaphore(%arg12 : memref<!tpu.dma_semaphore, #tpu.memory_space<semaphore_mem>>) src(%dma_wait3A_87 : memref<10000x128xf32, #tpu.memory_space<hbm>>) dst(%dma_wait3A_81 : memref<64x128xf32, #tpu.memory_space<vmem>>)
      %dma_start3A_88 = arith.constant 0 : i32
      %dma_start3A_89 = arith.constant 0 : i32
      %dma_start3A_90 = tpu.memref_slice %arg8[%dma_start3A_88, %dma_start3A_89] : memref<40x128xi32, #tpu.memory_space<vmem>> -> memref<1x128xi32, #tpu.memory_space<vmem>>
      %dma_start3A_91 = tpu.memref_squeeze %dma_start3A_90 : memref<1x128xi32, #tpu.memory_space<vmem>> -> memref<128xi32, #tpu.memory_space<vmem>>
      %dma_start3A_92 = arith.constant 0 : i32
      %dma_start3A_93 = arith.constant 0 : i32
      %dma_start3A_94 = tpu.memref_slice %arg11[%dma_start3A_92, %dma_start3A_93] : memref<10128x128xf32, #tpu.memory_space<vmem_shared>> -> memref<10128x128xf32, #tpu.memory_space<vmem_shared>>
      tpu.enqueue_indirect_dma source(%arg9 : memref<128x128xf32, #tpu.memory_space<vmem>>) target(%dma_start3A_94 : memref<10128x128xf32, #tpu.memory_space<vmem_shared>>) offsets(%dma_start3A_91 : memref<128xi32, #tpu.memory_space<vmem>>) semaphore(%arg14 : memref<!tpu.dma_semaphore, #tpu.memory_space<semaphore_mem>>) {add = true}
      %dma_wait3A_95 = arith.constant 0 : i32
      %dma_wait3A_96 = arith.constant 0 : i32
      %dma_wait3A_97 = arith.constant 0 : i32
      %dma_wait3A_98 = tpu.memref_slice %arg10[%dma_wait3A_96, %dma_wait3A_97] : memref<128x128xf32, #tpu.memory_space<vmem>> -> memref<64x128xf32, #tpu.memory_space<vmem>>
      %dma_wait3A_99 = arith.constant 0 : i32
      %dma_wait3A_100 = tpu.memref_slice %arg7[%dma_wait3A_95, %dma_wait3A_99] : memref<40x128xi32, #tpu.memory_space<vmem>> -> memref<1x64xi32, #tpu.memory_space<vmem>>
      %dma_wait3A_101 = tpu.memref_squeeze %dma_wait3A_100 : memref<1x64xi32, #tpu.memory_space<vmem>> -> memref<64xi32, #tpu.memory_space<vmem>>
      %dma_wait3A_102 = arith.constant 0 : i32
      %dma_wait3A_103 = arith.constant 0 : i32
      %dma_wait3A_104 = tpu.memref_slice %arg2[%dma_wait3A_102, %dma_wait3A_103] : memref<10000x128xf32, #tpu.memory_space<hbm>> -> memref<10000x128xf32, #tpu.memory_space<hbm>>
      tpu.wait_indirect_dma semaphore(%arg13 : memref<!tpu.dma_semaphore, #tpu.memory_space<semaphore_mem>>) src(%dma_wait3A_104 : memref<10000x128xf32, #tpu.memory_space<hbm>>) dst(%dma_wait3A_98 : memref<64x128xf32, #tpu.memory_space<vmem>>)
      %dma_wait3A_105 = arith.constant 0 : i32
      %dma_wait3A_106 = arith.constant 64 : i32
      %dma_wait3A_107 = arith.constant 0 : i32
      %dma_wait3A_108 = tpu.memref_slice %arg10[%dma_wait3A_106, %dma_wait3A_107] : memref<128x128xf32, #tpu.memory_space<vmem>> -> memref<64x128xf32, #tpu.memory_space<vmem>>
      %dma_wait3A_109 = arith.constant 64 : i32
      %dma_wait3A_110 = tpu.memref_slice %arg7[%dma_wait3A_105, %dma_wait3A_109] : memref<40x128xi32, #tpu.memory_space<vmem>> -> memref<1x64xi32, #tpu.memory_space<vmem>>
      %dma_wait3A_111 = tpu.memref_squeeze %dma_wait3A_110 : memref<1x64xi32, #tpu.memory_space<vmem>> -> memref<64xi32, #tpu.memory_space<vmem>>
      %dma_wait3A_112 = arith.constant 0 : i32
      %dma_wait3A_113 = arith.constant 0 : i32
      %dma_wait3A_114 = tpu.memref_slice %arg2[%dma_wait3A_112, %dma_wait3A_113] : memref<10000x128xf32, #tpu.memory_space<hbm>> -> memref<10000x128xf32, #tpu.memory_space<hbm>>
      tpu.wait_indirect_dma semaphore(%arg13 : memref<!tpu.dma_semaphore, #tpu.memory_space<semaphore_mem>>) src(%dma_wait3A_114 : memref<10000x128xf32, #tpu.memory_space<hbm>>) dst(%dma_wait3A_108 : memref<64x128xf32, #tpu.memory_space<vmem>>)
      %dma_start3A_115 = arith.constant 1 : i32
      %dma_start3A_116 = arith.constant 0 : i32
      %dma_start3A_117 = tpu.memref_slice %arg8[%dma_start3A_115, %dma_start3A_116] : memref<40x128xi32, #tpu.memory_space<vmem>> -> memref<1x128xi32, #tpu.memory_space<vmem>>
      %dma_start3A_118 = tpu.memref_squeeze %dma_start3A_117 : memref<1x128xi32, #tpu.memory_space<vmem>> -> memref<128xi32, #tpu.memory_space<vmem>>
      %dma_start3A_119 = arith.constant 0 : i32
      %dma_start3A_120 = arith.constant 0 : i32
      %dma_start3A_121 = tpu.memref_slice %arg11[%dma_start3A_119, %dma_start3A_120] : memref<10128x128xf32, #tpu.memory_space<vmem_shared>> -> memref<10128x128xf32, #tpu.memory_space<vmem_shared>>
      tpu.enqueue_indirect_dma source(%arg10 : memref<128x128xf32, #tpu.memory_space<vmem>>) target(%dma_start3A_121 : memref<10128x128xf32, #tpu.memory_space<vmem_shared>>) offsets(%dma_start3A_118 : memref<128xi32, #tpu.memory_space<vmem>>) semaphore(%arg15 : memref<!tpu.dma_semaphore, #tpu.memory_space<semaphore_mem>>) {add = true}
      %scan3A_122 = arith.constant 0 : i32
      %scan3A_123 = arith.constant 1 : i32
      %scan3A_124 = arith.constant 19 : i32
      %scan3A_125 = arith.addi %scan3A_123, %scan3A_124 : i32
      %scan3A_126 = arith.constant 1 : i32
      scf.for %scan3A_142 = %scan3A_123 to %scan3A_125 step %scan3A_126  : i32 {
        %mul3A_143 = arith.constant 2 : i32
        %mul3A_144 = arith.muli %scan3A_142, %mul3A_143 : i32
        %dma_wait3A_145 = arith.constant 0 : i32
        %dma_wait3A_146 = arith.constant 0 : i32
        %dma_wait3A_147 = tpu.memref_slice %arg8[%dma_wait3A_145, %dma_wait3A_146] : memref<40x128xi32, #tpu.memory_space<vmem>> -> memref<1x128xi32, #tpu.memory_space<vmem>>
        %dma_wait3A_148 = tpu.memref_squeeze %dma_wait3A_147 : memref<1x128xi32, #tpu.memory_space<vmem>> -> memref<128xi32, #tpu.memory_space<vmem>>
        %dma_wait3A_149 = arith.constant 0 : i32
        %dma_wait3A_150 = arith.constant 0 : i32
        %dma_wait3A_151 = tpu.memref_slice %arg11[%dma_wait3A_149, %dma_wait3A_150] : memref<10128x128xf32, #tpu.memory_space<vmem_shared>> -> memref<10128x128xf32, #tpu.memory_space<vmem_shared>>
        tpu.wait_indirect_dma semaphore(%arg14 : memref<!tpu.dma_semaphore, #tpu.memory_space<semaphore_mem>>) src(%arg9 : memref<128x128xf32, #tpu.memory_space<vmem>>) dst(%dma_wait3A_151 : memref<10128x128xf32, #tpu.memory_space<vmem_shared>>)
        %dma_start3A_152 = arith.constant 0 : i32
        %dma_start3A_153 = arith.constant 0 : i32
        %dma_start3A_154 = tpu.memref_slice %arg9[%dma_start3A_152, %dma_start3A_153] : memref<128x128xf32, #tpu.memory_space<vmem>> -> memref<64x128xf32, #tpu.memory_space<vmem>>
        %dma_start3A_155 = arith.constant 0 : i32
        %dma_start3A_156 = tpu.memref_slice %arg7[%mul3A_144, %dma_start3A_155] : memref<40x128xi32, #tpu.memory_space<vmem>> -> memref<1x64xi32, #tpu.memory_space<vmem>>
        %dma_start3A_157 = tpu.memref_squeeze %dma_start3A_156 : memref<1x64xi32, #tpu.memory_space<vmem>> -> memref<64xi32, #tpu.memory_space<vmem>>
        %dma_start3A_158 = arith.constant 0 : i32
        %dma_start3A_159 = arith.constant 0 : i32
        %dma_start3A_160 = tpu.memref_slice %arg2[%dma_start3A_158, %dma_start3A_159] : memref<10000x128xf32, #tpu.memory_space<hbm>> -> memref<10000x128xf32, #tpu.memory_space<hbm>>
        tpu.enqueue_indirect_dma source(%dma_start3A_160 : memref<10000x128xf32, #tpu.memory_space<hbm>>) target(%dma_start3A_154 : memref<64x128xf32, #tpu.memory_space<vmem>>) offsets(%dma_start3A_157 : memref<64xi32, #tpu.memory_space<vmem>>) semaphore(%arg12 : memref<!tpu.dma_semaphore, #tpu.memory_space<semaphore_mem>>)
        %dma_start3A_161 = arith.constant 64 : i32
        %dma_start3A_162 = arith.constant 0 : i32
        %dma_start3A_163 = tpu.memref_slice %arg9[%dma_start3A_161, %dma_start3A_162] : memref<128x128xf32, #tpu.memory_space<vmem>> -> memref<64x128xf32, #tpu.memory_space<vmem>>
        %dma_start3A_164 = arith.constant 64 : i32
        %dma_start3A_165 = tpu.memref_slice %arg7[%mul3A_144, %dma_start3A_164] : memref<40x128xi32, #tpu.memory_space<vmem>> -> memref<1x64xi32, #tpu.memory_space<vmem>>
        %dma_start3A_166 = tpu.memref_squeeze %dma_start3A_165 : memref<1x64xi32, #tpu.memory_space<vmem>> -> memref<64xi32, #tpu.memory_space<vmem>>
        %dma_start3A_167 = arith.constant 0 : i32
        %dma_start3A_168 = arith.constant 0 : i32
        %dma_start3A_169 = tpu.memref_slice %arg2[%dma_start3A_167, %dma_start3A_168] : memref<10000x128xf32, #tpu.memory_space<hbm>> -> memref<10000x128xf32, #tpu.memory_space<hbm>>
        tpu.enqueue_indirect_dma source(%dma_start3A_169 : memref<10000x128xf32, #tpu.memory_space<hbm>>) target(%dma_start3A_163 : memref<64x128xf32, #tpu.memory_space<vmem>>) offsets(%dma_start3A_166 : memref<64xi32, #tpu.memory_space<vmem>>) semaphore(%arg12 : memref<!tpu.dma_semaphore, #tpu.memory_space<semaphore_mem>>)
        %dma_wait3A_170 = arith.constant 0 : i32
        %dma_wait3A_171 = arith.constant 0 : i32
        %dma_wait3A_172 = tpu.memref_slice %arg8[%dma_wait3A_170, %dma_wait3A_171] : memref<40x128xi32, #tpu.memory_space<vmem>> -> memref<1x128xi32, #tpu.memory_space<vmem>>
        %dma_wait3A_173 = tpu.memref_squeeze %dma_wait3A_172 : memref<1x128xi32, #tpu.memory_space<vmem>> -> memref<128xi32, #tpu.memory_space<vmem>>
        %dma_wait3A_174 = arith.constant 0 : i32
        %dma_wait3A_175 = arith.constant 0 : i32
        %dma_wait3A_176 = tpu.memref_slice %arg11[%dma_wait3A_174, %dma_wait3A_175] : memref<10128x128xf32, #tpu.memory_space<vmem_shared>> -> memref<10128x128xf32, #tpu.memory_space<vmem_shared>>
        tpu.wait_indirect_dma semaphore(%arg15 : memref<!tpu.dma_semaphore, #tpu.memory_space<semaphore_mem>>) src(%arg10 : memref<128x128xf32, #tpu.memory_space<vmem>>) dst(%dma_wait3A_176 : memref<10128x128xf32, #tpu.memory_space<vmem_shared>>)
        %add3A_177 = arith.constant 1 : i32
        %add3A_178 = arith.addi %mul3A_144, %add3A_177 : i32
        %dma_start3A_179 = arith.constant 0 : i32
        %dma_start3A_180 = arith.constant 0 : i32
        %dma_start3A_181 = tpu.memref_slice %arg10[%dma_start3A_179, %dma_start3A_180] : memref<128x128xf32, #tpu.memory_space<vmem>> -> memref<64x128xf32, #tpu.memory_space<vmem>>
        %dma_start3A_182 = arith.constant 0 : i32
        %dma_start3A_183 = tpu.memref_slice %arg7[%add3A_178, %dma_start3A_182] : memref<40x128xi32, #tpu.memory_space<vmem>> -> memref<1x64xi32, #tpu.memory_space<vmem>>
        %dma_start3A_184 = tpu.memref_squeeze %dma_start3A_183 : memref<1x64xi32, #tpu.memory_space<vmem>> -> memref<64xi32, #tpu.memory_space<vmem>>
        %dma_start3A_185 = arith.constant 0 : i32
        %dma_start3A_186 = arith.constant 0 : i32
        %dma_start3A_187 = tpu.memref_slice %arg2[%dma_start3A_185, %dma_start3A_186] : memref<10000x128xf32, #tpu.memory_space<hbm>> -> memref<10000x128xf32, #tpu.memory_space<hbm>>
        tpu.enqueue_indirect_dma source(%dma_start3A_187 : memref<10000x128xf32, #tpu.memory_space<hbm>>) target(%dma_start3A_181 : memref<64x128xf32, #tpu.memory_space<vmem>>) offsets(%dma_start3A_184 : memref<64xi32, #tpu.memory_space<vmem>>) semaphore(%arg13 : memref<!tpu.dma_semaphore, #tpu.memory_space<semaphore_mem>>)
        %dma_start3A_188 = arith.constant 64 : i32
        %dma_start3A_189 = arith.constant 0 : i32
        %dma_start3A_190 = tpu.memref_slice %arg10[%dma_start3A_188, %dma_start3A_189] : memref<128x128xf32, #tpu.memory_space<vmem>> -> memref<64x128xf32, #tpu.memory_space<vmem>>
        %dma_start3A_191 = arith.constant 64 : i32
        %dma_start3A_192 = tpu.memref_slice %arg7[%add3A_178, %dma_start3A_191] : memref<40x128xi32, #tpu.memory_space<vmem>> -> memref<1x64xi32, #tpu.memory_space<vmem>>
        %dma_start3A_193 = tpu.memref_squeeze %dma_start3A_192 : memref<1x64xi32, #tpu.memory_space<vmem>> -> memref<64xi32, #tpu.memory_space<vmem>>
        %dma_start3A_194 = arith.constant 0 : i32
        %dma_start3A_195 = arith.constant 0 : i32
        %dma_start3A_196 = tpu.memref_slice %arg2[%dma_start3A_194, %dma_start3A_195] : memref<10000x128xf32, #tpu.memory_space<hbm>> -> memref<10000x128xf32, #tpu.memory_space<hbm>>
        tpu.enqueue_indirect_dma source(%dma_start3A_196 : memref<10000x128xf32, #tpu.memory_space<hbm>>) target(%dma_start3A_190 : memref<64x128xf32, #tpu.memory_space<vmem>>) offsets(%dma_start3A_193 : memref<64xi32, #tpu.memory_space<vmem>>) semaphore(%arg13 : memref<!tpu.dma_semaphore, #tpu.memory_space<semaphore_mem>>)
        %dma_wait3A_197 = arith.constant 0 : i32
        %dma_wait3A_198 = arith.constant 0 : i32
        %dma_wait3A_199 = arith.constant 0 : i32
        %dma_wait3A_200 = tpu.memref_slice %arg9[%dma_wait3A_198, %dma_wait3A_199] : memref<128x128xf32, #tpu.memory_space<vmem>> -> memref<64x128xf32, #tpu.memory_space<vmem>>
        %dma_wait3A_201 = arith.constant 0 : i32
        %dma_wait3A_202 = tpu.memref_slice %arg7[%dma_wait3A_197, %dma_wait3A_201] : memref<40x128xi32, #tpu.memory_space<vmem>> -> memref<1x64xi32, #tpu.memory_space<vmem>>
        %dma_wait3A_203 = tpu.memref_squeeze %dma_wait3A_202 : memref<1x64xi32, #tpu.memory_space<vmem>> -> memref<64xi32, #tpu.memory_space<vmem>>
        %dma_wait3A_204 = arith.constant 0 : i32
        %dma_wait3A_205 = arith.constant 0 : i32
        %dma_wait3A_206 = tpu.memref_slice %arg2[%dma_wait3A_204, %dma_wait3A_205] : memref<10000x128xf32, #tpu.memory_space<hbm>> -> memref<10000x128xf32, #tpu.memory_space<hbm>>
        tpu.wait_indirect_dma semaphore(%arg12 : memref<!tpu.dma_semaphore, #tpu.memory_space<semaphore_mem>>) src(%dma_wait3A_206 : memref<10000x128xf32, #tpu.memory_space<hbm>>) dst(%dma_wait3A_200 : memref<64x128xf32, #tpu.memory_space<vmem>>)
        %dma_wait3A_207 = arith.constant 0 : i32
        %dma_wait3A_208 = arith.constant 64 : i32
        %dma_wait3A_209 = arith.constant 0 : i32
        %dma_wait3A_210 = tpu.memref_slice %arg9[%dma_wait3A_208, %dma_wait3A_209] : memref<128x128xf32, #tpu.memory_space<vmem>> -> memref<64x128xf32, #tpu.memory_space<vmem>>
        %dma_wait3A_211 = arith.constant 64 : i32
        %dma_wait3A_212 = tpu.memref_slice %arg7[%dma_wait3A_207, %dma_wait3A_211] : memref<40x128xi32, #tpu.memory_space<vmem>> -> memref<1x64xi32, #tpu.memory_space<vmem>>
        %dma_wait3A_213 = tpu.memref_squeeze %dma_wait3A_212 : memref<1x64xi32, #tpu.memory_space<vmem>> -> memref<64xi32, #tpu.memory_space<vmem>>
        %dma_wait3A_214 = arith.constant 0 : i32
        %dma_wait3A_215 = arith.constant 0 : i32
        %dma_wait3A_216 = tpu.memref_slice %arg2[%dma_wait3A_214, %dma_wait3A_215] : memref<10000x128xf32, #tpu.memory_space<hbm>> -> memref<10000x128xf32, #tpu.memory_space<hbm>>
        tpu.wait_indirect_dma semaphore(%arg12 : memref<!tpu.dma_semaphore, #tpu.memory_space<semaphore_mem>>) src(%dma_wait3A_216 : memref<10000x128xf32, #tpu.memory_space<hbm>>) dst(%dma_wait3A_210 : memref<64x128xf32, #tpu.memory_space<vmem>>)
        %dma_start3A_217 = arith.constant 0 : i32
        %dma_start3A_218 = tpu.memref_slice %arg8[%mul3A_144, %dma_start3A_217] : memref<40x128xi32, #tpu.memory_space<vmem>> -> memref<1x128xi32, #tpu.memory_space<vmem>>
        %dma_start3A_219 = tpu.memref_squeeze %dma_start3A_218 : memref<1x128xi32, #tpu.memory_space<vmem>> -> memref<128xi32, #tpu.memory_space<vmem>>
        %dma_start3A_220 = arith.constant 0 : i32
        %dma_start3A_221 = arith.constant 0 : i32
        %dma_start3A_222 = tpu.memref_slice %arg11[%dma_start3A_220, %dma_start3A_221] : memref<10128x128xf32, #tpu.memory_space<vmem_shared>> -> memref<10128x128xf32, #tpu.memory_space<vmem_shared>>
        tpu.enqueue_indirect_dma source(%arg9 : memref<128x128xf32, #tpu.memory_space<vmem>>) target(%dma_start3A_222 : memref<10128x128xf32, #tpu.memory_space<vmem_shared>>) offsets(%dma_start3A_219 : memref<128xi32, #tpu.memory_space<vmem>>) semaphore(%arg14 : memref<!tpu.dma_semaphore, #tpu.memory_space<semaphore_mem>>) {add = true}
        %dma_wait3A_223 = arith.constant 0 : i32
        %dma_wait3A_224 = arith.constant 0 : i32
        %dma_wait3A_225 = arith.constant 0 : i32
        %dma_wait3A_226 = tpu.memref_slice %arg10[%dma_wait3A_224, %dma_wait3A_225] : memref<128x128xf32, #tpu.memory_space<vmem>> -> memref<64x128xf32, #tpu.memory_space<vmem>>
        %dma_wait3A_227 = arith.constant 0 : i32
        %dma_wait3A_228 = tpu.memref_slice %arg7[%dma_wait3A_223, %dma_wait3A_227] : memref<40x128xi32, #tpu.memory_space<vmem>> -> memref<1x64xi32, #tpu.memory_space<vmem>>
        %dma_wait3A_229 = tpu.memref_squeeze %dma_wait3A_228 : memref<1x64xi32, #tpu.memory_space<vmem>> -> memref<64xi32, #tpu.memory_space<vmem>>
        %dma_wait3A_230 = arith.constant 0 : i32
        %dma_wait3A_231 = arith.constant 0 : i32
        %dma_wait3A_232 = tpu.memref_slice %arg2[%dma_wait3A_230, %dma_wait3A_231] : memref<10000x128xf32, #tpu.memory_space<hbm>> -> memref<10000x128xf32, #tpu.memory_space<hbm>>
        tpu.wait_indirect_dma semaphore(%arg13 : memref<!tpu.dma_semaphore, #tpu.memory_space<semaphore_mem>>) src(%dma_wait3A_232 : memref<10000x128xf32, #tpu.memory_space<hbm>>) dst(%dma_wait3A_226 : memref<64x128xf32, #tpu.memory_space<vmem>>)
        %dma_wait3A_233 = arith.constant 0 : i32
        %dma_wait3A_234 = arith.constant 64 : i32
        %dma_wait3A_235 = arith.constant 0 : i32
        %dma_wait3A_236 = tpu.memref_slice %arg10[%dma_wait3A_234, %dma_wait3A_235] : memref<128x128xf32, #tpu.memory_space<vmem>> -> memref<64x128xf32, #tpu.memory_space<vmem>>
        %dma_wait3A_237 = arith.constant 64 : i32
        %dma_wait3A_238 = tpu.memref_slice %arg7[%dma_wait3A_233, %dma_wait3A_237] : memref<40x128xi32, #tpu.memory_space<vmem>> -> memref<1x64xi32, #tpu.memory_space<vmem>>
        %dma_wait3A_239 = tpu.memref_squeeze %dma_wait3A_238 : memref<1x64xi32, #tpu.memory_space<vmem>> -> memref<64xi32, #tpu.memory_space<vmem>>
        %dma_wait3A_240 = arith.constant 0 : i32
        %dma_wait3A_241 = arith.constant 0 : i32
        %dma_wait3A_242 = tpu.memref_slice %arg2[%dma_wait3A_240, %dma_wait3A_241] : memref<10000x128xf32, #tpu.memory_space<hbm>> -> memref<10000x128xf32, #tpu.memory_space<hbm>>
        tpu.wait_indirect_dma semaphore(%arg13 : memref<!tpu.dma_semaphore, #tpu.memory_space<semaphore_mem>>) src(%dma_wait3A_242 : memref<10000x128xf32, #tpu.memory_space<hbm>>) dst(%dma_wait3A_236 : memref<64x128xf32, #tpu.memory_space<vmem>>)
        %add3A_243 = arith.constant 1 : i32
        %add3A_244 = arith.addi %mul3A_144, %add3A_243 : i32
        %dma_start3A_245 = arith.constant 0 : i32
        %dma_start3A_246 = tpu.memref_slice %arg8[%add3A_244, %dma_start3A_245] : memref<40x128xi32, #tpu.memory_space<vmem>> -> memref<1x128xi32, #tpu.memory_space<vmem>>
        %dma_start3A_247 = tpu.memref_squeeze %dma_start3A_246 : memref<1x128xi32, #tpu.memory_space<vmem>> -> memref<128xi32, #tpu.memory_space<vmem>>
        %dma_start3A_248 = arith.constant 0 : i32
        %dma_start3A_249 = arith.constant 0 : i32
        %dma_start3A_250 = tpu.memref_slice %arg11[%dma_start3A_248, %dma_start3A_249] : memref<10128x128xf32, #tpu.memory_space<vmem_shared>> -> memref<10128x128xf32, #tpu.memory_space<vmem_shared>>
        tpu.enqueue_indirect_dma source(%arg10 : memref<128x128xf32, #tpu.memory_space<vmem>>) target(%dma_start3A_250 : memref<10128x128xf32, #tpu.memory_space<vmem_shared>>) offsets(%dma_start3A_247 : memref<128xi32, #tpu.memory_space<vmem>>) semaphore(%arg15 : memref<!tpu.dma_semaphore, #tpu.memory_space<semaphore_mem>>) {add = true}
      }
      %scan3A_127 = arith.constant 19 : i32
      %dma_wait3A_128 = arith.constant 0 : i32
      %dma_wait3A_129 = arith.constant 0 : i32
      %dma_wait3A_130 = tpu.memref_slice %arg8[%dma_wait3A_128, %dma_wait3A_129] : memref<40x128xi32, #tpu.memory_space<vmem>> -> memref<1x128xi32, #tpu.memory_space<vmem>>
      %dma_wait3A_131 = tpu.memref_squeeze %dma_wait3A_130 : memref<1x128xi32, #tpu.memory_space<vmem>> -> memref<128xi32, #tpu.memory_space<vmem>>
      %dma_wait3A_132 = arith.constant 0 : i32
      %dma_wait3A_133 = arith.constant 0 : i32
      %dma_wait3A_134 = tpu.memref_slice %arg11[%dma_wait3A_132, %dma_wait3A_133] : memref<10128x128xf32, #tpu.memory_space<vmem_shared>> -> memref<10128x128xf32, #tpu.memory_space<vmem_shared>>
      tpu.wait_indirect_dma semaphore(%arg14 : memref<!tpu.dma_semaphore, #tpu.memory_space<semaphore_mem>>) src(%arg9 : memref<128x128xf32, #tpu.memory_space<vmem>>) dst(%dma_wait3A_134 : memref<10128x128xf32, #tpu.memory_space<vmem_shared>>)
      %dma_wait3A_135 = arith.constant 0 : i32
      %dma_wait3A_136 = arith.constant 0 : i32
      %dma_wait3A_137 = tpu.memref_slice %arg8[%dma_wait3A_135, %dma_wait3A_136] : memref<40x128xi32, #tpu.memory_space<vmem>> -> memref<1x128xi32, #tpu.memory_space<vmem>>
      %dma_wait3A_138 = tpu.memref_squeeze %dma_wait3A_137 : memref<1x128xi32, #tpu.memory_space<vmem>> -> memref<128xi32, #tpu.memory_space<vmem>>
      %dma_wait3A_139 = arith.constant 0 : i32
      %dma_wait3A_140 = arith.constant 0 : i32
      %dma_wait3A_141 = tpu.memref_slice %arg11[%dma_wait3A_139, %dma_wait3A_140] : memref<10128x128xf32, #tpu.memory_space<vmem_shared>> -> memref<10128x128xf32, #tpu.memory_space<vmem_shared>>
      tpu.wait_indirect_dma semaphore(%arg15 : memref<!tpu.dma_semaphore, #tpu.memory_space<semaphore_mem>>) src(%arg10 : memref<128x128xf32, #tpu.memory_space<vmem>>) dst(%dma_wait3A_141 : memref<10128x128xf32, #tpu.memory_space<vmem_shared>>)
    }
    %scan3A_11 = arith.constant 2 : i32
    %barrier3A_12 = arith.constant 0 : index
    tpu.barrier barrier_id(%barrier3A_12)
    %mul3A_13 = arith.constant 10000 : i32
    %mul3A_14 = arith.muli %arg0, %mul3A_13 : i32
    %multiple_of3A_15 = tpu.assume_multiple %mul3A_14, 8 : i32
    %mul3A_16 = arith.constant 624 : i32
    %mul3A_17 = arith.muli %arg1, %mul3A_16 : i32
    %multiple_of3A_18 = tpu.assume_multiple %mul3A_17, 8 : i32
    %add3A_19 = arith.addi %multiple_of3A_15, %multiple_of3A_18 : i32
    "tpu.region"() ({
      %run_scoped3A = tpu.sem_alloc : memref<!tpu.dma_semaphore, #tpu.memory_space<semaphore_mem>>
      %dma_start3A = arith.constant 0 : i32
      %dma_start3A_25 = tpu.memref_slice %arg6[%add3A_19, %dma_start3A] : memref<20000x128xf32, #tpu.memory_space<hbm>> -> memref<624x128xf32, #tpu.memory_space<hbm>>
      %dma_start3A_26 = arith.constant 0 : i32
      %dma_start3A_27 = tpu.memref_slice %arg11[%multiple_of3A_18, %dma_start3A_26] : memref<10128x128xf32, #tpu.memory_space<vmem_shared>> -> memref<624x128xf32, #tpu.memory_space<vmem_shared>>
      tpu.enqueue_dma source(%dma_start3A_27 : memref<624x128xf32, #tpu.memory_space<vmem_shared>>) target(%dma_start3A_25 : memref<624x128xf32, #tpu.memory_space<hbm>>) target_semaphore(%run_scoped3A : memref<!tpu.dma_semaphore, #tpu.memory_space<semaphore_mem>>)
      %dma_wait3A = arith.constant 0 : i32
      %dma_wait3A_28 = tpu.memref_slice %arg6[%add3A_19, %dma_wait3A] : memref<20000x128xf32, #tpu.memory_space<hbm>> -> memref<624x128xf32, #tpu.memory_space<hbm>>
      %dma_wait3A_29 = arith.constant 0 : i32
      %dma_wait3A_30 = tpu.memref_slice %arg11[%multiple_of3A_18, %dma_wait3A_29] : memref<10128x128xf32, #tpu.memory_space<vmem_shared>> -> memref<624x128xf32, #tpu.memory_space<vmem_shared>>
      tpu.wait_dma2 semaphore(%run_scoped3A : memref<!tpu.dma_semaphore, #tpu.memory_space<semaphore_mem>>) src(%dma_wait3A_30 : memref<624x128xf32, #tpu.memory_space<vmem_shared>>) dst(%dma_wait3A_28 : memref<624x128xf32, #tpu.memory_space<hbm>>)
      tpu.yield
    }) : () -> ()
    %eq3A_20 = arith.constant 15 : i32
    %eq3A_21 = arith.cmpi eq, %arg1, %eq3A_20 : i32
    %convert_element_type3A_22 = arith.extui %eq3A_21 : i1 to i32
    %cond3A_23 = arith.constant 0 : i32
    %cond3A_24 = arith.cmpi ne, %convert_element_type3A_22, %cond3A_23 : i32
    scf.if %cond3A_24 {
      %add3A_25 = arith.constant 9984 : i32
      %add3A_26 = arith.addi %multiple_of3A_15, %add3A_25 : i32
      "tpu.region"() ({
        %run_scoped3A = tpu.sem_alloc : memref<!tpu.dma_semaphore, #tpu.memory_space<semaphore_mem>>
        %dma_start3A = arith.constant 0 : i32
        %dma_start3A_27 = tpu.memref_slice %arg6[%add3A_26, %dma_start3A] : memref<20000x128xf32, #tpu.memory_space<hbm>> -> memref<16x128xf32, #tpu.memory_space<hbm>>
        %dma_start3A_28 = arith.constant 9984 : i32
        %dma_start3A_29 = arith.constant 0 : i32
        %dma_start3A_30 = tpu.memref_slice %arg11[%dma_start3A_28, %dma_start3A_29] : memref<10128x128xf32, #tpu.memory_space<vmem_shared>> -> memref<16x128xf32, #tpu.memory_space<vmem_shared>>
        tpu.enqueue_dma source(%dma_start3A_30 : memref<16x128xf32, #tpu.memory_space<vmem_shared>>) target(%dma_start3A_27 : memref<16x128xf32, #tpu.memory_space<hbm>>) target_semaphore(%run_scoped3A : memref<!tpu.dma_semaphore, #tpu.memory_space<semaphore_mem>>)
        %dma_wait3A = arith.constant 0 : i32
        %dma_wait3A_31 = tpu.memref_slice %arg6[%add3A_26, %dma_wait3A] : memref<20000x128xf32, #tpu.memory_space<hbm>> -> memref<16x128xf32, #tpu.memory_space<hbm>>
        %dma_wait3A_32 = arith.constant 9984 : i32
        %dma_wait3A_33 = arith.constant 0 : i32
        %dma_wait3A_34 = tpu.memref_slice %arg11[%dma_wait3A_32, %dma_wait3A_33] : memref<10128x128xf32, #tpu.memory_space<vmem_shared>> -> memref<16x128xf32, #tpu.memory_space<vmem_shared>>
        tpu.wait_dma2 semaphore(%run_scoped3A : memref<!tpu.dma_semaphore, #tpu.memory_space<semaphore_mem>>) src(%dma_wait3A_34 : memref<16x128xf32, #tpu.memory_space<vmem_shared>>) dst(%dma_wait3A_31 : memref<16x128xf32, #tpu.memory_space<hbm>>)
        tpu.yield
      }) : () -> ()
    } else {
    }
    return
  }
}

#map = affine_map<(d0, d1) -> (0, 0)>
module attributes {stable_mosaic.version = 14 : i64} {
  func.func @prop(%arg0: i32, %arg1: i32, %arg2: memref<10000x128xf32, #tpu.memory_space<hbm>>, %arg3: memref<10000x128xf32, #tpu.memory_space<hbm>>, %arg4: memref<2560x128xi32, #tpu.memory_space<hbm>>, %arg5: memref<2560x128xi32, #tpu.memory_space<hbm>>, %arg6: memref<10000x128xf32, #tpu.memory_space<hbm>>, %arg7: memref<20000x128xf32, #tpu.memory_space<hbm>>, %arg8: memref<40x128xi32, #tpu.memory_space<vmem>>, %arg9: memref<40x128xi32, #tpu.memory_space<vmem>>, %arg10: memref<128x128xf32, #tpu.memory_space<vmem>>, %arg11: memref<128x128xf32, #tpu.memory_space<vmem>>, %arg12: memref<10128x128xf32, #tpu.memory_space<vmem_shared>>, %arg13: memref<!tpu.dma_semaphore, #tpu.memory_space<semaphore_mem>>, %arg14: memref<!tpu.dma_semaphore, #tpu.memory_space<semaphore_mem>>, %arg15: memref<!tpu.dma_semaphore, #tpu.memory_space<semaphore_mem>>, %arg16: memref<!tpu.dma_semaphore, #tpu.memory_space<semaphore_mem>>) attributes {dimension_semantics = [#tpu.dimension_semantics<core_parallel>, #tpu.dimension_semantics<subcore_parallel>], iteration_bounds = array<i64: 2, 16>, scalar_prefetch = 0 : i64, scratch_operands = 9 : i64, tpu.core_type = #tpu.core_type<sc_vector_subcore>, window_params = [{transform_indices = #map}, {transform_indices = #map}, {transform_indices = #map}, {transform_indices = #map}, {transform_indices = #map}, {transform_indices = #map}]} {
    %mul3A = arith.constant 624 : i32
    %mul3A_0 = arith.muli %arg1, %mul3A : i32
    %multiple_of3A = tpu.assume_multiple %mul3A_0, 8 : i32
    "tpu.region"() ({
      %run_scoped3A = tpu.sem_alloc : memref<!tpu.dma_semaphore, #tpu.memory_space<semaphore_mem>>
      %dma_start3A = arith.constant 0 : i32
      %dma_start3A_25 = tpu.memref_slice %arg12[%multiple_of3A, %dma_start3A] : memref<10128x128xf32, #tpu.memory_space<vmem_shared>> -> memref<624x128xf32, #tpu.memory_space<vmem_shared>>
      %dma_start3A_26 = arith.constant 0 : i32
      %dma_start3A_27 = tpu.memref_slice %arg6[%multiple_of3A, %dma_start3A_26] : memref<10000x128xf32, #tpu.memory_space<hbm>> -> memref<624x128xf32, #tpu.memory_space<hbm>>
      tpu.enqueue_dma source(%dma_start3A_27 : memref<624x128xf32, #tpu.memory_space<hbm>>) target(%dma_start3A_25 : memref<624x128xf32, #tpu.memory_space<vmem_shared>>) target_semaphore(%run_scoped3A : memref<!tpu.dma_semaphore, #tpu.memory_space<semaphore_mem>>)
      %dma_wait3A = arith.constant 0 : i32
      %dma_wait3A_28 = tpu.memref_slice %arg12[%multiple_of3A, %dma_wait3A] : memref<10128x128xf32, #tpu.memory_space<vmem_shared>> -> memref<624x128xf32, #tpu.memory_space<vmem_shared>>
      %dma_wait3A_29 = arith.constant 0 : i32
      %dma_wait3A_30 = tpu.memref_slice %arg6[%multiple_of3A, %dma_wait3A_29] : memref<10000x128xf32, #tpu.memory_space<hbm>> -> memref<624x128xf32, #tpu.memory_space<hbm>>
      tpu.wait_dma2 semaphore(%run_scoped3A : memref<!tpu.dma_semaphore, #tpu.memory_space<semaphore_mem>>) src(%dma_wait3A_30 : memref<624x128xf32, #tpu.memory_space<hbm>>) dst(%dma_wait3A_28 : memref<624x128xf32, #tpu.memory_space<vmem_shared>>)
      tpu.yield
    }) : () -> ()
    %eq3A = arith.constant 15 : i32
    %eq3A_1 = arith.cmpi eq, %arg1, %eq3A : i32
    %convert_element_type3A = arith.extui %eq3A_1 : i1 to i32
    %cond3A = arith.constant 0 : i32
    %cond3A_2 = arith.cmpi ne, %convert_element_type3A, %cond3A : i32
    scf.if %cond3A_2 {
      "tpu.region"() ({
        %run_scoped3A = tpu.sem_alloc : memref<!tpu.dma_semaphore, #tpu.memory_space<semaphore_mem>>
        %dma_start3A = arith.constant 9984 : i32
        %dma_start3A_25 = arith.constant 0 : i32
        %dma_start3A_26 = tpu.memref_slice %arg12[%dma_start3A, %dma_start3A_25] : memref<10128x128xf32, #tpu.memory_space<vmem_shared>> -> memref<16x128xf32, #tpu.memory_space<vmem_shared>>
        %dma_start3A_27 = arith.constant 9984 : i32
        %dma_start3A_28 = arith.constant 0 : i32
        %dma_start3A_29 = tpu.memref_slice %arg6[%dma_start3A_27, %dma_start3A_28] : memref<10000x128xf32, #tpu.memory_space<hbm>> -> memref<16x128xf32, #tpu.memory_space<hbm>>
        tpu.enqueue_dma source(%dma_start3A_29 : memref<16x128xf32, #tpu.memory_space<hbm>>) target(%dma_start3A_26 : memref<16x128xf32, #tpu.memory_space<vmem_shared>>) target_semaphore(%run_scoped3A : memref<!tpu.dma_semaphore, #tpu.memory_space<semaphore_mem>>)
        %dma_wait3A = arith.constant 9984 : i32
        %dma_wait3A_30 = arith.constant 0 : i32
        %dma_wait3A_31 = tpu.memref_slice %arg12[%dma_wait3A, %dma_wait3A_30] : memref<10128x128xf32, #tpu.memory_space<vmem_shared>> -> memref<16x128xf32, #tpu.memory_space<vmem_shared>>
        %dma_wait3A_32 = arith.constant 9984 : i32
        %dma_wait3A_33 = arith.constant 0 : i32
        %dma_wait3A_34 = tpu.memref_slice %arg6[%dma_wait3A_32, %dma_wait3A_33] : memref<10000x128xf32, #tpu.memory_space<hbm>> -> memref<16x128xf32, #tpu.memory_space<hbm>>
        tpu.wait_dma2 semaphore(%run_scoped3A : memref<!tpu.dma_semaphore, #tpu.memory_space<semaphore_mem>>) src(%dma_wait3A_34 : memref<16x128xf32, #tpu.memory_space<hbm>>) dst(%dma_wait3A_31 : memref<16x128xf32, #tpu.memory_space<vmem_shared>>)
        tpu.yield
      }) : () -> ()
    } else {
    }
    %barrier3A = arith.constant 0 : index
    tpu.barrier barrier_id(%barrier3A)
    %eq3A_3 = arith.constant 0 : i32
    %eq3A_4 = arith.cmpi eq, %arg0, %eq3A_3 : i32
    %convert_element_type3A_5 = arith.extui %eq3A_4 : i1 to i32
    %cond3A_6 = arith.constant 0 : i32
    %cond3A_7 = arith.cmpi ne, %convert_element_type3A_5, %cond3A_6 : i32
    scf.if %cond3A_7 {
      %mul3A_25 = arith.constant 160 : i32
      %mul3A_26 = arith.muli %arg1, %mul3A_25 : i32
      %scan3A = arith.constant 0 : i32
      %scan3A_27 = arith.constant 0 : i32
      %scan3A_28 = arith.constant 4 : i32
      %scan3A_29 = arith.addi %scan3A_27, %scan3A_28 : i32
      %scan3A_30 = arith.constant 1 : i32
      scf.for %scan3A_32 = %scan3A_27 to %scan3A_29 step %scan3A_30  : i32 {
        %mul3A_33 = arith.constant 40 : i32
        %mul3A_34 = arith.muli %scan3A_32, %mul3A_33 : i32
        %add3A_35 = arith.addi %mul3A_26, %mul3A_34 : i32
        %multiple_of3A_36 = tpu.assume_multiple %add3A_35, 8 : i32
        "tpu.region"() ({
          %run_scoped3A = tpu.sem_alloc : memref<!tpu.dma_semaphore, #tpu.memory_space<semaphore_mem>>
          %dma_start3A_149 = arith.constant 0 : i32
          %dma_start3A_150 = tpu.memref_slice %arg4[%multiple_of3A_36, %dma_start3A_149] : memref<2560x128xi32, #tpu.memory_space<hbm>> -> memref<40x128xi32, #tpu.memory_space<hbm>>
          %dma_start3A_151 = arith.constant 0 : i32
          %dma_start3A_152 = tpu.memref_slice %arg4[%multiple_of3A_36, %dma_start3A_151] : memref<2560x128xi32, #tpu.memory_space<hbm>> -> memref<40x128xi32, #tpu.memory_space<hbm>>
          tpu.enqueue_dma source(%dma_start3A_152 : memref<40x128xi32, #tpu.memory_space<hbm>>) target(%arg8 : memref<40x128xi32, #tpu.memory_space<vmem>>) target_semaphore(%run_scoped3A : memref<!tpu.dma_semaphore, #tpu.memory_space<semaphore_mem>>)
          %dma_wait3A_153 = arith.constant 0 : i32
          %dma_wait3A_154 = tpu.memref_slice %arg4[%multiple_of3A_36, %dma_wait3A_153] : memref<2560x128xi32, #tpu.memory_space<hbm>> -> memref<40x128xi32, #tpu.memory_space<hbm>>
          %dma_wait3A_155 = arith.constant 0 : i32
          %dma_wait3A_156 = tpu.memref_slice %arg4[%multiple_of3A_36, %dma_wait3A_155] : memref<2560x128xi32, #tpu.memory_space<hbm>> -> memref<40x128xi32, #tpu.memory_space<hbm>>
          tpu.wait_dma2 semaphore(%run_scoped3A : memref<!tpu.dma_semaphore, #tpu.memory_space<semaphore_mem>>) src(%dma_wait3A_156 : memref<40x128xi32, #tpu.memory_space<hbm>>) dst(%arg8 : memref<40x128xi32, #tpu.memory_space<vmem>>)
          tpu.yield
        }) : () -> ()
        "tpu.region"() ({
          %run_scoped3A = tpu.sem_alloc : memref<!tpu.dma_semaphore, #tpu.memory_space<semaphore_mem>>
          %dma_start3A_149 = arith.constant 0 : i32
          %dma_start3A_150 = tpu.memref_slice %arg5[%multiple_of3A_36, %dma_start3A_149] : memref<2560x128xi32, #tpu.memory_space<hbm>> -> memref<40x128xi32, #tpu.memory_space<hbm>>
          %dma_start3A_151 = arith.constant 0 : i32
          %dma_start3A_152 = tpu.memref_slice %arg5[%multiple_of3A_36, %dma_start3A_151] : memref<2560x128xi32, #tpu.memory_space<hbm>> -> memref<40x128xi32, #tpu.memory_space<hbm>>
          tpu.enqueue_dma source(%dma_start3A_152 : memref<40x128xi32, #tpu.memory_space<hbm>>) target(%arg9 : memref<40x128xi32, #tpu.memory_space<vmem>>) target_semaphore(%run_scoped3A : memref<!tpu.dma_semaphore, #tpu.memory_space<semaphore_mem>>)
          %dma_wait3A_153 = arith.constant 0 : i32
          %dma_wait3A_154 = tpu.memref_slice %arg5[%multiple_of3A_36, %dma_wait3A_153] : memref<2560x128xi32, #tpu.memory_space<hbm>> -> memref<40x128xi32, #tpu.memory_space<hbm>>
          %dma_wait3A_155 = arith.constant 0 : i32
          %dma_wait3A_156 = tpu.memref_slice %arg5[%multiple_of3A_36, %dma_wait3A_155] : memref<2560x128xi32, #tpu.memory_space<hbm>> -> memref<40x128xi32, #tpu.memory_space<hbm>>
          tpu.wait_dma2 semaphore(%run_scoped3A : memref<!tpu.dma_semaphore, #tpu.memory_space<semaphore_mem>>) src(%dma_wait3A_156 : memref<40x128xi32, #tpu.memory_space<hbm>>) dst(%arg9 : memref<40x128xi32, #tpu.memory_space<vmem>>)
          tpu.yield
        }) : () -> ()
        %dma_start3A = arith.constant 0 : i32
        %dma_start3A_37 = arith.constant 0 : i32
        %dma_start3A_38 = arith.constant 0 : i32
        %dma_start3A_39 = tpu.memref_slice %arg10[%dma_start3A_37, %dma_start3A_38] : memref<128x128xf32, #tpu.memory_space<vmem>> -> memref<64x128xf32, #tpu.memory_space<vmem>>
        %dma_start3A_40 = arith.constant 0 : i32
        %dma_start3A_41 = tpu.memref_slice %arg8[%dma_start3A, %dma_start3A_40] : memref<40x128xi32, #tpu.memory_space<vmem>> -> memref<1x64xi32, #tpu.memory_space<vmem>>
        %dma_start3A_42 = tpu.memref_squeeze %dma_start3A_41 : memref<1x64xi32, #tpu.memory_space<vmem>> -> memref<64xi32, #tpu.memory_space<vmem>>
        %dma_start3A_43 = arith.constant 0 : i32
        %dma_start3A_44 = arith.constant 0 : i32
        %dma_start3A_45 = tpu.memref_slice %arg2[%dma_start3A_43, %dma_start3A_44] : memref<10000x128xf32, #tpu.memory_space<hbm>> -> memref<10000x128xf32, #tpu.memory_space<hbm>>
        tpu.enqueue_indirect_dma source(%dma_start3A_45 : memref<10000x128xf32, #tpu.memory_space<hbm>>) target(%dma_start3A_39 : memref<64x128xf32, #tpu.memory_space<vmem>>) offsets(%dma_start3A_42 : memref<64xi32, #tpu.memory_space<vmem>>) semaphore(%arg13 : memref<!tpu.dma_semaphore, #tpu.memory_space<semaphore_mem>>)
        %dma_start3A_46 = arith.constant 0 : i32
        %dma_start3A_47 = arith.constant 64 : i32
        %dma_start3A_48 = arith.constant 0 : i32
        %dma_start3A_49 = tpu.memref_slice %arg10[%dma_start3A_47, %dma_start3A_48] : memref<128x128xf32, #tpu.memory_space<vmem>> -> memref<64x128xf32, #tpu.memory_space<vmem>>
        %dma_start3A_50 = arith.constant 64 : i32
        %dma_start3A_51 = tpu.memref_slice %arg8[%dma_start3A_46, %dma_start3A_50] : memref<40x128xi32, #tpu.memory_space<vmem>> -> memref<1x64xi32, #tpu.memory_space<vmem>>
        %dma_start3A_52 = tpu.memref_squeeze %dma_start3A_51 : memref<1x64xi32, #tpu.memory_space<vmem>> -> memref<64xi32, #tpu.memory_space<vmem>>
        %dma_start3A_53 = arith.constant 0 : i32
        %dma_start3A_54 = arith.constant 0 : i32
        %dma_start3A_55 = tpu.memref_slice %arg2[%dma_start3A_53, %dma_start3A_54] : memref<10000x128xf32, #tpu.memory_space<hbm>> -> memref<10000x128xf32, #tpu.memory_space<hbm>>
        tpu.enqueue_indirect_dma source(%dma_start3A_55 : memref<10000x128xf32, #tpu.memory_space<hbm>>) target(%dma_start3A_49 : memref<64x128xf32, #tpu.memory_space<vmem>>) offsets(%dma_start3A_52 : memref<64xi32, #tpu.memory_space<vmem>>) semaphore(%arg13 : memref<!tpu.dma_semaphore, #tpu.memory_space<semaphore_mem>>)
        %dma_start3A_56 = arith.constant 1 : i32
        %dma_start3A_57 = arith.constant 0 : i32
        %dma_start3A_58 = arith.constant 0 : i32
        %dma_start3A_59 = tpu.memref_slice %arg11[%dma_start3A_57, %dma_start3A_58] : memref<128x128xf32, #tpu.memory_space<vmem>> -> memref<64x128xf32, #tpu.memory_space<vmem>>
        %dma_start3A_60 = arith.constant 0 : i32
        %dma_start3A_61 = tpu.memref_slice %arg8[%dma_start3A_56, %dma_start3A_60] : memref<40x128xi32, #tpu.memory_space<vmem>> -> memref<1x64xi32, #tpu.memory_space<vmem>>
        %dma_start3A_62 = tpu.memref_squeeze %dma_start3A_61 : memref<1x64xi32, #tpu.memory_space<vmem>> -> memref<64xi32, #tpu.memory_space<vmem>>
        %dma_start3A_63 = arith.constant 0 : i32
        %dma_start3A_64 = arith.constant 0 : i32
        %dma_start3A_65 = tpu.memref_slice %arg2[%dma_start3A_63, %dma_start3A_64] : memref<10000x128xf32, #tpu.memory_space<hbm>> -> memref<10000x128xf32, #tpu.memory_space<hbm>>
        tpu.enqueue_indirect_dma source(%dma_start3A_65 : memref<10000x128xf32, #tpu.memory_space<hbm>>) target(%dma_start3A_59 : memref<64x128xf32, #tpu.memory_space<vmem>>) offsets(%dma_start3A_62 : memref<64xi32, #tpu.memory_space<vmem>>) semaphore(%arg14 : memref<!tpu.dma_semaphore, #tpu.memory_space<semaphore_mem>>)
        %dma_start3A_66 = arith.constant 1 : i32
        %dma_start3A_67 = arith.constant 64 : i32
        %dma_start3A_68 = arith.constant 0 : i32
        %dma_start3A_69 = tpu.memref_slice %arg11[%dma_start3A_67, %dma_start3A_68] : memref<128x128xf32, #tpu.memory_space<vmem>> -> memref<64x128xf32, #tpu.memory_space<vmem>>
        %dma_start3A_70 = arith.constant 64 : i32
        %dma_start3A_71 = tpu.memref_slice %arg8[%dma_start3A_66, %dma_start3A_70] : memref<40x128xi32, #tpu.memory_space<vmem>> -> memref<1x64xi32, #tpu.memory_space<vmem>>
        %dma_start3A_72 = tpu.memref_squeeze %dma_start3A_71 : memref<1x64xi32, #tpu.memory_space<vmem>> -> memref<64xi32, #tpu.memory_space<vmem>>
        %dma_start3A_73 = arith.constant 0 : i32
        %dma_start3A_74 = arith.constant 0 : i32
        %dma_start3A_75 = tpu.memref_slice %arg2[%dma_start3A_73, %dma_start3A_74] : memref<10000x128xf32, #tpu.memory_space<hbm>> -> memref<10000x128xf32, #tpu.memory_space<hbm>>
        tpu.enqueue_indirect_dma source(%dma_start3A_75 : memref<10000x128xf32, #tpu.memory_space<hbm>>) target(%dma_start3A_69 : memref<64x128xf32, #tpu.memory_space<vmem>>) offsets(%dma_start3A_72 : memref<64xi32, #tpu.memory_space<vmem>>) semaphore(%arg14 : memref<!tpu.dma_semaphore, #tpu.memory_space<semaphore_mem>>)
        %dma_wait3A = arith.constant 0 : i32
        %dma_wait3A_76 = arith.constant 0 : i32
        %dma_wait3A_77 = arith.constant 0 : i32
        %dma_wait3A_78 = tpu.memref_slice %arg10[%dma_wait3A_76, %dma_wait3A_77] : memref<128x128xf32, #tpu.memory_space<vmem>> -> memref<64x128xf32, #tpu.memory_space<vmem>>
        %dma_wait3A_79 = arith.constant 0 : i32
        %dma_wait3A_80 = tpu.memref_slice %arg8[%dma_wait3A, %dma_wait3A_79] : memref<40x128xi32, #tpu.memory_space<vmem>> -> memref<1x64xi32, #tpu.memory_space<vmem>>
        %dma_wait3A_81 = tpu.memref_squeeze %dma_wait3A_80 : memref<1x64xi32, #tpu.memory_space<vmem>> -> memref<64xi32, #tpu.memory_space<vmem>>
        %dma_wait3A_82 = arith.constant 0 : i32
        %dma_wait3A_83 = arith.constant 0 : i32
        %dma_wait3A_84 = tpu.memref_slice %arg2[%dma_wait3A_82, %dma_wait3A_83] : memref<10000x128xf32, #tpu.memory_space<hbm>> -> memref<10000x128xf32, #tpu.memory_space<hbm>>
        tpu.wait_indirect_dma semaphore(%arg13 : memref<!tpu.dma_semaphore, #tpu.memory_space<semaphore_mem>>) src(%dma_wait3A_84 : memref<10000x128xf32, #tpu.memory_space<hbm>>) dst(%dma_wait3A_78 : memref<64x128xf32, #tpu.memory_space<vmem>>)
        %dma_wait3A_85 = arith.constant 0 : i32
        %dma_wait3A_86 = arith.constant 64 : i32
        %dma_wait3A_87 = arith.constant 0 : i32
        %dma_wait3A_88 = tpu.memref_slice %arg10[%dma_wait3A_86, %dma_wait3A_87] : memref<128x128xf32, #tpu.memory_space<vmem>> -> memref<64x128xf32, #tpu.memory_space<vmem>>
        %dma_wait3A_89 = arith.constant 64 : i32
        %dma_wait3A_90 = tpu.memref_slice %arg8[%dma_wait3A_85, %dma_wait3A_89] : memref<40x128xi32, #tpu.memory_space<vmem>> -> memref<1x64xi32, #tpu.memory_space<vmem>>
        %dma_wait3A_91 = tpu.memref_squeeze %dma_wait3A_90 : memref<1x64xi32, #tpu.memory_space<vmem>> -> memref<64xi32, #tpu.memory_space<vmem>>
        %dma_wait3A_92 = arith.constant 0 : i32
        %dma_wait3A_93 = arith.constant 0 : i32
        %dma_wait3A_94 = tpu.memref_slice %arg2[%dma_wait3A_92, %dma_wait3A_93] : memref<10000x128xf32, #tpu.memory_space<hbm>> -> memref<10000x128xf32, #tpu.memory_space<hbm>>
        tpu.wait_indirect_dma semaphore(%arg13 : memref<!tpu.dma_semaphore, #tpu.memory_space<semaphore_mem>>) src(%dma_wait3A_94 : memref<10000x128xf32, #tpu.memory_space<hbm>>) dst(%dma_wait3A_88 : memref<64x128xf32, #tpu.memory_space<vmem>>)
        %dma_start3A_95 = arith.constant 0 : i32
        %dma_start3A_96 = arith.constant 0 : i32
        %dma_start3A_97 = tpu.memref_slice %arg9[%dma_start3A_95, %dma_start3A_96] : memref<40x128xi32, #tpu.memory_space<vmem>> -> memref<1x128xi32, #tpu.memory_space<vmem>>
        %dma_start3A_98 = tpu.memref_squeeze %dma_start3A_97 : memref<1x128xi32, #tpu.memory_space<vmem>> -> memref<128xi32, #tpu.memory_space<vmem>>
        %dma_start3A_99 = arith.constant 0 : i32
        %dma_start3A_100 = arith.constant 0 : i32
        %dma_start3A_101 = tpu.memref_slice %arg12[%dma_start3A_99, %dma_start3A_100] : memref<10128x128xf32, #tpu.memory_space<vmem_shared>> -> memref<10128x128xf32, #tpu.memory_space<vmem_shared>>
        tpu.enqueue_indirect_dma source(%arg10 : memref<128x128xf32, #tpu.memory_space<vmem>>) target(%dma_start3A_101 : memref<10128x128xf32, #tpu.memory_space<vmem_shared>>) offsets(%dma_start3A_98 : memref<128xi32, #tpu.memory_space<vmem>>) semaphore(%arg15 : memref<!tpu.dma_semaphore, #tpu.memory_space<semaphore_mem>>) {add = true}
        %dma_wait3A_102 = arith.constant 0 : i32
        %dma_wait3A_103 = arith.constant 0 : i32
        %dma_wait3A_104 = arith.constant 0 : i32
        %dma_wait3A_105 = tpu.memref_slice %arg11[%dma_wait3A_103, %dma_wait3A_104] : memref<128x128xf32, #tpu.memory_space<vmem>> -> memref<64x128xf32, #tpu.memory_space<vmem>>
        %dma_wait3A_106 = arith.constant 0 : i32
        %dma_wait3A_107 = tpu.memref_slice %arg8[%dma_wait3A_102, %dma_wait3A_106] : memref<40x128xi32, #tpu.memory_space<vmem>> -> memref<1x64xi32, #tpu.memory_space<vmem>>
        %dma_wait3A_108 = tpu.memref_squeeze %dma_wait3A_107 : memref<1x64xi32, #tpu.memory_space<vmem>> -> memref<64xi32, #tpu.memory_space<vmem>>
        %dma_wait3A_109 = arith.constant 0 : i32
        %dma_wait3A_110 = arith.constant 0 : i32
        %dma_wait3A_111 = tpu.memref_slice %arg2[%dma_wait3A_109, %dma_wait3A_110] : memref<10000x128xf32, #tpu.memory_space<hbm>> -> memref<10000x128xf32, #tpu.memory_space<hbm>>
        tpu.wait_indirect_dma semaphore(%arg14 : memref<!tpu.dma_semaphore, #tpu.memory_space<semaphore_mem>>) src(%dma_wait3A_111 : memref<10000x128xf32, #tpu.memory_space<hbm>>) dst(%dma_wait3A_105 : memref<64x128xf32, #tpu.memory_space<vmem>>)
        %dma_wait3A_112 = arith.constant 0 : i32
        %dma_wait3A_113 = arith.constant 64 : i32
        %dma_wait3A_114 = arith.constant 0 : i32
        %dma_wait3A_115 = tpu.memref_slice %arg11[%dma_wait3A_113, %dma_wait3A_114] : memref<128x128xf32, #tpu.memory_space<vmem>> -> memref<64x128xf32, #tpu.memory_space<vmem>>
        %dma_wait3A_116 = arith.constant 64 : i32
        %dma_wait3A_117 = tpu.memref_slice %arg8[%dma_wait3A_112, %dma_wait3A_116] : memref<40x128xi32, #tpu.memory_space<vmem>> -> memref<1x64xi32, #tpu.memory_space<vmem>>
        %dma_wait3A_118 = tpu.memref_squeeze %dma_wait3A_117 : memref<1x64xi32, #tpu.memory_space<vmem>> -> memref<64xi32, #tpu.memory_space<vmem>>
        %dma_wait3A_119 = arith.constant 0 : i32
        %dma_wait3A_120 = arith.constant 0 : i32
        %dma_wait3A_121 = tpu.memref_slice %arg2[%dma_wait3A_119, %dma_wait3A_120] : memref<10000x128xf32, #tpu.memory_space<hbm>> -> memref<10000x128xf32, #tpu.memory_space<hbm>>
        tpu.wait_indirect_dma semaphore(%arg14 : memref<!tpu.dma_semaphore, #tpu.memory_space<semaphore_mem>>) src(%dma_wait3A_121 : memref<10000x128xf32, #tpu.memory_space<hbm>>) dst(%dma_wait3A_115 : memref<64x128xf32, #tpu.memory_space<vmem>>)
        %dma_start3A_122 = arith.constant 1 : i32
        %dma_start3A_123 = arith.constant 0 : i32
        %dma_start3A_124 = tpu.memref_slice %arg9[%dma_start3A_122, %dma_start3A_123] : memref<40x128xi32, #tpu.memory_space<vmem>> -> memref<1x128xi32, #tpu.memory_space<vmem>>
        %dma_start3A_125 = tpu.memref_squeeze %dma_start3A_124 : memref<1x128xi32, #tpu.memory_space<vmem>> -> memref<128xi32, #tpu.memory_space<vmem>>
        %dma_start3A_126 = arith.constant 0 : i32
        %dma_start3A_127 = arith.constant 0 : i32
        %dma_start3A_128 = tpu.memref_slice %arg12[%dma_start3A_126, %dma_start3A_127] : memref<10128x128xf32, #tpu.memory_space<vmem_shared>> -> memref<10128x128xf32, #tpu.memory_space<vmem_shared>>
        tpu.enqueue_indirect_dma source(%arg11 : memref<128x128xf32, #tpu.memory_space<vmem>>) target(%dma_start3A_128 : memref<10128x128xf32, #tpu.memory_space<vmem_shared>>) offsets(%dma_start3A_125 : memref<128xi32, #tpu.memory_space<vmem>>) semaphore(%arg16 : memref<!tpu.dma_semaphore, #tpu.memory_space<semaphore_mem>>) {add = true}
        %scan3A_129 = arith.constant 0 : i32
        %scan3A_130 = arith.constant 1 : i32
        %scan3A_131 = arith.constant 19 : i32
        %scan3A_132 = arith.addi %scan3A_130, %scan3A_131 : i32
        %scan3A_133 = arith.constant 1 : i32
        scf.for %scan3A_149 = %scan3A_130 to %scan3A_132 step %scan3A_133  : i32 {
          %mul3A_150 = arith.constant 2 : i32
          %mul3A_151 = arith.muli %scan3A_149, %mul3A_150 : i32
          %dma_wait3A_152 = arith.constant 0 : i32
          %dma_wait3A_153 = arith.constant 0 : i32
          %dma_wait3A_154 = tpu.memref_slice %arg9[%dma_wait3A_152, %dma_wait3A_153] : memref<40x128xi32, #tpu.memory_space<vmem>> -> memref<1x128xi32, #tpu.memory_space<vmem>>
          %dma_wait3A_155 = tpu.memref_squeeze %dma_wait3A_154 : memref<1x128xi32, #tpu.memory_space<vmem>> -> memref<128xi32, #tpu.memory_space<vmem>>
          %dma_wait3A_156 = arith.constant 0 : i32
          %dma_wait3A_157 = arith.constant 0 : i32
          %dma_wait3A_158 = tpu.memref_slice %arg12[%dma_wait3A_156, %dma_wait3A_157] : memref<10128x128xf32, #tpu.memory_space<vmem_shared>> -> memref<10128x128xf32, #tpu.memory_space<vmem_shared>>
          tpu.wait_indirect_dma semaphore(%arg15 : memref<!tpu.dma_semaphore, #tpu.memory_space<semaphore_mem>>) src(%arg10 : memref<128x128xf32, #tpu.memory_space<vmem>>) dst(%dma_wait3A_158 : memref<10128x128xf32, #tpu.memory_space<vmem_shared>>)
          %dma_start3A_159 = arith.constant 0 : i32
          %dma_start3A_160 = arith.constant 0 : i32
          %dma_start3A_161 = tpu.memref_slice %arg10[%dma_start3A_159, %dma_start3A_160] : memref<128x128xf32, #tpu.memory_space<vmem>> -> memref<64x128xf32, #tpu.memory_space<vmem>>
          %dma_start3A_162 = arith.constant 0 : i32
          %dma_start3A_163 = tpu.memref_slice %arg8[%mul3A_151, %dma_start3A_162] : memref<40x128xi32, #tpu.memory_space<vmem>> -> memref<1x64xi32, #tpu.memory_space<vmem>>
          %dma_start3A_164 = tpu.memref_squeeze %dma_start3A_163 : memref<1x64xi32, #tpu.memory_space<vmem>> -> memref<64xi32, #tpu.memory_space<vmem>>
          %dma_start3A_165 = arith.constant 0 : i32
          %dma_start3A_166 = arith.constant 0 : i32
          %dma_start3A_167 = tpu.memref_slice %arg2[%dma_start3A_165, %dma_start3A_166] : memref<10000x128xf32, #tpu.memory_space<hbm>> -> memref<10000x128xf32, #tpu.memory_space<hbm>>
          tpu.enqueue_indirect_dma source(%dma_start3A_167 : memref<10000x128xf32, #tpu.memory_space<hbm>>) target(%dma_start3A_161 : memref<64x128xf32, #tpu.memory_space<vmem>>) offsets(%dma_start3A_164 : memref<64xi32, #tpu.memory_space<vmem>>) semaphore(%arg13 : memref<!tpu.dma_semaphore, #tpu.memory_space<semaphore_mem>>)
          %dma_start3A_168 = arith.constant 64 : i32
          %dma_start3A_169 = arith.constant 0 : i32
          %dma_start3A_170 = tpu.memref_slice %arg10[%dma_start3A_168, %dma_start3A_169] : memref<128x128xf32, #tpu.memory_space<vmem>> -> memref<64x128xf32, #tpu.memory_space<vmem>>
          %dma_start3A_171 = arith.constant 64 : i32
          %dma_start3A_172 = tpu.memref_slice %arg8[%mul3A_151, %dma_start3A_171] : memref<40x128xi32, #tpu.memory_space<vmem>> -> memref<1x64xi32, #tpu.memory_space<vmem>>
          %dma_start3A_173 = tpu.memref_squeeze %dma_start3A_172 : memref<1x64xi32, #tpu.memory_space<vmem>> -> memref<64xi32, #tpu.memory_space<vmem>>
          %dma_start3A_174 = arith.constant 0 : i32
          %dma_start3A_175 = arith.constant 0 : i32
          %dma_start3A_176 = tpu.memref_slice %arg2[%dma_start3A_174, %dma_start3A_175] : memref<10000x128xf32, #tpu.memory_space<hbm>> -> memref<10000x128xf32, #tpu.memory_space<hbm>>
          tpu.enqueue_indirect_dma source(%dma_start3A_176 : memref<10000x128xf32, #tpu.memory_space<hbm>>) target(%dma_start3A_170 : memref<64x128xf32, #tpu.memory_space<vmem>>) offsets(%dma_start3A_173 : memref<64xi32, #tpu.memory_space<vmem>>) semaphore(%arg13 : memref<!tpu.dma_semaphore, #tpu.memory_space<semaphore_mem>>)
          %dma_wait3A_177 = arith.constant 0 : i32
          %dma_wait3A_178 = arith.constant 0 : i32
          %dma_wait3A_179 = tpu.memref_slice %arg9[%dma_wait3A_177, %dma_wait3A_178] : memref<40x128xi32, #tpu.memory_space<vmem>> -> memref<1x128xi32, #tpu.memory_space<vmem>>
          %dma_wait3A_180 = tpu.memref_squeeze %dma_wait3A_179 : memref<1x128xi32, #tpu.memory_space<vmem>> -> memref<128xi32, #tpu.memory_space<vmem>>
          %dma_wait3A_181 = arith.constant 0 : i32
          %dma_wait3A_182 = arith.constant 0 : i32
          %dma_wait3A_183 = tpu.memref_slice %arg12[%dma_wait3A_181, %dma_wait3A_182] : memref<10128x128xf32, #tpu.memory_space<vmem_shared>> -> memref<10128x128xf32, #tpu.memory_space<vmem_shared>>
          tpu.wait_indirect_dma semaphore(%arg16 : memref<!tpu.dma_semaphore, #tpu.memory_space<semaphore_mem>>) src(%arg11 : memref<128x128xf32, #tpu.memory_space<vmem>>) dst(%dma_wait3A_183 : memref<10128x128xf32, #tpu.memory_space<vmem_shared>>)
          %add3A_184 = arith.constant 1 : i32
          %add3A_185 = arith.addi %mul3A_151, %add3A_184 : i32
          %dma_start3A_186 = arith.constant 0 : i32
          %dma_start3A_187 = arith.constant 0 : i32
          %dma_start3A_188 = tpu.memref_slice %arg11[%dma_start3A_186, %dma_start3A_187] : memref<128x128xf32, #tpu.memory_space<vmem>> -> memref<64x128xf32, #tpu.memory_space<vmem>>
          %dma_start3A_189 = arith.constant 0 : i32
          %dma_start3A_190 = tpu.memref_slice %arg8[%add3A_185, %dma_start3A_189] : memref<40x128xi32, #tpu.memory_space<vmem>> -> memref<1x64xi32, #tpu.memory_space<vmem>>
          %dma_start3A_191 = tpu.memref_squeeze %dma_start3A_190 : memref<1x64xi32, #tpu.memory_space<vmem>> -> memref<64xi32, #tpu.memory_space<vmem>>
          %dma_start3A_192 = arith.constant 0 : i32
          %dma_start3A_193 = arith.constant 0 : i32
          %dma_start3A_194 = tpu.memref_slice %arg2[%dma_start3A_192, %dma_start3A_193] : memref<10000x128xf32, #tpu.memory_space<hbm>> -> memref<10000x128xf32, #tpu.memory_space<hbm>>
          tpu.enqueue_indirect_dma source(%dma_start3A_194 : memref<10000x128xf32, #tpu.memory_space<hbm>>) target(%dma_start3A_188 : memref<64x128xf32, #tpu.memory_space<vmem>>) offsets(%dma_start3A_191 : memref<64xi32, #tpu.memory_space<vmem>>) semaphore(%arg14 : memref<!tpu.dma_semaphore, #tpu.memory_space<semaphore_mem>>)
          %dma_start3A_195 = arith.constant 64 : i32
          %dma_start3A_196 = arith.constant 0 : i32
          %dma_start3A_197 = tpu.memref_slice %arg11[%dma_start3A_195, %dma_start3A_196] : memref<128x128xf32, #tpu.memory_space<vmem>> -> memref<64x128xf32, #tpu.memory_space<vmem>>
          %dma_start3A_198 = arith.constant 64 : i32
          %dma_start3A_199 = tpu.memref_slice %arg8[%add3A_185, %dma_start3A_198] : memref<40x128xi32, #tpu.memory_space<vmem>> -> memref<1x64xi32, #tpu.memory_space<vmem>>
          %dma_start3A_200 = tpu.memref_squeeze %dma_start3A_199 : memref<1x64xi32, #tpu.memory_space<vmem>> -> memref<64xi32, #tpu.memory_space<vmem>>
          %dma_start3A_201 = arith.constant 0 : i32
          %dma_start3A_202 = arith.constant 0 : i32
          %dma_start3A_203 = tpu.memref_slice %arg2[%dma_start3A_201, %dma_start3A_202] : memref<10000x128xf32, #tpu.memory_space<hbm>> -> memref<10000x128xf32, #tpu.memory_space<hbm>>
          tpu.enqueue_indirect_dma source(%dma_start3A_203 : memref<10000x128xf32, #tpu.memory_space<hbm>>) target(%dma_start3A_197 : memref<64x128xf32, #tpu.memory_space<vmem>>) offsets(%dma_start3A_200 : memref<64xi32, #tpu.memory_space<vmem>>) semaphore(%arg14 : memref<!tpu.dma_semaphore, #tpu.memory_space<semaphore_mem>>)
          %dma_wait3A_204 = arith.constant 0 : i32
          %dma_wait3A_205 = arith.constant 0 : i32
          %dma_wait3A_206 = arith.constant 0 : i32
          %dma_wait3A_207 = tpu.memref_slice %arg10[%dma_wait3A_205, %dma_wait3A_206] : memref<128x128xf32, #tpu.memory_space<vmem>> -> memref<64x128xf32, #tpu.memory_space<vmem>>
          %dma_wait3A_208 = arith.constant 0 : i32
          %dma_wait3A_209 = tpu.memref_slice %arg8[%dma_wait3A_204, %dma_wait3A_208] : memref<40x128xi32, #tpu.memory_space<vmem>> -> memref<1x64xi32, #tpu.memory_space<vmem>>
          %dma_wait3A_210 = tpu.memref_squeeze %dma_wait3A_209 : memref<1x64xi32, #tpu.memory_space<vmem>> -> memref<64xi32, #tpu.memory_space<vmem>>
          %dma_wait3A_211 = arith.constant 0 : i32
          %dma_wait3A_212 = arith.constant 0 : i32
          %dma_wait3A_213 = tpu.memref_slice %arg2[%dma_wait3A_211, %dma_wait3A_212] : memref<10000x128xf32, #tpu.memory_space<hbm>> -> memref<10000x128xf32, #tpu.memory_space<hbm>>
          tpu.wait_indirect_dma semaphore(%arg13 : memref<!tpu.dma_semaphore, #tpu.memory_space<semaphore_mem>>) src(%dma_wait3A_213 : memref<10000x128xf32, #tpu.memory_space<hbm>>) dst(%dma_wait3A_207 : memref<64x128xf32, #tpu.memory_space<vmem>>)
          %dma_wait3A_214 = arith.constant 0 : i32
          %dma_wait3A_215 = arith.constant 64 : i32
          %dma_wait3A_216 = arith.constant 0 : i32
          %dma_wait3A_217 = tpu.memref_slice %arg10[%dma_wait3A_215, %dma_wait3A_216] : memref<128x128xf32, #tpu.memory_space<vmem>> -> memref<64x128xf32, #tpu.memory_space<vmem>>
          %dma_wait3A_218 = arith.constant 64 : i32
          %dma_wait3A_219 = tpu.memref_slice %arg8[%dma_wait3A_214, %dma_wait3A_218] : memref<40x128xi32, #tpu.memory_space<vmem>> -> memref<1x64xi32, #tpu.memory_space<vmem>>
          %dma_wait3A_220 = tpu.memref_squeeze %dma_wait3A_219 : memref<1x64xi32, #tpu.memory_space<vmem>> -> memref<64xi32, #tpu.memory_space<vmem>>
          %dma_wait3A_221 = arith.constant 0 : i32
          %dma_wait3A_222 = arith.constant 0 : i32
          %dma_wait3A_223 = tpu.memref_slice %arg2[%dma_wait3A_221, %dma_wait3A_222] : memref<10000x128xf32, #tpu.memory_space<hbm>> -> memref<10000x128xf32, #tpu.memory_space<hbm>>
          tpu.wait_indirect_dma semaphore(%arg13 : memref<!tpu.dma_semaphore, #tpu.memory_space<semaphore_mem>>) src(%dma_wait3A_223 : memref<10000x128xf32, #tpu.memory_space<hbm>>) dst(%dma_wait3A_217 : memref<64x128xf32, #tpu.memory_space<vmem>>)
          %dma_start3A_224 = arith.constant 0 : i32
          %dma_start3A_225 = tpu.memref_slice %arg9[%mul3A_151, %dma_start3A_224] : memref<40x128xi32, #tpu.memory_space<vmem>> -> memref<1x128xi32, #tpu.memory_space<vmem>>
          %dma_start3A_226 = tpu.memref_squeeze %dma_start3A_225 : memref<1x128xi32, #tpu.memory_space<vmem>> -> memref<128xi32, #tpu.memory_space<vmem>>
          %dma_start3A_227 = arith.constant 0 : i32
          %dma_start3A_228 = arith.constant 0 : i32
          %dma_start3A_229 = tpu.memref_slice %arg12[%dma_start3A_227, %dma_start3A_228] : memref<10128x128xf32, #tpu.memory_space<vmem_shared>> -> memref<10128x128xf32, #tpu.memory_space<vmem_shared>>
          tpu.enqueue_indirect_dma source(%arg10 : memref<128x128xf32, #tpu.memory_space<vmem>>) target(%dma_start3A_229 : memref<10128x128xf32, #tpu.memory_space<vmem_shared>>) offsets(%dma_start3A_226 : memref<128xi32, #tpu.memory_space<vmem>>) semaphore(%arg15 : memref<!tpu.dma_semaphore, #tpu.memory_space<semaphore_mem>>) {add = true}
          %dma_wait3A_230 = arith.constant 0 : i32
          %dma_wait3A_231 = arith.constant 0 : i32
          %dma_wait3A_232 = arith.constant 0 : i32
          %dma_wait3A_233 = tpu.memref_slice %arg11[%dma_wait3A_231, %dma_wait3A_232] : memref<128x128xf32, #tpu.memory_space<vmem>> -> memref<64x128xf32, #tpu.memory_space<vmem>>
          %dma_wait3A_234 = arith.constant 0 : i32
          %dma_wait3A_235 = tpu.memref_slice %arg8[%dma_wait3A_230, %dma_wait3A_234] : memref<40x128xi32, #tpu.memory_space<vmem>> -> memref<1x64xi32, #tpu.memory_space<vmem>>
          %dma_wait3A_236 = tpu.memref_squeeze %dma_wait3A_235 : memref<1x64xi32, #tpu.memory_space<vmem>> -> memref<64xi32, #tpu.memory_space<vmem>>
          %dma_wait3A_237 = arith.constant 0 : i32
          %dma_wait3A_238 = arith.constant 0 : i32
          %dma_wait3A_239 = tpu.memref_slice %arg2[%dma_wait3A_237, %dma_wait3A_238] : memref<10000x128xf32, #tpu.memory_space<hbm>> -> memref<10000x128xf32, #tpu.memory_space<hbm>>
          tpu.wait_indirect_dma semaphore(%arg14 : memref<!tpu.dma_semaphore, #tpu.memory_space<semaphore_mem>>) src(%dma_wait3A_239 : memref<10000x128xf32, #tpu.memory_space<hbm>>) dst(%dma_wait3A_233 : memref<64x128xf32, #tpu.memory_space<vmem>>)
          %dma_wait3A_240 = arith.constant 0 : i32
          %dma_wait3A_241 = arith.constant 64 : i32
          %dma_wait3A_242 = arith.constant 0 : i32
          %dma_wait3A_243 = tpu.memref_slice %arg11[%dma_wait3A_241, %dma_wait3A_242] : memref<128x128xf32, #tpu.memory_space<vmem>> -> memref<64x128xf32, #tpu.memory_space<vmem>>
          %dma_wait3A_244 = arith.constant 64 : i32
          %dma_wait3A_245 = tpu.memref_slice %arg8[%dma_wait3A_240, %dma_wait3A_244] : memref<40x128xi32, #tpu.memory_space<vmem>> -> memref<1x64xi32, #tpu.memory_space<vmem>>
          %dma_wait3A_246 = tpu.memref_squeeze %dma_wait3A_245 : memref<1x64xi32, #tpu.memory_space<vmem>> -> memref<64xi32, #tpu.memory_space<vmem>>
          %dma_wait3A_247 = arith.constant 0 : i32
          %dma_wait3A_248 = arith.constant 0 : i32
          %dma_wait3A_249 = tpu.memref_slice %arg2[%dma_wait3A_247, %dma_wait3A_248] : memref<10000x128xf32, #tpu.memory_space<hbm>> -> memref<10000x128xf32, #tpu.memory_space<hbm>>
          tpu.wait_indirect_dma semaphore(%arg14 : memref<!tpu.dma_semaphore, #tpu.memory_space<semaphore_mem>>) src(%dma_wait3A_249 : memref<10000x128xf32, #tpu.memory_space<hbm>>) dst(%dma_wait3A_243 : memref<64x128xf32, #tpu.memory_space<vmem>>)
          %add3A_250 = arith.constant 1 : i32
          %add3A_251 = arith.addi %mul3A_151, %add3A_250 : i32
          %dma_start3A_252 = arith.constant 0 : i32
          %dma_start3A_253 = tpu.memref_slice %arg9[%add3A_251, %dma_start3A_252] : memref<40x128xi32, #tpu.memory_space<vmem>> -> memref<1x128xi32, #tpu.memory_space<vmem>>
          %dma_start3A_254 = tpu.memref_squeeze %dma_start3A_253 : memref<1x128xi32, #tpu.memory_space<vmem>> -> memref<128xi32, #tpu.memory_space<vmem>>
          %dma_start3A_255 = arith.constant 0 : i32
          %dma_start3A_256 = arith.constant 0 : i32
          %dma_start3A_257 = tpu.memref_slice %arg12[%dma_start3A_255, %dma_start3A_256] : memref<10128x128xf32, #tpu.memory_space<vmem_shared>> -> memref<10128x128xf32, #tpu.memory_space<vmem_shared>>
          tpu.enqueue_indirect_dma source(%arg11 : memref<128x128xf32, #tpu.memory_space<vmem>>) target(%dma_start3A_257 : memref<10128x128xf32, #tpu.memory_space<vmem_shared>>) offsets(%dma_start3A_254 : memref<128xi32, #tpu.memory_space<vmem>>) semaphore(%arg16 : memref<!tpu.dma_semaphore, #tpu.memory_space<semaphore_mem>>) {add = true}
        }
        %scan3A_134 = arith.constant 19 : i32
        %dma_wait3A_135 = arith.constant 0 : i32
        %dma_wait3A_136 = arith.constant 0 : i32
        %dma_wait3A_137 = tpu.memref_slice %arg9[%dma_wait3A_135, %dma_wait3A_136] : memref<40x128xi32, #tpu.memory_space<vmem>> -> memref<1x128xi32, #tpu.memory_space<vmem>>
        %dma_wait3A_138 = tpu.memref_squeeze %dma_wait3A_137 : memref<1x128xi32, #tpu.memory_space<vmem>> -> memref<128xi32, #tpu.memory_space<vmem>>
        %dma_wait3A_139 = arith.constant 0 : i32
        %dma_wait3A_140 = arith.constant 0 : i32
        %dma_wait3A_141 = tpu.memref_slice %arg12[%dma_wait3A_139, %dma_wait3A_140] : memref<10128x128xf32, #tpu.memory_space<vmem_shared>> -> memref<10128x128xf32, #tpu.memory_space<vmem_shared>>
        tpu.wait_indirect_dma semaphore(%arg15 : memref<!tpu.dma_semaphore, #tpu.memory_space<semaphore_mem>>) src(%arg10 : memref<128x128xf32, #tpu.memory_space<vmem>>) dst(%dma_wait3A_141 : memref<10128x128xf32, #tpu.memory_space<vmem_shared>>)
        %dma_wait3A_142 = arith.constant 0 : i32
        %dma_wait3A_143 = arith.constant 0 : i32
        %dma_wait3A_144 = tpu.memref_slice %arg9[%dma_wait3A_142, %dma_wait3A_143] : memref<40x128xi32, #tpu.memory_space<vmem>> -> memref<1x128xi32, #tpu.memory_space<vmem>>
        %dma_wait3A_145 = tpu.memref_squeeze %dma_wait3A_144 : memref<1x128xi32, #tpu.memory_space<vmem>> -> memref<128xi32, #tpu.memory_space<vmem>>
        %dma_wait3A_146 = arith.constant 0 : i32
        %dma_wait3A_147 = arith.constant 0 : i32
        %dma_wait3A_148 = tpu.memref_slice %arg12[%dma_wait3A_146, %dma_wait3A_147] : memref<10128x128xf32, #tpu.memory_space<vmem_shared>> -> memref<10128x128xf32, #tpu.memory_space<vmem_shared>>
        tpu.wait_indirect_dma semaphore(%arg16 : memref<!tpu.dma_semaphore, #tpu.memory_space<semaphore_mem>>) src(%arg11 : memref<128x128xf32, #tpu.memory_space<vmem>>) dst(%dma_wait3A_148 : memref<10128x128xf32, #tpu.memory_space<vmem_shared>>)
      }
      %scan3A_31 = arith.constant 4 : i32
    } else {
    }
    %eq3A_8 = arith.constant 1 : i32
    %eq3A_9 = arith.cmpi eq, %arg0, %eq3A_8 : i32
    %convert_element_type3A_10 = arith.extui %eq3A_9 : i1 to i32
    %cond3A_11 = arith.constant 0 : i32
    %cond3A_12 = arith.cmpi ne, %convert_element_type3A_10, %cond3A_11 : i32
    scf.if %cond3A_12 {
      %mul3A_25 = arith.constant 160 : i32
      %mul3A_26 = arith.muli %arg1, %mul3A_25 : i32
      %scan3A = arith.constant 0 : i32
      %scan3A_27 = arith.constant 0 : i32
      %scan3A_28 = arith.constant 4 : i32
      %scan3A_29 = arith.addi %scan3A_27, %scan3A_28 : i32
      %scan3A_30 = arith.constant 1 : i32
      scf.for %scan3A_32 = %scan3A_27 to %scan3A_29 step %scan3A_30  : i32 {
        %mul3A_33 = arith.constant 40 : i32
        %mul3A_34 = arith.muli %scan3A_32, %mul3A_33 : i32
        %add3A_35 = arith.addi %mul3A_26, %mul3A_34 : i32
        %multiple_of3A_36 = tpu.assume_multiple %add3A_35, 8 : i32
        "tpu.region"() ({
          %run_scoped3A = tpu.sem_alloc : memref<!tpu.dma_semaphore, #tpu.memory_space<semaphore_mem>>
          %dma_start3A_149 = arith.constant 0 : i32
          %dma_start3A_150 = tpu.memref_slice %arg4[%multiple_of3A_36, %dma_start3A_149] : memref<2560x128xi32, #tpu.memory_space<hbm>> -> memref<40x128xi32, #tpu.memory_space<hbm>>
          %dma_start3A_151 = arith.constant 0 : i32
          %dma_start3A_152 = tpu.memref_slice %arg4[%multiple_of3A_36, %dma_start3A_151] : memref<2560x128xi32, #tpu.memory_space<hbm>> -> memref<40x128xi32, #tpu.memory_space<hbm>>
          tpu.enqueue_dma source(%dma_start3A_152 : memref<40x128xi32, #tpu.memory_space<hbm>>) target(%arg8 : memref<40x128xi32, #tpu.memory_space<vmem>>) target_semaphore(%run_scoped3A : memref<!tpu.dma_semaphore, #tpu.memory_space<semaphore_mem>>)
          %dma_wait3A_153 = arith.constant 0 : i32
          %dma_wait3A_154 = tpu.memref_slice %arg4[%multiple_of3A_36, %dma_wait3A_153] : memref<2560x128xi32, #tpu.memory_space<hbm>> -> memref<40x128xi32, #tpu.memory_space<hbm>>
          %dma_wait3A_155 = arith.constant 0 : i32
          %dma_wait3A_156 = tpu.memref_slice %arg4[%multiple_of3A_36, %dma_wait3A_155] : memref<2560x128xi32, #tpu.memory_space<hbm>> -> memref<40x128xi32, #tpu.memory_space<hbm>>
          tpu.wait_dma2 semaphore(%run_scoped3A : memref<!tpu.dma_semaphore, #tpu.memory_space<semaphore_mem>>) src(%dma_wait3A_156 : memref<40x128xi32, #tpu.memory_space<hbm>>) dst(%arg8 : memref<40x128xi32, #tpu.memory_space<vmem>>)
          tpu.yield
        }) : () -> ()
        "tpu.region"() ({
          %run_scoped3A = tpu.sem_alloc : memref<!tpu.dma_semaphore, #tpu.memory_space<semaphore_mem>>
          %dma_start3A_149 = arith.constant 0 : i32
          %dma_start3A_150 = tpu.memref_slice %arg5[%multiple_of3A_36, %dma_start3A_149] : memref<2560x128xi32, #tpu.memory_space<hbm>> -> memref<40x128xi32, #tpu.memory_space<hbm>>
          %dma_start3A_151 = arith.constant 0 : i32
          %dma_start3A_152 = tpu.memref_slice %arg5[%multiple_of3A_36, %dma_start3A_151] : memref<2560x128xi32, #tpu.memory_space<hbm>> -> memref<40x128xi32, #tpu.memory_space<hbm>>
          tpu.enqueue_dma source(%dma_start3A_152 : memref<40x128xi32, #tpu.memory_space<hbm>>) target(%arg9 : memref<40x128xi32, #tpu.memory_space<vmem>>) target_semaphore(%run_scoped3A : memref<!tpu.dma_semaphore, #tpu.memory_space<semaphore_mem>>)
          %dma_wait3A_153 = arith.constant 0 : i32
          %dma_wait3A_154 = tpu.memref_slice %arg5[%multiple_of3A_36, %dma_wait3A_153] : memref<2560x128xi32, #tpu.memory_space<hbm>> -> memref<40x128xi32, #tpu.memory_space<hbm>>
          %dma_wait3A_155 = arith.constant 0 : i32
          %dma_wait3A_156 = tpu.memref_slice %arg5[%multiple_of3A_36, %dma_wait3A_155] : memref<2560x128xi32, #tpu.memory_space<hbm>> -> memref<40x128xi32, #tpu.memory_space<hbm>>
          tpu.wait_dma2 semaphore(%run_scoped3A : memref<!tpu.dma_semaphore, #tpu.memory_space<semaphore_mem>>) src(%dma_wait3A_156 : memref<40x128xi32, #tpu.memory_space<hbm>>) dst(%arg9 : memref<40x128xi32, #tpu.memory_space<vmem>>)
          tpu.yield
        }) : () -> ()
        %dma_start3A = arith.constant 0 : i32
        %dma_start3A_37 = arith.constant 0 : i32
        %dma_start3A_38 = arith.constant 0 : i32
        %dma_start3A_39 = tpu.memref_slice %arg10[%dma_start3A_37, %dma_start3A_38] : memref<128x128xf32, #tpu.memory_space<vmem>> -> memref<64x128xf32, #tpu.memory_space<vmem>>
        %dma_start3A_40 = arith.constant 0 : i32
        %dma_start3A_41 = tpu.memref_slice %arg8[%dma_start3A, %dma_start3A_40] : memref<40x128xi32, #tpu.memory_space<vmem>> -> memref<1x64xi32, #tpu.memory_space<vmem>>
        %dma_start3A_42 = tpu.memref_squeeze %dma_start3A_41 : memref<1x64xi32, #tpu.memory_space<vmem>> -> memref<64xi32, #tpu.memory_space<vmem>>
        %dma_start3A_43 = arith.constant 0 : i32
        %dma_start3A_44 = arith.constant 0 : i32
        %dma_start3A_45 = tpu.memref_slice %arg3[%dma_start3A_43, %dma_start3A_44] : memref<10000x128xf32, #tpu.memory_space<hbm>> -> memref<10000x128xf32, #tpu.memory_space<hbm>>
        tpu.enqueue_indirect_dma source(%dma_start3A_45 : memref<10000x128xf32, #tpu.memory_space<hbm>>) target(%dma_start3A_39 : memref<64x128xf32, #tpu.memory_space<vmem>>) offsets(%dma_start3A_42 : memref<64xi32, #tpu.memory_space<vmem>>) semaphore(%arg13 : memref<!tpu.dma_semaphore, #tpu.memory_space<semaphore_mem>>)
        %dma_start3A_46 = arith.constant 0 : i32
        %dma_start3A_47 = arith.constant 64 : i32
        %dma_start3A_48 = arith.constant 0 : i32
        %dma_start3A_49 = tpu.memref_slice %arg10[%dma_start3A_47, %dma_start3A_48] : memref<128x128xf32, #tpu.memory_space<vmem>> -> memref<64x128xf32, #tpu.memory_space<vmem>>
        %dma_start3A_50 = arith.constant 64 : i32
        %dma_start3A_51 = tpu.memref_slice %arg8[%dma_start3A_46, %dma_start3A_50] : memref<40x128xi32, #tpu.memory_space<vmem>> -> memref<1x64xi32, #tpu.memory_space<vmem>>
        %dma_start3A_52 = tpu.memref_squeeze %dma_start3A_51 : memref<1x64xi32, #tpu.memory_space<vmem>> -> memref<64xi32, #tpu.memory_space<vmem>>
        %dma_start3A_53 = arith.constant 0 : i32
        %dma_start3A_54 = arith.constant 0 : i32
        %dma_start3A_55 = tpu.memref_slice %arg3[%dma_start3A_53, %dma_start3A_54] : memref<10000x128xf32, #tpu.memory_space<hbm>> -> memref<10000x128xf32, #tpu.memory_space<hbm>>
        tpu.enqueue_indirect_dma source(%dma_start3A_55 : memref<10000x128xf32, #tpu.memory_space<hbm>>) target(%dma_start3A_49 : memref<64x128xf32, #tpu.memory_space<vmem>>) offsets(%dma_start3A_52 : memref<64xi32, #tpu.memory_space<vmem>>) semaphore(%arg13 : memref<!tpu.dma_semaphore, #tpu.memory_space<semaphore_mem>>)
        %dma_start3A_56 = arith.constant 1 : i32
        %dma_start3A_57 = arith.constant 0 : i32
        %dma_start3A_58 = arith.constant 0 : i32
        %dma_start3A_59 = tpu.memref_slice %arg11[%dma_start3A_57, %dma_start3A_58] : memref<128x128xf32, #tpu.memory_space<vmem>> -> memref<64x128xf32, #tpu.memory_space<vmem>>
        %dma_start3A_60 = arith.constant 0 : i32
        %dma_start3A_61 = tpu.memref_slice %arg8[%dma_start3A_56, %dma_start3A_60] : memref<40x128xi32, #tpu.memory_space<vmem>> -> memref<1x64xi32, #tpu.memory_space<vmem>>
        %dma_start3A_62 = tpu.memref_squeeze %dma_start3A_61 : memref<1x64xi32, #tpu.memory_space<vmem>> -> memref<64xi32, #tpu.memory_space<vmem>>
        %dma_start3A_63 = arith.constant 0 : i32
        %dma_start3A_64 = arith.constant 0 : i32
        %dma_start3A_65 = tpu.memref_slice %arg3[%dma_start3A_63, %dma_start3A_64] : memref<10000x128xf32, #tpu.memory_space<hbm>> -> memref<10000x128xf32, #tpu.memory_space<hbm>>
        tpu.enqueue_indirect_dma source(%dma_start3A_65 : memref<10000x128xf32, #tpu.memory_space<hbm>>) target(%dma_start3A_59 : memref<64x128xf32, #tpu.memory_space<vmem>>) offsets(%dma_start3A_62 : memref<64xi32, #tpu.memory_space<vmem>>) semaphore(%arg14 : memref<!tpu.dma_semaphore, #tpu.memory_space<semaphore_mem>>)
        %dma_start3A_66 = arith.constant 1 : i32
        %dma_start3A_67 = arith.constant 64 : i32
        %dma_start3A_68 = arith.constant 0 : i32
        %dma_start3A_69 = tpu.memref_slice %arg11[%dma_start3A_67, %dma_start3A_68] : memref<128x128xf32, #tpu.memory_space<vmem>> -> memref<64x128xf32, #tpu.memory_space<vmem>>
        %dma_start3A_70 = arith.constant 64 : i32
        %dma_start3A_71 = tpu.memref_slice %arg8[%dma_start3A_66, %dma_start3A_70] : memref<40x128xi32, #tpu.memory_space<vmem>> -> memref<1x64xi32, #tpu.memory_space<vmem>>
        %dma_start3A_72 = tpu.memref_squeeze %dma_start3A_71 : memref<1x64xi32, #tpu.memory_space<vmem>> -> memref<64xi32, #tpu.memory_space<vmem>>
        %dma_start3A_73 = arith.constant 0 : i32
        %dma_start3A_74 = arith.constant 0 : i32
        %dma_start3A_75 = tpu.memref_slice %arg3[%dma_start3A_73, %dma_start3A_74] : memref<10000x128xf32, #tpu.memory_space<hbm>> -> memref<10000x128xf32, #tpu.memory_space<hbm>>
        tpu.enqueue_indirect_dma source(%dma_start3A_75 : memref<10000x128xf32, #tpu.memory_space<hbm>>) target(%dma_start3A_69 : memref<64x128xf32, #tpu.memory_space<vmem>>) offsets(%dma_start3A_72 : memref<64xi32, #tpu.memory_space<vmem>>) semaphore(%arg14 : memref<!tpu.dma_semaphore, #tpu.memory_space<semaphore_mem>>)
        %dma_wait3A = arith.constant 0 : i32
        %dma_wait3A_76 = arith.constant 0 : i32
        %dma_wait3A_77 = arith.constant 0 : i32
        %dma_wait3A_78 = tpu.memref_slice %arg10[%dma_wait3A_76, %dma_wait3A_77] : memref<128x128xf32, #tpu.memory_space<vmem>> -> memref<64x128xf32, #tpu.memory_space<vmem>>
        %dma_wait3A_79 = arith.constant 0 : i32
        %dma_wait3A_80 = tpu.memref_slice %arg8[%dma_wait3A, %dma_wait3A_79] : memref<40x128xi32, #tpu.memory_space<vmem>> -> memref<1x64xi32, #tpu.memory_space<vmem>>
        %dma_wait3A_81 = tpu.memref_squeeze %dma_wait3A_80 : memref<1x64xi32, #tpu.memory_space<vmem>> -> memref<64xi32, #tpu.memory_space<vmem>>
        %dma_wait3A_82 = arith.constant 0 : i32
        %dma_wait3A_83 = arith.constant 0 : i32
        %dma_wait3A_84 = tpu.memref_slice %arg3[%dma_wait3A_82, %dma_wait3A_83] : memref<10000x128xf32, #tpu.memory_space<hbm>> -> memref<10000x128xf32, #tpu.memory_space<hbm>>
        tpu.wait_indirect_dma semaphore(%arg13 : memref<!tpu.dma_semaphore, #tpu.memory_space<semaphore_mem>>) src(%dma_wait3A_84 : memref<10000x128xf32, #tpu.memory_space<hbm>>) dst(%dma_wait3A_78 : memref<64x128xf32, #tpu.memory_space<vmem>>)
        %dma_wait3A_85 = arith.constant 0 : i32
        %dma_wait3A_86 = arith.constant 64 : i32
        %dma_wait3A_87 = arith.constant 0 : i32
        %dma_wait3A_88 = tpu.memref_slice %arg10[%dma_wait3A_86, %dma_wait3A_87] : memref<128x128xf32, #tpu.memory_space<vmem>> -> memref<64x128xf32, #tpu.memory_space<vmem>>
        %dma_wait3A_89 = arith.constant 64 : i32
        %dma_wait3A_90 = tpu.memref_slice %arg8[%dma_wait3A_85, %dma_wait3A_89] : memref<40x128xi32, #tpu.memory_space<vmem>> -> memref<1x64xi32, #tpu.memory_space<vmem>>
        %dma_wait3A_91 = tpu.memref_squeeze %dma_wait3A_90 : memref<1x64xi32, #tpu.memory_space<vmem>> -> memref<64xi32, #tpu.memory_space<vmem>>
        %dma_wait3A_92 = arith.constant 0 : i32
        %dma_wait3A_93 = arith.constant 0 : i32
        %dma_wait3A_94 = tpu.memref_slice %arg3[%dma_wait3A_92, %dma_wait3A_93] : memref<10000x128xf32, #tpu.memory_space<hbm>> -> memref<10000x128xf32, #tpu.memory_space<hbm>>
        tpu.wait_indirect_dma semaphore(%arg13 : memref<!tpu.dma_semaphore, #tpu.memory_space<semaphore_mem>>) src(%dma_wait3A_94 : memref<10000x128xf32, #tpu.memory_space<hbm>>) dst(%dma_wait3A_88 : memref<64x128xf32, #tpu.memory_space<vmem>>)
        %dma_start3A_95 = arith.constant 0 : i32
        %dma_start3A_96 = arith.constant 0 : i32
        %dma_start3A_97 = tpu.memref_slice %arg9[%dma_start3A_95, %dma_start3A_96] : memref<40x128xi32, #tpu.memory_space<vmem>> -> memref<1x128xi32, #tpu.memory_space<vmem>>
        %dma_start3A_98 = tpu.memref_squeeze %dma_start3A_97 : memref<1x128xi32, #tpu.memory_space<vmem>> -> memref<128xi32, #tpu.memory_space<vmem>>
        %dma_start3A_99 = arith.constant 0 : i32
        %dma_start3A_100 = arith.constant 0 : i32
        %dma_start3A_101 = tpu.memref_slice %arg12[%dma_start3A_99, %dma_start3A_100] : memref<10128x128xf32, #tpu.memory_space<vmem_shared>> -> memref<10128x128xf32, #tpu.memory_space<vmem_shared>>
        tpu.enqueue_indirect_dma source(%arg10 : memref<128x128xf32, #tpu.memory_space<vmem>>) target(%dma_start3A_101 : memref<10128x128xf32, #tpu.memory_space<vmem_shared>>) offsets(%dma_start3A_98 : memref<128xi32, #tpu.memory_space<vmem>>) semaphore(%arg15 : memref<!tpu.dma_semaphore, #tpu.memory_space<semaphore_mem>>) {add = true}
        %dma_wait3A_102 = arith.constant 0 : i32
        %dma_wait3A_103 = arith.constant 0 : i32
        %dma_wait3A_104 = arith.constant 0 : i32
        %dma_wait3A_105 = tpu.memref_slice %arg11[%dma_wait3A_103, %dma_wait3A_104] : memref<128x128xf32, #tpu.memory_space<vmem>> -> memref<64x128xf32, #tpu.memory_space<vmem>>
        %dma_wait3A_106 = arith.constant 0 : i32
        %dma_wait3A_107 = tpu.memref_slice %arg8[%dma_wait3A_102, %dma_wait3A_106] : memref<40x128xi32, #tpu.memory_space<vmem>> -> memref<1x64xi32, #tpu.memory_space<vmem>>
        %dma_wait3A_108 = tpu.memref_squeeze %dma_wait3A_107 : memref<1x64xi32, #tpu.memory_space<vmem>> -> memref<64xi32, #tpu.memory_space<vmem>>
        %dma_wait3A_109 = arith.constant 0 : i32
        %dma_wait3A_110 = arith.constant 0 : i32
        %dma_wait3A_111 = tpu.memref_slice %arg3[%dma_wait3A_109, %dma_wait3A_110] : memref<10000x128xf32, #tpu.memory_space<hbm>> -> memref<10000x128xf32, #tpu.memory_space<hbm>>
        tpu.wait_indirect_dma semaphore(%arg14 : memref<!tpu.dma_semaphore, #tpu.memory_space<semaphore_mem>>) src(%dma_wait3A_111 : memref<10000x128xf32, #tpu.memory_space<hbm>>) dst(%dma_wait3A_105 : memref<64x128xf32, #tpu.memory_space<vmem>>)
        %dma_wait3A_112 = arith.constant 0 : i32
        %dma_wait3A_113 = arith.constant 64 : i32
        %dma_wait3A_114 = arith.constant 0 : i32
        %dma_wait3A_115 = tpu.memref_slice %arg11[%dma_wait3A_113, %dma_wait3A_114] : memref<128x128xf32, #tpu.memory_space<vmem>> -> memref<64x128xf32, #tpu.memory_space<vmem>>
        %dma_wait3A_116 = arith.constant 64 : i32
        %dma_wait3A_117 = tpu.memref_slice %arg8[%dma_wait3A_112, %dma_wait3A_116] : memref<40x128xi32, #tpu.memory_space<vmem>> -> memref<1x64xi32, #tpu.memory_space<vmem>>
        %dma_wait3A_118 = tpu.memref_squeeze %dma_wait3A_117 : memref<1x64xi32, #tpu.memory_space<vmem>> -> memref<64xi32, #tpu.memory_space<vmem>>
        %dma_wait3A_119 = arith.constant 0 : i32
        %dma_wait3A_120 = arith.constant 0 : i32
        %dma_wait3A_121 = tpu.memref_slice %arg3[%dma_wait3A_119, %dma_wait3A_120] : memref<10000x128xf32, #tpu.memory_space<hbm>> -> memref<10000x128xf32, #tpu.memory_space<hbm>>
        tpu.wait_indirect_dma semaphore(%arg14 : memref<!tpu.dma_semaphore, #tpu.memory_space<semaphore_mem>>) src(%dma_wait3A_121 : memref<10000x128xf32, #tpu.memory_space<hbm>>) dst(%dma_wait3A_115 : memref<64x128xf32, #tpu.memory_space<vmem>>)
        %dma_start3A_122 = arith.constant 1 : i32
        %dma_start3A_123 = arith.constant 0 : i32
        %dma_start3A_124 = tpu.memref_slice %arg9[%dma_start3A_122, %dma_start3A_123] : memref<40x128xi32, #tpu.memory_space<vmem>> -> memref<1x128xi32, #tpu.memory_space<vmem>>
        %dma_start3A_125 = tpu.memref_squeeze %dma_start3A_124 : memref<1x128xi32, #tpu.memory_space<vmem>> -> memref<128xi32, #tpu.memory_space<vmem>>
        %dma_start3A_126 = arith.constant 0 : i32
        %dma_start3A_127 = arith.constant 0 : i32
        %dma_start3A_128 = tpu.memref_slice %arg12[%dma_start3A_126, %dma_start3A_127] : memref<10128x128xf32, #tpu.memory_space<vmem_shared>> -> memref<10128x128xf32, #tpu.memory_space<vmem_shared>>
        tpu.enqueue_indirect_dma source(%arg11 : memref<128x128xf32, #tpu.memory_space<vmem>>) target(%dma_start3A_128 : memref<10128x128xf32, #tpu.memory_space<vmem_shared>>) offsets(%dma_start3A_125 : memref<128xi32, #tpu.memory_space<vmem>>) semaphore(%arg16 : memref<!tpu.dma_semaphore, #tpu.memory_space<semaphore_mem>>) {add = true}
        %scan3A_129 = arith.constant 0 : i32
        %scan3A_130 = arith.constant 1 : i32
        %scan3A_131 = arith.constant 19 : i32
        %scan3A_132 = arith.addi %scan3A_130, %scan3A_131 : i32
        %scan3A_133 = arith.constant 1 : i32
        scf.for %scan3A_149 = %scan3A_130 to %scan3A_132 step %scan3A_133  : i32 {
          %mul3A_150 = arith.constant 2 : i32
          %mul3A_151 = arith.muli %scan3A_149, %mul3A_150 : i32
          %dma_wait3A_152 = arith.constant 0 : i32
          %dma_wait3A_153 = arith.constant 0 : i32
          %dma_wait3A_154 = tpu.memref_slice %arg9[%dma_wait3A_152, %dma_wait3A_153] : memref<40x128xi32, #tpu.memory_space<vmem>> -> memref<1x128xi32, #tpu.memory_space<vmem>>
          %dma_wait3A_155 = tpu.memref_squeeze %dma_wait3A_154 : memref<1x128xi32, #tpu.memory_space<vmem>> -> memref<128xi32, #tpu.memory_space<vmem>>
          %dma_wait3A_156 = arith.constant 0 : i32
          %dma_wait3A_157 = arith.constant 0 : i32
          %dma_wait3A_158 = tpu.memref_slice %arg12[%dma_wait3A_156, %dma_wait3A_157] : memref<10128x128xf32, #tpu.memory_space<vmem_shared>> -> memref<10128x128xf32, #tpu.memory_space<vmem_shared>>
          tpu.wait_indirect_dma semaphore(%arg15 : memref<!tpu.dma_semaphore, #tpu.memory_space<semaphore_mem>>) src(%arg10 : memref<128x128xf32, #tpu.memory_space<vmem>>) dst(%dma_wait3A_158 : memref<10128x128xf32, #tpu.memory_space<vmem_shared>>)
          %dma_start3A_159 = arith.constant 0 : i32
          %dma_start3A_160 = arith.constant 0 : i32
          %dma_start3A_161 = tpu.memref_slice %arg10[%dma_start3A_159, %dma_start3A_160] : memref<128x128xf32, #tpu.memory_space<vmem>> -> memref<64x128xf32, #tpu.memory_space<vmem>>
          %dma_start3A_162 = arith.constant 0 : i32
          %dma_start3A_163 = tpu.memref_slice %arg8[%mul3A_151, %dma_start3A_162] : memref<40x128xi32, #tpu.memory_space<vmem>> -> memref<1x64xi32, #tpu.memory_space<vmem>>
          %dma_start3A_164 = tpu.memref_squeeze %dma_start3A_163 : memref<1x64xi32, #tpu.memory_space<vmem>> -> memref<64xi32, #tpu.memory_space<vmem>>
          %dma_start3A_165 = arith.constant 0 : i32
          %dma_start3A_166 = arith.constant 0 : i32
          %dma_start3A_167 = tpu.memref_slice %arg3[%dma_start3A_165, %dma_start3A_166] : memref<10000x128xf32, #tpu.memory_space<hbm>> -> memref<10000x128xf32, #tpu.memory_space<hbm>>
          tpu.enqueue_indirect_dma source(%dma_start3A_167 : memref<10000x128xf32, #tpu.memory_space<hbm>>) target(%dma_start3A_161 : memref<64x128xf32, #tpu.memory_space<vmem>>) offsets(%dma_start3A_164 : memref<64xi32, #tpu.memory_space<vmem>>) semaphore(%arg13 : memref<!tpu.dma_semaphore, #tpu.memory_space<semaphore_mem>>)
          %dma_start3A_168 = arith.constant 64 : i32
          %dma_start3A_169 = arith.constant 0 : i32
          %dma_start3A_170 = tpu.memref_slice %arg10[%dma_start3A_168, %dma_start3A_169] : memref<128x128xf32, #tpu.memory_space<vmem>> -> memref<64x128xf32, #tpu.memory_space<vmem>>
          %dma_start3A_171 = arith.constant 64 : i32
          %dma_start3A_172 = tpu.memref_slice %arg8[%mul3A_151, %dma_start3A_171] : memref<40x128xi32, #tpu.memory_space<vmem>> -> memref<1x64xi32, #tpu.memory_space<vmem>>
          %dma_start3A_173 = tpu.memref_squeeze %dma_start3A_172 : memref<1x64xi32, #tpu.memory_space<vmem>> -> memref<64xi32, #tpu.memory_space<vmem>>
          %dma_start3A_174 = arith.constant 0 : i32
          %dma_start3A_175 = arith.constant 0 : i32
          %dma_start3A_176 = tpu.memref_slice %arg3[%dma_start3A_174, %dma_start3A_175] : memref<10000x128xf32, #tpu.memory_space<hbm>> -> memref<10000x128xf32, #tpu.memory_space<hbm>>
          tpu.enqueue_indirect_dma source(%dma_start3A_176 : memref<10000x128xf32, #tpu.memory_space<hbm>>) target(%dma_start3A_170 : memref<64x128xf32, #tpu.memory_space<vmem>>) offsets(%dma_start3A_173 : memref<64xi32, #tpu.memory_space<vmem>>) semaphore(%arg13 : memref<!tpu.dma_semaphore, #tpu.memory_space<semaphore_mem>>)
          %dma_wait3A_177 = arith.constant 0 : i32
          %dma_wait3A_178 = arith.constant 0 : i32
          %dma_wait3A_179 = tpu.memref_slice %arg9[%dma_wait3A_177, %dma_wait3A_178] : memref<40x128xi32, #tpu.memory_space<vmem>> -> memref<1x128xi32, #tpu.memory_space<vmem>>
          %dma_wait3A_180 = tpu.memref_squeeze %dma_wait3A_179 : memref<1x128xi32, #tpu.memory_space<vmem>> -> memref<128xi32, #tpu.memory_space<vmem>>
          %dma_wait3A_181 = arith.constant 0 : i32
          %dma_wait3A_182 = arith.constant 0 : i32
          %dma_wait3A_183 = tpu.memref_slice %arg12[%dma_wait3A_181, %dma_wait3A_182] : memref<10128x128xf32, #tpu.memory_space<vmem_shared>> -> memref<10128x128xf32, #tpu.memory_space<vmem_shared>>
          tpu.wait_indirect_dma semaphore(%arg16 : memref<!tpu.dma_semaphore, #tpu.memory_space<semaphore_mem>>) src(%arg11 : memref<128x128xf32, #tpu.memory_space<vmem>>) dst(%dma_wait3A_183 : memref<10128x128xf32, #tpu.memory_space<vmem_shared>>)
          %add3A_184 = arith.constant 1 : i32
          %add3A_185 = arith.addi %mul3A_151, %add3A_184 : i32
          %dma_start3A_186 = arith.constant 0 : i32
          %dma_start3A_187 = arith.constant 0 : i32
          %dma_start3A_188 = tpu.memref_slice %arg11[%dma_start3A_186, %dma_start3A_187] : memref<128x128xf32, #tpu.memory_space<vmem>> -> memref<64x128xf32, #tpu.memory_space<vmem>>
          %dma_start3A_189 = arith.constant 0 : i32
          %dma_start3A_190 = tpu.memref_slice %arg8[%add3A_185, %dma_start3A_189] : memref<40x128xi32, #tpu.memory_space<vmem>> -> memref<1x64xi32, #tpu.memory_space<vmem>>
          %dma_start3A_191 = tpu.memref_squeeze %dma_start3A_190 : memref<1x64xi32, #tpu.memory_space<vmem>> -> memref<64xi32, #tpu.memory_space<vmem>>
          %dma_start3A_192 = arith.constant 0 : i32
          %dma_start3A_193 = arith.constant 0 : i32
          %dma_start3A_194 = tpu.memref_slice %arg3[%dma_start3A_192, %dma_start3A_193] : memref<10000x128xf32, #tpu.memory_space<hbm>> -> memref<10000x128xf32, #tpu.memory_space<hbm>>
          tpu.enqueue_indirect_dma source(%dma_start3A_194 : memref<10000x128xf32, #tpu.memory_space<hbm>>) target(%dma_start3A_188 : memref<64x128xf32, #tpu.memory_space<vmem>>) offsets(%dma_start3A_191 : memref<64xi32, #tpu.memory_space<vmem>>) semaphore(%arg14 : memref<!tpu.dma_semaphore, #tpu.memory_space<semaphore_mem>>)
          %dma_start3A_195 = arith.constant 64 : i32
          %dma_start3A_196 = arith.constant 0 : i32
          %dma_start3A_197 = tpu.memref_slice %arg11[%dma_start3A_195, %dma_start3A_196] : memref<128x128xf32, #tpu.memory_space<vmem>> -> memref<64x128xf32, #tpu.memory_space<vmem>>
          %dma_start3A_198 = arith.constant 64 : i32
          %dma_start3A_199 = tpu.memref_slice %arg8[%add3A_185, %dma_start3A_198] : memref<40x128xi32, #tpu.memory_space<vmem>> -> memref<1x64xi32, #tpu.memory_space<vmem>>
          %dma_start3A_200 = tpu.memref_squeeze %dma_start3A_199 : memref<1x64xi32, #tpu.memory_space<vmem>> -> memref<64xi32, #tpu.memory_space<vmem>>
          %dma_start3A_201 = arith.constant 0 : i32
          %dma_start3A_202 = arith.constant 0 : i32
          %dma_start3A_203 = tpu.memref_slice %arg3[%dma_start3A_201, %dma_start3A_202] : memref<10000x128xf32, #tpu.memory_space<hbm>> -> memref<10000x128xf32, #tpu.memory_space<hbm>>
          tpu.enqueue_indirect_dma source(%dma_start3A_203 : memref<10000x128xf32, #tpu.memory_space<hbm>>) target(%dma_start3A_197 : memref<64x128xf32, #tpu.memory_space<vmem>>) offsets(%dma_start3A_200 : memref<64xi32, #tpu.memory_space<vmem>>) semaphore(%arg14 : memref<!tpu.dma_semaphore, #tpu.memory_space<semaphore_mem>>)
          %dma_wait3A_204 = arith.constant 0 : i32
          %dma_wait3A_205 = arith.constant 0 : i32
          %dma_wait3A_206 = arith.constant 0 : i32
          %dma_wait3A_207 = tpu.memref_slice %arg10[%dma_wait3A_205, %dma_wait3A_206] : memref<128x128xf32, #tpu.memory_space<vmem>> -> memref<64x128xf32, #tpu.memory_space<vmem>>
          %dma_wait3A_208 = arith.constant 0 : i32
          %dma_wait3A_209 = tpu.memref_slice %arg8[%dma_wait3A_204, %dma_wait3A_208] : memref<40x128xi32, #tpu.memory_space<vmem>> -> memref<1x64xi32, #tpu.memory_space<vmem>>
          %dma_wait3A_210 = tpu.memref_squeeze %dma_wait3A_209 : memref<1x64xi32, #tpu.memory_space<vmem>> -> memref<64xi32, #tpu.memory_space<vmem>>
          %dma_wait3A_211 = arith.constant 0 : i32
          %dma_wait3A_212 = arith.constant 0 : i32
          %dma_wait3A_213 = tpu.memref_slice %arg3[%dma_wait3A_211, %dma_wait3A_212] : memref<10000x128xf32, #tpu.memory_space<hbm>> -> memref<10000x128xf32, #tpu.memory_space<hbm>>
          tpu.wait_indirect_dma semaphore(%arg13 : memref<!tpu.dma_semaphore, #tpu.memory_space<semaphore_mem>>) src(%dma_wait3A_213 : memref<10000x128xf32, #tpu.memory_space<hbm>>) dst(%dma_wait3A_207 : memref<64x128xf32, #tpu.memory_space<vmem>>)
          %dma_wait3A_214 = arith.constant 0 : i32
          %dma_wait3A_215 = arith.constant 64 : i32
          %dma_wait3A_216 = arith.constant 0 : i32
          %dma_wait3A_217 = tpu.memref_slice %arg10[%dma_wait3A_215, %dma_wait3A_216] : memref<128x128xf32, #tpu.memory_space<vmem>> -> memref<64x128xf32, #tpu.memory_space<vmem>>
          %dma_wait3A_218 = arith.constant 64 : i32
          %dma_wait3A_219 = tpu.memref_slice %arg8[%dma_wait3A_214, %dma_wait3A_218] : memref<40x128xi32, #tpu.memory_space<vmem>> -> memref<1x64xi32, #tpu.memory_space<vmem>>
          %dma_wait3A_220 = tpu.memref_squeeze %dma_wait3A_219 : memref<1x64xi32, #tpu.memory_space<vmem>> -> memref<64xi32, #tpu.memory_space<vmem>>
          %dma_wait3A_221 = arith.constant 0 : i32
          %dma_wait3A_222 = arith.constant 0 : i32
          %dma_wait3A_223 = tpu.memref_slice %arg3[%dma_wait3A_221, %dma_wait3A_222] : memref<10000x128xf32, #tpu.memory_space<hbm>> -> memref<10000x128xf32, #tpu.memory_space<hbm>>
          tpu.wait_indirect_dma semaphore(%arg13 : memref<!tpu.dma_semaphore, #tpu.memory_space<semaphore_mem>>) src(%dma_wait3A_223 : memref<10000x128xf32, #tpu.memory_space<hbm>>) dst(%dma_wait3A_217 : memref<64x128xf32, #tpu.memory_space<vmem>>)
          %dma_start3A_224 = arith.constant 0 : i32
          %dma_start3A_225 = tpu.memref_slice %arg9[%mul3A_151, %dma_start3A_224] : memref<40x128xi32, #tpu.memory_space<vmem>> -> memref<1x128xi32, #tpu.memory_space<vmem>>
          %dma_start3A_226 = tpu.memref_squeeze %dma_start3A_225 : memref<1x128xi32, #tpu.memory_space<vmem>> -> memref<128xi32, #tpu.memory_space<vmem>>
          %dma_start3A_227 = arith.constant 0 : i32
          %dma_start3A_228 = arith.constant 0 : i32
          %dma_start3A_229 = tpu.memref_slice %arg12[%dma_start3A_227, %dma_start3A_228] : memref<10128x128xf32, #tpu.memory_space<vmem_shared>> -> memref<10128x128xf32, #tpu.memory_space<vmem_shared>>
          tpu.enqueue_indirect_dma source(%arg10 : memref<128x128xf32, #tpu.memory_space<vmem>>) target(%dma_start3A_229 : memref<10128x128xf32, #tpu.memory_space<vmem_shared>>) offsets(%dma_start3A_226 : memref<128xi32, #tpu.memory_space<vmem>>) semaphore(%arg15 : memref<!tpu.dma_semaphore, #tpu.memory_space<semaphore_mem>>) {add = true}
          %dma_wait3A_230 = arith.constant 0 : i32
          %dma_wait3A_231 = arith.constant 0 : i32
          %dma_wait3A_232 = arith.constant 0 : i32
          %dma_wait3A_233 = tpu.memref_slice %arg11[%dma_wait3A_231, %dma_wait3A_232] : memref<128x128xf32, #tpu.memory_space<vmem>> -> memref<64x128xf32, #tpu.memory_space<vmem>>
          %dma_wait3A_234 = arith.constant 0 : i32
          %dma_wait3A_235 = tpu.memref_slice %arg8[%dma_wait3A_230, %dma_wait3A_234] : memref<40x128xi32, #tpu.memory_space<vmem>> -> memref<1x64xi32, #tpu.memory_space<vmem>>
          %dma_wait3A_236 = tpu.memref_squeeze %dma_wait3A_235 : memref<1x64xi32, #tpu.memory_space<vmem>> -> memref<64xi32, #tpu.memory_space<vmem>>
          %dma_wait3A_237 = arith.constant 0 : i32
          %dma_wait3A_238 = arith.constant 0 : i32
          %dma_wait3A_239 = tpu.memref_slice %arg3[%dma_wait3A_237, %dma_wait3A_238] : memref<10000x128xf32, #tpu.memory_space<hbm>> -> memref<10000x128xf32, #tpu.memory_space<hbm>>
          tpu.wait_indirect_dma semaphore(%arg14 : memref<!tpu.dma_semaphore, #tpu.memory_space<semaphore_mem>>) src(%dma_wait3A_239 : memref<10000x128xf32, #tpu.memory_space<hbm>>) dst(%dma_wait3A_233 : memref<64x128xf32, #tpu.memory_space<vmem>>)
          %dma_wait3A_240 = arith.constant 0 : i32
          %dma_wait3A_241 = arith.constant 64 : i32
          %dma_wait3A_242 = arith.constant 0 : i32
          %dma_wait3A_243 = tpu.memref_slice %arg11[%dma_wait3A_241, %dma_wait3A_242] : memref<128x128xf32, #tpu.memory_space<vmem>> -> memref<64x128xf32, #tpu.memory_space<vmem>>
          %dma_wait3A_244 = arith.constant 64 : i32
          %dma_wait3A_245 = tpu.memref_slice %arg8[%dma_wait3A_240, %dma_wait3A_244] : memref<40x128xi32, #tpu.memory_space<vmem>> -> memref<1x64xi32, #tpu.memory_space<vmem>>
          %dma_wait3A_246 = tpu.memref_squeeze %dma_wait3A_245 : memref<1x64xi32, #tpu.memory_space<vmem>> -> memref<64xi32, #tpu.memory_space<vmem>>
          %dma_wait3A_247 = arith.constant 0 : i32
          %dma_wait3A_248 = arith.constant 0 : i32
          %dma_wait3A_249 = tpu.memref_slice %arg3[%dma_wait3A_247, %dma_wait3A_248] : memref<10000x128xf32, #tpu.memory_space<hbm>> -> memref<10000x128xf32, #tpu.memory_space<hbm>>
          tpu.wait_indirect_dma semaphore(%arg14 : memref<!tpu.dma_semaphore, #tpu.memory_space<semaphore_mem>>) src(%dma_wait3A_249 : memref<10000x128xf32, #tpu.memory_space<hbm>>) dst(%dma_wait3A_243 : memref<64x128xf32, #tpu.memory_space<vmem>>)
          %add3A_250 = arith.constant 1 : i32
          %add3A_251 = arith.addi %mul3A_151, %add3A_250 : i32
          %dma_start3A_252 = arith.constant 0 : i32
          %dma_start3A_253 = tpu.memref_slice %arg9[%add3A_251, %dma_start3A_252] : memref<40x128xi32, #tpu.memory_space<vmem>> -> memref<1x128xi32, #tpu.memory_space<vmem>>
          %dma_start3A_254 = tpu.memref_squeeze %dma_start3A_253 : memref<1x128xi32, #tpu.memory_space<vmem>> -> memref<128xi32, #tpu.memory_space<vmem>>
          %dma_start3A_255 = arith.constant 0 : i32
          %dma_start3A_256 = arith.constant 0 : i32
          %dma_start3A_257 = tpu.memref_slice %arg12[%dma_start3A_255, %dma_start3A_256] : memref<10128x128xf32, #tpu.memory_space<vmem_shared>> -> memref<10128x128xf32, #tpu.memory_space<vmem_shared>>
          tpu.enqueue_indirect_dma source(%arg11 : memref<128x128xf32, #tpu.memory_space<vmem>>) target(%dma_start3A_257 : memref<10128x128xf32, #tpu.memory_space<vmem_shared>>) offsets(%dma_start3A_254 : memref<128xi32, #tpu.memory_space<vmem>>) semaphore(%arg16 : memref<!tpu.dma_semaphore, #tpu.memory_space<semaphore_mem>>) {add = true}
        }
        %scan3A_134 = arith.constant 19 : i32
        %dma_wait3A_135 = arith.constant 0 : i32
        %dma_wait3A_136 = arith.constant 0 : i32
        %dma_wait3A_137 = tpu.memref_slice %arg9[%dma_wait3A_135, %dma_wait3A_136] : memref<40x128xi32, #tpu.memory_space<vmem>> -> memref<1x128xi32, #tpu.memory_space<vmem>>
        %dma_wait3A_138 = tpu.memref_squeeze %dma_wait3A_137 : memref<1x128xi32, #tpu.memory_space<vmem>> -> memref<128xi32, #tpu.memory_space<vmem>>
        %dma_wait3A_139 = arith.constant 0 : i32
        %dma_wait3A_140 = arith.constant 0 : i32
        %dma_wait3A_141 = tpu.memref_slice %arg12[%dma_wait3A_139, %dma_wait3A_140] : memref<10128x128xf32, #tpu.memory_space<vmem_shared>> -> memref<10128x128xf32, #tpu.memory_space<vmem_shared>>
        tpu.wait_indirect_dma semaphore(%arg15 : memref<!tpu.dma_semaphore, #tpu.memory_space<semaphore_mem>>) src(%arg10 : memref<128x128xf32, #tpu.memory_space<vmem>>) dst(%dma_wait3A_141 : memref<10128x128xf32, #tpu.memory_space<vmem_shared>>)
        %dma_wait3A_142 = arith.constant 0 : i32
        %dma_wait3A_143 = arith.constant 0 : i32
        %dma_wait3A_144 = tpu.memref_slice %arg9[%dma_wait3A_142, %dma_wait3A_143] : memref<40x128xi32, #tpu.memory_space<vmem>> -> memref<1x128xi32, #tpu.memory_space<vmem>>
        %dma_wait3A_145 = tpu.memref_squeeze %dma_wait3A_144 : memref<1x128xi32, #tpu.memory_space<vmem>> -> memref<128xi32, #tpu.memory_space<vmem>>
        %dma_wait3A_146 = arith.constant 0 : i32
        %dma_wait3A_147 = arith.constant 0 : i32
        %dma_wait3A_148 = tpu.memref_slice %arg12[%dma_wait3A_146, %dma_wait3A_147] : memref<10128x128xf32, #tpu.memory_space<vmem_shared>> -> memref<10128x128xf32, #tpu.memory_space<vmem_shared>>
        tpu.wait_indirect_dma semaphore(%arg16 : memref<!tpu.dma_semaphore, #tpu.memory_space<semaphore_mem>>) src(%arg11 : memref<128x128xf32, #tpu.memory_space<vmem>>) dst(%dma_wait3A_148 : memref<10128x128xf32, #tpu.memory_space<vmem_shared>>)
      }
      %scan3A_31 = arith.constant 4 : i32
    } else {
    }
    %barrier3A_13 = arith.constant 0 : index
    tpu.barrier barrier_id(%barrier3A_13)
    %mul3A_14 = arith.constant 10000 : i32
    %mul3A_15 = arith.muli %arg0, %mul3A_14 : i32
    %multiple_of3A_16 = tpu.assume_multiple %mul3A_15, 8 : i32
    %mul3A_17 = arith.constant 624 : i32
    %mul3A_18 = arith.muli %arg1, %mul3A_17 : i32
    %multiple_of3A_19 = tpu.assume_multiple %mul3A_18, 8 : i32
    %add3A = arith.addi %multiple_of3A_16, %multiple_of3A_19 : i32
    "tpu.region"() ({
      %run_scoped3A = tpu.sem_alloc : memref<!tpu.dma_semaphore, #tpu.memory_space<semaphore_mem>>
      %dma_start3A = arith.constant 0 : i32
      %dma_start3A_25 = tpu.memref_slice %arg7[%add3A, %dma_start3A] : memref<20000x128xf32, #tpu.memory_space<hbm>> -> memref<624x128xf32, #tpu.memory_space<hbm>>
      %dma_start3A_26 = arith.constant 0 : i32
      %dma_start3A_27 = tpu.memref_slice %arg12[%multiple_of3A_19, %dma_start3A_26] : memref<10128x128xf32, #tpu.memory_space<vmem_shared>> -> memref<624x128xf32, #tpu.memory_space<vmem_shared>>
      tpu.enqueue_dma source(%dma_start3A_27 : memref<624x128xf32, #tpu.memory_space<vmem_shared>>) target(%dma_start3A_25 : memref<624x128xf32, #tpu.memory_space<hbm>>) target_semaphore(%run_scoped3A : memref<!tpu.dma_semaphore, #tpu.memory_space<semaphore_mem>>)
      %dma_wait3A = arith.constant 0 : i32
      %dma_wait3A_28 = tpu.memref_slice %arg7[%add3A, %dma_wait3A] : memref<20000x128xf32, #tpu.memory_space<hbm>> -> memref<624x128xf32, #tpu.memory_space<hbm>>
      %dma_wait3A_29 = arith.constant 0 : i32
      %dma_wait3A_30 = tpu.memref_slice %arg12[%multiple_of3A_19, %dma_wait3A_29] : memref<10128x128xf32, #tpu.memory_space<vmem_shared>> -> memref<624x128xf32, #tpu.memory_space<vmem_shared>>
      tpu.wait_dma2 semaphore(%run_scoped3A : memref<!tpu.dma_semaphore, #tpu.memory_space<semaphore_mem>>) src(%dma_wait3A_30 : memref<624x128xf32, #tpu.memory_space<vmem_shared>>) dst(%dma_wait3A_28 : memref<624x128xf32, #tpu.memory_space<hbm>>)
      tpu.yield
    }) : () -> ()
    %eq3A_20 = arith.constant 15 : i32
    %eq3A_21 = arith.cmpi eq, %arg1, %eq3A_20 : i32
    %convert_element_type3A_22 = arith.extui %eq3A_21 : i1 to i32
    %cond3A_23 = arith.constant 0 : i32
    %cond3A_24 = arith.cmpi ne, %convert_element_type3A_22, %cond3A_23 : i32
    scf.if %cond3A_24 {
      %add3A_25 = arith.constant 9984 : i32
      %add3A_26 = arith.addi %multiple_of3A_16, %add3A_25 : i32
      "tpu.region"() ({
        %run_scoped3A = tpu.sem_alloc : memref<!tpu.dma_semaphore, #tpu.memory_space<semaphore_mem>>
        %dma_start3A = arith.constant 0 : i32
        %dma_start3A_27 = tpu.memref_slice %arg7[%add3A_26, %dma_start3A] : memref<20000x128xf32, #tpu.memory_space<hbm>> -> memref<16x128xf32, #tpu.memory_space<hbm>>
        %dma_start3A_28 = arith.constant 9984 : i32
        %dma_start3A_29 = arith.constant 0 : i32
        %dma_start3A_30 = tpu.memref_slice %arg12[%dma_start3A_28, %dma_start3A_29] : memref<10128x128xf32, #tpu.memory_space<vmem_shared>> -> memref<16x128xf32, #tpu.memory_space<vmem_shared>>
        tpu.enqueue_dma source(%dma_start3A_30 : memref<16x128xf32, #tpu.memory_space<vmem_shared>>) target(%dma_start3A_27 : memref<16x128xf32, #tpu.memory_space<hbm>>) target_semaphore(%run_scoped3A : memref<!tpu.dma_semaphore, #tpu.memory_space<semaphore_mem>>)
        %dma_wait3A = arith.constant 0 : i32
        %dma_wait3A_31 = tpu.memref_slice %arg7[%add3A_26, %dma_wait3A] : memref<20000x128xf32, #tpu.memory_space<hbm>> -> memref<16x128xf32, #tpu.memory_space<hbm>>
        %dma_wait3A_32 = arith.constant 9984 : i32
        %dma_wait3A_33 = arith.constant 0 : i32
        %dma_wait3A_34 = tpu.memref_slice %arg12[%dma_wait3A_32, %dma_wait3A_33] : memref<10128x128xf32, #tpu.memory_space<vmem_shared>> -> memref<16x128xf32, #tpu.memory_space<vmem_shared>>
        tpu.wait_dma2 semaphore(%run_scoped3A : memref<!tpu.dma_semaphore, #tpu.memory_space<semaphore_mem>>) src(%dma_wait3A_34 : memref<16x128xf32, #tpu.memory_space<vmem_shared>>) dst(%dma_wait3A_31 : memref<16x128xf32, #tpu.memory_space<hbm>>)
        tpu.yield
      }) : () -> ()
    } else {
    }
    return
  }
}

#map = affine_map<(d0, d1) -> (0, 0)>
module attributes {stable_mosaic.version = 14 : i64} {
  func.func @prop(%arg0: i32, %arg1: i32, %arg2: memref<10000x128xf32, #tpu.memory_space<hbm>>, %arg3: memref<2560x128xi32, #tpu.memory_space<hbm>>, %arg4: memref<2560x128xi32, #tpu.memory_space<hbm>>, %arg5: memref<10000x128xf32, #tpu.memory_space<hbm>>, %arg6: memref<20000x128xf32, #tpu.memory_space<hbm>>, %arg7: memref<40x128xi32, #tpu.memory_space<vmem>>, %arg8: memref<40x128xi32, #tpu.memory_space<vmem>>, %arg9: memref<128x128xf32, #tpu.memory_space<vmem>>, %arg10: memref<128x128xf32, #tpu.memory_space<vmem>>, %arg11: memref<10128x128xf32, #tpu.memory_space<vmem_shared>>, %arg12: memref<!tpu.dma_semaphore, #tpu.memory_space<semaphore_mem>>, %arg13: memref<!tpu.dma_semaphore, #tpu.memory_space<semaphore_mem>>, %arg14: memref<!tpu.dma_semaphore, #tpu.memory_space<semaphore_mem>>, %arg15: memref<!tpu.dma_semaphore, #tpu.memory_space<semaphore_mem>>) attributes {dimension_semantics = [#tpu.dimension_semantics<core_parallel>, #tpu.dimension_semantics<subcore_parallel>], iteration_bounds = array<i64: 2, 16>, scalar_prefetch = 0 : i64, scratch_operands = 9 : i64, tpu.core_type = #tpu.core_type<sc_vector_subcore>, window_params = [{transform_indices = #map}, {transform_indices = #map}, {transform_indices = #map}, {transform_indices = #map}, {transform_indices = #map}]} {
    %mul3A = arith.constant 624 : i32
    %mul3A_0 = arith.muli %arg1, %mul3A : i32
    %multiple_of3A = tpu.assume_multiple %mul3A_0, 8 : i32
    "tpu.region"() ({
      %run_scoped3A = tpu.sem_alloc : memref<!tpu.dma_semaphore, #tpu.memory_space<semaphore_mem>>
      %dma_start3A = arith.constant 0 : i32
      %dma_start3A_25 = tpu.memref_slice %arg11[%multiple_of3A, %dma_start3A] : memref<10128x128xf32, #tpu.memory_space<vmem_shared>> -> memref<624x128xf32, #tpu.memory_space<vmem_shared>>
      %dma_start3A_26 = arith.constant 0 : i32
      %dma_start3A_27 = tpu.memref_slice %arg5[%multiple_of3A, %dma_start3A_26] : memref<10000x128xf32, #tpu.memory_space<hbm>> -> memref<624x128xf32, #tpu.memory_space<hbm>>
      tpu.enqueue_dma source(%dma_start3A_27 : memref<624x128xf32, #tpu.memory_space<hbm>>) target(%dma_start3A_25 : memref<624x128xf32, #tpu.memory_space<vmem_shared>>) target_semaphore(%run_scoped3A : memref<!tpu.dma_semaphore, #tpu.memory_space<semaphore_mem>>)
      %dma_wait3A = arith.constant 0 : i32
      %dma_wait3A_28 = tpu.memref_slice %arg11[%multiple_of3A, %dma_wait3A] : memref<10128x128xf32, #tpu.memory_space<vmem_shared>> -> memref<624x128xf32, #tpu.memory_space<vmem_shared>>
      %dma_wait3A_29 = arith.constant 0 : i32
      %dma_wait3A_30 = tpu.memref_slice %arg5[%multiple_of3A, %dma_wait3A_29] : memref<10000x128xf32, #tpu.memory_space<hbm>> -> memref<624x128xf32, #tpu.memory_space<hbm>>
      tpu.wait_dma2 semaphore(%run_scoped3A : memref<!tpu.dma_semaphore, #tpu.memory_space<semaphore_mem>>) src(%dma_wait3A_30 : memref<624x128xf32, #tpu.memory_space<hbm>>) dst(%dma_wait3A_28 : memref<624x128xf32, #tpu.memory_space<vmem_shared>>)
      tpu.yield
    }) : () -> ()
    %eq3A = arith.constant 15 : i32
    %eq3A_1 = arith.cmpi eq, %arg1, %eq3A : i32
    %convert_element_type3A = arith.extui %eq3A_1 : i1 to i32
    %cond3A = arith.constant 0 : i32
    %cond3A_2 = arith.cmpi ne, %convert_element_type3A, %cond3A : i32
    scf.if %cond3A_2 {
      "tpu.region"() ({
        %run_scoped3A = tpu.sem_alloc : memref<!tpu.dma_semaphore, #tpu.memory_space<semaphore_mem>>
        %dma_start3A = arith.constant 9984 : i32
        %dma_start3A_25 = arith.constant 0 : i32
        %dma_start3A_26 = tpu.memref_slice %arg11[%dma_start3A, %dma_start3A_25] : memref<10128x128xf32, #tpu.memory_space<vmem_shared>> -> memref<16x128xf32, #tpu.memory_space<vmem_shared>>
        %dma_start3A_27 = arith.constant 9984 : i32
        %dma_start3A_28 = arith.constant 0 : i32
        %dma_start3A_29 = tpu.memref_slice %arg5[%dma_start3A_27, %dma_start3A_28] : memref<10000x128xf32, #tpu.memory_space<hbm>> -> memref<16x128xf32, #tpu.memory_space<hbm>>
        tpu.enqueue_dma source(%dma_start3A_29 : memref<16x128xf32, #tpu.memory_space<hbm>>) target(%dma_start3A_26 : memref<16x128xf32, #tpu.memory_space<vmem_shared>>) target_semaphore(%run_scoped3A : memref<!tpu.dma_semaphore, #tpu.memory_space<semaphore_mem>>)
        %dma_wait3A = arith.constant 9984 : i32
        %dma_wait3A_30 = arith.constant 0 : i32
        %dma_wait3A_31 = tpu.memref_slice %arg11[%dma_wait3A, %dma_wait3A_30] : memref<10128x128xf32, #tpu.memory_space<vmem_shared>> -> memref<16x128xf32, #tpu.memory_space<vmem_shared>>
        %dma_wait3A_32 = arith.constant 9984 : i32
        %dma_wait3A_33 = arith.constant 0 : i32
        %dma_wait3A_34 = tpu.memref_slice %arg5[%dma_wait3A_32, %dma_wait3A_33] : memref<10000x128xf32, #tpu.memory_space<hbm>> -> memref<16x128xf32, #tpu.memory_space<hbm>>
        tpu.wait_dma2 semaphore(%run_scoped3A : memref<!tpu.dma_semaphore, #tpu.memory_space<semaphore_mem>>) src(%dma_wait3A_34 : memref<16x128xf32, #tpu.memory_space<hbm>>) dst(%dma_wait3A_31 : memref<16x128xf32, #tpu.memory_space<vmem_shared>>)
        tpu.yield
      }) : () -> ()
    } else {
    }
    %barrier3A = arith.constant 0 : index
    tpu.barrier barrier_id(%barrier3A)
    %mul3A_3 = arith.constant 16 : i32
    %mul3A_4 = arith.muli %arg0, %mul3A_3 : i32
    %add3A = arith.addi %mul3A_4, %arg1 : i32
    %mul3A_5 = arith.constant 80 : i32
    %mul3A_6 = arith.muli %add3A, %mul3A_5 : i32
    %scan3A = arith.constant 0 : i32
    %scan3A_7 = arith.constant 0 : i32
    %scan3A_8 = arith.constant 2 : i32
    %scan3A_9 = arith.addi %scan3A_7, %scan3A_8 : i32
    %scan3A_10 = arith.constant 1 : i32
    scf.for %scan3A_25 = %scan3A_7 to %scan3A_9 step %scan3A_10  : i32 {
      %mul3A_26 = arith.constant 40 : i32
      %mul3A_27 = arith.muli %scan3A_25, %mul3A_26 : i32
      %add3A_28 = arith.addi %mul3A_6, %mul3A_27 : i32
      %multiple_of3A_29 = tpu.assume_multiple %add3A_28, 8 : i32
      "tpu.region"() ({
        %run_scoped3A = tpu.sem_alloc : memref<!tpu.dma_semaphore, #tpu.memory_space<semaphore_mem>>
        %dma_start3A_142 = arith.constant 0 : i32
        %dma_start3A_143 = tpu.memref_slice %arg3[%multiple_of3A_29, %dma_start3A_142] : memref<2560x128xi32, #tpu.memory_space<hbm>> -> memref<40x128xi32, #tpu.memory_space<hbm>>
        %dma_start3A_144 = arith.constant 0 : i32
        %dma_start3A_145 = tpu.memref_slice %arg3[%multiple_of3A_29, %dma_start3A_144] : memref<2560x128xi32, #tpu.memory_space<hbm>> -> memref<40x128xi32, #tpu.memory_space<hbm>>
        tpu.enqueue_dma source(%dma_start3A_145 : memref<40x128xi32, #tpu.memory_space<hbm>>) target(%arg7 : memref<40x128xi32, #tpu.memory_space<vmem>>) target_semaphore(%run_scoped3A : memref<!tpu.dma_semaphore, #tpu.memory_space<semaphore_mem>>)
        %dma_wait3A_146 = arith.constant 0 : i32
        %dma_wait3A_147 = tpu.memref_slice %arg3[%multiple_of3A_29, %dma_wait3A_146] : memref<2560x128xi32, #tpu.memory_space<hbm>> -> memref<40x128xi32, #tpu.memory_space<hbm>>
        %dma_wait3A_148 = arith.constant 0 : i32
        %dma_wait3A_149 = tpu.memref_slice %arg3[%multiple_of3A_29, %dma_wait3A_148] : memref<2560x128xi32, #tpu.memory_space<hbm>> -> memref<40x128xi32, #tpu.memory_space<hbm>>
        tpu.wait_dma2 semaphore(%run_scoped3A : memref<!tpu.dma_semaphore, #tpu.memory_space<semaphore_mem>>) src(%dma_wait3A_149 : memref<40x128xi32, #tpu.memory_space<hbm>>) dst(%arg7 : memref<40x128xi32, #tpu.memory_space<vmem>>)
        tpu.yield
      }) : () -> ()
      "tpu.region"() ({
        %run_scoped3A = tpu.sem_alloc : memref<!tpu.dma_semaphore, #tpu.memory_space<semaphore_mem>>
        %dma_start3A_142 = arith.constant 0 : i32
        %dma_start3A_143 = tpu.memref_slice %arg4[%multiple_of3A_29, %dma_start3A_142] : memref<2560x128xi32, #tpu.memory_space<hbm>> -> memref<40x128xi32, #tpu.memory_space<hbm>>
        %dma_start3A_144 = arith.constant 0 : i32
        %dma_start3A_145 = tpu.memref_slice %arg4[%multiple_of3A_29, %dma_start3A_144] : memref<2560x128xi32, #tpu.memory_space<hbm>> -> memref<40x128xi32, #tpu.memory_space<hbm>>
        tpu.enqueue_dma source(%dma_start3A_145 : memref<40x128xi32, #tpu.memory_space<hbm>>) target(%arg8 : memref<40x128xi32, #tpu.memory_space<vmem>>) target_semaphore(%run_scoped3A : memref<!tpu.dma_semaphore, #tpu.memory_space<semaphore_mem>>)
        %dma_wait3A_146 = arith.constant 0 : i32
        %dma_wait3A_147 = tpu.memref_slice %arg4[%multiple_of3A_29, %dma_wait3A_146] : memref<2560x128xi32, #tpu.memory_space<hbm>> -> memref<40x128xi32, #tpu.memory_space<hbm>>
        %dma_wait3A_148 = arith.constant 0 : i32
        %dma_wait3A_149 = tpu.memref_slice %arg4[%multiple_of3A_29, %dma_wait3A_148] : memref<2560x128xi32, #tpu.memory_space<hbm>> -> memref<40x128xi32, #tpu.memory_space<hbm>>
        tpu.wait_dma2 semaphore(%run_scoped3A : memref<!tpu.dma_semaphore, #tpu.memory_space<semaphore_mem>>) src(%dma_wait3A_149 : memref<40x128xi32, #tpu.memory_space<hbm>>) dst(%arg8 : memref<40x128xi32, #tpu.memory_space<vmem>>)
        tpu.yield
      }) : () -> ()
      %dma_start3A = arith.constant 0 : i32
      %dma_start3A_30 = arith.constant 0 : i32
      %dma_start3A_31 = arith.constant 0 : i32
      %dma_start3A_32 = tpu.memref_slice %arg9[%dma_start3A_30, %dma_start3A_31] : memref<128x128xf32, #tpu.memory_space<vmem>> -> memref<64x128xf32, #tpu.memory_space<vmem>>
      %dma_start3A_33 = arith.constant 0 : i32
      %dma_start3A_34 = tpu.memref_slice %arg7[%dma_start3A, %dma_start3A_33] : memref<40x128xi32, #tpu.memory_space<vmem>> -> memref<1x64xi32, #tpu.memory_space<vmem>>
      %dma_start3A_35 = tpu.memref_squeeze %dma_start3A_34 : memref<1x64xi32, #tpu.memory_space<vmem>> -> memref<64xi32, #tpu.memory_space<vmem>>
      %dma_start3A_36 = arith.constant 0 : i32
      %dma_start3A_37 = arith.constant 0 : i32
      %dma_start3A_38 = tpu.memref_slice %arg2[%dma_start3A_36, %dma_start3A_37] : memref<10000x128xf32, #tpu.memory_space<hbm>> -> memref<10000x128xf32, #tpu.memory_space<hbm>>
      tpu.enqueue_indirect_dma source(%dma_start3A_38 : memref<10000x128xf32, #tpu.memory_space<hbm>>) target(%dma_start3A_32 : memref<64x128xf32, #tpu.memory_space<vmem>>) offsets(%dma_start3A_35 : memref<64xi32, #tpu.memory_space<vmem>>) semaphore(%arg12 : memref<!tpu.dma_semaphore, #tpu.memory_space<semaphore_mem>>)
      %dma_start3A_39 = arith.constant 0 : i32
      %dma_start3A_40 = arith.constant 64 : i32
      %dma_start3A_41 = arith.constant 0 : i32
      %dma_start3A_42 = tpu.memref_slice %arg9[%dma_start3A_40, %dma_start3A_41] : memref<128x128xf32, #tpu.memory_space<vmem>> -> memref<64x128xf32, #tpu.memory_space<vmem>>
      %dma_start3A_43 = arith.constant 64 : i32
      %dma_start3A_44 = tpu.memref_slice %arg7[%dma_start3A_39, %dma_start3A_43] : memref<40x128xi32, #tpu.memory_space<vmem>> -> memref<1x64xi32, #tpu.memory_space<vmem>>
      %dma_start3A_45 = tpu.memref_squeeze %dma_start3A_44 : memref<1x64xi32, #tpu.memory_space<vmem>> -> memref<64xi32, #tpu.memory_space<vmem>>
      %dma_start3A_46 = arith.constant 0 : i32
      %dma_start3A_47 = arith.constant 0 : i32
      %dma_start3A_48 = tpu.memref_slice %arg2[%dma_start3A_46, %dma_start3A_47] : memref<10000x128xf32, #tpu.memory_space<hbm>> -> memref<10000x128xf32, #tpu.memory_space<hbm>>
      tpu.enqueue_indirect_dma source(%dma_start3A_48 : memref<10000x128xf32, #tpu.memory_space<hbm>>) target(%dma_start3A_42 : memref<64x128xf32, #tpu.memory_space<vmem>>) offsets(%dma_start3A_45 : memref<64xi32, #tpu.memory_space<vmem>>) semaphore(%arg12 : memref<!tpu.dma_semaphore, #tpu.memory_space<semaphore_mem>>)
      %dma_start3A_49 = arith.constant 1 : i32
      %dma_start3A_50 = arith.constant 0 : i32
      %dma_start3A_51 = arith.constant 0 : i32
      %dma_start3A_52 = tpu.memref_slice %arg10[%dma_start3A_50, %dma_start3A_51] : memref<128x128xf32, #tpu.memory_space<vmem>> -> memref<64x128xf32, #tpu.memory_space<vmem>>
      %dma_start3A_53 = arith.constant 0 : i32
      %dma_start3A_54 = tpu.memref_slice %arg7[%dma_start3A_49, %dma_start3A_53] : memref<40x128xi32, #tpu.memory_space<vmem>> -> memref<1x64xi32, #tpu.memory_space<vmem>>
      %dma_start3A_55 = tpu.memref_squeeze %dma_start3A_54 : memref<1x64xi32, #tpu.memory_space<vmem>> -> memref<64xi32, #tpu.memory_space<vmem>>
      %dma_start3A_56 = arith.constant 0 : i32
      %dma_start3A_57 = arith.constant 0 : i32
      %dma_start3A_58 = tpu.memref_slice %arg2[%dma_start3A_56, %dma_start3A_57] : memref<10000x128xf32, #tpu.memory_space<hbm>> -> memref<10000x128xf32, #tpu.memory_space<hbm>>
      tpu.enqueue_indirect_dma source(%dma_start3A_58 : memref<10000x128xf32, #tpu.memory_space<hbm>>) target(%dma_start3A_52 : memref<64x128xf32, #tpu.memory_space<vmem>>) offsets(%dma_start3A_55 : memref<64xi32, #tpu.memory_space<vmem>>) semaphore(%arg13 : memref<!tpu.dma_semaphore, #tpu.memory_space<semaphore_mem>>)
      %dma_start3A_59 = arith.constant 1 : i32
      %dma_start3A_60 = arith.constant 64 : i32
      %dma_start3A_61 = arith.constant 0 : i32
      %dma_start3A_62 = tpu.memref_slice %arg10[%dma_start3A_60, %dma_start3A_61] : memref<128x128xf32, #tpu.memory_space<vmem>> -> memref<64x128xf32, #tpu.memory_space<vmem>>
      %dma_start3A_63 = arith.constant 64 : i32
      %dma_start3A_64 = tpu.memref_slice %arg7[%dma_start3A_59, %dma_start3A_63] : memref<40x128xi32, #tpu.memory_space<vmem>> -> memref<1x64xi32, #tpu.memory_space<vmem>>
      %dma_start3A_65 = tpu.memref_squeeze %dma_start3A_64 : memref<1x64xi32, #tpu.memory_space<vmem>> -> memref<64xi32, #tpu.memory_space<vmem>>
      %dma_start3A_66 = arith.constant 0 : i32
      %dma_start3A_67 = arith.constant 0 : i32
      %dma_start3A_68 = tpu.memref_slice %arg2[%dma_start3A_66, %dma_start3A_67] : memref<10000x128xf32, #tpu.memory_space<hbm>> -> memref<10000x128xf32, #tpu.memory_space<hbm>>
      tpu.enqueue_indirect_dma source(%dma_start3A_68 : memref<10000x128xf32, #tpu.memory_space<hbm>>) target(%dma_start3A_62 : memref<64x128xf32, #tpu.memory_space<vmem>>) offsets(%dma_start3A_65 : memref<64xi32, #tpu.memory_space<vmem>>) semaphore(%arg13 : memref<!tpu.dma_semaphore, #tpu.memory_space<semaphore_mem>>)
      %dma_wait3A = arith.constant 0 : i32
      %dma_wait3A_69 = arith.constant 0 : i32
      %dma_wait3A_70 = arith.constant 0 : i32
      %dma_wait3A_71 = tpu.memref_slice %arg9[%dma_wait3A_69, %dma_wait3A_70] : memref<128x128xf32, #tpu.memory_space<vmem>> -> memref<64x128xf32, #tpu.memory_space<vmem>>
      %dma_wait3A_72 = arith.constant 0 : i32
      %dma_wait3A_73 = tpu.memref_slice %arg7[%dma_wait3A, %dma_wait3A_72] : memref<40x128xi32, #tpu.memory_space<vmem>> -> memref<1x64xi32, #tpu.memory_space<vmem>>
      %dma_wait3A_74 = tpu.memref_squeeze %dma_wait3A_73 : memref<1x64xi32, #tpu.memory_space<vmem>> -> memref<64xi32, #tpu.memory_space<vmem>>
      %dma_wait3A_75 = arith.constant 0 : i32
      %dma_wait3A_76 = arith.constant 0 : i32
      %dma_wait3A_77 = tpu.memref_slice %arg2[%dma_wait3A_75, %dma_wait3A_76] : memref<10000x128xf32, #tpu.memory_space<hbm>> -> memref<10000x128xf32, #tpu.memory_space<hbm>>
      tpu.wait_indirect_dma semaphore(%arg12 : memref<!tpu.dma_semaphore, #tpu.memory_space<semaphore_mem>>) src(%dma_wait3A_77 : memref<10000x128xf32, #tpu.memory_space<hbm>>) dst(%dma_wait3A_71 : memref<64x128xf32, #tpu.memory_space<vmem>>)
      %dma_wait3A_78 = arith.constant 0 : i32
      %dma_wait3A_79 = arith.constant 64 : i32
      %dma_wait3A_80 = arith.constant 0 : i32
      %dma_wait3A_81 = tpu.memref_slice %arg9[%dma_wait3A_79, %dma_wait3A_80] : memref<128x128xf32, #tpu.memory_space<vmem>> -> memref<64x128xf32, #tpu.memory_space<vmem>>
      %dma_wait3A_82 = arith.constant 64 : i32
      %dma_wait3A_83 = tpu.memref_slice %arg7[%dma_wait3A_78, %dma_wait3A_82] : memref<40x128xi32, #tpu.memory_space<vmem>> -> memref<1x64xi32, #tpu.memory_space<vmem>>
      %dma_wait3A_84 = tpu.memref_squeeze %dma_wait3A_83 : memref<1x64xi32, #tpu.memory_space<vmem>> -> memref<64xi32, #tpu.memory_space<vmem>>
      %dma_wait3A_85 = arith.constant 0 : i32
      %dma_wait3A_86 = arith.constant 0 : i32
      %dma_wait3A_87 = tpu.memref_slice %arg2[%dma_wait3A_85, %dma_wait3A_86] : memref<10000x128xf32, #tpu.memory_space<hbm>> -> memref<10000x128xf32, #tpu.memory_space<hbm>>
      tpu.wait_indirect_dma semaphore(%arg12 : memref<!tpu.dma_semaphore, #tpu.memory_space<semaphore_mem>>) src(%dma_wait3A_87 : memref<10000x128xf32, #tpu.memory_space<hbm>>) dst(%dma_wait3A_81 : memref<64x128xf32, #tpu.memory_space<vmem>>)
      %dma_start3A_88 = arith.constant 0 : i32
      %dma_start3A_89 = arith.constant 0 : i32
      %dma_start3A_90 = tpu.memref_slice %arg8[%dma_start3A_88, %dma_start3A_89] : memref<40x128xi32, #tpu.memory_space<vmem>> -> memref<1x128xi32, #tpu.memory_space<vmem>>
      %dma_start3A_91 = tpu.memref_squeeze %dma_start3A_90 : memref<1x128xi32, #tpu.memory_space<vmem>> -> memref<128xi32, #tpu.memory_space<vmem>>
      %dma_start3A_92 = arith.constant 0 : i32
      %dma_start3A_93 = arith.constant 0 : i32
      %dma_start3A_94 = tpu.memref_slice %arg11[%dma_start3A_92, %dma_start3A_93] : memref<10128x128xf32, #tpu.memory_space<vmem_shared>> -> memref<10128x128xf32, #tpu.memory_space<vmem_shared>>
      tpu.enqueue_indirect_dma source(%arg9 : memref<128x128xf32, #tpu.memory_space<vmem>>) target(%dma_start3A_94 : memref<10128x128xf32, #tpu.memory_space<vmem_shared>>) offsets(%dma_start3A_91 : memref<128xi32, #tpu.memory_space<vmem>>) semaphore(%arg14 : memref<!tpu.dma_semaphore, #tpu.memory_space<semaphore_mem>>) {add = true}
      %dma_wait3A_95 = arith.constant 0 : i32
      %dma_wait3A_96 = arith.constant 0 : i32
      %dma_wait3A_97 = arith.constant 0 : i32
      %dma_wait3A_98 = tpu.memref_slice %arg10[%dma_wait3A_96, %dma_wait3A_97] : memref<128x128xf32, #tpu.memory_space<vmem>> -> memref<64x128xf32, #tpu.memory_space<vmem>>
      %dma_wait3A_99 = arith.constant 0 : i32
      %dma_wait3A_100 = tpu.memref_slice %arg7[%dma_wait3A_95, %dma_wait3A_99] : memref<40x128xi32, #tpu.memory_space<vmem>> -> memref<1x64xi32, #tpu.memory_space<vmem>>
      %dma_wait3A_101 = tpu.memref_squeeze %dma_wait3A_100 : memref<1x64xi32, #tpu.memory_space<vmem>> -> memref<64xi32, #tpu.memory_space<vmem>>
      %dma_wait3A_102 = arith.constant 0 : i32
      %dma_wait3A_103 = arith.constant 0 : i32
      %dma_wait3A_104 = tpu.memref_slice %arg2[%dma_wait3A_102, %dma_wait3A_103] : memref<10000x128xf32, #tpu.memory_space<hbm>> -> memref<10000x128xf32, #tpu.memory_space<hbm>>
      tpu.wait_indirect_dma semaphore(%arg13 : memref<!tpu.dma_semaphore, #tpu.memory_space<semaphore_mem>>) src(%dma_wait3A_104 : memref<10000x128xf32, #tpu.memory_space<hbm>>) dst(%dma_wait3A_98 : memref<64x128xf32, #tpu.memory_space<vmem>>)
      %dma_wait3A_105 = arith.constant 0 : i32
      %dma_wait3A_106 = arith.constant 64 : i32
      %dma_wait3A_107 = arith.constant 0 : i32
      %dma_wait3A_108 = tpu.memref_slice %arg10[%dma_wait3A_106, %dma_wait3A_107] : memref<128x128xf32, #tpu.memory_space<vmem>> -> memref<64x128xf32, #tpu.memory_space<vmem>>
      %dma_wait3A_109 = arith.constant 64 : i32
      %dma_wait3A_110 = tpu.memref_slice %arg7[%dma_wait3A_105, %dma_wait3A_109] : memref<40x128xi32, #tpu.memory_space<vmem>> -> memref<1x64xi32, #tpu.memory_space<vmem>>
      %dma_wait3A_111 = tpu.memref_squeeze %dma_wait3A_110 : memref<1x64xi32, #tpu.memory_space<vmem>> -> memref<64xi32, #tpu.memory_space<vmem>>
      %dma_wait3A_112 = arith.constant 0 : i32
      %dma_wait3A_113 = arith.constant 0 : i32
      %dma_wait3A_114 = tpu.memref_slice %arg2[%dma_wait3A_112, %dma_wait3A_113] : memref<10000x128xf32, #tpu.memory_space<hbm>> -> memref<10000x128xf32, #tpu.memory_space<hbm>>
      tpu.wait_indirect_dma semaphore(%arg13 : memref<!tpu.dma_semaphore, #tpu.memory_space<semaphore_mem>>) src(%dma_wait3A_114 : memref<10000x128xf32, #tpu.memory_space<hbm>>) dst(%dma_wait3A_108 : memref<64x128xf32, #tpu.memory_space<vmem>>)
      %dma_start3A_115 = arith.constant 1 : i32
      %dma_start3A_116 = arith.constant 0 : i32
      %dma_start3A_117 = tpu.memref_slice %arg8[%dma_start3A_115, %dma_start3A_116] : memref<40x128xi32, #tpu.memory_space<vmem>> -> memref<1x128xi32, #tpu.memory_space<vmem>>
      %dma_start3A_118 = tpu.memref_squeeze %dma_start3A_117 : memref<1x128xi32, #tpu.memory_space<vmem>> -> memref<128xi32, #tpu.memory_space<vmem>>
      %dma_start3A_119 = arith.constant 0 : i32
      %dma_start3A_120 = arith.constant 0 : i32
      %dma_start3A_121 = tpu.memref_slice %arg11[%dma_start3A_119, %dma_start3A_120] : memref<10128x128xf32, #tpu.memory_space<vmem_shared>> -> memref<10128x128xf32, #tpu.memory_space<vmem_shared>>
      tpu.enqueue_indirect_dma source(%arg10 : memref<128x128xf32, #tpu.memory_space<vmem>>) target(%dma_start3A_121 : memref<10128x128xf32, #tpu.memory_space<vmem_shared>>) offsets(%dma_start3A_118 : memref<128xi32, #tpu.memory_space<vmem>>) semaphore(%arg15 : memref<!tpu.dma_semaphore, #tpu.memory_space<semaphore_mem>>) {add = true}
      %scan3A_122 = arith.constant 0 : i32
      %scan3A_123 = arith.constant 1 : i32
      %scan3A_124 = arith.constant 19 : i32
      %scan3A_125 = arith.addi %scan3A_123, %scan3A_124 : i32
      %scan3A_126 = arith.constant 1 : i32
      scf.for %scan3A_142 = %scan3A_123 to %scan3A_125 step %scan3A_126  : i32 {
        %mul3A_143 = arith.constant 2 : i32
        %mul3A_144 = arith.muli %scan3A_142, %mul3A_143 : i32
        %dma_wait3A_145 = arith.constant 0 : i32
        %dma_wait3A_146 = arith.constant 0 : i32
        %dma_wait3A_147 = tpu.memref_slice %arg8[%dma_wait3A_145, %dma_wait3A_146] : memref<40x128xi32, #tpu.memory_space<vmem>> -> memref<1x128xi32, #tpu.memory_space<vmem>>
        %dma_wait3A_148 = tpu.memref_squeeze %dma_wait3A_147 : memref<1x128xi32, #tpu.memory_space<vmem>> -> memref<128xi32, #tpu.memory_space<vmem>>
        %dma_wait3A_149 = arith.constant 0 : i32
        %dma_wait3A_150 = arith.constant 0 : i32
        %dma_wait3A_151 = tpu.memref_slice %arg11[%dma_wait3A_149, %dma_wait3A_150] : memref<10128x128xf32, #tpu.memory_space<vmem_shared>> -> memref<10128x128xf32, #tpu.memory_space<vmem_shared>>
        tpu.wait_indirect_dma semaphore(%arg14 : memref<!tpu.dma_semaphore, #tpu.memory_space<semaphore_mem>>) src(%arg9 : memref<128x128xf32, #tpu.memory_space<vmem>>) dst(%dma_wait3A_151 : memref<10128x128xf32, #tpu.memory_space<vmem_shared>>)
        %dma_start3A_152 = arith.constant 0 : i32
        %dma_start3A_153 = arith.constant 0 : i32
        %dma_start3A_154 = tpu.memref_slice %arg9[%dma_start3A_152, %dma_start3A_153] : memref<128x128xf32, #tpu.memory_space<vmem>> -> memref<64x128xf32, #tpu.memory_space<vmem>>
        %dma_start3A_155 = arith.constant 0 : i32
        %dma_start3A_156 = tpu.memref_slice %arg7[%mul3A_144, %dma_start3A_155] : memref<40x128xi32, #tpu.memory_space<vmem>> -> memref<1x64xi32, #tpu.memory_space<vmem>>
        %dma_start3A_157 = tpu.memref_squeeze %dma_start3A_156 : memref<1x64xi32, #tpu.memory_space<vmem>> -> memref<64xi32, #tpu.memory_space<vmem>>
        %dma_start3A_158 = arith.constant 0 : i32
        %dma_start3A_159 = arith.constant 0 : i32
        %dma_start3A_160 = tpu.memref_slice %arg2[%dma_start3A_158, %dma_start3A_159] : memref<10000x128xf32, #tpu.memory_space<hbm>> -> memref<10000x128xf32, #tpu.memory_space<hbm>>
        tpu.enqueue_indirect_dma source(%dma_start3A_160 : memref<10000x128xf32, #tpu.memory_space<hbm>>) target(%dma_start3A_154 : memref<64x128xf32, #tpu.memory_space<vmem>>) offsets(%dma_start3A_157 : memref<64xi32, #tpu.memory_space<vmem>>) semaphore(%arg12 : memref<!tpu.dma_semaphore, #tpu.memory_space<semaphore_mem>>)
        %dma_start3A_161 = arith.constant 64 : i32
        %dma_start3A_162 = arith.constant 0 : i32
        %dma_start3A_163 = tpu.memref_slice %arg9[%dma_start3A_161, %dma_start3A_162] : memref<128x128xf32, #tpu.memory_space<vmem>> -> memref<64x128xf32, #tpu.memory_space<vmem>>
        %dma_start3A_164 = arith.constant 64 : i32
        %dma_start3A_165 = tpu.memref_slice %arg7[%mul3A_144, %dma_start3A_164] : memref<40x128xi32, #tpu.memory_space<vmem>> -> memref<1x64xi32, #tpu.memory_space<vmem>>
        %dma_start3A_166 = tpu.memref_squeeze %dma_start3A_165 : memref<1x64xi32, #tpu.memory_space<vmem>> -> memref<64xi32, #tpu.memory_space<vmem>>
        %dma_start3A_167 = arith.constant 0 : i32
        %dma_start3A_168 = arith.constant 0 : i32
        %dma_start3A_169 = tpu.memref_slice %arg2[%dma_start3A_167, %dma_start3A_168] : memref<10000x128xf32, #tpu.memory_space<hbm>> -> memref<10000x128xf32, #tpu.memory_space<hbm>>
        tpu.enqueue_indirect_dma source(%dma_start3A_169 : memref<10000x128xf32, #tpu.memory_space<hbm>>) target(%dma_start3A_163 : memref<64x128xf32, #tpu.memory_space<vmem>>) offsets(%dma_start3A_166 : memref<64xi32, #tpu.memory_space<vmem>>) semaphore(%arg12 : memref<!tpu.dma_semaphore, #tpu.memory_space<semaphore_mem>>)
        %dma_wait3A_170 = arith.constant 0 : i32
        %dma_wait3A_171 = arith.constant 0 : i32
        %dma_wait3A_172 = tpu.memref_slice %arg8[%dma_wait3A_170, %dma_wait3A_171] : memref<40x128xi32, #tpu.memory_space<vmem>> -> memref<1x128xi32, #tpu.memory_space<vmem>>
        %dma_wait3A_173 = tpu.memref_squeeze %dma_wait3A_172 : memref<1x128xi32, #tpu.memory_space<vmem>> -> memref<128xi32, #tpu.memory_space<vmem>>
        %dma_wait3A_174 = arith.constant 0 : i32
        %dma_wait3A_175 = arith.constant 0 : i32
        %dma_wait3A_176 = tpu.memref_slice %arg11[%dma_wait3A_174, %dma_wait3A_175] : memref<10128x128xf32, #tpu.memory_space<vmem_shared>> -> memref<10128x128xf32, #tpu.memory_space<vmem_shared>>
        tpu.wait_indirect_dma semaphore(%arg15 : memref<!tpu.dma_semaphore, #tpu.memory_space<semaphore_mem>>) src(%arg10 : memref<128x128xf32, #tpu.memory_space<vmem>>) dst(%dma_wait3A_176 : memref<10128x128xf32, #tpu.memory_space<vmem_shared>>)
        %add3A_177 = arith.constant 1 : i32
        %add3A_178 = arith.addi %mul3A_144, %add3A_177 : i32
        %dma_start3A_179 = arith.constant 0 : i32
        %dma_start3A_180 = arith.constant 0 : i32
        %dma_start3A_181 = tpu.memref_slice %arg10[%dma_start3A_179, %dma_start3A_180] : memref<128x128xf32, #tpu.memory_space<vmem>> -> memref<64x128xf32, #tpu.memory_space<vmem>>
        %dma_start3A_182 = arith.constant 0 : i32
        %dma_start3A_183 = tpu.memref_slice %arg7[%add3A_178, %dma_start3A_182] : memref<40x128xi32, #tpu.memory_space<vmem>> -> memref<1x64xi32, #tpu.memory_space<vmem>>
        %dma_start3A_184 = tpu.memref_squeeze %dma_start3A_183 : memref<1x64xi32, #tpu.memory_space<vmem>> -> memref<64xi32, #tpu.memory_space<vmem>>
        %dma_start3A_185 = arith.constant 0 : i32
        %dma_start3A_186 = arith.constant 0 : i32
        %dma_start3A_187 = tpu.memref_slice %arg2[%dma_start3A_185, %dma_start3A_186] : memref<10000x128xf32, #tpu.memory_space<hbm>> -> memref<10000x128xf32, #tpu.memory_space<hbm>>
        tpu.enqueue_indirect_dma source(%dma_start3A_187 : memref<10000x128xf32, #tpu.memory_space<hbm>>) target(%dma_start3A_181 : memref<64x128xf32, #tpu.memory_space<vmem>>) offsets(%dma_start3A_184 : memref<64xi32, #tpu.memory_space<vmem>>) semaphore(%arg13 : memref<!tpu.dma_semaphore, #tpu.memory_space<semaphore_mem>>)
        %dma_start3A_188 = arith.constant 64 : i32
        %dma_start3A_189 = arith.constant 0 : i32
        %dma_start3A_190 = tpu.memref_slice %arg10[%dma_start3A_188, %dma_start3A_189] : memref<128x128xf32, #tpu.memory_space<vmem>> -> memref<64x128xf32, #tpu.memory_space<vmem>>
        %dma_start3A_191 = arith.constant 64 : i32
        %dma_start3A_192 = tpu.memref_slice %arg7[%add3A_178, %dma_start3A_191] : memref<40x128xi32, #tpu.memory_space<vmem>> -> memref<1x64xi32, #tpu.memory_space<vmem>>
        %dma_start3A_193 = tpu.memref_squeeze %dma_start3A_192 : memref<1x64xi32, #tpu.memory_space<vmem>> -> memref<64xi32, #tpu.memory_space<vmem>>
        %dma_start3A_194 = arith.constant 0 : i32
        %dma_start3A_195 = arith.constant 0 : i32
        %dma_start3A_196 = tpu.memref_slice %arg2[%dma_start3A_194, %dma_start3A_195] : memref<10000x128xf32, #tpu.memory_space<hbm>> -> memref<10000x128xf32, #tpu.memory_space<hbm>>
        tpu.enqueue_indirect_dma source(%dma_start3A_196 : memref<10000x128xf32, #tpu.memory_space<hbm>>) target(%dma_start3A_190 : memref<64x128xf32, #tpu.memory_space<vmem>>) offsets(%dma_start3A_193 : memref<64xi32, #tpu.memory_space<vmem>>) semaphore(%arg13 : memref<!tpu.dma_semaphore, #tpu.memory_space<semaphore_mem>>)
        %dma_wait3A_197 = arith.constant 0 : i32
        %dma_wait3A_198 = arith.constant 0 : i32
        %dma_wait3A_199 = arith.constant 0 : i32
        %dma_wait3A_200 = tpu.memref_slice %arg9[%dma_wait3A_198, %dma_wait3A_199] : memref<128x128xf32, #tpu.memory_space<vmem>> -> memref<64x128xf32, #tpu.memory_space<vmem>>
        %dma_wait3A_201 = arith.constant 0 : i32
        %dma_wait3A_202 = tpu.memref_slice %arg7[%dma_wait3A_197, %dma_wait3A_201] : memref<40x128xi32, #tpu.memory_space<vmem>> -> memref<1x64xi32, #tpu.memory_space<vmem>>
        %dma_wait3A_203 = tpu.memref_squeeze %dma_wait3A_202 : memref<1x64xi32, #tpu.memory_space<vmem>> -> memref<64xi32, #tpu.memory_space<vmem>>
        %dma_wait3A_204 = arith.constant 0 : i32
        %dma_wait3A_205 = arith.constant 0 : i32
        %dma_wait3A_206 = tpu.memref_slice %arg2[%dma_wait3A_204, %dma_wait3A_205] : memref<10000x128xf32, #tpu.memory_space<hbm>> -> memref<10000x128xf32, #tpu.memory_space<hbm>>
        tpu.wait_indirect_dma semaphore(%arg12 : memref<!tpu.dma_semaphore, #tpu.memory_space<semaphore_mem>>) src(%dma_wait3A_206 : memref<10000x128xf32, #tpu.memory_space<hbm>>) dst(%dma_wait3A_200 : memref<64x128xf32, #tpu.memory_space<vmem>>)
        %dma_wait3A_207 = arith.constant 0 : i32
        %dma_wait3A_208 = arith.constant 64 : i32
        %dma_wait3A_209 = arith.constant 0 : i32
        %dma_wait3A_210 = tpu.memref_slice %arg9[%dma_wait3A_208, %dma_wait3A_209] : memref<128x128xf32, #tpu.memory_space<vmem>> -> memref<64x128xf32, #tpu.memory_space<vmem>>
        %dma_wait3A_211 = arith.constant 64 : i32
        %dma_wait3A_212 = tpu.memref_slice %arg7[%dma_wait3A_207, %dma_wait3A_211] : memref<40x128xi32, #tpu.memory_space<vmem>> -> memref<1x64xi32, #tpu.memory_space<vmem>>
        %dma_wait3A_213 = tpu.memref_squeeze %dma_wait3A_212 : memref<1x64xi32, #tpu.memory_space<vmem>> -> memref<64xi32, #tpu.memory_space<vmem>>
        %dma_wait3A_214 = arith.constant 0 : i32
        %dma_wait3A_215 = arith.constant 0 : i32
        %dma_wait3A_216 = tpu.memref_slice %arg2[%dma_wait3A_214, %dma_wait3A_215] : memref<10000x128xf32, #tpu.memory_space<hbm>> -> memref<10000x128xf32, #tpu.memory_space<hbm>>
        tpu.wait_indirect_dma semaphore(%arg12 : memref<!tpu.dma_semaphore, #tpu.memory_space<semaphore_mem>>) src(%dma_wait3A_216 : memref<10000x128xf32, #tpu.memory_space<hbm>>) dst(%dma_wait3A_210 : memref<64x128xf32, #tpu.memory_space<vmem>>)
        %dma_start3A_217 = arith.constant 0 : i32
        %dma_start3A_218 = tpu.memref_slice %arg8[%mul3A_144, %dma_start3A_217] : memref<40x128xi32, #tpu.memory_space<vmem>> -> memref<1x128xi32, #tpu.memory_space<vmem>>
        %dma_start3A_219 = tpu.memref_squeeze %dma_start3A_218 : memref<1x128xi32, #tpu.memory_space<vmem>> -> memref<128xi32, #tpu.memory_space<vmem>>
        %dma_start3A_220 = arith.constant 0 : i32
        %dma_start3A_221 = arith.constant 0 : i32
        %dma_start3A_222 = tpu.memref_slice %arg11[%dma_start3A_220, %dma_start3A_221] : memref<10128x128xf32, #tpu.memory_space<vmem_shared>> -> memref<10128x128xf32, #tpu.memory_space<vmem_shared>>
        tpu.enqueue_indirect_dma source(%arg9 : memref<128x128xf32, #tpu.memory_space<vmem>>) target(%dma_start3A_222 : memref<10128x128xf32, #tpu.memory_space<vmem_shared>>) offsets(%dma_start3A_219 : memref<128xi32, #tpu.memory_space<vmem>>) semaphore(%arg14 : memref<!tpu.dma_semaphore, #tpu.memory_space<semaphore_mem>>) {add = true}
        %dma_wait3A_223 = arith.constant 0 : i32
        %dma_wait3A_224 = arith.constant 0 : i32
        %dma_wait3A_225 = arith.constant 0 : i32
        %dma_wait3A_226 = tpu.memref_slice %arg10[%dma_wait3A_224, %dma_wait3A_225] : memref<128x128xf32, #tpu.memory_space<vmem>> -> memref<64x128xf32, #tpu.memory_space<vmem>>
        %dma_wait3A_227 = arith.constant 0 : i32
        %dma_wait3A_228 = tpu.memref_slice %arg7[%dma_wait3A_223, %dma_wait3A_227] : memref<40x128xi32, #tpu.memory_space<vmem>> -> memref<1x64xi32, #tpu.memory_space<vmem>>
        %dma_wait3A_229 = tpu.memref_squeeze %dma_wait3A_228 : memref<1x64xi32, #tpu.memory_space<vmem>> -> memref<64xi32, #tpu.memory_space<vmem>>
        %dma_wait3A_230 = arith.constant 0 : i32
        %dma_wait3A_231 = arith.constant 0 : i32
        %dma_wait3A_232 = tpu.memref_slice %arg2[%dma_wait3A_230, %dma_wait3A_231] : memref<10000x128xf32, #tpu.memory_space<hbm>> -> memref<10000x128xf32, #tpu.memory_space<hbm>>
        tpu.wait_indirect_dma semaphore(%arg13 : memref<!tpu.dma_semaphore, #tpu.memory_space<semaphore_mem>>) src(%dma_wait3A_232 : memref<10000x128xf32, #tpu.memory_space<hbm>>) dst(%dma_wait3A_226 : memref<64x128xf32, #tpu.memory_space<vmem>>)
        %dma_wait3A_233 = arith.constant 0 : i32
        %dma_wait3A_234 = arith.constant 64 : i32
        %dma_wait3A_235 = arith.constant 0 : i32
        %dma_wait3A_236 = tpu.memref_slice %arg10[%dma_wait3A_234, %dma_wait3A_235] : memref<128x128xf32, #tpu.memory_space<vmem>> -> memref<64x128xf32, #tpu.memory_space<vmem>>
        %dma_wait3A_237 = arith.constant 64 : i32
        %dma_wait3A_238 = tpu.memref_slice %arg7[%dma_wait3A_233, %dma_wait3A_237] : memref<40x128xi32, #tpu.memory_space<vmem>> -> memref<1x64xi32, #tpu.memory_space<vmem>>
        %dma_wait3A_239 = tpu.memref_squeeze %dma_wait3A_238 : memref<1x64xi32, #tpu.memory_space<vmem>> -> memref<64xi32, #tpu.memory_space<vmem>>
        %dma_wait3A_240 = arith.constant 0 : i32
        %dma_wait3A_241 = arith.constant 0 : i32
        %dma_wait3A_242 = tpu.memref_slice %arg2[%dma_wait3A_240, %dma_wait3A_241] : memref<10000x128xf32, #tpu.memory_space<hbm>> -> memref<10000x128xf32, #tpu.memory_space<hbm>>
        tpu.wait_indirect_dma semaphore(%arg13 : memref<!tpu.dma_semaphore, #tpu.memory_space<semaphore_mem>>) src(%dma_wait3A_242 : memref<10000x128xf32, #tpu.memory_space<hbm>>) dst(%dma_wait3A_236 : memref<64x128xf32, #tpu.memory_space<vmem>>)
        %add3A_243 = arith.constant 1 : i32
        %add3A_244 = arith.addi %mul3A_144, %add3A_243 : i32
        %dma_start3A_245 = arith.constant 0 : i32
        %dma_start3A_246 = tpu.memref_slice %arg8[%add3A_244, %dma_start3A_245] : memref<40x128xi32, #tpu.memory_space<vmem>> -> memref<1x128xi32, #tpu.memory_space<vmem>>
        %dma_start3A_247 = tpu.memref_squeeze %dma_start3A_246 : memref<1x128xi32, #tpu.memory_space<vmem>> -> memref<128xi32, #tpu.memory_space<vmem>>
        %dma_start3A_248 = arith.constant 0 : i32
        %dma_start3A_249 = arith.constant 0 : i32
        %dma_start3A_250 = tpu.memref_slice %arg11[%dma_start3A_248, %dma_start3A_249] : memref<10128x128xf32, #tpu.memory_space<vmem_shared>> -> memref<10128x128xf32, #tpu.memory_space<vmem_shared>>
        tpu.enqueue_indirect_dma source(%arg10 : memref<128x128xf32, #tpu.memory_space<vmem>>) target(%dma_start3A_250 : memref<10128x128xf32, #tpu.memory_space<vmem_shared>>) offsets(%dma_start3A_247 : memref<128xi32, #tpu.memory_space<vmem>>) semaphore(%arg15 : memref<!tpu.dma_semaphore, #tpu.memory_space<semaphore_mem>>) {add = true}
      }
      %scan3A_127 = arith.constant 19 : i32
      %dma_wait3A_128 = arith.constant 0 : i32
      %dma_wait3A_129 = arith.constant 0 : i32
      %dma_wait3A_130 = tpu.memref_slice %arg8[%dma_wait3A_128, %dma_wait3A_129] : memref<40x128xi32, #tpu.memory_space<vmem>> -> memref<1x128xi32, #tpu.memory_space<vmem>>
      %dma_wait3A_131 = tpu.memref_squeeze %dma_wait3A_130 : memref<1x128xi32, #tpu.memory_space<vmem>> -> memref<128xi32, #tpu.memory_space<vmem>>
      %dma_wait3A_132 = arith.constant 0 : i32
      %dma_wait3A_133 = arith.constant 0 : i32
      %dma_wait3A_134 = tpu.memref_slice %arg11[%dma_wait3A_132, %dma_wait3A_133] : memref<10128x128xf32, #tpu.memory_space<vmem_shared>> -> memref<10128x128xf32, #tpu.memory_space<vmem_shared>>
      tpu.wait_indirect_dma semaphore(%arg14 : memref<!tpu.dma_semaphore, #tpu.memory_space<semaphore_mem>>) src(%arg9 : memref<128x128xf32, #tpu.memory_space<vmem>>) dst(%dma_wait3A_134 : memref<10128x128xf32, #tpu.memory_space<vmem_shared>>)
      %dma_wait3A_135 = arith.constant 0 : i32
      %dma_wait3A_136 = arith.constant 0 : i32
      %dma_wait3A_137 = tpu.memref_slice %arg8[%dma_wait3A_135, %dma_wait3A_136] : memref<40x128xi32, #tpu.memory_space<vmem>> -> memref<1x128xi32, #tpu.memory_space<vmem>>
      %dma_wait3A_138 = tpu.memref_squeeze %dma_wait3A_137 : memref<1x128xi32, #tpu.memory_space<vmem>> -> memref<128xi32, #tpu.memory_space<vmem>>
      %dma_wait3A_139 = arith.constant 0 : i32
      %dma_wait3A_140 = arith.constant 0 : i32
      %dma_wait3A_141 = tpu.memref_slice %arg11[%dma_wait3A_139, %dma_wait3A_140] : memref<10128x128xf32, #tpu.memory_space<vmem_shared>> -> memref<10128x128xf32, #tpu.memory_space<vmem_shared>>
      tpu.wait_indirect_dma semaphore(%arg15 : memref<!tpu.dma_semaphore, #tpu.memory_space<semaphore_mem>>) src(%arg10 : memref<128x128xf32, #tpu.memory_space<vmem>>) dst(%dma_wait3A_141 : memref<10128x128xf32, #tpu.memory_space<vmem_shared>>)
    }
    %scan3A_11 = arith.constant 2 : i32
    %barrier3A_12 = arith.constant 0 : index
    tpu.barrier barrier_id(%barrier3A_12)
    %mul3A_13 = arith.constant 10000 : i32
    %mul3A_14 = arith.muli %arg0, %mul3A_13 : i32
    %multiple_of3A_15 = tpu.assume_multiple %mul3A_14, 8 : i32
    %mul3A_16 = arith.constant 624 : i32
    %mul3A_17 = arith.muli %arg1, %mul3A_16 : i32
    %multiple_of3A_18 = tpu.assume_multiple %mul3A_17, 8 : i32
    %add3A_19 = arith.addi %multiple_of3A_15, %multiple_of3A_18 : i32
    "tpu.region"() ({
      %run_scoped3A = tpu.sem_alloc : memref<!tpu.dma_semaphore, #tpu.memory_space<semaphore_mem>>
      %dma_start3A = arith.constant 0 : i32
      %dma_start3A_25 = tpu.memref_slice %arg6[%add3A_19, %dma_start3A] : memref<20000x128xf32, #tpu.memory_space<hbm>> -> memref<624x128xf32, #tpu.memory_space<hbm>>
      %dma_start3A_26 = arith.constant 0 : i32
      %dma_start3A_27 = tpu.memref_slice %arg11[%multiple_of3A_18, %dma_start3A_26] : memref<10128x128xf32, #tpu.memory_space<vmem_shared>> -> memref<624x128xf32, #tpu.memory_space<vmem_shared>>
      tpu.enqueue_dma source(%dma_start3A_27 : memref<624x128xf32, #tpu.memory_space<vmem_shared>>) target(%dma_start3A_25 : memref<624x128xf32, #tpu.memory_space<hbm>>) target_semaphore(%run_scoped3A : memref<!tpu.dma_semaphore, #tpu.memory_space<semaphore_mem>>)
      %dma_wait3A = arith.constant 0 : i32
      %dma_wait3A_28 = tpu.memref_slice %arg6[%add3A_19, %dma_wait3A] : memref<20000x128xf32, #tpu.memory_space<hbm>> -> memref<624x128xf32, #tpu.memory_space<hbm>>
      %dma_wait3A_29 = arith.constant 0 : i32
      %dma_wait3A_30 = tpu.memref_slice %arg11[%multiple_of3A_18, %dma_wait3A_29] : memref<10128x128xf32, #tpu.memory_space<vmem_shared>> -> memref<624x128xf32, #tpu.memory_space<vmem_shared>>
      tpu.wait_dma2 semaphore(%run_scoped3A : memref<!tpu.dma_semaphore, #tpu.memory_space<semaphore_mem>>) src(%dma_wait3A_30 : memref<624x128xf32, #tpu.memory_space<vmem_shared>>) dst(%dma_wait3A_28 : memref<624x128xf32, #tpu.memory_space<hbm>>)
      tpu.yield
    }) : () -> ()
    %eq3A_20 = arith.constant 15 : i32
    %eq3A_21 = arith.cmpi eq, %arg1, %eq3A_20 : i32
    %convert_element_type3A_22 = arith.extui %eq3A_21 : i1 to i32
    %cond3A_23 = arith.constant 0 : i32
    %cond3A_24 = arith.cmpi ne, %convert_element_type3A_22, %cond3A_23 : i32
    scf.if %cond3A_24 {
      %add3A_25 = arith.constant 9984 : i32
      %add3A_26 = arith.addi %multiple_of3A_15, %add3A_25 : i32
      "tpu.region"() ({
        %run_scoped3A = tpu.sem_alloc : memref<!tpu.dma_semaphore, #tpu.memory_space<semaphore_mem>>
        %dma_start3A = arith.constant 0 : i32
        %dma_start3A_27 = tpu.memref_slice %arg6[%add3A_26, %dma_start3A] : memref<20000x128xf32, #tpu.memory_space<hbm>> -> memref<16x128xf32, #tpu.memory_space<hbm>>
        %dma_start3A_28 = arith.constant 9984 : i32
        %dma_start3A_29 = arith.constant 0 : i32
        %dma_start3A_30 = tpu.memref_slice %arg11[%dma_start3A_28, %dma_start3A_29] : memref<10128x128xf32, #tpu.memory_space<vmem_shared>> -> memref<16x128xf32, #tpu.memory_space<vmem_shared>>
        tpu.enqueue_dma source(%dma_start3A_30 : memref<16x128xf32, #tpu.memory_space<vmem_shared>>) target(%dma_start3A_27 : memref<16x128xf32, #tpu.memory_space<hbm>>) target_semaphore(%run_scoped3A : memref<!tpu.dma_semaphore, #tpu.memory_space<semaphore_mem>>)
        %dma_wait3A = arith.constant 0 : i32
        %dma_wait3A_31 = tpu.memref_slice %arg6[%add3A_26, %dma_wait3A] : memref<20000x128xf32, #tpu.memory_space<hbm>> -> memref<16x128xf32, #tpu.memory_space<hbm>>
        %dma_wait3A_32 = arith.constant 9984 : i32
        %dma_wait3A_33 = arith.constant 0 : i32
        %dma_wait3A_34 = tpu.memref_slice %arg11[%dma_wait3A_32, %dma_wait3A_33] : memref<10128x128xf32, #tpu.memory_space<vmem_shared>> -> memref<16x128xf32, #tpu.memory_space<vmem_shared>>
        tpu.wait_dma2 semaphore(%run_scoped3A : memref<!tpu.dma_semaphore, #tpu.memory_space<semaphore_mem>>) src(%dma_wait3A_34 : memref<16x128xf32, #tpu.memory_space<vmem_shared>>) dst(%dma_wait3A_31 : memref<16x128xf32, #tpu.memory_space<hbm>>)
        tpu.yield
      }) : () -> ()
    } else {
    }
    return
  }
}

module attributes {stable_mosaic.version = 14 : i64} {
  func.func @_tc_pre_body(%arg0: i32, %arg1: memref<1000x128xf32, #tpu.memory_space<vmem>>, %arg2: memref<1000x128xf32, #tpu.memory_space<vmem>>, %arg3: memref<1000x128xf32, #tpu.memory_space<vmem>>) attributes {dimension_semantics = [#tpu.dimension_semantics<arbitrary>], iteration_bounds = array<i64: 10>, scalar_prefetch = 0 : i64, scratch_operands = 0 : i64, tpu.core_type = #tpu.core_type<tc>, window_params = [{transform_indices = @transform_0, window_bounds = array<i64: 1000, 128>}, {transform_indices = @transform_1, window_bounds = array<i64: 1000, 128>}, {transform_indices = @transform_2, window_bounds = array<i64: 1000, 128>}]} {
    %get3A = arith.constant 0 : index
    %get3A_0 = arith.constant 0 : index
    %get3A_1 = vector.load %arg2[%get3A, %get3A_0] : memref<1000x128xf32, #tpu.memory_space<vmem>>, vector<1000x1xf32>
    %gt3A = arith.constant 0.000000e+00 : f32
    %gt3A_2 = vector.broadcast %gt3A : f32 to vector<1000x1xf32>
    %gt3A_3 = arith.cmpf ogt, %get3A_1, %gt3A_2 : vector<1000x1xf32>
    %max3A = arith.constant 1.000000e+00 : f32
    %max3A_4 = vector.broadcast %max3A : f32 to vector<1000x1xf32>
    %max3A_5 = arith.maximumf %get3A_1, %max3A_4 : vector<1000x1xf32>
    %rsqrt3A = math.rsqrt %max3A_5 : vector<1000x1xf32>
    %jit3A = arith.constant 0.000000e+00 : f32
    %broadcast_in_dim3A = vector.broadcast %jit3A : f32 to vector<1000x1xf32>
    %select_n3A = arith.select %gt3A_3, %rsqrt3A, %broadcast_in_dim3A : vector<1000x1xi1>, vector<1000x1xf32>
    %get3A_6 = arith.constant 0 : index
    %get3A_7 = arith.constant 0 : index
    %get3A_8 = vector.load %arg1[%get3A_6, %get3A_7] : memref<1000x128xf32, #tpu.memory_space<vmem>>, vector<1000x128xf32>
    %mul3A = vector.broadcast %select_n3A : vector<1000x1xf32> to vector<1000x128xf32>
    %mul3A_9 = arith.mulf %get3A_8, %mul3A : vector<1000x128xf32>
    %swap3A = arith.constant 0 : index
    %swap3A_10 = arith.constant 0 : index
    %swap3A_11 = vector.load %arg3[%swap3A, %swap3A_10] : memref<1000x128xf32, #tpu.memory_space<vmem>>, vector<1000x128xf32>
    tpu.vector_store %arg3[%swap3A, %swap3A_10], %mul3A_9 {strides = array<i32>} : memref<1000x128xf32, #tpu.memory_space<vmem>>, vector<1000x128xf32>,
    return
  }
  func.func @transform_0(%arg0: i32) -> (i32, i32) {
    %c0_i32 = arith.constant 0 : i32
    %c0_i32_0 = arith.constant 0 : i32
    return %arg0, %c0_i32 : i32, i32
  }
  func.func @transform_1(%arg0: i32) -> (i32, i32) {
    %c0_i32 = arith.constant 0 : i32
    %c0_i32_0 = arith.constant 0 : i32
    return %arg0, %c0_i32 : i32, i32
  }
  func.func @transform_2(%arg0: i32) -> (i32, i32) {
    %c0_i32 = arith.constant 0 : i32
    %c0_i32_0 = arith.constant 0 : i32
    return %arg0, %c0_i32 : i32, i32
  }
}

module attributes {stable_mosaic.version = 14 : i64} {
  func.func @_lambda_(%arg0: i32, %arg1: memref<1000x128xf32, #tpu.memory_space<vmem>>, %arg2: memref<1000x128xf32, #tpu.memory_space<vmem>>, %arg3: memref<1000x128xf32, #tpu.memory_space<vmem>>, %arg4: memref<1000x128xf32, #tpu.memory_space<vmem>>, %arg5: memref<128x256xf32, #tpu.memory_space<vmem>>, %arg6: memref<1x256xf32, #tpu.memory_space<vmem>>, %arg7: memref<1000x256xf32, #tpu.memory_space<vmem>>, %arg8: memref<1000x128xf32, #tpu.memory_space<vmem>>, %arg9: memref<1000x128xf32, #tpu.memory_space<vmem>>) attributes {dimension_semantics = [#tpu.dimension_semantics<arbitrary>], iteration_bounds = array<i64: 10>, scalar_prefetch = 0 : i64, scratch_operands = 0 : i64, tpu.core_type = #tpu.core_type<tc>, window_params = [{transform_indices = @transform_0, window_bounds = array<i64: 1000, 128>}, {transform_indices = @transform_1, window_bounds = array<i64: 1000, 128>}, {transform_indices = @transform_2, window_bounds = array<i64: 1000, 128>}, {transform_indices = @transform_3, window_bounds = array<i64: 1000, 128>}, {pipeline_mode = #tpu.pipeline_mode<synchronous>, transform_indices = @transform_4, window_bounds = array<i64: 128, 256>}, {pipeline_mode = #tpu.pipeline_mode<synchronous>, transform_indices = @transform_5, window_bounds = array<i64: 1, 256>}, {transform_indices = @transform_6, window_bounds = array<i64: 1000, 256>}, {transform_indices = @transform_7, window_bounds = array<i64: 1000, 128>}, {transform_indices = @transform_8, window_bounds = array<i64: 1000, 128>}]} {
    %get3A = arith.constant 0 : index
    %get3A_0 = arith.constant 0 : index
    %get3A_1 = vector.load %arg4[%get3A, %get3A_0] : memref<1000x128xf32, #tpu.memory_space<vmem>>, vector<1000x1xf32>
    %gt3A = arith.constant 0.000000e+00 : f32
    %gt3A_2 = vector.broadcast %gt3A : f32 to vector<1000x1xf32>
    %gt3A_3 = arith.cmpf ogt, %get3A_1, %gt3A_2 : vector<1000x1xf32>
    %max3A = arith.constant 1.000000e+00 : f32
    %max3A_4 = vector.broadcast %max3A : f32 to vector<1000x1xf32>
    %max3A_5 = arith.maximumf %get3A_1, %max3A_4 : vector<1000x1xf32>
    %rsqrt3A = math.rsqrt %max3A_5 : vector<1000x1xf32>
    %jit3A = arith.constant 0.000000e+00 : f32
    %broadcast_in_dim3A = vector.broadcast %jit3A : f32 to vector<1000x1xf32>
    %select_n3A = arith.select %gt3A_3, %rsqrt3A, %broadcast_in_dim3A : vector<1000x1xi1>, vector<1000x1xf32>
    %get3A_6 = arith.constant 0 : index
    %get3A_7 = arith.constant 0 : index
    %get3A_8 = vector.load %arg1[%get3A_6, %get3A_7] : memref<1000x128xf32, #tpu.memory_space<vmem>>, vector<1000x128xf32>
    %get3A_9 = arith.constant 0 : index
    %get3A_10 = arith.constant 0 : index
    %get3A_11 = vector.load %arg2[%get3A_9, %get3A_10] : memref<1000x128xf32, #tpu.memory_space<vmem>>, vector<1000x128xf32>
    %add3A = arith.addf %get3A_8, %get3A_11 : vector<1000x128xf32>
    %mul3A = vector.broadcast %select_n3A : vector<1000x1xf32> to vector<1000x128xf32>
    %mul3A_12 = arith.mulf %add3A, %mul3A : vector<1000x128xf32>
    %get3A_13 = arith.constant 0 : index
    %get3A_14 = arith.constant 0 : index
    %get3A_15 = vector.load %arg5[%get3A_13, %get3A_14] : memref<128x256xf32, #tpu.memory_space<vmem>>, vector<128x256xf32>
    %dot_general3A = arith.constant dense<0.000000e+00> : vector<1000x256xf32>
    %dot_general3A_16 = tpu.matmul %mul3A_12, %get3A_15, %dot_general3A {dimension_numbers = #tpu.dot_dimension_numbers<[1], [0], [0], [1], [0, 0, 1, 1], [], []>, transpose_lhs_hint = false} : vector<1000x128xf32>, vector<128x256xf32>, vector<1000x256xf32> -> vector<1000x256xf32>
    %get3A_17 = arith.constant 0 : index
    %get3A_18 = arith.constant 0 : index
    %get3A_19 = vector.load %arg6[%get3A_17, %get3A_18] : memref<1x256xf32, #tpu.memory_space<vmem>>, vector<1x256xf32>
    %add3A_20 = vector.broadcast %get3A_19 : vector<1x256xf32> to vector<1000x256xf32>
    %add3A_21 = arith.addf %dot_general3A_16, %add3A_20 : vector<1000x256xf32>
    %max3A_22 = arith.constant 0.000000e+00 : f32
    %max3A_23 = vector.broadcast %max3A_22 : f32 to vector<1000x256xf32>
    %max3A_24 = arith.maximumf %add3A_21, %max3A_23 : vector<1000x256xf32>
    %swap3A = arith.constant 0 : index
    %swap3A_25 = arith.constant 0 : index
    %swap3A_26 = vector.load %arg7[%swap3A, %swap3A_25] : memref<1000x256xf32, #tpu.memory_space<vmem>>, vector<1000x256xf32>
    tpu.vector_store %arg7[%swap3A, %swap3A_25], %max3A_24 {strides = array<i32>} : memref<1000x256xf32, #tpu.memory_space<vmem>>, vector<1000x256xf32>,
    %get3A_27 = arith.constant 0 : index
    %get3A_28 = arith.constant 0 : index
    %get3A_29 = vector.load %arg3[%get3A_27, %get3A_28] : memref<1000x128xf32, #tpu.memory_space<vmem>>, vector<1000x1xf32>
    %gt3A_30 = arith.constant 0.000000e+00 : f32
    %gt3A_31 = vector.broadcast %gt3A_30 : f32 to vector<1000x1xf32>
    %gt3A_32 = arith.cmpf ogt, %get3A_29, %gt3A_31 : vector<1000x1xf32>
    %max3A_33 = arith.constant 1.000000e+00 : f32
    %max3A_34 = vector.broadcast %max3A_33 : f32 to vector<1000x1xf32>
    %max3A_35 = arith.maximumf %get3A_29, %max3A_34 : vector<1000x1xf32>
    %rsqrt3A_36 = math.rsqrt %max3A_35 : vector<1000x1xf32>
    %jit3A_37 = arith.constant 0.000000e+00 : f32
    %broadcast_in_dim3A_38 = vector.broadcast %jit3A_37 : f32 to vector<1000x1xf32>
    %select_n3A_39 = arith.select %gt3A_32, %rsqrt3A_36, %broadcast_in_dim3A_38 : vector<1000x1xi1>, vector<1000x1xf32>
    %mul3A_40 = vector.broadcast %select_n3A_39 : vector<1000x1xf32> to vector<1000x256xf32>
    %mul3A_41 = arith.mulf %max3A_24, %mul3A_40 : vector<1000x256xf32>
    %slice3A = vector.extract_strided_slice %mul3A_41 {offsets = [0, 0], sizes = [1000, 128], strides = [1, 1]} : vector<1000x256xf32> to vector<1000x128xf32>
    %swap3A_42 = arith.constant 0 : index
    %swap3A_43 = arith.constant 0 : index
    %swap3A_44 = vector.load %arg8[%swap3A_42, %swap3A_43] : memref<1000x128xf32, #tpu.memory_space<vmem>>, vector<1000x128xf32>
    tpu.vector_store %arg8[%swap3A_42, %swap3A_43], %slice3A {strides = array<i32>} : memref<1000x128xf32, #tpu.memory_space<vmem>>, vector<1000x128xf32>,
    %slice3A_45 = vector.extract_strided_slice %mul3A_41 {offsets = [0, 128], sizes = [1000, 128], strides = [1, 1]} : vector<1000x256xf32> to vector<1000x128xf32>
    %swap3A_46 = arith.constant 0 : index
    %swap3A_47 = arith.constant 0 : index
    %swap3A_48 = vector.load %arg9[%swap3A_46, %swap3A_47] : memref<1000x128xf32, #tpu.memory_space<vmem>>, vector<1000x128xf32>
    tpu.vector_store %arg9[%swap3A_46, %swap3A_47], %slice3A_45 {strides = array<i32>} : memref<1000x128xf32, #tpu.memory_space<vmem>>, vector<1000x128xf32>,
    return
  }
  func.func @transform_0(%arg0: i32) -> (i32, i32) {
    %c0_i32 = arith.constant 0 : i32
    %c0_i32_0 = arith.constant 0 : i32
    return %arg0, %c0_i32 : i32, i32
  }
  func.func @transform_1(%arg0: i32) -> (i32, i32) {
    %add3A = arith.constant 10 : i32
    %add3A_0 = arith.addi %arg0, %add3A : i32
    %c0_i32 = arith.constant 0 : i32
    %c0_i32_1 = arith.constant 0 : i32
    return %add3A_0, %c0_i32 : i32, i32
  }
  func.func @transform_2(%arg0: i32) -> (i32, i32) {
    %c0_i32 = arith.constant 0 : i32
    %c0_i32_0 = arith.constant 0 : i32
    return %arg0, %c0_i32 : i32, i32
  }
  func.func @transform_3(%arg0: i32) -> (i32, i32) {
    %add3A = arith.constant 10 : i32
    %add3A_0 = arith.addi %arg0, %add3A : i32
    %c0_i32 = arith.constant 0 : i32
    %c0_i32_1 = arith.constant 0 : i32
    return %add3A_0, %c0_i32 : i32, i32
  }
  func.func @transform_4(%arg0: i32) -> (i32, i32) {
    %c0_i32 = arith.constant 0 : i32
    %c0_i32_0 = arith.constant 0 : i32
    %c0_i32_1 = arith.constant 0 : i32
    return %c0_i32, %c0_i32_0 : i32, i32
  }
  func.func @transform_5(%arg0: i32) -> (i32, i32) {
    %c0_i32 = arith.constant 0 : i32
    %c0_i32_0 = arith.constant 0 : i32
    %c0_i32_1 = arith.constant 0 : i32
    return %c0_i32, %c0_i32_0 : i32, i32
  }
  func.func @transform_6(%arg0: i32) -> (i32, i32) {
    %c0_i32 = arith.constant 0 : i32
    %c0_i32_0 = arith.constant 0 : i32
    return %arg0, %c0_i32 : i32, i32
  }
  func.func @transform_7(%arg0: i32) -> (i32, i32) {
    %c0_i32 = arith.constant 0 : i32
    %c0_i32_0 = arith.constant 0 : i32
    return %arg0, %c0_i32 : i32, i32
  }
  func.func @transform_8(%arg0: i32) -> (i32, i32) {
    %c0_i32 = arith.constant 0 : i32
    %c0_i32_0 = arith.constant 0 : i32
    return %arg0, %c0_i32 : i32, i32
  }
}

module attributes {stable_mosaic.version = 14 : i64} {
  func.func @_lambda_(%arg0: i32, %arg1: memref<1000x128xf32, #tpu.memory_space<vmem>>, %arg2: memref<1000x128xf32, #tpu.memory_space<vmem>>, %arg3: memref<1000x128xf32, #tpu.memory_space<vmem>>, %arg4: memref<1000x128xf32, #tpu.memory_space<vmem>>, %arg5: memref<256x256xf32, #tpu.memory_space<vmem>>, %arg6: memref<1x256xf32, #tpu.memory_space<vmem>>, %arg7: memref<1000x256xf32, #tpu.memory_space<vmem>>, %arg8: memref<1000x128xf32, #tpu.memory_space<vmem>>, %arg9: memref<1000x128xf32, #tpu.memory_space<vmem>>) attributes {dimension_semantics = [#tpu.dimension_semantics<arbitrary>], iteration_bounds = array<i64: 10>, scalar_prefetch = 0 : i64, scratch_operands = 0 : i64, tpu.core_type = #tpu.core_type<tc>, window_params = [{transform_indices = @transform_0, window_bounds = array<i64: 1000, 128>}, {transform_indices = @transform_1, window_bounds = array<i64: 1000, 128>}, {transform_indices = @transform_2, window_bounds = array<i64: 1000, 128>}, {transform_indices = @transform_3, window_bounds = array<i64: 1000, 128>}, {pipeline_mode = #tpu.pipeline_mode<synchronous>, transform_indices = @transform_4, window_bounds = array<i64: 256, 256>}, {pipeline_mode = #tpu.pipeline_mode<synchronous>, transform_indices = @transform_5, window_bounds = array<i64: 1, 256>}, {transform_indices = @transform_6, window_bounds = array<i64: 1000, 256>}, {transform_indices = @transform_7, window_bounds = array<i64: 1000, 128>}, {transform_indices = @transform_8, window_bounds = array<i64: 1000, 128>}]} {
    %get3A = arith.constant 0 : index
    %get3A_0 = arith.constant 0 : index
    %get3A_1 = vector.load %arg4[%get3A, %get3A_0] : memref<1000x128xf32, #tpu.memory_space<vmem>>, vector<1000x1xf32>
    %gt3A = arith.constant 0.000000e+00 : f32
    %gt3A_2 = vector.broadcast %gt3A : f32 to vector<1000x1xf32>
    %gt3A_3 = arith.cmpf ogt, %get3A_1, %gt3A_2 : vector<1000x1xf32>
    %max3A = arith.constant 1.000000e+00 : f32
    %max3A_4 = vector.broadcast %max3A : f32 to vector<1000x1xf32>
    %max3A_5 = arith.maximumf %get3A_1, %max3A_4 : vector<1000x1xf32>
    %rsqrt3A = math.rsqrt %max3A_5 : vector<1000x1xf32>
    %jit3A = arith.constant 0.000000e+00 : f32
    %broadcast_in_dim3A = vector.broadcast %jit3A : f32 to vector<1000x1xf32>
    %select_n3A = arith.select %gt3A_3, %rsqrt3A, %broadcast_in_dim3A : vector<1000x1xi1>, vector<1000x1xf32>
    %get3A_6 = arith.constant 0 : index
    %get3A_7 = arith.constant 0 : index
    %get3A_8 = vector.load %arg1[%get3A_6, %get3A_7] : memref<1000x128xf32, #tpu.memory_space<vmem>>, vector<1000x128xf32>
    %mul3A = vector.broadcast %select_n3A : vector<1000x1xf32> to vector<1000x128xf32>
    %mul3A_9 = arith.mulf %get3A_8, %mul3A : vector<1000x128xf32>
    %get3A_10 = arith.constant 0 : index
    %get3A_11 = arith.constant 0 : index
    %get3A_12 = vector.load %arg5[%get3A_10, %get3A_11] : memref<256x256xf32, #tpu.memory_space<vmem>>, vector<128x256xf32>
    %dot_general3A = arith.constant dense<0.000000e+00> : vector<1000x256xf32>
    %dot_general3A_13 = tpu.matmul %mul3A_9, %get3A_12, %dot_general3A {dimension_numbers = #tpu.dot_dimension_numbers<[1], [0], [0], [1], [0, 0, 1, 1], [], []>, transpose_lhs_hint = false} : vector<1000x128xf32>, vector<128x256xf32>, vector<1000x256xf32> -> vector<1000x256xf32>
    %get3A_14 = arith.constant 0 : index
    %get3A_15 = arith.constant 0 : index
    %get3A_16 = vector.load %arg2[%get3A_14, %get3A_15] : memref<1000x128xf32, #tpu.memory_space<vmem>>, vector<1000x128xf32>
    %mul3A_17 = vector.broadcast %select_n3A : vector<1000x1xf32> to vector<1000x128xf32>
    %mul3A_18 = arith.mulf %get3A_16, %mul3A_17 : vector<1000x128xf32>
    %get3A_19 = arith.constant 128 : index
    %get3A_20 = arith.constant 0 : index
    %get3A_21 = vector.load %arg5[%get3A_19, %get3A_20] : memref<256x256xf32, #tpu.memory_space<vmem>>, vector<128x256xf32>
    %dot_general3A_22 = arith.constant dense<0.000000e+00> : vector<1000x256xf32>
    %dot_general3A_23 = tpu.matmul %mul3A_18, %get3A_21, %dot_general3A_22 {dimension_numbers = #tpu.dot_dimension_numbers<[1], [0], [0], [1], [0, 0, 1, 1], [], []>, transpose_lhs_hint = false} : vector<1000x128xf32>, vector<128x256xf32>, vector<1000x256xf32> -> vector<1000x256xf32>
    %add3A = arith.addf %dot_general3A_13, %dot_general3A_23 : vector<1000x256xf32>
    %get3A_24 = arith.constant 0 : index
    %get3A_25 = arith.constant 0 : index
    %get3A_26 = vector.load %arg6[%get3A_24, %get3A_25] : memref<1x256xf32, #tpu.memory_space<vmem>>, vector<1x256xf32>
    %add3A_27 = vector.broadcast %get3A_26 : vector<1x256xf32> to vector<1000x256xf32>
    %add3A_28 = arith.addf %add3A, %add3A_27 : vector<1000x256xf32>
    %max3A_29 = arith.constant 0.000000e+00 : f32
    %max3A_30 = vector.broadcast %max3A_29 : f32 to vector<1000x256xf32>
    %max3A_31 = arith.maximumf %add3A_28, %max3A_30 : vector<1000x256xf32>
    %swap3A = arith.constant 0 : index
    %swap3A_32 = arith.constant 0 : index
    %swap3A_33 = vector.load %arg7[%swap3A, %swap3A_32] : memref<1000x256xf32, #tpu.memory_space<vmem>>, vector<1000x256xf32>
    tpu.vector_store %arg7[%swap3A, %swap3A_32], %max3A_31 {strides = array<i32>} : memref<1000x256xf32, #tpu.memory_space<vmem>>, vector<1000x256xf32>,
    %get3A_34 = arith.constant 0 : index
    %get3A_35 = arith.constant 0 : index
    %get3A_36 = vector.load %arg3[%get3A_34, %get3A_35] : memref<1000x128xf32, #tpu.memory_space<vmem>>, vector<1000x1xf32>
    %gt3A_37 = arith.constant 0.000000e+00 : f32
    %gt3A_38 = vector.broadcast %gt3A_37 : f32 to vector<1000x1xf32>
    %gt3A_39 = arith.cmpf ogt, %get3A_36, %gt3A_38 : vector<1000x1xf32>
    %max3A_40 = arith.constant 1.000000e+00 : f32
    %max3A_41 = vector.broadcast %max3A_40 : f32 to vector<1000x1xf32>
    %max3A_42 = arith.maximumf %get3A_36, %max3A_41 : vector<1000x1xf32>
    %rsqrt3A_43 = math.rsqrt %max3A_42 : vector<1000x1xf32>
    %jit3A_44 = arith.constant 0.000000e+00 : f32
    %broadcast_in_dim3A_45 = vector.broadcast %jit3A_44 : f32 to vector<1000x1xf32>
    %select_n3A_46 = arith.select %gt3A_39, %rsqrt3A_43, %broadcast_in_dim3A_45 : vector<1000x1xi1>, vector<1000x1xf32>
    %mul3A_47 = vector.broadcast %select_n3A_46 : vector<1000x1xf32> to vector<1000x256xf32>
    %mul3A_48 = arith.mulf %max3A_31, %mul3A_47 : vector<1000x256xf32>
    %slice3A = vector.extract_strided_slice %mul3A_48 {offsets = [0, 0], sizes = [1000, 128], strides = [1, 1]} : vector<1000x256xf32> to vector<1000x128xf32>
    %swap3A_49 = arith.constant 0 : index
    %swap3A_50 = arith.constant 0 : index
    %swap3A_51 = vector.load %arg8[%swap3A_49, %swap3A_50] : memref<1000x128xf32, #tpu.memory_space<vmem>>, vector<1000x128xf32>
    tpu.vector_store %arg8[%swap3A_49, %swap3A_50], %slice3A {strides = array<i32>} : memref<1000x128xf32, #tpu.memory_space<vmem>>, vector<1000x128xf32>,
    %slice3A_52 = vector.extract_strided_slice %mul3A_48 {offsets = [0, 128], sizes = [1000, 128], strides = [1, 1]} : vector<1000x256xf32> to vector<1000x128xf32>
    %swap3A_53 = arith.constant 0 : index
    %swap3A_54 = arith.constant 0 : index
    %swap3A_55 = vector.load %arg9[%swap3A_53, %swap3A_54] : memref<1000x128xf32, #tpu.memory_space<vmem>>, vector<1000x128xf32>
    tpu.vector_store %arg9[%swap3A_53, %swap3A_54], %slice3A_52 {strides = array<i32>} : memref<1000x128xf32, #tpu.memory_space<vmem>>, vector<1000x128xf32>,
    return
  }
  func.func @transform_0(%arg0: i32) -> (i32, i32) {
    %c0_i32 = arith.constant 0 : i32
    %c0_i32_0 = arith.constant 0 : i32
    return %arg0, %c0_i32 : i32, i32
  }
  func.func @transform_1(%arg0: i32) -> (i32, i32) {
    %add3A = arith.constant 10 : i32
    %add3A_0 = arith.addi %arg0, %add3A : i32
    %c0_i32 = arith.constant 0 : i32
    %c0_i32_1 = arith.constant 0 : i32
    return %add3A_0, %c0_i32 : i32, i32
  }
  func.func @transform_2(%arg0: i32) -> (i32, i32) {
    %c0_i32 = arith.constant 0 : i32
    %c0_i32_0 = arith.constant 0 : i32
    return %arg0, %c0_i32 : i32, i32
  }
  func.func @transform_3(%arg0: i32) -> (i32, i32) {
    %add3A = arith.constant 10 : i32
    %add3A_0 = arith.addi %arg0, %add3A : i32
    %c0_i32 = arith.constant 0 : i32
    %c0_i32_1 = arith.constant 0 : i32
    return %add3A_0, %c0_i32 : i32, i32
  }
  func.func @transform_4(%arg0: i32) -> (i32, i32) {
    %c0_i32 = arith.constant 0 : i32
    %c0_i32_0 = arith.constant 0 : i32
    %c0_i32_1 = arith.constant 0 : i32
    return %c0_i32, %c0_i32_0 : i32, i32
  }
  func.func @transform_5(%arg0: i32) -> (i32, i32) {
    %c0_i32 = arith.constant 0 : i32
    %c0_i32_0 = arith.constant 0 : i32
    %c0_i32_1 = arith.constant 0 : i32
    return %c0_i32, %c0_i32_0 : i32, i32
  }
  func.func @transform_6(%arg0: i32) -> (i32, i32) {
    %c0_i32 = arith.constant 0 : i32
    %c0_i32_0 = arith.constant 0 : i32
    return %arg0, %c0_i32 : i32, i32
  }
  func.func @transform_7(%arg0: i32) -> (i32, i32) {
    %c0_i32 = arith.constant 0 : i32
    %c0_i32_0 = arith.constant 0 : i32
    return %arg0, %c0_i32 : i32, i32
  }
  func.func @transform_8(%arg0: i32) -> (i32, i32) {
    %c0_i32 = arith.constant 0 : i32
    %c0_i32_0 = arith.constant 0 : i32
    return %arg0, %c0_i32 : i32, i32
  }
}

module attributes {stable_mosaic.version = 14 : i64} {
  func.func @_tc_layer_body(%arg0: i32, %arg1: memref<1000x128xf32, #tpu.memory_space<vmem>>, %arg2: memref<1000x128xf32, #tpu.memory_space<vmem>>, %arg3: memref<1000x128xf32, #tpu.memory_space<vmem>>, %arg4: memref<1000x128xf32, #tpu.memory_space<vmem>>, %arg5: memref<256x256xf32, #tpu.memory_space<vmem>>, %arg6: memref<1x256xf32, #tpu.memory_space<vmem>>, %arg7: memref<256x128xf32, #tpu.memory_space<vmem>>, %arg8: memref<1000x256xf32, #tpu.memory_space<vmem>>, %arg9: memref<1000x128xf32, #tpu.memory_space<vmem>>) attributes {dimension_semantics = [#tpu.dimension_semantics<arbitrary>], iteration_bounds = array<i64: 10>, scalar_prefetch = 0 : i64, scratch_operands = 0 : i64, tpu.core_type = #tpu.core_type<tc>, window_params = [{transform_indices = @transform_0, window_bounds = array<i64: 1000, 128>}, {transform_indices = @transform_1, window_bounds = array<i64: 1000, 128>}, {transform_indices = @transform_2, window_bounds = array<i64: 1000, 128>}, {transform_indices = @transform_3, window_bounds = array<i64: 1000, 128>}, {pipeline_mode = #tpu.pipeline_mode<synchronous>, transform_indices = @transform_4, window_bounds = array<i64: 256, 256>}, {pipeline_mode = #tpu.pipeline_mode<synchronous>, transform_indices = @transform_5, window_bounds = array<i64: 1, 256>}, {pipeline_mode = #tpu.pipeline_mode<synchronous>, transform_indices = @transform_6, window_bounds = array<i64: 256, 128>}, {transform_indices = @transform_7, window_bounds = array<i64: 1000, 256>}, {transform_indices = @transform_8, window_bounds = array<i64: 1000, 128>}]} {
    %get3A = arith.constant 0 : index
    %get3A_0 = arith.constant 0 : index
    %get3A_1 = vector.load %arg4[%get3A, %get3A_0] : memref<1000x128xf32, #tpu.memory_space<vmem>>, vector<1000x1xf32>
    %gt3A = arith.constant 0.000000e+00 : f32
    %gt3A_2 = vector.broadcast %gt3A : f32 to vector<1000x1xf32>
    %gt3A_3 = arith.cmpf ogt, %get3A_1, %gt3A_2 : vector<1000x1xf32>
    %max3A = arith.constant 1.000000e+00 : f32
    %max3A_4 = vector.broadcast %max3A : f32 to vector<1000x1xf32>
    %max3A_5 = arith.maximumf %get3A_1, %max3A_4 : vector<1000x1xf32>
    %rsqrt3A = math.rsqrt %max3A_5 : vector<1000x1xf32>
    %jit3A = arith.constant 0.000000e+00 : f32
    %broadcast_in_dim3A = vector.broadcast %jit3A : f32 to vector<1000x1xf32>
    %select_n3A = arith.select %gt3A_3, %rsqrt3A, %broadcast_in_dim3A : vector<1000x1xi1>, vector<1000x1xf32>
    %get3A_6 = arith.constant 0 : index
    %get3A_7 = arith.constant 0 : index
    %get3A_8 = vector.load %arg1[%get3A_6, %get3A_7] : memref<1000x128xf32, #tpu.memory_space<vmem>>, vector<1000x128xf32>
    %mul3A = vector.broadcast %select_n3A : vector<1000x1xf32> to vector<1000x128xf32>
    %mul3A_9 = arith.mulf %get3A_8, %mul3A : vector<1000x128xf32>
    %get3A_10 = arith.constant 0 : index
    %get3A_11 = arith.constant 0 : index
    %get3A_12 = vector.load %arg5[%get3A_10, %get3A_11] : memref<256x256xf32, #tpu.memory_space<vmem>>, vector<128x256xf32>
    %dot_general3A = arith.constant dense<0.000000e+00> : vector<1000x256xf32>
    %dot_general3A_13 = tpu.matmul %mul3A_9, %get3A_12, %dot_general3A {dimension_numbers = #tpu.dot_dimension_numbers<[1], [0], [0], [1], [0, 0, 1, 1], [], []>, transpose_lhs_hint = false} : vector<1000x128xf32>, vector<128x256xf32>, vector<1000x256xf32> -> vector<1000x256xf32>
    %get3A_14 = arith.constant 0 : index
    %get3A_15 = arith.constant 0 : index
    %get3A_16 = vector.load %arg2[%get3A_14, %get3A_15] : memref<1000x128xf32, #tpu.memory_space<vmem>>, vector<1000x128xf32>
    %mul3A_17 = vector.broadcast %select_n3A : vector<1000x1xf32> to vector<1000x128xf32>
    %mul3A_18 = arith.mulf %get3A_16, %mul3A_17 : vector<1000x128xf32>
    %get3A_19 = arith.constant 128 : index
    %get3A_20 = arith.constant 0 : index
    %get3A_21 = vector.load %arg5[%get3A_19, %get3A_20] : memref<256x256xf32, #tpu.memory_space<vmem>>, vector<128x256xf32>
    %dot_general3A_22 = arith.constant dense<0.000000e+00> : vector<1000x256xf32>
    %dot_general3A_23 = tpu.matmul %mul3A_18, %get3A_21, %dot_general3A_22 {dimension_numbers = #tpu.dot_dimension_numbers<[1], [0], [0], [1], [0, 0, 1, 1], [], []>, transpose_lhs_hint = false} : vector<1000x128xf32>, vector<128x256xf32>, vector<1000x256xf32> -> vector<1000x256xf32>
    %add3A = arith.addf %dot_general3A_13, %dot_general3A_23 : vector<1000x256xf32>
    %get3A_24 = arith.constant 0 : index
    %get3A_25 = arith.constant 0 : index
    %get3A_26 = vector.load %arg6[%get3A_24, %get3A_25] : memref<1x256xf32, #tpu.memory_space<vmem>>, vector<1x256xf32>
    %add3A_27 = vector.broadcast %get3A_26 : vector<1x256xf32> to vector<1000x256xf32>
    %add3A_28 = arith.addf %add3A, %add3A_27 : vector<1000x256xf32>
    %max3A_29 = arith.constant 0.000000e+00 : f32
    %max3A_30 = vector.broadcast %max3A_29 : f32 to vector<1000x256xf32>
    %max3A_31 = arith.maximumf %add3A_28, %max3A_30 : vector<1000x256xf32>
    %swap3A = arith.constant 0 : index
    %swap3A_32 = arith.constant 0 : index
    %swap3A_33 = vector.load %arg8[%swap3A, %swap3A_32] : memref<1000x256xf32, #tpu.memory_space<vmem>>, vector<1000x256xf32>
    tpu.vector_store %arg8[%swap3A, %swap3A_32], %max3A_31 {strides = array<i32>} : memref<1000x256xf32, #tpu.memory_space<vmem>>, vector<1000x256xf32>,
    %get3A_34 = arith.constant 0 : index
    %get3A_35 = arith.constant 0 : index
    %get3A_36 = vector.load %arg3[%get3A_34, %get3A_35] : memref<1000x128xf32, #tpu.memory_space<vmem>>, vector<1000x1xf32>
    %gt3A_37 = arith.constant 0.000000e+00 : f32
    %gt3A_38 = vector.broadcast %gt3A_37 : f32 to vector<1000x1xf32>
    %gt3A_39 = arith.cmpf ogt, %get3A_36, %gt3A_38 : vector<1000x1xf32>
    %max3A_40 = arith.constant 1.000000e+00 : f32
    %max3A_41 = vector.broadcast %max3A_40 : f32 to vector<1000x1xf32>
    %max3A_42 = arith.maximumf %get3A_36, %max3A_41 : vector<1000x1xf32>
    %rsqrt3A_43 = math.rsqrt %max3A_42 : vector<1000x1xf32>
    %jit3A_44 = arith.constant 0.000000e+00 : f32
    %broadcast_in_dim3A_45 = vector.broadcast %jit3A_44 : f32 to vector<1000x1xf32>
    %select_n3A_46 = arith.select %gt3A_39, %rsqrt3A_43, %broadcast_in_dim3A_45 : vector<1000x1xi1>, vector<1000x1xf32>
    %mul3A_47 = vector.broadcast %select_n3A_46 : vector<1000x1xf32> to vector<1000x256xf32>
    %mul3A_48 = arith.mulf %max3A_31, %mul3A_47 : vector<1000x256xf32>
    %get3A_49 = arith.constant 0 : index
    %get3A_50 = arith.constant 0 : index
    %get3A_51 = vector.load %arg7[%get3A_49, %get3A_50] : memref<256x128xf32, #tpu.memory_space<vmem>>, vector<256x128xf32>
    %dot_general3A_52 = arith.constant dense<0.000000e+00> : vector<1000x128xf32>
    %dot_general3A_53 = tpu.matmul %mul3A_48, %get3A_51, %dot_general3A_52 {dimension_numbers = #tpu.dot_dimension_numbers<[1], [0], [0], [1], [0, 0, 1, 1], [], []>, transpose_lhs_hint = false} : vector<1000x256xf32>, vector<256x128xf32>, vector<1000x128xf32> -> vector<1000x128xf32>
    %swap3A_54 = arith.constant 0 : index
    %swap3A_55 = arith.constant 0 : index
    %swap3A_56 = vector.load %arg9[%swap3A_54, %swap3A_55] : memref<1000x128xf32, #tpu.memory_space<vmem>>, vector<1000x128xf32>
    tpu.vector_store %arg9[%swap3A_54, %swap3A_55], %dot_general3A_53 {strides = array<i32>} : memref<1000x128xf32, #tpu.memory_space<vmem>>, vector<1000x128xf32>,
    return
  }
  func.func @transform_0(%arg0: i32) -> (i32, i32) {
    %c0_i32 = arith.constant 0 : i32
    %c0_i32_0 = arith.constant 0 : i32
    return %arg0, %c0_i32 : i32, i32
  }
  func.func @transform_1(%arg0: i32) -> (i32, i32) {
    %add3A = arith.constant 10 : i32
    %add3A_0 = arith.addi %arg0, %add3A : i32
    %c0_i32 = arith.constant 0 : i32
    %c0_i32_1 = arith.constant 0 : i32
    return %add3A_0, %c0_i32 : i32, i32
  }
  func.func @transform_2(%arg0: i32) -> (i32, i32) {
    %c0_i32 = arith.constant 0 : i32
    %c0_i32_0 = arith.constant 0 : i32
    return %arg0, %c0_i32 : i32, i32
  }
  func.func @transform_3(%arg0: i32) -> (i32, i32) {
    %add3A = arith.constant 10 : i32
    %add3A_0 = arith.addi %arg0, %add3A : i32
    %c0_i32 = arith.constant 0 : i32
    %c0_i32_1 = arith.constant 0 : i32
    return %add3A_0, %c0_i32 : i32, i32
  }
  func.func @transform_4(%arg0: i32) -> (i32, i32) {
    %c0_i32 = arith.constant 0 : i32
    %c0_i32_0 = arith.constant 0 : i32
    %c0_i32_1 = arith.constant 0 : i32
    return %c0_i32, %c0_i32_0 : i32, i32
  }
  func.func @transform_5(%arg0: i32) -> (i32, i32) {
    %c0_i32 = arith.constant 0 : i32
    %c0_i32_0 = arith.constant 0 : i32
    %c0_i32_1 = arith.constant 0 : i32
    return %c0_i32, %c0_i32_0 : i32, i32
  }
  func.func @transform_6(%arg0: i32) -> (i32, i32) {
    %c0_i32 = arith.constant 0 : i32
    %c0_i32_0 = arith.constant 0 : i32
    %c0_i32_1 = arith.constant 0 : i32
    return %c0_i32, %c0_i32_0 : i32, i32
  }
  func.func @transform_7(%arg0: i32) -> (i32, i32) {
    %c0_i32 = arith.constant 0 : i32
    %c0_i32_0 = arith.constant 0 : i32
    return %arg0, %c0_i32 : i32, i32
  }
  func.func @transform_8(%arg0: i32) -> (i32, i32) {
    %c0_i32 = arith.constant 0 : i32
    %c0_i32_0 = arith.constant 0 : i32
    return %arg0, %c0_i32 : i32, i32
  }
}

module attributes {stable_mosaic.version = 14 : i64} {
  func.func @_tc_post_body(%arg0: i32, %arg1: memref<1000x128xf32, #tpu.memory_space<vmem>>, %arg2: memref<1000x128xf32, #tpu.memory_space<vmem>>, %arg3: memref<1000x128xf32, #tpu.memory_space<vmem>>, %arg4: memref<1x128xf32, #tpu.memory_space<vmem>>, %arg5: memref<1000x128xf32, #tpu.memory_space<vmem>>) attributes {dimension_semantics = [#tpu.dimension_semantics<arbitrary>], iteration_bounds = array<i64: 10>, scalar_prefetch = 0 : i64, scratch_operands = 0 : i64, tpu.core_type = #tpu.core_type<tc>, window_params = [{transform_indices = @transform_0, window_bounds = array<i64: 1000, 128>}, {transform_indices = @transform_1, window_bounds = array<i64: 1000, 128>}, {transform_indices = @transform_2, window_bounds = array<i64: 1000, 128>}, {pipeline_mode = #tpu.pipeline_mode<synchronous>, transform_indices = @transform_3, window_bounds = array<i64: 1, 128>}, {transform_indices = @transform_4, window_bounds = array<i64: 1000, 128>}]} {
    %get3A = arith.constant 0 : index
    %get3A_0 = arith.constant 0 : index
    %get3A_1 = vector.load %arg3[%get3A, %get3A_0] : memref<1000x128xf32, #tpu.memory_space<vmem>>, vector<1000x1xf32>
    %gt3A = arith.constant 0.000000e+00 : f32
    %gt3A_2 = vector.broadcast %gt3A : f32 to vector<1000x1xf32>
    %gt3A_3 = arith.cmpf ogt, %get3A_1, %gt3A_2 : vector<1000x1xf32>
    %max3A = arith.constant 1.000000e+00 : f32
    %max3A_4 = vector.broadcast %max3A : f32 to vector<1000x1xf32>
    %max3A_5 = arith.maximumf %get3A_1, %max3A_4 : vector<1000x1xf32>
    %rsqrt3A = math.rsqrt %max3A_5 : vector<1000x1xf32>
    %jit3A = arith.constant 0.000000e+00 : f32
    %broadcast_in_dim3A = vector.broadcast %jit3A : f32 to vector<1000x1xf32>
    %select_n3A = arith.select %gt3A_3, %rsqrt3A, %broadcast_in_dim3A : vector<1000x1xi1>, vector<1000x1xf32>
    %get3A_6 = arith.constant 0 : index
    %get3A_7 = arith.constant 0 : index
    %get3A_8 = vector.load %arg1[%get3A_6, %get3A_7] : memref<1000x128xf32, #tpu.memory_space<vmem>>, vector<1000x128xf32>
    %get3A_9 = arith.constant 0 : index
    %get3A_10 = arith.constant 0 : index
    %get3A_11 = vector.load %arg2[%get3A_9, %get3A_10] : memref<1000x128xf32, #tpu.memory_space<vmem>>, vector<1000x128xf32>
    %add3A = arith.addf %get3A_8, %get3A_11 : vector<1000x128xf32>
    %mul3A = vector.broadcast %select_n3A : vector<1000x1xf32> to vector<1000x128xf32>
    %mul3A_12 = arith.mulf %add3A, %mul3A : vector<1000x128xf32>
    %get3A_13 = arith.constant 0 : index
    %get3A_14 = arith.constant 0 : index
    %get3A_15 = vector.load %arg4[%get3A_13, %get3A_14] : memref<1x128xf32, #tpu.memory_space<vmem>>, vector<1x128xf32>
    %add3A_16 = vector.broadcast %get3A_15 : vector<1x128xf32> to vector<1000x128xf32>
    %add3A_17 = arith.addf %mul3A_12, %add3A_16 : vector<1000x128xf32>
    %swap3A = arith.constant 0 : index
    %swap3A_18 = arith.constant 0 : index
    %swap3A_19 = vector.load %arg5[%swap3A, %swap3A_18] : memref<1000x128xf32, #tpu.memory_space<vmem>>, vector<1000x128xf32>
    tpu.vector_store %arg5[%swap3A, %swap3A_18], %add3A_17 {strides = array<i32>} : memref<1000x128xf32, #tpu.memory_space<vmem>>, vector<1000x128xf32>,
    return
  }
  func.func @transform_0(%arg0: i32) -> (i32, i32) {
    %c0_i32 = arith.constant 0 : i32
    %c0_i32_0 = arith.constant 0 : i32
    return %arg0, %c0_i32 : i32, i32
  }
  func.func @transform_1(%arg0: i32) -> (i32, i32) {
    %add3A = arith.constant 10 : i32
    %add3A_0 = arith.addi %arg0, %add3A : i32
    %c0_i32 = arith.constant 0 : i32
    %c0_i32_1 = arith.constant 0 : i32
    return %add3A_0, %c0_i32 : i32, i32
  }
  func.func @transform_2(%arg0: i32) -> (i32, i32) {
    %add3A = arith.constant 10 : i32
    %add3A_0 = arith.addi %arg0, %add3A : i32
    %c0_i32 = arith.constant 0 : i32
    %c0_i32_1 = arith.constant 0 : i32
    return %add3A_0, %c0_i32 : i32, i32
  }
  func.func @transform_3(%arg0: i32) -> (i32, i32) {
    %c0_i32 = arith.constant 0 : i32
    %c0_i32_0 = arith.constant 0 : i32
    %c0_i32_1 = arith.constant 0 : i32
    return %c0_i32, %c0_i32_0 : i32, i32
  }
  func.func @transform_4(%arg0: i32) -> (i32, i32) {
    %c0_i32 = arith.constant 0 : i32
    %c0_i32_0 = arith.constant 0 : i32
    return %arg0, %c0_i32 : i32, i32
  }
}

</mosaic_0001>

<sc_bundles>
// kernel: kernel.12.cloned.1.call-start
scs
__scs_entry_jumppad:
0x0: {  	(pc) =	sbr.rel $0x88, $3  }
0x1: {  	(tag) =	ssettag $0x0;
	lr =	simm.s32 $0x1  }
0x2: {  	[smem:$0x3F97] =	sst lr;
	_ =	strace $0xD0000000  }
0x3: {  	_ = 	snop  }
0x4: {  	_ = 	snop  }
0x5: {  	_ = 	snop  }
0x6: {  	_ = 	snop  }
0x7: {  	_ = 	snop  }
__scs_overlays_trampoline_lowered:
0x8: {  	[smem:$0x3FA6] =	sst s0  }
0x9: {  	[smem:$0x3FA7] =	sst s1  }
0xa: {  	[smem:$0x3FA8] =	sst s2  }
0xb: {  	[smem:$0x3FA9] =	sst s3  }
0xc: {  	[smem:$0x3FAA] =	sst s4  }
0xd: {  	[smem:$0x3FAB] =	sst s5  }
0xe: {  	[smem:$0x3FAC] =	sst s6  }
0xf: {  	[smem:$0x3FAD] =	sst s7  }
0x10: {  	[smem:$0x3FAE] =	sst s8  }
0x11: {  	[smem:$0x3FAF] =	sst s9;
	s0 =	simm.s32 @!p0 $0x0  }
0x12: {  	s1 =	sld [smem:$0x3F95];
	s0 =	simm.s32 @p0 $0x1  }
0x13: {  	[smem:$0x3FB0] =	sst s0;
	s0 =	simm.s32 @!p1 $0x0  }
0x14: {  	s2 =	sld [smem:$0x3F94];
	s0 =	simm.s32 @p1 $0x1  }
0x15: {  	[smem:$0x3FB1] =	sst s0;
	s0 =	simm.s32 @!p2 $0x0  }
0x16: {  	s3 =	sld [smem:$0x3FDB];
	s0 =	simm.s32 @p2 $0x1  }
0x17: {  	s4 =	simm.s32 $0x1BF5;
	[smem:$0x3FB3] =	sst s0  }
0x18: {  	s0 =	sld [smem:$0x3F96];
	_ =	swait.ge [sflag:s4], $0x0  }
0x19: {  	s7 =	sld [smem:$0x3F97]  }
0x1a: {  	s8 =	sadd.s32 $0xFFFFE003, lr  }
0x1b: {  	s9 =	sadd.s32 $0xFFFFFEF7, lr;
	s5 =	simm.s32 $0xFFFFFFFF;
	p2 =	slt.u32 s8, $0xFFFFF086  }
0x1c: {  	p1 =	slt.u32 s9, $0xF7A;
	s5 =	simm.s32 @!p2 $0x0  }
0x1d: {  	s5 =	simm.s32 @p1 $0x1;
	p0 =	seq.s32 s7, s2  }
0x1e: {  	s7 =	smul.u32 @!p0 $0xF7A, s2;
	p2 =	seq.s32 @!p0 s5, $0x0  }
0x1f: {  	s9 =	smul.u32 $0xF7A, s1;
	s8 =	simm.s32 @!p0 $0x1BF5;
	p2 =	por !p2, p0  }
0x20: {  	[sflag:s8] =	ssyncset.s32 @!p0 $0xFFFFF086;
	s6 =	sadd.s32 @!p0 s3, s7;
	s7 =	simm.s32 @!p0 $0x108  }
0x21: {  	s3 =	sadd.s32 s3, s9;
	s6 =	sadd.s32 @!p0 $0x88, s6;
	s7 =	simm.s32 @p2 $0x1082  }
0x22: {  	[simem:s7], [sflag:s8] =	dma.local @!p0 [hbm:s6], $0xF7A  }
0x23: {  	s9 =	sor.u32 $0xD0000000, s2;
	s6 =	simm.s32 $0x108;
	_ =	swait.ge @!p0 [sflag:s8], $0x0  }
0x24: {  	s3 =	sadd.s32 $0x88, s3;
	s6 =	simm.s32 @!p1 $0x1082;
	[sflag:s4] =	ssyncset.s32 $0xFFFFF086  }
0x25: {  	[simem:s6], [sflag:s4] =	dma.local [hbm:s3], $0xF7A  }
0x26: {  	[smem:$0x3F97] =	sst s1;
	(tag) =	ssettag s2;
	_ =	strace s9  }
0x27: {  	s1 =	sld [smem:$0x3FA7]  }
0x28: {  	s2 =	sld [smem:$0x3FA8]  }
0x29: {  	s4 =	sld [smem:$0x3FAA]  }
0x2a: {  	p0 =	seq.s32 s5, $0x0;
	s5 =	sld [smem:$0x3FAB]  }
0x2b: {  	s6 =	sld [smem:$0x3FAC]  }
0x2c: {  	s7 =	sld [smem:$0x3FAD]  }
0x2d: {  	s3 =	simm.s32 $0x108;
	s8 =	sld [smem:$0x3FAE]  }
0x2e: {  	s3 =	simm.s32 @!p0 $0x1082;
	s9 =	sld [smem:$0x3FAF]  }
0x2f: {  	lr =	sadd.s32 s0, s3;
	s0 =	sld [smem:$0x3FA6]  }
0x30: {  	s3 =	sld [smem:$0x3FA9]  }
0x31: {  	[smem:$0x3FB2] =	sst s10  }
0x32: {  	s10 =	sld [smem:$0x3FB0];
	_ =	sdelay $0x3  }
0x33: {  	p0 =	seq.s32 s10, $0x1;
	s10 =	sld [smem:$0x3FB2];
	_ =	sdelay $0x3  }
0x34: {  	[smem:$0x3FB2] =	sst s10  }
0x35: {  	s10 =	sld [smem:$0x3FB1];
	_ =	sdelay $0x3  }
0x36: {  	p1 =	seq.s32 s10, $0x1;
	s10 =	sld [smem:$0x3FB2];
	_ =	sdelay $0x3  }
0x37: {  	[smem:$0x3FB2] =	sst s10  }
0x38: {  	s10 =	sld [smem:$0x3FB3]  }
0x39: {  	_ = 	snop;
	(pc) =	sbr.ind lr, $3  }
0x3a: {  	_ = 	snop  }
0x3b: {  	_ = 	snop  }
0x3c: {  	p2 =	seq.s32 s10, $0x1;
	s10 =	sld [smem:$0x3FB2]  }
0x3d: {  	_ =	shalt  }
0x3e: {  	_ =	shalt  }
0x3f: {  	_ =	shalt  }
0x40: {  	_ =	shalt  }
0x41: {  	_ =	shalt  }
0x42: {  	_ =	shalt  }
0x43: {  	_ =	shalt  }
0x44: {  	_ =	shalt  }
0x45: {  	_ =	shalt  }
0x46: {  	_ =	shalt  }
0x47: {  	_ =	shalt  }
0x48: {  	_ =	shalt  }
0x49: {  	_ =	shalt  }
0x4a: {  	_ =	shalt  }
0x4b: {  	_ =	shalt  }
0x4c: {  	_ =	shalt  }
0x4d: {  	_ =	shalt  }
0x4e: {  	_ =	shalt  }
0x4f: {  	_ =	shalt  }
0x50: {  	_ =	shalt  }
0x51: {  	_ =	shalt  }
0x52: {  	_ =	shalt  }
0x53: {  	_ =	shalt  }
0x54: {  	_ =	shalt  }
0x55: {  	_ =	shalt  }
0x56: {  	_ =	shalt  }
0x57: {  	_ =	shalt  }
0x58: {  	_ =	shalt  }
0x59: {  	_ =	shalt  }
0x5a: {  	_ =	shalt  }
0x5b: {  	_ =	shalt  }
0x5c: {  	_ =	shalt  }
0x5d: {  	_ =	shalt  }
0x5e: {  	_ =	shalt  }
0x5f: {  	_ =	shalt  }
0x60: {  	_ =	shalt  }
0x61: {  	_ =	shalt  }
0x62: {  	_ =	shalt  }
0x63: {  	_ =	shalt  }
0x64: {  	_ =	shalt  }
0x65: {  	_ =	shalt  }
0x66: {  	_ =	shalt  }
0x67: {  	_ =	shalt  }
0x68: {  	_ =	shalt  }
0x69: {  	_ =	shalt  }
0x6a: {  	_ =	shalt  }
0x6b: {  	_ =	shalt  }
0x6c: {  	_ =	shalt  }
0x6d: {  	_ =	shalt  }
0x6e: {  	_ =	shalt  }
0x6f: {  	_ =	shalt  }
0x70: {  	_ =	shalt  }
0x71: {  	_ =	shalt  }
0x72: {  	_ =	shalt  }
0x73: {  	_ =	shalt  }
0x74: {  	_ =	shalt  }
0x75: {  	_ =	shalt  }
0x76: {  	_ =	shalt  }
0x77: {  	_ =	shalt  }
0x78: {  	_ =	shalt  }
0x79: {  	_ =	shalt  }
0x7a: {  	_ =	shalt  }
0x7b: {  	_ =	shalt  }
0x7c: {  	_ =	shalt  }
0x7d: {  	_ =	shalt  }
0x7e: {  	_ =	shalt  }
0x7f: {  	_ =	shalt  }
0x80: {  	_ =	shalt  }
0x81: {  	_ =	shalt  }
0x82: {  	_ =	shalt  }
0x83: {  	_ =	shalt  }
0x84: {  	_ =	shalt  }
0x85: {  	_ =	shalt  }
0x86: {  	_ =	shalt  }
0x87: {  	_ =	shalt  }
.Lfunc_end0:
.L_simem_size_0:
called_computation_lowered:
.L_overlay_start_0:
0x88: {  	s2 =	sld [smem:$0x3FD9]  }
0x89: {  	s3 =	sld [smem:$0x3FFE];
	_ =	sdelay $0x1  }
0x8a: {  	s1 =	srdreg.scid  }
0x8b: {  	s0 =	sand.u32 $0x1, s1  }
0x8c: {  	s14 =	sshll.u32 s0, $0xA;
	s2 =	sadd.s32 s3, s2  }
0x8d: {  	s2 =	sadd.s32 s2, s14  }
0x8e: {  	[smem:$0x3FBE] =	sst s2  }
0x8f: {  	_ = 	snop  }
0x90: {  	s2 =	sld [smem:$0x3FD0];
	_ =	sdelay $0x2  }
0x91: {  	s15 =	simm.s32 $0xA;
	s4 =	simm.s32 $0x10  }
0x92: {  	[smem:s4], [sflag:s15] =	dma.local [hbm:s2], $0x1  }
0x93: {  	_ =	swait.eq [sflag:s15], $0x1  }
0x94: {  	s16 =	sld [smem:$0x10];
	[sflag:s15] =	ssyncset.done $0x0  }
0x95: {  	s17 =	sld [smem:$0x11];
	[sflag:s15] =	ssyncadd.s32 $0xFFFFFFFF  }
0x96: {  	s18 =	sld [smem:$0x12];
	(tm) =	ssettm $0x1  }
0x97: {  	s5 =	sld [smem:$0x3FFB];
	_ =	sdelay $0x3  }
0x98: {  	_ =	strace s5  }
0x99: {  	s5 =	sld [smem:$0x3FFC];
	_ =	sdelay $0x3  }
0x9a: {  	_ =	strace s5  }
0x9b: {  	s5 =	sld [smem:$0x3FFD];
	_ =	sdelay $0x3  }
0x9c: {  	_ =	strace s5  }
0x9d: {  	_ =	strace $0x8FFFFFFF  }
0x9e: {  	s19 =	sld [smem:$0x3FDB];
	_ =	sdelay $0x1  }
0x9f: {  	s6 =	simm.s32 $_scs_section_size  }
0xa0: {  	s7 =	simm.s32 $_size__tile_overlayer_lowered;
	s8 =	simm.s32 $_tile_overlayer_lowered  }
0xa1: {  	s22 =	simm.s32 $0x1BFF;
	s21 =	sshll.u32 s8, $0x1;
	s5 =	sadd.s32 s6, s19  }
0xa2: {  	s9 =	simm.s32 $0x0;
	s20 =	sshll.u32 s7, $0x1;
	s7 =	sadd.s32 s21, s5  }
0xa3: {  	[timem:s9], [sflag:s22] =	dma.local [hbm:s7], s20  }
0xa4: {  	_ =	swait.ge [sflag:s22], s20  }
0xa5: {  	s6 =	ssub.s32 $0x0, s20;
	[sflag:s22] =	ssyncset.done $0x0  }
0xa6: {  	[sflag:s22] =	ssyncadd.s32 s6;
	_ =	sdelay $0x1  }
0xa7: {  	s23 =	simm.s32 $0x1B8B  }
0xa8: {  	_ =	swait.ge [sflag:s23], $0x1  }
0xa9: {  	[sflag:s23] =	ssyncset.done $0x0  }
0xaa: {  	s25 =	simm.s32 $0x1B8E;
	s24 =	sld [smem:$0x3FFE];
	[sflag:s23] =	ssyncadd.s32 $0xFFFFFFFF  }
0xab: {  	s26 =	simm.s32 $execute0_lowered;
	[smem:$0x3FD2] =	sst s25  }
0xac: {  	s7 =	sshll.u32 s26, $0x1;
	_ =	strace $0x80000046;
	[dreg:$0x1] =	wrdreg $0xFFFFFFFF  }
0xad: {  	s28 =	simm.s32 $_size_execute0_lowered;
	s5 =	sadd.s32 s5, s7;
	[dreg:$0x0] =	wrdreg $0x0  }
0xae: {  	s7 =	sshll.u32 s28, $0x1;
	[dreg:$0x2] =	wrdreg s5  }
0xaf: {  	[dreg:$0x3] =	wrdreg s7  }
0xb0: {  	[dreg:$0x4] =	wrdreg $0xC0  }
0xb1: {  	_ =	task [dreg:s9], $0x5FFFF  }
0xb2: {  	[dreg:$0x1] =	wrdreg $0xFFFFFFFF  }
0xb3: {  	[dreg:$0x0] =	wrdreg $0x60  }
0xb4: {  	[dreg:$0x2] =	wrdreg s17  }
0xb5: {  	[dreg:$0x3] =	wrdreg s24  }
0xb6: {  	[dreg:$0x4] =	wrdreg s16  }
0xb7: {  	[dreg:$0x5] =	wrdreg s18  }
0xb8: {  	[dreg:$0x6] =	wrdreg $0x90000  }
0xb9: {  	[dreg:$0x7] =	wrdreg $0x9  }
0xba: {  	_ =	task.clear_ibuf [dreg:s9], $0x8FFFF;
	_ =	strace $0x90000046  }
0xbb: {  	s29 =	simm.s32 $0x9;
	_ =	strace $0x80000048  }
0xbc: {  	_ =	swait.ge [sflag:s29], $0x1  }
0xbd: {  	[sflag:s29] =	ssyncadd.s32 $0xFFFFFFFF  }
0xbe: {  	_ =	strace $0x90000048  }
0xbf: {  	_ =	sfence  }
0xc0: {  	s30 =	sld [smem:$0x0];
	_ =	sdelay $0x2  }
0xc1: {  	s31 =	sshll.u32 s1, $0xD;
	s1 =	sshrl.u32 s1, $0x2  }
0xc2: {  	s3 =	sand.u32 $0x4000, s31;
	s1 =	sadd.s32 s1, s30  }
0xc3: {  	s0 =	sor.u32 s3, s0;
	s1 =	sshll.u32 s1, $0x11  }
0xc4: {  	s0 =	sor.u32 s1, s0  }
0xc5: {  	s0 =	sadd.s32 $0x8F2B, s0  }
0xc6: {  	[sflag:s0] =	ssyncadd.remote.s32 $0x1  }
0xc7: {  	_ =	sfence.sel $0xFFFF  }
0xc8: {  	[dreg:$0x0] =	wrdreg $0xFFFFFFFF;
	(pc) =	sbr.abs _section_cstart, $3  }
0xc9: {  	[dreg:$0x1] =	wrdreg $0xFFFFFFFF  }
0xca: {  	_ =	task.clear_ibuf [dreg:s9], $0x2FFFF;
	_ =	strace $0x9FFFFFFF  }
0xcb: {  	(tm) =	ssettm $0x7FFFFFFF  }
tec
execute0_lowered:
.L_overlay_start_1:
0x0: {  	(tag) =	ssettag $0x1  }
0x1: {  	s11 =	rddreg [dreg:$0x0]  }
0x2: {  	s5 =	rddreg [dreg:$0x1]  }
0x3: {  	s7 =	rddreg [dreg:$0x2]  }
0x4: {  	s1 =	rddreg [dreg:$0x3]  }
0x5: {  	s3 =	rddreg [dreg:$0x4]  }
0x6: {  	s0 =	rddreg [dreg:$0x5]  }
0x7: {  	s4 =	simm.s32 $0x0;
	s6 =	srdreg.scid;
	s2 =	stileid.u32  }
0x8: {  	s19 =	simm.s32 $0x1;
	s20 =	simm.s32 $0x0;
	s25 =	smul.u32 $0x4E000, s2  }
0x9: {  	[smem:$0x7FF] =	sst s4;
	s8 =	sand.u32 $0x1, s6;
	s13 =	smul.u32 $0x2700, s2  }
0xa: {  	s10 =	sadd.s32 $0xEC00, s5;
	s14 =	sadd.s32 $0x18C00, s5;
	s18 =	smul.u32 $0xA00, s2  }
0xb: {  	s26 =	sshll.u32 s2, $0x6;
	s16 =	sadd.s32 $0x138000, s3;
	s28 =	smul.u32 $0x138800, s8  }
0xc: {  	_ =	strace $0x80000047;
	s9 =	ssub.s32 $0x2, s8;
	s17 =	smul.u32 $0x27100, s8  }
0xd: {  	p0 =	seq.s32 s8, $0x1;
	s12 =	sshrl.u32 s9, $0x1;
	s6 =	sshrl.u32 s25, $0x2  }
0xe: {  	s5 =	sadd.s32 s7, s13;
	s7 =	sadd.s32 $0x27000, s7;
	s11 =	smov.u32 @p0 s10  }
0xf: {  	p0 =	sne.s32 s2, $0xF;
	s12 =	ssub.s32 s9, s12;
	s15 =	sadd.s32 s6, s3  }
0x10: {  	s6 =	sor.u32 $0x1C02, s26;
	s29 =	sshrl.u32 s28, $0x3;
	s30 =	sadd.s32 s13, s17  }
0x11: {  	s11 =	sadd.s32 s11, s18;
	s13 =	simm.s32 $0x2;
	s17 =	simm.s32 $0x100  }
0x12: {  	s18 =	simm.s32 $0x180;
	s31 =	sadd.s32 s14, s29;
	s8 =	sadd.s32 s14, s30  }
0x13: {  	s10 =	smax.u32 s12, $0x1;
	s12 =	sshrl.u32 s15, $0x3;
	s14 =	sshrl.u32 @!p0 s16, $0x3  }
0x14: {  	s15 =	simm.s32 $0x5000;
	s16 =	simm.s32 $0x80;
	s9 =	sadd.s32 $0x27000, s31  }
.LBB2_1:
0x15: {  	[spmem:s12], [sflag:s6] =	dma.local [hbm:s5], $0x2700  }
0x16: {  	_ =	swait.ge [sflag:s13], $0x2700  }
0x17: {  	[sflag:s13] =	ssyncset.done $0x0  }
0x18: {  	s21 =	simm.s32 @!p0 $0x2;
	[sflag:s13] =	ssyncadd.s32 $0xFFFFD900  }
0x19: {  	[spmem:s14], [sflag:s6] =	dma.local @!p0 [hbm:s7], $0x100  }
0x1a: {  	_ =	swait.ge @!p0 [sflag:s21], $0x100  }
0x1b: {  	[sflag:s21] =	ssyncset.done @!p0 $0x0  }
0x1c: {  	[sflag:s21] =	ssyncadd.s32 @!p0 $0xFFFFFF00  }
0x1d: {  	[tilespmem:s15], [sflag:$0x2] =	stream.linear.gather [hbm4b:s1+s4], $0x4000, $0x38;
	[tilespmem:$0x1CC80] =	vst v63  }
0x1e: {  	_ =	swait.ge [sflag:s13], $0x4000  }
0x1f: {  	[sflag:s13] =	ssyncset.done $0x0  }
0x20: {  	[sflag:s13] =	ssyncadd.s32 $0xFFFFC000  }
0x21: {  	[tilespmem:s4], [sflag:$0x2] =	stream.linear.gather [hbm4b:s11+s4], $0x5000, $0x38;
	[tilespmem:$0x1CC80] =	vst v63  }
0x22: {  	_ =	swait.ge [sflag:s13], $0x5000  }
0x23: {  	[sflag:s13] =	ssyncset.done $0x0  }
0x24: {  	[sflag:s13] =	ssyncadd.s32 $0xFFFFB000  }
0x25: {  	[bflag:$0x0] =	sbarrier.arrive $0xFFFF  }
0x26: {  	[spmem:s3] =	stream.indirect.scatter.add.f32 [tilespmem:s15], [sflag:$0x1], $0x80, s4, s16, $0xb8;
	[tilespmem:$0x1CC80] =	vst v63  }
0x27: {  	_ = 	snop  }
0x28: {  	[spmem:s3] =	stream.indirect.scatter.add.f32 [tilespmem:s15], [sflag:$0x1], $0x80, s16, s16, $0xb8;
	[tilespmem:$0x1CC80] =	vst v63  }
0x29: {  	_ = 	snop  }
0x2a: {  	[spmem:s3] =	stream.indirect.scatter.add.f32 [tilespmem:s15], [sflag:$0x1], $0x80, s17, s16, $0xb8;
	[tilespmem:$0x1CC80] =	vst v63  }
0x2b: {  	_ = 	snop  }
0x2c: {  	[spmem:s3] =	stream.indirect.scatter.add.f32 [tilespmem:s15], [sflag:$0x1], $0x80, s18, s16, $0xb8;
	[tilespmem:$0x1CC80] =	vst v63  }
0x2d: {  	s31 =	simm.s32 $0x200  }
0x2e: {  	[spmem:s3] =	stream.indirect.scatter.add.f32 [tilespmem:s15], [sflag:$0x1], $0x80, s31, s16, $0xb8;
	[tilespmem:$0x1CC80] =	vst v63  }
0x2f: {  	_ =	swait.ge [sflag:s19], $0x4000  }
0x30: {  	s21 =	simm.s32 $0xA00;
	[sflag:s19] =	ssyncset.done $0x0  }
.LBB2_2:
0x31: {  	s22 =	sshra.s32 s21, $0x2;
	[sflag:s19] =	ssyncadd.s32 $0xFFFFC000;
	p1 =	sne.s32 s21, $0x13E00  }
0x32: {  	[spmem:s3] =	stream.indirect.scatter.add.f32 [tilespmem:s15], [sflag:$0x1], $0x80, s22, s16, $0xb8;
	[tilespmem:$0x1CC80] =	vst v63  }
.Ltmp0:
0x33: {  	_ = 	snop;
	(pc) =	sbr.rel @p1 .LBB2_2-.Ltmp0, $4  }
0x34: {  	_ = 	snop  }
0x35: {  	s21 =	sadd.s32 $0x200, s21  }
0x36: {  	_ =	swait.ge [sflag:s19], $0x4000  }
0x37: {  	[sflag:s19] =	ssyncset.done $0x0  }
0x38: {  	[sflag:s19] =	ssyncadd.s32 $0xFFFFC000  }
0x39: {  	_ =	swait.ge [sflag:s19], $0x4000  }
0x3a: {  	[sflag:s19] =	ssyncset.done $0x0  }
0x3b: {  	[sflag:s19] =	ssyncadd.s32 $0xFFFFC000  }
0x3c: {  	_ =	swait.ge [sflag:s19], $0x4000  }
0x3d: {  	[sflag:s19] =	ssyncset.done $0x0  }
0x3e: {  	[sflag:s19] =	ssyncadd.s32 $0xFFFFC000  }
0x3f: {  	_ =	swait.ge [sflag:s19], $0x4000  }
0x40: {  	[sflag:s19] =	ssyncset.done $0x0  }
0x41: {  	[sflag:s19] =	ssyncadd.s32 $0xFFFFC000  }
0x42: {  	_ =	swait.ge [sflag:s19], $0x4000  }
0x43: {  	[sflag:s19] =	ssyncset.done $0x0  }
0x44: {  	[sflag:s19] =	ssyncadd.s32 $0xFFFFC000  }
0x45: {  	[bflag:$0x0] =	sbarrier.arrive $0xFFFF  }
0x46: {  	[hbm:s8], [sflag:s6] =	dma.local [spmem:s12], $0x2700  }
0x47: {  	s20 =	sadd.s32 $0x1, s20;
	_ =	swait.ge [sflag:s13], $0x2700  }
0x48: {  	p1 =	sne.s32 s20, s10;
	[sflag:s13] =	ssyncset.done $0x0  }
.Ltmp1:
0x49: {  	s21 =	simm.s32 @!p0 $0x2;
	[sflag:s13] =	ssyncadd.s32 $0xFFFFD900;
	(pc) =	sbr.rel @p1 .LBB2_1-.Ltmp1, $4  }
0x4a: {  	[hbm:s9], [sflag:s6] =	dma.local @!p0 [spmem:s14], $0x100  }
0x4b: {  	_ =	swait.ge @!p0 [sflag:s21], $0x100  }
0x4c: {  	[sflag:s21] =	ssyncset.done @!p0 $0x0  }
0x4d: {  	[sflag:s21] =	ssyncadd.s32 @!p0 $0xFFFFFF00  }
0x4e: {  	_ =	sfence.sel $0x180000  }
0x4f: {  	[bflag:$0x0] =	sbarrier.arrive $0xFFFF  }
0x50: {  	p0 =	sne.s32 s2, $0x0;
	_ =	strace $0x90000047  }
0x51: {  	s0 =	sadd.s32 @!p0 $0x100000, s0;
	[bflag:$0x2] =	sbarrier.arrive $0xFFFF  }
0x52: {  	[sflag:s0] =	ssyncadd.tile.s32 @!p0 $0x1;
	_ =	shalt  }
.Lfunc_end2:
_tile_overlayer_lowered:
.L_overlay_start_2:
0x53: {  	(tag) =	ssettag $0x2  }
0x54: {  	s0 =	rddreg [dreg:$0x0];
	s2 =	stileid.u32  }
0x55: {  	s1 =	rddreg [dreg:$0x1];
	p0 =	sne.s32 s2, $0x0  }
0x56: {  	s3 =	rddreg [dreg:$0x2];
	[bflag:$0x3] =	sbarrier.arrive $0xFFFF;
	s2 =	simm.s32 @!p0 $0x1C02  }
0x57: {  	[timem:s3], [sflag:s2] =	dma.local @!p0 [hbm:s0], s1  }
0x58: {  	s0 =	simm.s32 @!p0 $0x2  }
0x59: {  	_ =	swait.ge @!p0 [sflag:s0], s1  }
0x5a: {  	s1 =	ssub.s32 @!p0 $0x0, s1;
	[sflag:s0] =	ssyncset.done @!p0 $0x0  }
0x5b: {  	[sflag:s0] =	ssyncadd.s32 @!p0 s1  }
0x5c: {  	[bflag:$0x3] =	sbarrier.arrive $0xFFFF  }
0x5d: {  	_ =	shalt  }

// kernel: kernel.15.cloned.1.call-start
scs
__scs_entry_jumppad:
0x0: {  	(pc) =	sbr.rel $0x88, $3  }
0x1: {  	(tag) =	ssettag $0x0;
	lr =	simm.s32 $0x1  }
0x2: {  	[smem:$0x3F97] =	sst lr;
	_ =	strace $0xD0000000  }
0x3: {  	_ = 	snop  }
0x4: {  	_ = 	snop  }
0x5: {  	_ = 	snop  }
0x6: {  	_ = 	snop  }
0x7: {  	_ = 	snop  }
__scs_overlays_trampoline_lowered:
0x8: {  	[smem:$0x3FA6] =	sst s0  }
0x9: {  	[smem:$0x3FA7] =	sst s1  }
0xa: {  	[smem:$0x3FA8] =	sst s2  }
0xb: {  	[smem:$0x3FA9] =	sst s3  }
0xc: {  	[smem:$0x3FAA] =	sst s4  }
0xd: {  	[smem:$0x3FAB] =	sst s5  }
0xe: {  	[smem:$0x3FAC] =	sst s6  }
0xf: {  	[smem:$0x3FAD] =	sst s7  }
0x10: {  	[smem:$0x3FAE] =	sst s8  }
0x11: {  	[smem:$0x3FAF] =	sst s9;
	s0 =	simm.s32 @!p0 $0x0  }
0x12: {  	s1 =	sld [smem:$0x3F95];
	s0 =	simm.s32 @p0 $0x1  }
0x13: {  	[smem:$0x3FB0] =	sst s0;
	s0 =	simm.s32 @!p1 $0x0  }
0x14: {  	s2 =	sld [smem:$0x3F94];
	s0 =	simm.s32 @p1 $0x1  }
0x15: {  	[smem:$0x3FB1] =	sst s0;
	s0 =	simm.s32 @!p2 $0x0  }
0x16: {  	s3 =	sld [smem:$0x3FDB];
	s0 =	simm.s32 @p2 $0x1  }
0x17: {  	s4 =	simm.s32 $0x1BF5;
	[smem:$0x3FB3] =	sst s0  }
0x18: {  	s0 =	sld [smem:$0x3F96];
	_ =	swait.ge [sflag:s4], $0x0  }
0x19: {  	s7 =	sld [smem:$0x3F97]  }
0x1a: {  	s8 =	sadd.s32 $0xFFFFE003, lr  }
0x1b: {  	s9 =	sadd.s32 $0xFFFFFEF7, lr;
	s5 =	simm.s32 $0xFFFFFFFF;
	p2 =	slt.u32 s8, $0xFFFFF086  }
0x1c: {  	p1 =	slt.u32 s9, $0xF7A;
	s5 =	simm.s32 @!p2 $0x0  }
0x1d: {  	s5 =	simm.s32 @p1 $0x1;
	p0 =	seq.s32 s7, s2  }
0x1e: {  	s7 =	smul.u32 @!p0 $0xF7A, s2;
	p2 =	seq.s32 @!p0 s5, $0x0  }
0x1f: {  	s9 =	smul.u32 $0xF7A, s1;
	s8 =	simm.s32 @!p0 $0x1BF5;
	p2 =	por !p2, p0  }
0x20: {  	[sflag:s8] =	ssyncset.s32 @!p0 $0xFFFFF086;
	s6 =	sadd.s32 @!p0 s3, s7;
	s7 =	simm.s32 @!p0 $0x108  }
0x21: {  	s3 =	sadd.s32 s3, s9;
	s6 =	sadd.s32 @!p0 $0x88, s6;
	s7 =	simm.s32 @p2 $0x1082  }
0x22: {  	[simem:s7], [sflag:s8] =	dma.local @!p0 [hbm:s6], $0xF7A  }
0x23: {  	s9 =	sor.u32 $0xD0000000, s2;
	s6 =	simm.s32 $0x108;
	_ =	swait.ge @!p0 [sflag:s8], $0x0  }
0x24: {  	s3 =	sadd.s32 $0x88, s3;
	s6 =	simm.s32 @!p1 $0x1082;
	[sflag:s4] =	ssyncset.s32 $0xFFFFF086  }
0x25: {  	[simem:s6], [sflag:s4] =	dma.local [hbm:s3], $0xF7A  }
0x26: {  	[smem:$0x3F97] =	sst s1;
	(tag) =	ssettag s2;
	_ =	strace s9  }
0x27: {  	s1 =	sld [smem:$0x3FA7]  }
0x28: {  	s2 =	sld [smem:$0x3FA8]  }
0x29: {  	s4 =	sld [smem:$0x3FAA]  }
0x2a: {  	p0 =	seq.s32 s5, $0x0;
	s5 =	sld [smem:$0x3FAB]  }
0x2b: {  	s6 =	sld [smem:$0x3FAC]  }
0x2c: {  	s7 =	sld [smem:$0x3FAD]  }
0x2d: {  	s3 =	simm.s32 $0x108;
	s8 =	sld [smem:$0x3FAE]  }
0x2e: {  	s3 =	simm.s32 @!p0 $0x1082;
	s9 =	sld [smem:$0x3FAF]  }
0x2f: {  	lr =	sadd.s32 s0, s3;
	s0 =	sld [smem:$0x3FA6]  }
0x30: {  	s3 =	sld [smem:$0x3FA9]  }
0x31: {  	[smem:$0x3FB2] =	sst s10  }
0x32: {  	s10 =	sld [smem:$0x3FB0];
	_ =	sdelay $0x3  }
0x33: {  	p0 =	seq.s32 s10, $0x1;
	s10 =	sld [smem:$0x3FB2];
	_ =	sdelay $0x3  }
0x34: {  	[smem:$0x3FB2] =	sst s10  }
0x35: {  	s10 =	sld [smem:$0x3FB1];
	_ =	sdelay $0x3  }
0x36: {  	p1 =	seq.s32 s10, $0x1;
	s10 =	sld [smem:$0x3FB2];
	_ =	sdelay $0x3  }
0x37: {  	[smem:$0x3FB2] =	sst s10  }
0x38: {  	s10 =	sld [smem:$0x3FB3]  }
0x39: {  	_ = 	snop;
	(pc) =	sbr.ind lr, $3  }
0x3a: {  	_ = 	snop  }
0x3b: {  	_ = 	snop  }
0x3c: {  	p2 =	seq.s32 s10, $0x1;
	s10 =	sld [smem:$0x3FB2]  }
0x3d: {  	_ =	shalt  }
0x3e: {  	_ =	shalt  }
0x3f: {  	_ =	shalt  }
0x40: {  	_ =	shalt  }
0x41: {  	_ =	shalt  }
0x42: {  	_ =	shalt  }
0x43: {  	_ =	shalt  }
0x44: {  	_ =	shalt  }
0x45: {  	_ =	shalt  }
0x46: {  	_ =	shalt  }
0x47: {  	_ =	shalt  }
0x48: {  	_ =	shalt  }
0x49: {  	_ =	shalt  }
0x4a: {  	_ =	shalt  }
0x4b: {  	_ =	shalt  }
0x4c: {  	_ =	shalt  }
0x4d: {  	_ =	shalt  }
0x4e: {  	_ =	shalt  }
0x4f: {  	_ =	shalt  }
0x50: {  	_ =	shalt  }
0x51: {  	_ =	shalt  }
0x52: {  	_ =	shalt  }
0x53: {  	_ =	shalt  }
0x54: {  	_ =	shalt  }
0x55: {  	_ =	shalt  }
0x56: {  	_ =	shalt  }
0x57: {  	_ =	shalt  }
0x58: {  	_ =	shalt  }
0x59: {  	_ =	shalt  }
0x5a: {  	_ =	shalt  }
0x5b: {  	_ =	shalt  }
0x5c: {  	_ =	shalt  }
0x5d: {  	_ =	shalt  }
0x5e: {  	_ =	shalt  }
0x5f: {  	_ =	shalt  }
0x60: {  	_ =	shalt  }
0x61: {  	_ =	shalt  }
0x62: {  	_ =	shalt  }
0x63: {  	_ =	shalt  }
0x64: {  	_ =	shalt  }
0x65: {  	_ =	shalt  }
0x66: {  	_ =	shalt  }
0x67: {  	_ =	shalt  }
0x68: {  	_ =	shalt  }
0x69: {  	_ =	shalt  }
0x6a: {  	_ =	shalt  }
0x6b: {  	_ =	shalt  }
0x6c: {  	_ =	shalt  }
0x6d: {  	_ =	shalt  }
0x6e: {  	_ =	shalt  }
0x6f: {  	_ =	shalt  }
0x70: {  	_ =	shalt  }
0x71: {  	_ =	shalt  }
0x72: {  	_ =	shalt  }
0x73: {  	_ =	shalt  }
0x74: {  	_ =	shalt  }
0x75: {  	_ =	shalt  }
0x76: {  	_ =	shalt  }
0x77: {  	_ =	shalt  }
0x78: {  	_ =	shalt  }
0x79: {  	_ =	shalt  }
0x7a: {  	_ =	shalt  }
0x7b: {  	_ =	shalt  }
0x7c: {  	_ =	shalt  }
0x7d: {  	_ =	shalt  }
0x7e: {  	_ =	shalt  }
0x7f: {  	_ =	shalt  }
0x80: {  	_ =	shalt  }
0x81: {  	_ =	shalt  }
0x82: {  	_ =	shalt  }
0x83: {  	_ =	shalt  }
0x84: {  	_ =	shalt  }
0x85: {  	_ =	shalt  }
0x86: {  	_ =	shalt  }
0x87: {  	_ =	shalt  }
.Lfunc_end0:
.L_simem_size_0:
called_computation.1_lowered:
.L_overlay_start_0:
0x88: {  	s2 =	sld [smem:$0x3FD9]  }
0x89: {  	s3 =	sld [smem:$0x3FFE];
	_ =	sdelay $0x1  }
0x8a: {  	s1 =	srdreg.scid  }
0x8b: {  	s0 =	sand.u32 $0x1, s1  }
0x8c: {  	s14 =	sshll.u32 s0, $0xA;
	s2 =	sadd.s32 s3, s2  }
0x8d: {  	s2 =	sadd.s32 s2, s14  }
0x8e: {  	[smem:$0x3FBE] =	sst s2  }
0x8f: {  	_ = 	snop  }
0x90: {  	s2 =	sld [smem:$0x3FD0];
	_ =	sdelay $0x2  }
0x91: {  	s15 =	simm.s32 $0xA;
	s4 =	simm.s32 $0x10  }
0x92: {  	[smem:s4], [sflag:s15] =	dma.local [hbm:s2], $0x1  }
0x93: {  	_ =	swait.eq [sflag:s15], $0x1  }
0x94: {  	s16 =	sld [smem:$0x10];
	[sflag:s15] =	ssyncset.done $0x0  }
0x95: {  	s17 =	sld [smem:$0x11];
	[sflag:s15] =	ssyncadd.s32 $0xFFFFFFFF  }
0x96: {  	s18 =	sld [smem:$0x12];
	(tm) =	ssettm $0x1  }
0x97: {  	s5 =	sld [smem:$0x3FFB];
	_ =	sdelay $0x3  }
0x98: {  	_ =	strace s5  }
0x99: {  	s5 =	sld [smem:$0x3FFC];
	_ =	sdelay $0x3  }
0x9a: {  	_ =	strace s5  }
0x9b: {  	s5 =	sld [smem:$0x3FFD];
	_ =	sdelay $0x3  }
0x9c: {  	_ =	strace s5  }
0x9d: {  	_ =	strace $0x8FFFFFFF  }
0x9e: {  	s19 =	sld [smem:$0x3FDB];
	_ =	sdelay $0x1  }
0x9f: {  	s6 =	simm.s32 $_scs_section_size  }
0xa0: {  	s7 =	simm.s32 $_size__tile_overlayer_lowered;
	s8 =	simm.s32 $_tile_overlayer_lowered  }
0xa1: {  	s22 =	simm.s32 $0x1BFF;
	s21 =	sshll.u32 s8, $0x1;
	s5 =	sadd.s32 s6, s19  }
0xa2: {  	s9 =	simm.s32 $0x0;
	s20 =	sshll.u32 s7, $0x1;
	s7 =	sadd.s32 s21, s5  }
0xa3: {  	[timem:s9], [sflag:s22] =	dma.local [hbm:s7], s20  }
0xa4: {  	_ =	swait.ge [sflag:s22], s20  }
0xa5: {  	s6 =	ssub.s32 $0x0, s20;
	[sflag:s22] =	ssyncset.done $0x0  }
0xa6: {  	[sflag:s22] =	ssyncadd.s32 s6;
	_ =	sdelay $0x1  }
0xa7: {  	s23 =	simm.s32 $0x1B8B  }
0xa8: {  	_ =	swait.ge [sflag:s23], $0x1  }
0xa9: {  	[sflag:s23] =	ssyncset.done $0x0  }
0xaa: {  	s25 =	simm.s32 $0x1B8E;
	s24 =	sld [smem:$0x3FFE];
	[sflag:s23] =	ssyncadd.s32 $0xFFFFFFFF  }
0xab: {  	s26 =	simm.s32 $execute0_lowered;
	[smem:$0x3FD2] =	sst s25  }
0xac: {  	s7 =	sshll.u32 s26, $0x1;
	_ =	strace $0x80000049;
	[dreg:$0x1] =	wrdreg $0xFFFFFFFF  }
0xad: {  	s28 =	simm.s32 $_size_execute0_lowered;
	s5 =	sadd.s32 s5, s7;
	[dreg:$0x0] =	wrdreg $0x0  }
0xae: {  	s7 =	sshll.u32 s28, $0x1;
	[dreg:$0x2] =	wrdreg s5  }
0xaf: {  	[dreg:$0x3] =	wrdreg s7  }
0xb0: {  	[dreg:$0x4] =	wrdreg $0xC0  }
0xb1: {  	_ =	task [dreg:s9], $0x5FFFF  }
0xb2: {  	[dreg:$0x1] =	wrdreg $0xFFFFFFFF  }
0xb3: {  	[dreg:$0x0] =	wrdreg $0x60  }
0xb4: {  	[dreg:$0x2] =	wrdreg s18  }
0xb5: {  	[dreg:$0x3] =	wrdreg s24  }
0xb6: {  	[dreg:$0x4] =	wrdreg s16  }
0xb7: {  	[dreg:$0x5] =	wrdreg s17  }
0xb8: {  	[dreg:$0x6] =	wrdreg $0xA8000  }
0xb9: {  	[dreg:$0x7] =	wrdreg $0x9  }
0xba: {  	_ =	task.clear_ibuf [dreg:s9], $0x8FFFF;
	_ =	strace $0x90000049  }
0xbb: {  	s29 =	simm.s32 $0x9;
	_ =	strace $0x8000004B  }
0xbc: {  	_ =	swait.ge [sflag:s29], $0x1  }
0xbd: {  	[sflag:s29] =	ssyncadd.s32 $0xFFFFFFFF  }
0xbe: {  	_ =	strace $0x9000004B  }
0xbf: {  	_ =	sfence  }
0xc0: {  	s30 =	sld [smem:$0x0];
	_ =	sdelay $0x2  }
0xc1: {  	s31 =	sshll.u32 s1, $0xD;
	s1 =	sshrl.u32 s1, $0x2  }
0xc2: {  	s3 =	sand.u32 $0x4000, s31;
	s1 =	sadd.s32 s1, s30  }
0xc3: {  	s0 =	sor.u32 s3, s0;
	s1 =	sshll.u32 s1, $0x11  }
0xc4: {  	s0 =	sor.u32 s1, s0  }
0xc5: {  	s0 =	sadd.s32 $0x8F2B, s0  }
0xc6: {  	[sflag:s0] =	ssyncadd.remote.s32 $0x1  }
0xc7: {  	_ =	sfence.sel $0xFFFF  }
0xc8: {  	[dreg:$0x0] =	wrdreg $0xFFFFFFFF;
	(pc) =	sbr.abs _section_cstart, $3  }
0xc9: {  	[dreg:$0x1] =	wrdreg $0xFFFFFFFF  }
0xca: {  	_ =	task.clear_ibuf [dreg:s9], $0x2FFFF;
	_ =	strace $0x9FFFFFFF  }
0xcb: {  	(tm) =	ssettm $0x7FFFFFFF  }
tec
execute0_lowered:
.L_overlay_start_1:
0x0: {  	(tag) =	ssettag $0x1  }
0x1: {  	s1 =	rddreg [dreg:$0x0]  }
0x2: {  	s0 =	rddreg [dreg:$0x1]  }
0x3: {  	s9 =	rddreg [dreg:$0x2]  }
0x4: {  	s11 =	rddreg [dreg:$0x3]  }
0x5: {  	s3 =	rddreg [dreg:$0x4]  }
0x6: {  	s4 =	simm.s32 $0x0;
	s5 =	srdreg.scid;
	s2 =	stileid.u32  }
0x7: {  	s17 =	simm.s32 $0x1400;
	s18 =	simm.s32 $0x40;
	s19 =	simm.s32 $0x2800  }
0x8: {  	s20 =	simm.s32 $0x4800;
	s21 =	simm.s32 $0x80;
	s22 =	simm.s32 $0x6800  }
0x9: {  	s23 =	simm.s32 $0xC0;
	s24 =	simm.s32 $0x8800;
	s28 =	simm.s32 $0x1480  }
0xa: {  	s29 =	simm.s32 $0x3;
	s30 =	simm.s32 $0x4;
	[smem:$0x7FF] =	sst s4  }
0xb: {  	s10 =	sand.u32 $0x1, s5;
	s6 =	smul.u32 $0x4E000, s2;
	s5 =	sadd.s32 $0x4C00, s0  }
0xc: {  	s12 =	smul.u32 $0x2700, s2;
	s16 =	sadd.s32 $0x138000, s3;
	p0 =	sne.s32 s2, $0xF  }
0xd: {  	s26 =	sshll.u32 s2, $0x6;
	_ =	strace $0x8000004A;
	s31 =	smul.u32 $0x138800, s10  }
0xe: {  	s7 =	ssub.s32 $0x2, s10;
	s15 =	smul.u32 $0x27100, s10;
	s10 =	sshll.u32 s10, $0x4  }
0xf: {  	s16 =	sshrl.u32 @!p0 s16, $0x3;
	s8 =	sshrl.u32 s7, $0x1;
	s13 =	sshrl.u32 s6, $0x2  }
0x10: {  	s6 =	sadd.s32 $0xEC00, s0;
	s10 =	sor.u32 s2, s10;
	s25 =	ssub.s32 s7, s8  }
0x11: {  	s14 =	sadd.s32 s13, s3;
	s7 =	sadd.s32 s9, s12;
	s8 =	sor.u32 $0x1C05, s26  }
0x12: {  	s9 =	sadd.s32 $0x27000, s9;
	s13 =	sshrl.u32 s31, $0x3;
	s12 =	sadd.s32 s12, s15  }
0x13: {  	s10 =	smul.u32 $0x50, s10;
	s15 =	simm.s32 $0x5;
	s26 =	simm.s32 $0x2  }
0x14: {  	s13 =	sadd.s32 s11, s13;
	s11 =	sadd.s32 s11, s12;
	s14 =	sshrl.u32 s14, $0x3  }
0x15: {  	s12 =	sadd.s32 $0x27000, s13;
	s13 =	smax.u32 s25, $0x1;
	s25 =	simm.s32 $0x1  }
.LBB2_1:
0x16: {  	[spmem:s14], [sflag:s8] =	dma.local [hbm:s7], $0x2700  }
0x17: {  	_ =	swait.ge [sflag:s15], $0x2700  }
0x18: {  	[sflag:s15] =	ssyncset.done $0x0  }
0x19: {  	s0 =	simm.s32 @!p0 $0x5;
	[sflag:s15] =	ssyncadd.s32 $0xFFFFD900  }
0x1a: {  	[spmem:s16], [sflag:s8] =	dma.local @!p0 [hbm:s9], $0x100  }
0x1b: {  	_ =	swait.ge @!p0 [sflag:s0], $0x100  }
0x1c: {  	[sflag:s0] =	ssyncset.done @!p0 $0x0  }
0x1d: {  	[sflag:s0] =	ssyncadd.s32 @!p0 $0xFFFFFF00  }
0x1e: {  	p2 =	por $0x1, $0x1;
	s0 =	simm.s32 $0x0;
	[bflag:$0x0] =	sbarrier.arrive $0xFFFF  }
.LBB2_2:
0x1f: {  	s0 =	sadd.s32 s10, s0  }
0x20: {  	s0 =	sshll.u32 s0, $0x4  }
0x21: {  	s2 =	simm.s32 $0x0;
	s31 =	sadd.s32 s5, s0  }
0x22: {  	[tilespmem:s2], [sflag:$0x5] =	stream.linear.gather [hbm4b:s31+s2], $0x1400, $0x38;
	[tilespmem:$0x1E480] =	vst v63  }
0x23: {  	_ =	swait.ge [sflag:s15], $0x1400  }
0x24: {  	[sflag:s15] =	ssyncset.done $0x0  }
0x25: {  	s0 =	sadd.s32 s6, s0;
	[sflag:s15] =	ssyncadd.s32 $0xFFFFEC00  }
0x26: {  	[tilespmem:s17], [sflag:$0x5] =	stream.linear.gather [hbm4b:s0+s2], $0x1400, $0x38;
	[tilespmem:$0x1E480] =	vst v63  }
0x27: {  	_ =	swait.ge [sflag:s15], $0x1400  }
0x28: {  	[sflag:s15] =	ssyncset.done $0x0  }
0x29: {  	[sflag:s15] =	ssyncadd.s32 $0xFFFFEC00  }
0x2a: {  	[tilespmem:s19], [sflag:$0x1] =	stream.indirect.gather [hbm4b:s1+s18], $0x80, s2, s18, $0xb8;
	[tilespmem:$0x1E480] =	vst v63  }
0x2b: {  	_ = 	snop  }
0x2c: {  	[tilespmem:s20], [sflag:$0x1] =	stream.indirect.gather [hbm4b:s1+s18], $0x80, s18, s18, $0xb8;
	[tilespmem:$0x1E480] =	vst v63  }
0x2d: {  	_ = 	snop  }
0x2e: {  	[tilespmem:s22], [sflag:$0x2] =	stream.indirect.gather [hbm4b:s1+s18], $0x80, s21, s18, $0xb8;
	[tilespmem:$0x1E480] =	vst v63  }
0x2f: {  	_ = 	snop  }
0x30: {  	[tilespmem:s24], [sflag:$0x2] =	stream.indirect.gather [hbm4b:s1+s18], $0x80, s23, s18, $0xb8;
	[tilespmem:$0x1E480] =	vst v63  }
0x31: {  	_ =	swait.ge [sflag:s25], $0x2000  }
0x32: {  	[sflag:s25] =	ssyncset.done $0x0  }
0x33: {  	[sflag:s25] =	ssyncadd.s32 $0xFFFFE000  }
0x34: {  	_ =	swait.ge [sflag:s25], $0x2000  }
0x35: {  	[sflag:s25] =	ssyncset.done $0x0  }
0x36: {  	[sflag:s25] =	ssyncadd.s32 $0xFFFFE000  }
0x37: {  	[spmem:s3] =	stream.indirect.scatter.add.f32 [tilespmem:s19], [sflag:$0x3], $0x80, s17, s21, $0xb8;
	[tilespmem:$0x1E480] =	vst v63  }
0x38: {  	_ =	swait.ge [sflag:s26], $0x2000  }
0x39: {  	[sflag:s26] =	ssyncset.done $0x0  }
0x3a: {  	[sflag:s26] =	ssyncadd.s32 $0xFFFFE000  }
0x3b: {  	_ =	swait.ge [sflag:s26], $0x2000  }
0x3c: {  	[sflag:s26] =	ssyncset.done $0x0  }
0x3d: {  	[sflag:s26] =	ssyncadd.s32 $0xFFFFE000  }
0x3e: {  	[spmem:s3] =	stream.indirect.scatter.add.f32 [tilespmem:s22], [sflag:$0x4], $0x80, s28, s21, $0xb8;
	[tilespmem:$0x1E480] =	vst v63  }
0x3f: {  	_ =	swait.ge [sflag:s29], $0x4000  }
0x40: {  	[sflag:s29] =	ssyncset.done $0x0  }
0x41: {  	s2 =	simm.s32 $0x100;
	[sflag:s29] =	ssyncadd.s32 $0xFFFFC000  }
0x42: {  	[tilespmem:s19], [sflag:$0x1] =	stream.indirect.gather [hbm4b:s1+s18], $0x80, s2, s18, $0xb8;
	[tilespmem:$0x1E480] =	vst v63  }
0x43: {  	s2 =	simm.s32 $0x140  }
0x44: {  	[tilespmem:s20], [sflag:$0x1] =	stream.indirect.gather [hbm4b:s1+s18], $0x80, s2, s18, $0xb8;
	[tilespmem:$0x1E480] =	vst v63  }
0x45: {  	_ =	swait.ge [sflag:s30], $0x4000  }
0x46: {  	[sflag:s30] =	ssyncset.done $0x0  }
0x47: {  	s2 =	simm.s32 $0x180;
	[sflag:s30] =	ssyncadd.s32 $0xFFFFC000  }
0x48: {  	[tilespmem:s22], [sflag:$0x2] =	stream.indirect.gather [hbm4b:s1+s18], $0x80, s2, s18, $0xb8;
	[tilespmem:$0x1E480] =	vst v63  }
0x49: {  	s2 =	simm.s32 $0x1C0  }
0x4a: {  	[tilespmem:s24], [sflag:$0x2] =	stream.indirect.gather [hbm4b:s1+s18], $0x80, s2, s18, $0xb8;
	[tilespmem:$0x1E480] =	vst v63  }
0x4b: {  	_ =	swait.ge [sflag:s25], $0x2000  }
0x4c: {  	[sflag:s25] =	ssyncset.done $0x0  }
0x4d: {  	[sflag:s25] =	ssyncadd.s32 $0xFFFFE000  }
0x4e: {  	_ =	swait.ge [sflag:s25], $0x2000  }
0x4f: {  	[sflag:s25] =	ssyncset.done $0x0  }
0x50: {  	s2 =	simm.s32 $0x1500;
	[sflag:s25] =	ssyncadd.s32 $0xFFFFE000  }
0x51: {  	[spmem:s3] =	stream.indirect.scatter.add.f32 [tilespmem:s19], [sflag:$0x3], $0x80, s2, s21, $0xb8;
	[tilespmem:$0x1E480] =	vst v63  }
0x52: {  	_ =	swait.ge [sflag:s26], $0x2000  }
0x53: {  	[sflag:s26] =	ssyncset.done $0x0  }
0x54: {  	[sflag:s26] =	ssyncadd.s32 $0xFFFFE000  }
0x55: {  	_ =	swait.ge [sflag:s26], $0x2000  }
0x56: {  	p1 =	por p2, p2;
	[sflag:s26] =	ssyncset.done $0x0  }
0x57: {  	s31 =	simm.s32 $0x400;
	s0 =	simm.s32 $0x1580;
	[sflag:s26] =	ssyncadd.s32 $0xFFFFE000  }
.LBB2_3:
0x58: {  	[spmem:s3] =	stream.indirect.scatter.add.f32 [tilespmem:s22], [sflag:$0x4], $0x80, s0, s21, $0xb8;
	[tilespmem:$0x1E480] =	vst v63  }
0x59: {  	s0 =	smov.u32 s31  }
0x5a: {  	p2 =	sne.s32 s31, $0x4800;
	s31 =	sadd.s32 $0x400, s31;
	_ =	swait.ge [sflag:s29], $0x4000  }
0x5b: {  	s0 =	sshra.s32 s0, $0x2;
	[sflag:s29] =	ssyncset.done $0x0  }
0x5c: {  	s2 =	sadd.s32 $0x100, s0;
	[sflag:s29] =	ssyncadd.s32 $0xFFFFC000  }
0x5d: {  	[tilespmem:s19], [sflag:$0x1] =	stream.indirect.gather [hbm4b:s1+s18], $0x80, s2, s18, $0xb8;
	[tilespmem:$0x1E480] =	vst v63  }
0x5e: {  	s2 =	sadd.s32 $0x140, s0  }
0x5f: {  	[tilespmem:s20], [sflag:$0x1] =	stream.indirect.gather [hbm4b:s1+s18], $0x80, s2, s18, $0xb8;
	[tilespmem:$0x1E480] =	vst v63  }
0x60: {  	_ =	swait.ge [sflag:s30], $0x4000  }
0x61: {  	[sflag:s30] =	ssyncset.done $0x0  }
0x62: {  	s2 =	sadd.s32 $0x180, s0;
	[sflag:s30] =	ssyncadd.s32 $0xFFFFC000  }
0x63: {  	[tilespmem:s22], [sflag:$0x2] =	stream.indirect.gather [hbm4b:s1+s18], $0x80, s2, s18, $0xb8;
	[tilespmem:$0x1E480] =	vst v63  }
0x64: {  	s2 =	sadd.s32 $0x1C0, s0  }
0x65: {  	[tilespmem:s24], [sflag:$0x2] =	stream.indirect.gather [hbm4b:s1+s18], $0x80, s2, s18, $0xb8;
	[tilespmem:$0x1E480] =	vst v63  }
0x66: {  	_ =	swait.ge [sflag:s25], $0x2000  }
0x67: {  	[sflag:s25] =	ssyncset.done $0x0  }
0x68: {  	[sflag:s25] =	ssyncadd.s32 $0xFFFFE000  }
0x69: {  	_ =	swait.ge [sflag:s25], $0x2000  }
0x6a: {  	[sflag:s25] =	ssyncset.done $0x0  }
0x6b: {  	s2 =	sadd.s32 $0x1500, s0;
	[sflag:s25] =	ssyncadd.s32 $0xFFFFE000  }
0x6c: {  	[spmem:s3] =	stream.indirect.scatter.add.f32 [tilespmem:s19], [sflag:$0x3], $0x80, s2, s21, $0xb8;
	[tilespmem:$0x1E480] =	vst v63  }
0x6d: {  	_ =	swait.ge [sflag:s26], $0x2000  }
.Ltmp0:
0x6e: {  	[sflag:s26] =	ssyncset.done $0x0;
	(pc) =	sbr.rel @p2 .LBB2_3-.Ltmp0, $4  }
0x6f: {  	[sflag:s26] =	ssyncadd.s32 $0xFFFFE000  }
0x70: {  	_ =	swait.ge [sflag:s26], $0x2000  }
0x71: {  	[sflag:s26] =	ssyncset.done $0x0  }
0x72: {  	s0 =	sadd.s32 $0x1580, s0;
	[sflag:s26] =	ssyncadd.s32 $0xFFFFE000  }
0x73: {  	[spmem:s3] =	stream.indirect.scatter.add.f32 [tilespmem:s22], [sflag:$0x4], $0x80, s0, s21, $0xb8;
	[tilespmem:$0x1E480] =	vst v63  }
0x74: {  	_ =	swait.ge [sflag:s29], $0x4000  }
.Ltmp1:
0x75: {  	[sflag:s29] =	ssyncset.done $0x0;
	(pc) =	sbr.rel @p1 .LBB2_2-.Ltmp1, $4  }
0x76: {  	[sflag:s29] =	ssyncadd.s32 $0xFFFFC000  }
0x77: {  	_ =	swait.ge [sflag:s30], $0x4000  }
0x78: {  	[sflag:s30] =	ssyncset.done $0x0  }
0x79: {  	s0 =	simm.s32 $0x28;
	p2 =	por $0x0, $0x0;
	[sflag:s30] =	ssyncadd.s32 $0xFFFFC000  }
0x7a: {  	[bflag:$0x0] =	sbarrier.arrive $0xFFFF  }
0x7b: {  	[hbm:s11], [sflag:s8] =	dma.local [spmem:s14], $0x2700  }
0x7c: {  	s4 =	sadd.s32 $0x1, s4;
	_ =	swait.ge [sflag:s15], $0x2700  }
0x7d: {  	p1 =	sne.s32 s4, s13;
	[sflag:s15] =	ssyncset.done $0x0  }
.Ltmp2:
0x7e: {  	s0 =	simm.s32 @!p0 $0x5;
	[sflag:s15] =	ssyncadd.s32 $0xFFFFD900;
	(pc) =	sbr.rel @p1 .LBB2_1-.Ltmp2, $4  }
0x7f: {  	[hbm:s12], [sflag:s8] =	dma.local @!p0 [spmem:s16], $0x100  }
0x80: {  	_ =	swait.ge @!p0 [sflag:s0], $0x100  }
0x81: {  	[sflag:s0] =	ssyncset.done @!p0 $0x0  }
0x82: {  	[sflag:s0] =	ssyncadd.s32 @!p0 $0xFFFFFF00  }
0x83: {  	_ =	sfence.sel $0x180000  }
0x84: {  	[bflag:$0x0] =	sbarrier.arrive $0xFFFF  }
0x85: {  	_ =	strace $0x9000004A  }
0x86: {  	s0 =	stileid.u32;
	[bflag:$0x2] =	sbarrier.arrive $0xFFFF  }
0x87: {  	p0 =	sne.s32 s0, $0x0;
	s0 =	rddreg [dreg:$0x5]  }
0x88: {  	s0 =	sadd.s32 @!p0 $0x100000, s0  }
0x89: {  	[sflag:s0] =	ssyncadd.tile.s32 @!p0 $0x1;
	_ =	shalt  }
.Lfunc_end2:
_tile_overlayer_lowered:
.L_overlay_start_2:
0x8a: {  	(tag) =	ssettag $0x2  }
0x8b: {  	s0 =	rddreg [dreg:$0x0];
	s2 =	stileid.u32  }
0x8c: {  	s1 =	rddreg [dreg:$0x1];
	p0 =	sne.s32 s2, $0x0  }
0x8d: {  	s3 =	rddreg [dreg:$0x2];
	[bflag:$0x3] =	sbarrier.arrive $0xFFFF;
	s2 =	simm.s32 @!p0 $0x1C05  }
0x8e: {  	[timem:s3], [sflag:s2] =	dma.local @!p0 [hbm:s0], s1  }
0x8f: {  	s0 =	simm.s32 @!p0 $0x5  }
0x90: {  	_ =	swait.ge @!p0 [sflag:s0], s1  }
0x91: {  	s1 =	ssub.s32 @!p0 $0x0, s1;
	[sflag:s0] =	ssyncset.done @!p0 $0x0  }
0x92: {  	[sflag:s0] =	ssyncadd.s32 @!p0 s1  }
0x93: {  	[bflag:$0x3] =	sbarrier.arrive $0xFFFF  }
0x94: {  	_ =	shalt  }

// kernel: kernel.18.cloned.1.call-start
scs
__scs_entry_jumppad:
0x0: {  	(pc) =	sbr.rel $0x88, $3  }
0x1: {  	(tag) =	ssettag $0x0;
	lr =	simm.s32 $0x1  }
0x2: {  	[smem:$0x3F97] =	sst lr;
	_ =	strace $0xD0000000  }
0x3: {  	_ = 	snop  }
0x4: {  	_ = 	snop  }
0x5: {  	_ = 	snop  }
0x6: {  	_ = 	snop  }
0x7: {  	_ = 	snop  }
__scs_overlays_trampoline_lowered:
0x8: {  	[smem:$0x3FA6] =	sst s0  }
0x9: {  	[smem:$0x3FA7] =	sst s1  }
0xa: {  	[smem:$0x3FA8] =	sst s2  }
0xb: {  	[smem:$0x3FA9] =	sst s3  }
0xc: {  	[smem:$0x3FAA] =	sst s4  }
0xd: {  	[smem:$0x3FAB] =	sst s5  }
0xe: {  	[smem:$0x3FAC] =	sst s6  }
0xf: {  	[smem:$0x3FAD] =	sst s7  }
0x10: {  	[smem:$0x3FAE] =	sst s8  }
0x11: {  	[smem:$0x3FAF] =	sst s9;
	s0 =	simm.s32 @!p0 $0x0  }
0x12: {  	s1 =	sld [smem:$0x3F95];
	s0 =	simm.s32 @p0 $0x1  }
0x13: {  	[smem:$0x3FB0] =	sst s0;
	s0 =	simm.s32 @!p1 $0x0  }
0x14: {  	s2 =	sld [smem:$0x3F94];
	s0 =	simm.s32 @p1 $0x1  }
0x15: {  	[smem:$0x3FB1] =	sst s0;
	s0 =	simm.s32 @!p2 $0x0  }
0x16: {  	s3 =	sld [smem:$0x3FDB];
	s0 =	simm.s32 @p2 $0x1  }
0x17: {  	s4 =	simm.s32 $0x1BF5;
	[smem:$0x3FB3] =	sst s0  }
0x18: {  	s0 =	sld [smem:$0x3F96];
	_ =	swait.ge [sflag:s4], $0x0  }
0x19: {  	s7 =	sld [smem:$0x3F97]  }
0x1a: {  	s8 =	sadd.s32 $0xFFFFE003, lr  }
0x1b: {  	s9 =	sadd.s32 $0xFFFFFEF7, lr;
	s5 =	simm.s32 $0xFFFFFFFF;
	p2 =	slt.u32 s8, $0xFFFFF086  }
0x1c: {  	p1 =	slt.u32 s9, $0xF7A;
	s5 =	simm.s32 @!p2 $0x0  }
0x1d: {  	s5 =	simm.s32 @p1 $0x1;
	p0 =	seq.s32 s7, s2  }
0x1e: {  	s7 =	smul.u32 @!p0 $0xF7A, s2;
	p2 =	seq.s32 @!p0 s5, $0x0  }
0x1f: {  	s9 =	smul.u32 $0xF7A, s1;
	s8 =	simm.s32 @!p0 $0x1BF5;
	p2 =	por !p2, p0  }
0x20: {  	[sflag:s8] =	ssyncset.s32 @!p0 $0xFFFFF086;
	s6 =	sadd.s32 @!p0 s3, s7;
	s7 =	simm.s32 @!p0 $0x108  }
0x21: {  	s3 =	sadd.s32 s3, s9;
	s6 =	sadd.s32 @!p0 $0x88, s6;
	s7 =	simm.s32 @p2 $0x1082  }
0x22: {  	[simem:s7], [sflag:s8] =	dma.local @!p0 [hbm:s6], $0xF7A  }
0x23: {  	s9 =	sor.u32 $0xD0000000, s2;
	s6 =	simm.s32 $0x108;
	_ =	swait.ge @!p0 [sflag:s8], $0x0  }
0x24: {  	s3 =	sadd.s32 $0x88, s3;
	s6 =	simm.s32 @!p1 $0x1082;
	[sflag:s4] =	ssyncset.s32 $0xFFFFF086  }
0x25: {  	[simem:s6], [sflag:s4] =	dma.local [hbm:s3], $0xF7A  }
0x26: {  	[smem:$0x3F97] =	sst s1;
	(tag) =	ssettag s2;
	_ =	strace s9  }
0x27: {  	s1 =	sld [smem:$0x3FA7]  }
0x28: {  	s2 =	sld [smem:$0x3FA8]  }
0x29: {  	s4 =	sld [smem:$0x3FAA]  }
0x2a: {  	p0 =	seq.s32 s5, $0x0;
	s5 =	sld [smem:$0x3FAB]  }
0x2b: {  	s6 =	sld [smem:$0x3FAC]  }
0x2c: {  	s7 =	sld [smem:$0x3FAD]  }
0x2d: {  	s3 =	simm.s32 $0x108;
	s8 =	sld [smem:$0x3FAE]  }
0x2e: {  	s3 =	simm.s32 @!p0 $0x1082;
	s9 =	sld [smem:$0x3FAF]  }
0x2f: {  	lr =	sadd.s32 s0, s3;
	s0 =	sld [smem:$0x3FA6]  }
0x30: {  	s3 =	sld [smem:$0x3FA9]  }
0x31: {  	[smem:$0x3FB2] =	sst s10  }
0x32: {  	s10 =	sld [smem:$0x3FB0];
	_ =	sdelay $0x3  }
0x33: {  	p0 =	seq.s32 s10, $0x1;
	s10 =	sld [smem:$0x3FB2];
	_ =	sdelay $0x3  }
0x34: {  	[smem:$0x3FB2] =	sst s10  }
0x35: {  	s10 =	sld [smem:$0x3FB1];
	_ =	sdelay $0x3  }
0x36: {  	p1 =	seq.s32 s10, $0x1;
	s10 =	sld [smem:$0x3FB2];
	_ =	sdelay $0x3  }
0x37: {  	[smem:$0x3FB2] =	sst s10  }
0x38: {  	s10 =	sld [smem:$0x3FB3]  }
0x39: {  	_ = 	snop;
	(pc) =	sbr.ind lr, $3  }
0x3a: {  	_ = 	snop  }
0x3b: {  	_ = 	snop  }
0x3c: {  	p2 =	seq.s32 s10, $0x1;
	s10 =	sld [smem:$0x3FB2]  }
0x3d: {  	_ =	shalt  }
0x3e: {  	_ =	shalt  }
0x3f: {  	_ =	shalt  }
0x40: {  	_ =	shalt  }
0x41: {  	_ =	shalt  }
0x42: {  	_ =	shalt  }
0x43: {  	_ =	shalt  }
0x44: {  	_ =	shalt  }
0x45: {  	_ =	shalt  }
0x46: {  	_ =	shalt  }
0x47: {  	_ =	shalt  }
0x48: {  	_ =	shalt  }
0x49: {  	_ =	shalt  }
0x4a: {  	_ =	shalt  }
0x4b: {  	_ =	shalt  }
0x4c: {  	_ =	shalt  }
0x4d: {  	_ =	shalt  }
0x4e: {  	_ =	shalt  }
0x4f: {  	_ =	shalt  }
0x50: {  	_ =	shalt  }
0x51: {  	_ =	shalt  }
0x52: {  	_ =	shalt  }
0x53: {  	_ =	shalt  }
0x54: {  	_ =	shalt  }
0x55: {  	_ =	shalt  }
0x56: {  	_ =	shalt  }
0x57: {  	_ =	shalt  }
0x58: {  	_ =	shalt  }
0x59: {  	_ =	shalt  }
0x5a: {  	_ =	shalt  }
0x5b: {  	_ =	shalt  }
0x5c: {  	_ =	shalt  }
0x5d: {  	_ =	shalt  }
0x5e: {  	_ =	shalt  }
0x5f: {  	_ =	shalt  }
0x60: {  	_ =	shalt  }
0x61: {  	_ =	shalt  }
0x62: {  	_ =	shalt  }
0x63: {  	_ =	shalt  }
0x64: {  	_ =	shalt  }
0x65: {  	_ =	shalt  }
0x66: {  	_ =	shalt  }
0x67: {  	_ =	shalt  }
0x68: {  	_ =	shalt  }
0x69: {  	_ =	shalt  }
0x6a: {  	_ =	shalt  }
0x6b: {  	_ =	shalt  }
0x6c: {  	_ =	shalt  }
0x6d: {  	_ =	shalt  }
0x6e: {  	_ =	shalt  }
0x6f: {  	_ =	shalt  }
0x70: {  	_ =	shalt  }
0x71: {  	_ =	shalt  }
0x72: {  	_ =	shalt  }
0x73: {  	_ =	shalt  }
0x74: {  	_ =	shalt  }
0x75: {  	_ =	shalt  }
0x76: {  	_ =	shalt  }
0x77: {  	_ =	shalt  }
0x78: {  	_ =	shalt  }
0x79: {  	_ =	shalt  }
0x7a: {  	_ =	shalt  }
0x7b: {  	_ =	shalt  }
0x7c: {  	_ =	shalt  }
0x7d: {  	_ =	shalt  }
0x7e: {  	_ =	shalt  }
0x7f: {  	_ =	shalt  }
0x80: {  	_ =	shalt  }
0x81: {  	_ =	shalt  }
0x82: {  	_ =	shalt  }
0x83: {  	_ =	shalt  }
0x84: {  	_ =	shalt  }
0x85: {  	_ =	shalt  }
0x86: {  	_ =	shalt  }
0x87: {  	_ =	shalt  }
.Lfunc_end0:
.L_simem_size_0:
called_computation.2_lowered:
.L_overlay_start_0:
0x88: {  	s2 =	sld [smem:$0x3FD9]  }
0x89: {  	s3 =	sld [smem:$0x3FFE];
	_ =	sdelay $0x1  }
0x8a: {  	s1 =	srdreg.scid  }
0x8b: {  	s0 =	sand.u32 $0x1, s1  }
0x8c: {  	s14 =	sshll.u32 s0, $0xA;
	s2 =	sadd.s32 s3, s2  }
0x8d: {  	s2 =	sadd.s32 s2, s14  }
0x8e: {  	[smem:$0x3FBE] =	sst s2  }
0x8f: {  	_ = 	snop  }
0x90: {  	s2 =	sld [smem:$0x3FD0];
	_ =	sdelay $0x2  }
0x91: {  	s15 =	simm.s32 $0xA;
	s4 =	simm.s32 $0x10  }
0x92: {  	[smem:s4], [sflag:s15] =	dma.local [hbm:s2], $0x1  }
0x93: {  	_ =	swait.eq [sflag:s15], $0x1  }
0x94: {  	s16 =	sld [smem:$0x10];
	[sflag:s15] =	ssyncset.done $0x0  }
0x95: {  	s17 =	sld [smem:$0x11];
	[sflag:s15] =	ssyncadd.s32 $0xFFFFFFFF  }
0x96: {  	s18 =	sld [smem:$0x12];
	(tm) =	ssettm $0x1  }
0x97: {  	s5 =	sld [smem:$0x3FFB];
	_ =	sdelay $0x3  }
0x98: {  	_ =	strace s5  }
0x99: {  	s5 =	sld [smem:$0x3FFC];
	_ =	sdelay $0x3  }
0x9a: {  	_ =	strace s5  }
0x9b: {  	s5 =	sld [smem:$0x3FFD];
	_ =	sdelay $0x3  }
0x9c: {  	_ =	strace s5  }
0x9d: {  	_ =	strace $0x8FFFFFFF  }
0x9e: {  	s19 =	sld [smem:$0x3FDB];
	_ =	sdelay $0x1  }
0x9f: {  	s6 =	simm.s32 $_scs_section_size  }
0xa0: {  	s7 =	simm.s32 $_size__tile_overlayer_lowered;
	s8 =	simm.s32 $_tile_overlayer_lowered  }
0xa1: {  	s22 =	simm.s32 $0x1BFF;
	s21 =	sshll.u32 s8, $0x1;
	s5 =	sadd.s32 s6, s19  }
0xa2: {  	s9 =	simm.s32 $0x0;
	s20 =	sshll.u32 s7, $0x1;
	s7 =	sadd.s32 s21, s5  }
0xa3: {  	[timem:s9], [sflag:s22] =	dma.local [hbm:s7], s20  }
0xa4: {  	_ =	swait.ge [sflag:s22], s20  }
0xa5: {  	s6 =	ssub.s32 $0x0, s20;
	[sflag:s22] =	ssyncset.done $0x0  }
0xa6: {  	[sflag:s22] =	ssyncadd.s32 s6;
	_ =	sdelay $0x1  }
0xa7: {  	s23 =	simm.s32 $0x1B8B  }
0xa8: {  	_ =	swait.ge [sflag:s23], $0x1  }
0xa9: {  	[sflag:s23] =	ssyncset.done $0x0  }
0xaa: {  	s25 =	simm.s32 $0x1B8E;
	s24 =	sld [smem:$0x3FFE];
	[sflag:s23] =	ssyncadd.s32 $0xFFFFFFFF  }
0xab: {  	s26 =	simm.s32 $execute0_lowered;
	[smem:$0x3FD2] =	sst s25  }
0xac: {  	s7 =	sshll.u32 s26, $0x1;
	_ =	strace $0x8000004C;
	[dreg:$0x1] =	wrdreg $0xFFFFFFFF  }
0xad: {  	s28 =	simm.s32 $_size_execute0_lowered;
	s5 =	sadd.s32 s5, s7;
	[dreg:$0x0] =	wrdreg $0x0  }
0xae: {  	s7 =	sshll.u32 s28, $0x1;
	[dreg:$0x2] =	wrdreg s5  }
0xaf: {  	[dreg:$0x3] =	wrdreg s7  }
0xb0: {  	[dreg:$0x4] =	wrdreg $0xC0  }
0xb1: {  	_ =	task [dreg:s9], $0x5FFFF  }
0xb2: {  	[dreg:$0x1] =	wrdreg $0xFFFFFFFF  }
0xb3: {  	[dreg:$0x0] =	wrdreg $0x60  }
0xb4: {  	[dreg:$0x2] =	wrdreg s18  }
0xb5: {  	[dreg:$0x3] =	wrdreg s24  }
0xb6: {  	[dreg:$0x4] =	wrdreg s16  }
0xb7: {  	[dreg:$0x5] =	wrdreg s17  }
0xb8: {  	[dreg:$0x6] =	wrdreg $0xA8000  }
0xb9: {  	[dreg:$0x7] =	wrdreg $0x9  }
0xba: {  	_ =	task.clear_ibuf [dreg:s9], $0x8FFFF;
	_ =	strace $0x9000004C  }
0xbb: {  	s29 =	simm.s32 $0x9;
	_ =	strace $0x8000004E  }
0xbc: {  	_ =	swait.ge [sflag:s29], $0x1  }
0xbd: {  	[sflag:s29] =	ssyncadd.s32 $0xFFFFFFFF  }
0xbe: {  	_ =	strace $0x9000004E  }
0xbf: {  	_ =	sfence  }
0xc0: {  	s30 =	sld [smem:$0x0];
	_ =	sdelay $0x2  }
0xc1: {  	s31 =	sshll.u32 s1, $0xD;
	s1 =	sshrl.u32 s1, $0x2  }
0xc2: {  	s3 =	sand.u32 $0x4000, s31;
	s1 =	sadd.s32 s1, s30  }
0xc3: {  	s0 =	sor.u32 s3, s0;
	s1 =	sshll.u32 s1, $0x11  }
0xc4: {  	s0 =	sor.u32 s1, s0  }
0xc5: {  	s0 =	sadd.s32 $0x8F2B, s0  }
0xc6: {  	[sflag:s0] =	ssyncadd.remote.s32 $0x1  }
0xc7: {  	_ =	sfence.sel $0xFFFF  }
0xc8: {  	[dreg:$0x0] =	wrdreg $0xFFFFFFFF;
	(pc) =	sbr.abs _section_cstart, $3  }
0xc9: {  	[dreg:$0x1] =	wrdreg $0xFFFFFFFF  }
0xca: {  	_ =	task.clear_ibuf [dreg:s9], $0x2FFFF;
	_ =	strace $0x9FFFFFFF  }
0xcb: {  	(tm) =	ssettm $0x7FFFFFFF  }
tec
execute0_lowered:
.L_overlay_start_1:
0x0: {  	(tag) =	ssettag $0x1  }
0x1: {  	s1 =	rddreg [dreg:$0x0]  }
0x2: {  	s0 =	rddreg [dreg:$0x1]  }
0x3: {  	s3 =	rddreg [dreg:$0x2]  }
0x4: {  	s8 =	rddreg [dreg:$0x3]  }
0x5: {  	s2 =	rddreg [dreg:$0x4]  }
0x6: {  	s4 =	simm.s32 $0x0;
	s5 =	srdreg.scid;
	s16 =	stileid.u32  }
0x7: {  	s18 =	simm.s32 $0x1400;
	s19 =	simm.s32 $0x40;
	s20 =	simm.s32 $0x2800  }
0x8: {  	s21 =	simm.s32 $0x4800;
	s28 =	simm.s32 $0x2;
	s29 =	simm.s32 $0x1480  }
0x9: {  	s30 =	simm.s32 $0x3;
	s31 =	simm.s32 $0x4;
	[smem:$0x7FF] =	sst s4  }
0xa: {  	s11 =	sand.u32 $0x1, s5;
	s5 =	sadd.s32 $0x66E00, s0;
	s10 =	smul.u32 $0x4E000, s16  }
0xb: {  	s6 =	sadd.s32 $0x4C00, s0;
	s7 =	sadd.s32 $0xEC00, s0;
	s12 =	smul.u32 $0x2700, s16  }
0xc: {  	s24 =	sshll.u32 s16, $0x6;
	s17 =	sadd.s32 $0x138000, s2;
	s13 =	smul.u32 $0x138800, s11  }
0xd: {  	p1 =	sne.s32 s16, $0xF;
	_ =	strace $0x8000004D;
	s14 =	smul.u32 $0x27100, s11  }
0xe: {  	s9 =	ssub.s32 $0x2, s11;
	p0 =	seq.s32 s11, $0x1;
	s11 =	smul.u32 $0xA0, s16  }
0xf: {  	s16 =	simm.s32 $0x5;
	s17 =	sshrl.u32 @!p1 s17, $0x3;
	s22 =	sshrl.u32 s9, $0x1  }
0x10: {  	s23 =	sshrl.u32 s10, $0x2;
	s25 =	sadd.s32 s3, s12;
	s3 =	sadd.s32 $0x27000, s3  }
0x11: {  	s0 =	ssub.s32 s9, s22;
	s15 =	sadd.s32 s23, s2;
	[dreg:$0x6] =	wrdreg s25  }
.Ltmp0:
0x12: {  	s9 =	sor.u32 $0x1C05, s24;
	[dreg:$0x7] =	wrdreg s3;
	(pc) =	sbr.rel .LBB2_1-.Ltmp0, $4  }
0x13: {  	s26 =	sshrl.u32 s13, $0x3;
	s12 =	sadd.s32 s12, s14;
	s22 =	simm.s32 $0x80  }
0x14: {  	s23 =	simm.s32 $0x6800;
	s24 =	simm.s32 $0xC0;
	s25 =	simm.s32 $0x8800  }
0x15: {  	s3 =	sadd.s32 s8, s26;
	s12 =	sadd.s32 s8, s12;
	s14 =	smax.u32 s0, $0x1  }
0x16: {  	s15 =	sshrl.u32 s15, $0x3;
	s26 =	simm.s32 $0x1;
	s13 =	sadd.s32 $0x27000, s3  }
.LBB2_8:
0x17: {  	[bflag:$0x0] =	sbarrier.arrive $0xFFFF  }
0x18: {  	[hbm:s12], [sflag:s9] =	dma.local [spmem:s15], $0x2700  }
0x19: {  	s4 =	sadd.s32 $0x1, s4;
	_ =	swait.ge [sflag:s16], $0x2700  }
0x1a: {  	p2 =	sne.s32 s4, s14;
	[sflag:s16] =	ssyncset.done $0x0  }
.Ltmp1:
0x1b: {  	s0 =	simm.s32 @!p1 $0x5;
	[sflag:s16] =	ssyncadd.s32 $0xFFFFD900;
	(pc) =	sbr.rel @!p2 .LBB2_9-.Ltmp1, $4  }
0x1c: {  	[hbm:s13], [sflag:s9] =	dma.local @!p1 [spmem:s17], $0x100  }
0x1d: {  	_ =	swait.ge @!p1 [sflag:s0], $0x100  }
0x1e: {  	[sflag:s0] =	ssyncset.done @!p1 $0x0  }
0x1f: {  	[sflag:s0] =	ssyncadd.s32 @!p1 $0xFFFFFF00  }
.LBB2_1:
0x20: {  	s0 =	rddreg [dreg:$0x6]  }
0x21: {  	[spmem:s15], [sflag:s9] =	dma.local [hbm:s0], $0x2700  }
0x22: {  	_ =	swait.ge [sflag:s16], $0x2700  }
0x23: {  	[sflag:s16] =	ssyncset.done $0x0  }
0x24: {  	s0 =	rddreg [dreg:$0x7];
	[sflag:s16] =	ssyncadd.s32 $0xFFFFD900  }
0x25: {  	[spmem:s17], [sflag:s9] =	dma.local @!p1 [hbm:s0], $0x100  }
0x26: {  	s0 =	simm.s32 @!p1 $0x5  }
.Ltmp2:
0x27: {  	_ =	swait.ge @!p1 [sflag:s0], $0x100;
	(pc) =	sbr.rel @!p0 .LBB2_2-.Ltmp2, $4  }
0x28: {  	[sflag:s0] =	ssyncset.done @!p1 $0x0  }
0x29: {  	[sflag:s0] =	ssyncadd.s32 @!p1 $0xFFFFFF00  }
0x2a: {  	[bflag:$0x0] =	sbarrier.arrive $0xFFFF  }
0x2b: {  	s3 =	simm.s32 $0x0;
	s0 =	simm.s32 $0x0  }
.LBB2_5:
0x2c: {  	s0 =	smul.u32 $0x28, s3;
	_ =	sdelay $0x1  }
0x2d: {  	s0 =	sadd.s32 s11, s0  }
0x2e: {  	s0 =	sshll.u32 s0, $0x4  }
0x2f: {  	s10 =	simm.s32 $0x0;
	s8 =	sadd.s32 s6, s0  }
0x30: {  	[tilespmem:s10], [sflag:$0x5] =	stream.linear.gather [hbm4b:s8+s10], $0x1400, $0x38;
	[tilespmem:$0x1E480] =	vst v63  }
0x31: {  	_ =	swait.ge [sflag:s16], $0x1400  }
0x32: {  	[sflag:s16] =	ssyncset.done $0x0  }
0x33: {  	s0 =	sadd.s32 s7, s0;
	[sflag:s16] =	ssyncadd.s32 $0xFFFFEC00  }
0x34: {  	[tilespmem:s18], [sflag:$0x5] =	stream.linear.gather [hbm4b:s0+s10], $0x1400, $0x38;
	[tilespmem:$0x1E480] =	vst v63  }
0x35: {  	_ =	swait.ge [sflag:s16], $0x1400  }
0x36: {  	[sflag:s16] =	ssyncset.done $0x0  }
0x37: {  	[sflag:s16] =	ssyncadd.s32 $0xFFFFEC00  }
0x38: {  	[tilespmem:s20], [sflag:$0x1] =	stream.indirect.gather [hbm4b:s5+s19], $0x80, s10, s19, $0xb8;
	[tilespmem:$0x1E480] =	vst v63  }
0x39: {  	_ = 	snop  }
0x3a: {  	[tilespmem:s21], [sflag:$0x1] =	stream.indirect.gather [hbm4b:s5+s19], $0x80, s19, s19, $0xb8;
	[tilespmem:$0x1E480] =	vst v63  }
0x3b: {  	_ = 	snop  }
0x3c: {  	[tilespmem:s23], [sflag:$0x2] =	stream.indirect.gather [hbm4b:s5+s19], $0x80, s22, s19, $0xb8;
	[tilespmem:$0x1E480] =	vst v63  }
0x3d: {  	_ = 	snop  }
0x3e: {  	[tilespmem:s25], [sflag:$0x2] =	stream.indirect.gather [hbm4b:s5+s19], $0x80, s24, s19, $0xb8;
	[tilespmem:$0x1E480] =	vst v63  }
0x3f: {  	_ =	swait.ge [sflag:s26], $0x2000  }
0x40: {  	[sflag:s26] =	ssyncset.done $0x0  }
0x41: {  	[sflag:s26] =	ssyncadd.s32 $0xFFFFE000  }
0x42: {  	_ =	swait.ge [sflag:s26], $0x2000  }
0x43: {  	[sflag:s26] =	ssyncset.done $0x0  }
0x44: {  	[sflag:s26] =	ssyncadd.s32 $0xFFFFE000  }
0x45: {  	[spmem:s2] =	stream.indirect.scatter.add.f32 [tilespmem:s20], [sflag:$0x3], $0x80, s18, s22, $0xb8;
	[tilespmem:$0x1E480] =	vst v63  }
0x46: {  	_ =	swait.ge [sflag:s28], $0x2000  }
0x47: {  	[sflag:s28] =	ssyncset.done $0x0  }
0x48: {  	[sflag:s28] =	ssyncadd.s32 $0xFFFFE000  }
0x49: {  	_ =	swait.ge [sflag:s28], $0x2000  }
0x4a: {  	[sflag:s28] =	ssyncset.done $0x0  }
0x4b: {  	[sflag:s28] =	ssyncadd.s32 $0xFFFFE000  }
0x4c: {  	[spmem:s2] =	stream.indirect.scatter.add.f32 [tilespmem:s23], [sflag:$0x4], $0x80, s29, s22, $0xb8;
	[tilespmem:$0x1E480] =	vst v63  }
0x4d: {  	_ =	swait.ge [sflag:s30], $0x4000  }
0x4e: {  	[sflag:s30] =	ssyncset.done $0x0  }
0x4f: {  	s10 =	simm.s32 $0x100;
	[sflag:s30] =	ssyncadd.s32 $0xFFFFC000  }
0x50: {  	[tilespmem:s20], [sflag:$0x1] =	stream.indirect.gather [hbm4b:s5+s19], $0x80, s10, s19, $0xb8;
	[tilespmem:$0x1E480] =	vst v63  }
0x51: {  	s8 =	simm.s32 $0x140  }
0x52: {  	[tilespmem:s21], [sflag:$0x1] =	stream.indirect.gather [hbm4b:s5+s19], $0x80, s8, s19, $0xb8;
	[tilespmem:$0x1E480] =	vst v63  }
0x53: {  	_ =	swait.ge [sflag:s31], $0x4000  }
0x54: {  	[sflag:s31] =	ssyncset.done $0x0  }
0x55: {  	s10 =	simm.s32 $0x180;
	[sflag:s31] =	ssyncadd.s32 $0xFFFFC000  }
0x56: {  	[tilespmem:s23], [sflag:$0x2] =	stream.indirect.gather [hbm4b:s5+s19], $0x80, s10, s19, $0xb8;
	[tilespmem:$0x1E480] =	vst v63  }
0x57: {  	s8 =	simm.s32 $0x1C0  }
0x58: {  	[tilespmem:s25], [sflag:$0x2] =	stream.indirect.gather [hbm4b:s5+s19], $0x80, s8, s19, $0xb8;
	[tilespmem:$0x1E480] =	vst v63  }
0x59: {  	_ =	swait.ge [sflag:s26], $0x2000  }
0x5a: {  	[sflag:s26] =	ssyncset.done $0x0  }
0x5b: {  	[sflag:s26] =	ssyncadd.s32 $0xFFFFE000  }
0x5c: {  	_ =	swait.ge [sflag:s26], $0x2000  }
0x5d: {  	[sflag:s26] =	ssyncset.done $0x0  }
0x5e: {  	s10 =	simm.s32 $0x1500;
	[sflag:s26] =	ssyncadd.s32 $0xFFFFE000  }
0x5f: {  	[spmem:s2] =	stream.indirect.scatter.add.f32 [tilespmem:s20], [sflag:$0x3], $0x80, s10, s22, $0xb8;
	[tilespmem:$0x1E480] =	vst v63  }
0x60: {  	_ =	swait.ge [sflag:s28], $0x2000  }
0x61: {  	[sflag:s28] =	ssyncset.done $0x0  }
0x62: {  	[sflag:s28] =	ssyncadd.s32 $0xFFFFE000  }
0x63: {  	_ =	swait.ge [sflag:s28], $0x2000  }
0x64: {  	[sflag:s28] =	ssyncset.done $0x0  }
0x65: {  	s0 =	simm.s32 $0x400;
	s8 =	simm.s32 $0x1580;
	[sflag:s28] =	ssyncadd.s32 $0xFFFFE000  }
.LBB2_6:
0x66: {  	[spmem:s2] =	stream.indirect.scatter.add.f32 [tilespmem:s23], [sflag:$0x4], $0x80, s8, s22, $0xb8;
	[tilespmem:$0x1E480] =	vst v63  }
0x67: {  	s8 =	smov.u32 s0  }
0x68: {  	p2 =	sne.s32 s0, $0x4800;
	s0 =	sadd.s32 $0x400, s0;
	_ =	swait.ge [sflag:s30], $0x4000  }
0x69: {  	s8 =	sshra.s32 s8, $0x2;
	[sflag:s30] =	ssyncset.done $0x0  }
0x6a: {  	s10 =	sadd.s32 $0x100, s8;
	[sflag:s30] =	ssyncadd.s32 $0xFFFFC000  }
0x6b: {  	[tilespmem:s20], [sflag:$0x1] =	stream.indirect.gather [hbm4b:s5+s19], $0x80, s10, s19, $0xb8;
	[tilespmem:$0x1E480] =	vst v63  }
0x6c: {  	s10 =	sadd.s32 $0x140, s8  }
0x6d: {  	[tilespmem:s21], [sflag:$0x1] =	stream.indirect.gather [hbm4b:s5+s19], $0x80, s10, s19, $0xb8;
	[tilespmem:$0x1E480] =	vst v63  }
0x6e: {  	_ =	swait.ge [sflag:s31], $0x4000  }
0x6f: {  	[sflag:s31] =	ssyncset.done $0x0  }
0x70: {  	s10 =	sadd.s32 $0x180, s8;
	[sflag:s31] =	ssyncadd.s32 $0xFFFFC000  }
0x71: {  	[tilespmem:s23], [sflag:$0x2] =	stream.indirect.gather [hbm4b:s5+s19], $0x80, s10, s19, $0xb8;
	[tilespmem:$0x1E480] =	vst v63  }
0x72: {  	s10 =	sadd.s32 $0x1C0, s8  }
0x73: {  	[tilespmem:s25], [sflag:$0x2] =	stream.indirect.gather [hbm4b:s5+s19], $0x80, s10, s19, $0xb8;
	[tilespmem:$0x1E480] =	vst v63  }
0x74: {  	_ =	swait.ge [sflag:s26], $0x2000  }
0x75: {  	[sflag:s26] =	ssyncset.done $0x0  }
0x76: {  	[sflag:s26] =	ssyncadd.s32 $0xFFFFE000  }
0x77: {  	_ =	swait.ge [sflag:s26], $0x2000  }
0x78: {  	[sflag:s26] =	ssyncset.done $0x0  }
0x79: {  	s10 =	sadd.s32 $0x1500, s8;
	[sflag:s26] =	ssyncadd.s32 $0xFFFFE000  }
0x7a: {  	[spmem:s2] =	stream.indirect.scatter.add.f32 [tilespmem:s20], [sflag:$0x3], $0x80, s10, s22, $0xb8;
	[tilespmem:$0x1E480] =	vst v63  }
0x7b: {  	_ =	swait.ge [sflag:s28], $0x2000  }
.Ltmp3:
0x7c: {  	[sflag:s28] =	ssyncset.done $0x0;
	(pc) =	sbr.rel @p2 .LBB2_6-.Ltmp3, $4  }
0x7d: {  	[sflag:s28] =	ssyncadd.s32 $0xFFFFE000  }
0x7e: {  	_ =	swait.ge [sflag:s28], $0x2000  }
0x7f: {  	[sflag:s28] =	ssyncset.done $0x0  }
0x80: {  	s8 =	sadd.s32 $0x1580, s8;
	[sflag:s28] =	ssyncadd.s32 $0xFFFFE000  }
0x81: {  	[spmem:s2] =	stream.indirect.scatter.add.f32 [tilespmem:s23], [sflag:$0x4], $0x80, s8, s22, $0xb8;
	[tilespmem:$0x1E480] =	vst v63  }
0x82: {  	s3 =	sadd.s32 $0x1, s3  }
0x83: {  	_ =	swait.ge [sflag:s30], $0x4000;
	p2 =	sne.s32 s3, $0x4  }
.Ltmp4:
0x84: {  	[sflag:s30] =	ssyncset.done $0x0;
	(pc) =	sbr.rel @p2 .LBB2_5-.Ltmp4, $4  }
.Ltmp5:
0x85: {  	[sflag:s30] =	ssyncadd.s32 $0xFFFFC000;
	(pc) =	sbr.rel @!p2 .LBB2_8-.Ltmp5, $4  }
0x86: {  	_ =	swait.ge [sflag:s31], $0x4000  }
0x87: {  	[sflag:s31] =	ssyncset.done $0x0  }
0x88: {  	[sflag:s31] =	ssyncadd.s32 $0xFFFFC000  }
0x89: {  	_ = 	snop  }
.LBB2_2:
0x8a: {  	s3 =	smul.u32 $0x28, s0;
	_ =	sdelay $0x1  }
0x8b: {  	s3 =	sadd.s32 s11, s3  }
0x8c: {  	s3 =	sshll.u32 s3, $0x4  }
0x8d: {  	s10 =	simm.s32 $0x0;
	s8 =	sadd.s32 s6, s3  }
0x8e: {  	[tilespmem:s10], [sflag:$0x5] =	stream.linear.gather [hbm4b:s8+s10], $0x1400, $0x38;
	[tilespmem:$0x1E480] =	vst v63  }
0x8f: {  	_ =	swait.ge [sflag:s16], $0x1400  }
0x90: {  	[sflag:s16] =	ssyncset.done $0x0  }
0x91: {  	s3 =	sadd.s32 s7, s3;
	[sflag:s16] =	ssyncadd.s32 $0xFFFFEC00  }
0x92: {  	[tilespmem:s18], [sflag:$0x5] =	stream.linear.gather [hbm4b:s3+s10], $0x1400, $0x38;
	[tilespmem:$0x1E480] =	vst v63  }
0x93: {  	_ =	swait.ge [sflag:s16], $0x1400  }
0x94: {  	[sflag:s16] =	ssyncset.done $0x0  }
0x95: {  	[sflag:s16] =	ssyncadd.s32 $0xFFFFEC00  }
0x96: {  	[tilespmem:s20], [sflag:$0x1] =	stream.indirect.gather [hbm4b:s1+s19], $0x80, s10, s19, $0xb8;
	[tilespmem:$0x1E480] =	vst v63  }
0x97: {  	_ = 	snop  }
0x98: {  	[tilespmem:s21], [sflag:$0x1] =	stream.indirect.gather [hbm4b:s1+s19], $0x80, s19, s19, $0xb8;
	[tilespmem:$0x1E480] =	vst v63  }
0x99: {  	_ = 	snop  }
0x9a: {  	[tilespmem:s23], [sflag:$0x2] =	stream.indirect.gather [hbm4b:s1+s19], $0x80, s22, s19, $0xb8;
	[tilespmem:$0x1E480] =	vst v63  }
0x9b: {  	_ = 	snop  }
0x9c: {  	[tilespmem:s25], [sflag:$0x2] =	stream.indirect.gather [hbm4b:s1+s19], $0x80, s24, s19, $0xb8;
	[tilespmem:$0x1E480] =	vst v63  }
0x9d: {  	_ =	swait.ge [sflag:s26], $0x2000  }
0x9e: {  	[sflag:s26] =	ssyncset.done $0x0  }
0x9f: {  	[sflag:s26] =	ssyncadd.s32 $0xFFFFE000  }
0xa0: {  	_ =	swait.ge [sflag:s26], $0x2000  }
0xa1: {  	[sflag:s26] =	ssyncset.done $0x0  }
0xa2: {  	[sflag:s26] =	ssyncadd.s32 $0xFFFFE000  }
0xa3: {  	[spmem:s2] =	stream.indirect.scatter.add.f32 [tilespmem:s20], [sflag:$0x3], $0x80, s18, s22, $0xb8;
	[tilespmem:$0x1E480] =	vst v63  }
0xa4: {  	_ =	swait.ge [sflag:s28], $0x2000  }
0xa5: {  	[sflag:s28] =	ssyncset.done $0x0  }
0xa6: {  	[sflag:s28] =	ssyncadd.s32 $0xFFFFE000  }
0xa7: {  	_ =	swait.ge [sflag:s28], $0x2000  }
0xa8: {  	[sflag:s28] =	ssyncset.done $0x0  }
0xa9: {  	[sflag:s28] =	ssyncadd.s32 $0xFFFFE000  }
0xaa: {  	[spmem:s2] =	stream.indirect.scatter.add.f32 [tilespmem:s23], [sflag:$0x4], $0x80, s29, s22, $0xb8;
	[tilespmem:$0x1E480] =	vst v63  }
0xab: {  	_ =	swait.ge [sflag:s30], $0x4000  }
0xac: {  	[sflag:s30] =	ssyncset.done $0x0  }
0xad: {  	s10 =	simm.s32 $0x100;
	[sflag:s30] =	ssyncadd.s32 $0xFFFFC000  }
0xae: {  	[tilespmem:s20], [sflag:$0x1] =	stream.indirect.gather [hbm4b:s1+s19], $0x80, s10, s19, $0xb8;
	[tilespmem:$0x1E480] =	vst v63  }
0xaf: {  	s8 =	simm.s32 $0x140  }
0xb0: {  	[tilespmem:s21], [sflag:$0x1] =	stream.indirect.gather [hbm4b:s1+s19], $0x80, s8, s19, $0xb8;
	[tilespmem:$0x1E480] =	vst v63  }
0xb1: {  	_ =	swait.ge [sflag:s31], $0x4000  }
0xb2: {  	[sflag:s31] =	ssyncset.done $0x0  }
0xb3: {  	s10 =	simm.s32 $0x180;
	[sflag:s31] =	ssyncadd.s32 $0xFFFFC000  }
0xb4: {  	[tilespmem:s23], [sflag:$0x2] =	stream.indirect.gather [hbm4b:s1+s19], $0x80, s10, s19, $0xb8;
	[tilespmem:$0x1E480] =	vst v63  }
0xb5: {  	s8 =	simm.s32 $0x1C0  }
0xb6: {  	[tilespmem:s25], [sflag:$0x2] =	stream.indirect.gather [hbm4b:s1+s19], $0x80, s8, s19, $0xb8;
	[tilespmem:$0x1E480] =	vst v63  }
0xb7: {  	_ =	swait.ge [sflag:s26], $0x2000  }
0xb8: {  	[sflag:s26] =	ssyncset.done $0x0  }
0xb9: {  	[sflag:s26] =	ssyncadd.s32 $0xFFFFE000  }
0xba: {  	_ =	swait.ge [sflag:s26], $0x2000  }
0xbb: {  	[sflag:s26] =	ssyncset.done $0x0  }
0xbc: {  	s10 =	simm.s32 $0x1500;
	[sflag:s26] =	ssyncadd.s32 $0xFFFFE000  }
0xbd: {  	[spmem:s2] =	stream.indirect.scatter.add.f32 [tilespmem:s20], [sflag:$0x3], $0x80, s10, s22, $0xb8;
	[tilespmem:$0x1E480] =	vst v63  }
0xbe: {  	_ =	swait.ge [sflag:s28], $0x2000  }
0xbf: {  	[sflag:s28] =	ssyncset.done $0x0  }
0xc0: {  	[sflag:s28] =	ssyncadd.s32 $0xFFFFE000  }
0xc1: {  	_ =	swait.ge [sflag:s28], $0x2000  }
0xc2: {  	[sflag:s28] =	ssyncset.done $0x0  }
0xc3: {  	s3 =	simm.s32 $0x400;
	s8 =	simm.s32 $0x1580;
	[sflag:s28] =	ssyncadd.s32 $0xFFFFE000  }
.LBB2_3:
0xc4: {  	[spmem:s2] =	stream.indirect.scatter.add.f32 [tilespmem:s23], [sflag:$0x4], $0x80, s8, s22, $0xb8;
	[tilespmem:$0x1E480] =	vst v63  }
0xc5: {  	s8 =	smov.u32 s3  }
0xc6: {  	p2 =	sne.s32 s3, $0x4800;
	s3 =	sadd.s32 $0x400, s3;
	_ =	swait.ge [sflag:s30], $0x4000  }
0xc7: {  	s8 =	sshra.s32 s8, $0x2;
	[sflag:s30] =	ssyncset.done $0x0  }
0xc8: {  	s10 =	sadd.s32 $0x100, s8;
	[sflag:s30] =	ssyncadd.s32 $0xFFFFC000  }
0xc9: {  	[tilespmem:s20], [sflag:$0x1] =	stream.indirect.gather [hbm4b:s1+s19], $0x80, s10, s19, $0xb8;
	[tilespmem:$0x1E480] =	vst v63  }
0xca: {  	s10 =	sadd.s32 $0x140, s8  }
0xcb: {  	[tilespmem:s21], [sflag:$0x1] =	stream.indirect.gather [hbm4b:s1+s19], $0x80, s10, s19, $0xb8;
	[tilespmem:$0x1E480] =	vst v63  }
0xcc: {  	_ =	swait.ge [sflag:s31], $0x4000  }
0xcd: {  	[sflag:s31] =	ssyncset.done $0x0  }
0xce: {  	s10 =	sadd.s32 $0x180, s8;
	[sflag:s31] =	ssyncadd.s32 $0xFFFFC000  }
0xcf: {  	[tilespmem:s23], [sflag:$0x2] =	stream.indirect.gather [hbm4b:s1+s19], $0x80, s10, s19, $0xb8;
	[tilespmem:$0x1E480] =	vst v63  }
0xd0: {  	s10 =	sadd.s32 $0x1C0, s8  }
0xd1: {  	[tilespmem:s25], [sflag:$0x2] =	stream.indirect.gather [hbm4b:s1+s19], $0x80, s10, s19, $0xb8;
	[tilespmem:$0x1E480] =	vst v63  }
0xd2: {  	_ =	swait.ge [sflag:s26], $0x2000  }
0xd3: {  	[sflag:s26] =	ssyncset.done $0x0  }
0xd4: {  	[sflag:s26] =	ssyncadd.s32 $0xFFFFE000  }
0xd5: {  	_ =	swait.ge [sflag:s26], $0x2000  }
0xd6: {  	[sflag:s26] =	ssyncset.done $0x0  }
0xd7: {  	s10 =	sadd.s32 $0x1500, s8;
	[sflag:s26] =	ssyncadd.s32 $0xFFFFE000  }
0xd8: {  	[spmem:s2] =	stream.indirect.scatter.add.f32 [tilespmem:s20], [sflag:$0x3], $0x80, s10, s22, $0xb8;
	[tilespmem:$0x1E480] =	vst v63  }
0xd9: {  	_ =	swait.ge [sflag:s28], $0x2000  }
.Ltmp6:
0xda: {  	[sflag:s28] =	ssyncset.done $0x0;
	(pc) =	sbr.rel @p2 .LBB2_3-.Ltmp6, $4  }
0xdb: {  	[sflag:s28] =	ssyncadd.s32 $0xFFFFE000  }
0xdc: {  	_ =	swait.ge [sflag:s28], $0x2000  }
0xdd: {  	[sflag:s28] =	ssyncset.done $0x0  }
0xde: {  	s8 =	sadd.s32 $0x1580, s8;
	[sflag:s28] =	ssyncadd.s32 $0xFFFFE000  }
0xdf: {  	[spmem:s2] =	stream.indirect.scatter.add.f32 [tilespmem:s23], [sflag:$0x4], $0x80, s8, s22, $0xb8;
	[tilespmem:$0x1E480] =	vst v63  }
0xe0: {  	s0 =	sadd.s32 $0x1, s0  }
0xe1: {  	_ =	swait.ge [sflag:s30], $0x4000;
	p2 =	seq.s32 s0, $0x4  }
.Ltmp7:
0xe2: {  	[sflag:s30] =	ssyncset.done $0x0;
	(pc) =	sbr.rel @!p2 .LBB2_2-.Ltmp7, $4  }
.Ltmp8:
0xe3: {  	[sflag:s30] =	ssyncadd.s32 $0xFFFFC000;
	(pc) =	sbr.rel @p2 .LBB2_8-.Ltmp8, $4  }
0xe4: {  	_ =	swait.ge [sflag:s31], $0x4000  }
0xe5: {  	[sflag:s31] =	ssyncset.done $0x0  }
0xe6: {  	[sflag:s31] =	ssyncadd.s32 $0xFFFFC000  }
0xe7: {  	_ = 	snop  }
.LBB2_9:
0xe8: {  	_ =	sfence.sel $0x180000  }
0xe9: {  	[bflag:$0x0] =	sbarrier.arrive $0xFFFF  }
0xea: {  	_ =	strace $0x9000004D  }
0xeb: {  	s0 =	stileid.u32;
	[bflag:$0x2] =	sbarrier.arrive $0xFFFF  }
0xec: {  	p0 =	sne.s32 s0, $0x0;
	s0 =	rddreg [dreg:$0x5]  }
0xed: {  	s0 =	sadd.s32 @!p0 $0x100000, s0  }
0xee: {  	[sflag:s0] =	ssyncadd.tile.s32 @!p0 $0x1;
	_ =	shalt  }
.Lfunc_end2:
_tile_overlayer_lowered:
.L_overlay_start_2:
0xef: {  	(tag) =	ssettag $0x2  }
0xf0: {  	s0 =	rddreg [dreg:$0x0];
	s2 =	stileid.u32  }
0xf1: {  	s1 =	rddreg [dreg:$0x1];
	p0 =	sne.s32 s2, $0x0  }
0xf2: {  	s3 =	rddreg [dreg:$0x2];
	[bflag:$0x3] =	sbarrier.arrive $0xFFFF;
	s2 =	simm.s32 @!p0 $0x1C05  }
0xf3: {  	[timem:s3], [sflag:s2] =	dma.local @!p0 [hbm:s0], s1  }
0xf4: {  	s0 =	simm.s32 @!p0 $0x5  }
0xf5: {  	_ =	swait.ge @!p0 [sflag:s0], s1  }
0xf6: {  	s1 =	ssub.s32 @!p0 $0x0, s1;
	[sflag:s0] =	ssyncset.done @!p0 $0x0  }
0xf7: {  	[sflag:s0] =	ssyncadd.s32 @!p0 s1  }
0xf8: {  	[bflag:$0x3] =	sbarrier.arrive $0xFFFF  }
0xf9: {  	_ =	shalt  }

// kernel: kernel.21.cloned.1.call-start
scs
__scs_entry_jumppad:
0x0: {  	(pc) =	sbr.rel $0x88, $3  }
0x1: {  	(tag) =	ssettag $0x0;
	lr =	simm.s32 $0x1  }
0x2: {  	[smem:$0x3F97] =	sst lr;
	_ =	strace $0xD0000000  }
0x3: {  	_ = 	snop  }
0x4: {  	_ = 	snop  }
0x5: {  	_ = 	snop  }
0x6: {  	_ = 	snop  }
0x7: {  	_ = 	snop  }
__scs_overlays_trampoline_lowered:
0x8: {  	[smem:$0x3FA6] =	sst s0  }
0x9: {  	[smem:$0x3FA7] =	sst s1  }
0xa: {  	[smem:$0x3FA8] =	sst s2  }
0xb: {  	[smem:$0x3FA9] =	sst s3  }
0xc: {  	[smem:$0x3FAA] =	sst s4  }
0xd: {  	[smem:$0x3FAB] =	sst s5  }
0xe: {  	[smem:$0x3FAC] =	sst s6  }
0xf: {  	[smem:$0x3FAD] =	sst s7  }
0x10: {  	[smem:$0x3FAE] =	sst s8  }
0x11: {  	[smem:$0x3FAF] =	sst s9;
	s0 =	simm.s32 @!p0 $0x0  }
0x12: {  	s1 =	sld [smem:$0x3F95];
	s0 =	simm.s32 @p0 $0x1  }
0x13: {  	[smem:$0x3FB0] =	sst s0;
	s0 =	simm.s32 @!p1 $0x0  }
0x14: {  	s2 =	sld [smem:$0x3F94];
	s0 =	simm.s32 @p1 $0x1  }
0x15: {  	[smem:$0x3FB1] =	sst s0;
	s0 =	simm.s32 @!p2 $0x0  }
0x16: {  	s3 =	sld [smem:$0x3FDB];
	s0 =	simm.s32 @p2 $0x1  }
0x17: {  	s4 =	simm.s32 $0x1BF5;
	[smem:$0x3FB3] =	sst s0  }
0x18: {  	s0 =	sld [smem:$0x3F96];
	_ =	swait.ge [sflag:s4], $0x0  }
0x19: {  	s7 =	sld [smem:$0x3F97]  }
0x1a: {  	s8 =	sadd.s32 $0xFFFFE003, lr  }
0x1b: {  	s9 =	sadd.s32 $0xFFFFFEF7, lr;
	s5 =	simm.s32 $0xFFFFFFFF;
	p2 =	slt.u32 s8, $0xFFFFF086  }
0x1c: {  	p1 =	slt.u32 s9, $0xF7A;
	s5 =	simm.s32 @!p2 $0x0  }
0x1d: {  	s5 =	simm.s32 @p1 $0x1;
	p0 =	seq.s32 s7, s2  }
0x1e: {  	s7 =	smul.u32 @!p0 $0xF7A, s2;
	p2 =	seq.s32 @!p0 s5, $0x0  }
0x1f: {  	s9 =	smul.u32 $0xF7A, s1;
	s8 =	simm.s32 @!p0 $0x1BF5;
	p2 =	por !p2, p0  }
0x20: {  	[sflag:s8] =	ssyncset.s32 @!p0 $0xFFFFF086;
	s6 =	sadd.s32 @!p0 s3, s7;
	s7 =	simm.s32 @!p0 $0x108  }
0x21: {  	s3 =	sadd.s32 s3, s9;
	s6 =	sadd.s32 @!p0 $0x88, s6;
	s7 =	simm.s32 @p2 $0x1082  }
0x22: {  	[simem:s7], [sflag:s8] =	dma.local @!p0 [hbm:s6], $0xF7A  }
0x23: {  	s9 =	sor.u32 $0xD0000000, s2;
	s6 =	simm.s32 $0x108;
	_ =	swait.ge @!p0 [sflag:s8], $0x0  }
0x24: {  	s3 =	sadd.s32 $0x88, s3;
	s6 =	simm.s32 @!p1 $0x1082;
	[sflag:s4] =	ssyncset.s32 $0xFFFFF086  }
0x25: {  	[simem:s6], [sflag:s4] =	dma.local [hbm:s3], $0xF7A  }
0x26: {  	[smem:$0x3F97] =	sst s1;
	(tag) =	ssettag s2;
	_ =	strace s9  }
0x27: {  	s1 =	sld [smem:$0x3FA7]  }
0x28: {  	s2 =	sld [smem:$0x3FA8]  }
0x29: {  	s4 =	sld [smem:$0x3FAA]  }
0x2a: {  	p0 =	seq.s32 s5, $0x0;
	s5 =	sld [smem:$0x3FAB]  }
0x2b: {  	s6 =	sld [smem:$0x3FAC]  }
0x2c: {  	s7 =	sld [smem:$0x3FAD]  }
0x2d: {  	s3 =	simm.s32 $0x108;
	s8 =	sld [smem:$0x3FAE]  }
0x2e: {  	s3 =	simm.s32 @!p0 $0x1082;
	s9 =	sld [smem:$0x3FAF]  }
0x2f: {  	lr =	sadd.s32 s0, s3;
	s0 =	sld [smem:$0x3FA6]  }
0x30: {  	s3 =	sld [smem:$0x3FA9]  }
0x31: {  	[smem:$0x3FB2] =	sst s10  }
0x32: {  	s10 =	sld [smem:$0x3FB0];
	_ =	sdelay $0x3  }
0x33: {  	p0 =	seq.s32 s10, $0x1;
	s10 =	sld [smem:$0x3FB2];
	_ =	sdelay $0x3  }
0x34: {  	[smem:$0x3FB2] =	sst s10  }
0x35: {  	s10 =	sld [smem:$0x3FB1];
	_ =	sdelay $0x3  }
0x36: {  	p1 =	seq.s32 s10, $0x1;
	s10 =	sld [smem:$0x3FB2];
	_ =	sdelay $0x3  }
0x37: {  	[smem:$0x3FB2] =	sst s10  }
0x38: {  	s10 =	sld [smem:$0x3FB3]  }
0x39: {  	_ = 	snop;
	(pc) =	sbr.ind lr, $3  }
0x3a: {  	_ = 	snop  }
0x3b: {  	_ = 	snop  }
0x3c: {  	p2 =	seq.s32 s10, $0x1;
	s10 =	sld [smem:$0x3FB2]  }
0x3d: {  	_ =	shalt  }
0x3e: {  	_ =	shalt  }
0x3f: {  	_ =	shalt  }
0x40: {  	_ =	shalt  }
0x41: {  	_ =	shalt  }
0x42: {  	_ =	shalt  }
0x43: {  	_ =	shalt  }
0x44: {  	_ =	shalt  }
0x45: {  	_ =	shalt  }
0x46: {  	_ =	shalt  }
0x47: {  	_ =	shalt  }
0x48: {  	_ =	shalt  }
0x49: {  	_ =	shalt  }
0x4a: {  	_ =	shalt  }
0x4b: {  	_ =	shalt  }
0x4c: {  	_ =	shalt  }
0x4d: {  	_ =	shalt  }
0x4e: {  	_ =	shalt  }
0x4f: {  	_ =	shalt  }
0x50: {  	_ =	shalt  }
0x51: {  	_ =	shalt  }
0x52: {  	_ =	shalt  }
0x53: {  	_ =	shalt  }
0x54: {  	_ =	shalt  }
0x55: {  	_ =	shalt  }
0x56: {  	_ =	shalt  }
0x57: {  	_ =	shalt  }
0x58: {  	_ =	shalt  }
0x59: {  	_ =	shalt  }
0x5a: {  	_ =	shalt  }
0x5b: {  	_ =	shalt  }
0x5c: {  	_ =	shalt  }
0x5d: {  	_ =	shalt  }
0x5e: {  	_ =	shalt  }
0x5f: {  	_ =	shalt  }
0x60: {  	_ =	shalt  }
0x61: {  	_ =	shalt  }
0x62: {  	_ =	shalt  }
0x63: {  	_ =	shalt  }
0x64: {  	_ =	shalt  }
0x65: {  	_ =	shalt  }
0x66: {  	_ =	shalt  }
0x67: {  	_ =	shalt  }
0x68: {  	_ =	shalt  }
0x69: {  	_ =	shalt  }
0x6a: {  	_ =	shalt  }
0x6b: {  	_ =	shalt  }
0x6c: {  	_ =	shalt  }
0x6d: {  	_ =	shalt  }
0x6e: {  	_ =	shalt  }
0x6f: {  	_ =	shalt  }
0x70: {  	_ =	shalt  }
0x71: {  	_ =	shalt  }
0x72: {  	_ =	shalt  }
0x73: {  	_ =	shalt  }
0x74: {  	_ =	shalt  }
0x75: {  	_ =	shalt  }
0x76: {  	_ =	shalt  }
0x77: {  	_ =	shalt  }
0x78: {  	_ =	shalt  }
0x79: {  	_ =	shalt  }
0x7a: {  	_ =	shalt  }
0x7b: {  	_ =	shalt  }
0x7c: {  	_ =	shalt  }
0x7d: {  	_ =	shalt  }
0x7e: {  	_ =	shalt  }
0x7f: {  	_ =	shalt  }
0x80: {  	_ =	shalt  }
0x81: {  	_ =	shalt  }
0x82: {  	_ =	shalt  }
0x83: {  	_ =	shalt  }
0x84: {  	_ =	shalt  }
0x85: {  	_ =	shalt  }
0x86: {  	_ =	shalt  }
0x87: {  	_ =	shalt  }
.Lfunc_end0:
.L_simem_size_0:
called_computation.3_lowered:
.L_overlay_start_0:
0x88: {  	s2 =	sld [smem:$0x3FD9]  }
0x89: {  	s3 =	sld [smem:$0x3FFE];
	_ =	sdelay $0x1  }
0x8a: {  	s1 =	srdreg.scid  }
0x8b: {  	s0 =	sand.u32 $0x1, s1  }
0x8c: {  	s14 =	sshll.u32 s0, $0xA;
	s2 =	sadd.s32 s3, s2  }
0x8d: {  	s2 =	sadd.s32 s2, s14  }
0x8e: {  	[smem:$0x3FBE] =	sst s2  }
0x8f: {  	_ = 	snop  }
0x90: {  	s2 =	sld [smem:$0x3FD0];
	_ =	sdelay $0x2  }
0x91: {  	s15 =	simm.s32 $0xA;
	s4 =	simm.s32 $0x10  }
0x92: {  	[smem:s4], [sflag:s15] =	dma.local [hbm:s2], $0x1  }
0x93: {  	_ =	swait.eq [sflag:s15], $0x1  }
0x94: {  	[sflag:s15] =	ssyncset.done $0x0  }
0x95: {  	s16 =	sld [smem:$0x10];
	[sflag:s15] =	ssyncadd.s32 $0xFFFFFFFF  }
0x96: {  	s17 =	sld [smem:$0x11];
	(tm) =	ssettm $0x1  }
0x97: {  	s18 =	sld [smem:$0x3FFB];
	_ =	sdelay $0x3  }
0x98: {  	_ =	strace s18  }
0x99: {  	s4 =	sld [smem:$0x3FFC];
	_ =	sdelay $0x3  }
0x9a: {  	_ =	strace s4  }
0x9b: {  	s4 =	sld [smem:$0x3FFD];
	_ =	sdelay $0x3  }
0x9c: {  	_ =	strace s4  }
0x9d: {  	_ =	strace $0x8FFFFFFF  }
0x9e: {  	s19 =	sld [smem:$0x3FDB];
	_ =	sdelay $0x1  }
0x9f: {  	s5 =	simm.s32 $_scs_section_size  }
0xa0: {  	s6 =	simm.s32 $_size__tile_overlayer_lowered;
	s7 =	simm.s32 $_tile_overlayer_lowered  }
0xa1: {  	s22 =	simm.s32 $0x1BFF;
	s21 =	sshll.u32 s7, $0x1;
	s4 =	sadd.s32 s5, s19  }
0xa2: {  	s8 =	simm.s32 $0x0;
	s20 =	sshll.u32 s6, $0x1;
	s6 =	sadd.s32 s21, s4  }
0xa3: {  	[timem:s8], [sflag:s22] =	dma.local [hbm:s6], s20  }
0xa4: {  	_ =	swait.ge [sflag:s22], s20  }
0xa5: {  	s5 =	ssub.s32 $0x0, s20;
	[sflag:s22] =	ssyncset.done $0x0  }
0xa6: {  	[sflag:s22] =	ssyncadd.s32 s5;
	_ =	sdelay $0x1  }
0xa7: {  	s23 =	simm.s32 $0x1B8B  }
0xa8: {  	_ =	swait.ge [sflag:s23], $0x1  }
0xa9: {  	[sflag:s23] =	ssyncset.done $0x0  }
0xaa: {  	s25 =	simm.s32 $0x1B8E;
	s24 =	sld [smem:$0x3FFE];
	[sflag:s23] =	ssyncadd.s32 $0xFFFFFFFF  }
0xab: {  	s26 =	simm.s32 $execute0_lowered;
	[smem:$0x3FD2] =	sst s25  }
0xac: {  	s6 =	sshll.u32 s26, $0x1;
	_ =	strace $0x8000004F;
	[dreg:$0x1] =	wrdreg $0xFFFFFFFF  }
0xad: {  	s28 =	simm.s32 $_size_execute0_lowered;
	s4 =	sadd.s32 s4, s6;
	[dreg:$0x0] =	wrdreg $0x0  }
0xae: {  	s6 =	sshll.u32 s28, $0x1;
	[dreg:$0x2] =	wrdreg s4  }
0xaf: {  	[dreg:$0x3] =	wrdreg s6  }
0xb0: {  	[dreg:$0x4] =	wrdreg $0xC0  }
0xb1: {  	_ =	task [dreg:s8], $0x5FFFF  }
0xb2: {  	[dreg:$0x1] =	wrdreg $0xFFFFFFFF  }
0xb3: {  	[dreg:$0x0] =	wrdreg $0x60  }
0xb4: {  	[dreg:$0x2] =	wrdreg s24  }
0xb5: {  	[dreg:$0x3] =	wrdreg s16  }
0xb6: {  	[dreg:$0x4] =	wrdreg s17  }
0xb7: {  	[dreg:$0x5] =	wrdreg $0xA8000  }
0xb8: {  	[dreg:$0x6] =	wrdreg $0x9  }
0xb9: {  	_ =	task.clear_ibuf [dreg:s8], $0x7FFFF;
	_ =	strace $0x9000004F  }
0xba: {  	s29 =	simm.s32 $0x9;
	_ =	strace $0x80000051  }
0xbb: {  	_ =	swait.ge [sflag:s29], $0x1  }
0xbc: {  	[sflag:s29] =	ssyncadd.s32 $0xFFFFFFFF  }
0xbd: {  	_ =	strace $0x90000051  }
0xbe: {  	_ =	sfence  }
0xbf: {  	s30 =	sld [smem:$0x0];
	_ =	sdelay $0x2  }
0xc0: {  	s31 =	sshll.u32 s1, $0xD;
	s1 =	sshrl.u32 s1, $0x2  }
0xc1: {  	s3 =	sand.u32 $0x4000, s31;
	s1 =	sadd.s32 s1, s30  }
0xc2: {  	s0 =	sor.u32 s3, s0;
	s1 =	sshll.u32 s1, $0x11  }
0xc3: {  	s0 =	sor.u32 s1, s0  }
0xc4: {  	s0 =	sadd.s32 $0x8F2B, s0  }
0xc5: {  	[sflag:s0] =	ssyncadd.remote.s32 $0x1  }
0xc6: {  	_ =	sfence.sel $0xFFFF  }
0xc7: {  	[dreg:$0x0] =	wrdreg $0xFFFFFFFF;
	(pc) =	sbr.abs _section_cstart, $3  }
0xc8: {  	[dreg:$0x1] =	wrdreg $0xFFFFFFFF  }
0xc9: {  	_ =	task.clear_ibuf [dreg:s8], $0x2FFFF;
	_ =	strace $0x9FFFFFFF  }
0xca: {  	(tm) =	ssettm $0x7FFFFFFF  }
0xcb: {  	_ =	shalt  }
tec
execute0_lowered:
.L_overlay_start_1:
0x0: {  	(tag) =	ssettag $0x1  }
0x1: {  	s0 =	rddreg [dreg:$0x0]  }
0x2: {  	s3 =	rddreg [dreg:$0x1]  }
0x3: {  	s8 =	rddreg [dreg:$0x2]  }
0x4: {  	s1 =	rddreg [dreg:$0x3];
	s2 =	simm.s32 $0x0  }
0x5: {  	s5 =	srdreg.scid;
	s16 =	stileid.u32;
	s18 =	simm.s32 $0x1400  }
0x6: {  	s19 =	simm.s32 $0x40;
	s20 =	simm.s32 $0x2800;
	s21 =	simm.s32 $0x4800  }
0x7: {  	s28 =	simm.s32 $0x2;
	s29 =	simm.s32 $0x1480;
	s30 =	simm.s32 $0x3  }
0x8: {  	s31 =	simm.s32 $0x4;
	[smem:$0x7FF] =	sst s2;
	s4 =	sadd.s32 $0x66E00, s0  }
0x9: {  	s11 =	sand.u32 $0x1, s5;
	s5 =	sadd.s32 $0x8E000, s0;
	s10 =	smul.u32 $0x4E000, s16  }
0xa: {  	s6 =	sadd.s32 $0x4C00, s0;
	s7 =	sadd.s32 $0xEC00, s0;
	s12 =	smul.u32 $0x2700, s16  }
0xb: {  	s24 =	sshll.u32 s16, $0x6;
	s17 =	sadd.s32 $0x138000, s1;
	s13 =	smul.u32 $0x138800, s11  }
0xc: {  	p1 =	sne.s32 s16, $0xF;
	_ =	strace $0x80000050;
	s14 =	smul.u32 $0x27100, s11  }
0xd: {  	s9 =	ssub.s32 $0x2, s11;
	p0 =	seq.s32 s11, $0x1;
	s11 =	smul.u32 $0xA0, s16  }
0xe: {  	s16 =	simm.s32 $0x5;
	s17 =	sshrl.u32 @!p1 s17, $0x3;
	s22 =	sshrl.u32 s9, $0x1  }
0xf: {  	s23 =	sshrl.u32 s10, $0x2;
	s25 =	sadd.s32 s3, s12;
	s3 =	sadd.s32 $0x27000, s3  }
0x10: {  	s0 =	ssub.s32 s9, s22;
	s15 =	sadd.s32 s23, s1;
	[dreg:$0x5] =	wrdreg s25  }
.Ltmp0:
0x11: {  	s9 =	sor.u32 $0x1C05, s24;
	[dreg:$0x6] =	wrdreg s3;
	(pc) =	sbr.rel .LBB2_1-.Ltmp0, $4  }
0x12: {  	s26 =	sshrl.u32 s13, $0x3;
	s12 =	sadd.s32 s12, s14;
	s22 =	simm.s32 $0x80  }
0x13: {  	s23 =	simm.s32 $0x6800;
	s24 =	simm.s32 $0xC0;
	s25 =	simm.s32 $0x8800  }
0x14: {  	s3 =	sadd.s32 s8, s26;
	s12 =	sadd.s32 s8, s12;
	s14 =	smax.u32 s0, $0x1  }
0x15: {  	s15 =	sshrl.u32 s15, $0x3;
	s26 =	simm.s32 $0x1;
	s13 =	sadd.s32 $0x27000, s3  }
.LBB2_8:
0x16: {  	[bflag:$0x0] =	sbarrier.arrive $0xFFFF  }
0x17: {  	[hbm:s12], [sflag:s9] =	dma.local [spmem:s15], $0x2700  }
0x18: {  	s2 =	sadd.s32 $0x1, s2;
	_ =	swait.ge [sflag:s16], $0x2700  }
0x19: {  	p2 =	sne.s32 s2, s14;
	[sflag:s16] =	ssyncset.done $0x0  }
.Ltmp1:
0x1a: {  	s0 =	simm.s32 @!p1 $0x5;
	[sflag:s16] =	ssyncadd.s32 $0xFFFFD900;
	(pc) =	sbr.rel @!p2 .LBB2_9-.Ltmp1, $4  }
0x1b: {  	[hbm:s13], [sflag:s9] =	dma.local @!p1 [spmem:s17], $0x100  }
0x1c: {  	_ =	swait.ge @!p1 [sflag:s0], $0x100  }
0x1d: {  	[sflag:s0] =	ssyncset.done @!p1 $0x0  }
0x1e: {  	[sflag:s0] =	ssyncadd.s32 @!p1 $0xFFFFFF00  }
.LBB2_1:
0x1f: {  	s0 =	rddreg [dreg:$0x5]  }
0x20: {  	[spmem:s15], [sflag:s9] =	dma.local [hbm:s0], $0x2700  }
0x21: {  	_ =	swait.ge [sflag:s16], $0x2700  }
0x22: {  	[sflag:s16] =	ssyncset.done $0x0  }
0x23: {  	s0 =	rddreg [dreg:$0x6];
	[sflag:s16] =	ssyncadd.s32 $0xFFFFD900  }
0x24: {  	[spmem:s17], [sflag:s9] =	dma.local @!p1 [hbm:s0], $0x100  }
0x25: {  	s0 =	simm.s32 @!p1 $0x5  }
.Ltmp2:
0x26: {  	_ =	swait.ge @!p1 [sflag:s0], $0x100;
	(pc) =	sbr.rel @!p0 .LBB2_2-.Ltmp2, $4  }
0x27: {  	[sflag:s0] =	ssyncset.done @!p1 $0x0  }
0x28: {  	[sflag:s0] =	ssyncadd.s32 @!p1 $0xFFFFFF00  }
0x29: {  	[bflag:$0x0] =	sbarrier.arrive $0xFFFF  }
0x2a: {  	s3 =	simm.s32 $0x0;
	s0 =	simm.s32 $0x0  }
.LBB2_5:
0x2b: {  	s0 =	smul.u32 $0x28, s3;
	_ =	sdelay $0x1  }
0x2c: {  	s0 =	sadd.s32 s11, s0  }
0x2d: {  	s0 =	sshll.u32 s0, $0x4  }
0x2e: {  	s10 =	simm.s32 $0x0;
	s8 =	sadd.s32 s6, s0  }
0x2f: {  	[tilespmem:s10], [sflag:$0x5] =	stream.linear.gather [hbm4b:s8+s10], $0x1400, $0x38;
	[tilespmem:$0x1E480] =	vst v63  }
0x30: {  	_ =	swait.ge [sflag:s16], $0x1400  }
0x31: {  	[sflag:s16] =	ssyncset.done $0x0  }
0x32: {  	s0 =	sadd.s32 s7, s0;
	[sflag:s16] =	ssyncadd.s32 $0xFFFFEC00  }
0x33: {  	[tilespmem:s18], [sflag:$0x5] =	stream.linear.gather [hbm4b:s0+s10], $0x1400, $0x38;
	[tilespmem:$0x1E480] =	vst v63  }
0x34: {  	_ =	swait.ge [sflag:s16], $0x1400  }
0x35: {  	[sflag:s16] =	ssyncset.done $0x0  }
0x36: {  	[sflag:s16] =	ssyncadd.s32 $0xFFFFEC00  }
0x37: {  	[tilespmem:s20], [sflag:$0x1] =	stream.indirect.gather [hbm4b:s5+s19], $0x80, s10, s19, $0xb8;
	[tilespmem:$0x1E480] =	vst v63  }
0x38: {  	_ = 	snop  }
0x39: {  	[tilespmem:s21], [sflag:$0x1] =	stream.indirect.gather [hbm4b:s5+s19], $0x80, s19, s19, $0xb8;
	[tilespmem:$0x1E480] =	vst v63  }
0x3a: {  	_ = 	snop  }
0x3b: {  	[tilespmem:s23], [sflag:$0x2] =	stream.indirect.gather [hbm4b:s5+s19], $0x80, s22, s19, $0xb8;
	[tilespmem:$0x1E480] =	vst v63  }
0x3c: {  	_ = 	snop  }
0x3d: {  	[tilespmem:s25], [sflag:$0x2] =	stream.indirect.gather [hbm4b:s5+s19], $0x80, s24, s19, $0xb8;
	[tilespmem:$0x1E480] =	vst v63  }
0x3e: {  	_ =	swait.ge [sflag:s26], $0x2000  }
0x3f: {  	[sflag:s26] =	ssyncset.done $0x0  }
0x40: {  	[sflag:s26] =	ssyncadd.s32 $0xFFFFE000  }
0x41: {  	_ =	swait.ge [sflag:s26], $0x2000  }
0x42: {  	[sflag:s26] =	ssyncset.done $0x0  }
0x43: {  	[sflag:s26] =	ssyncadd.s32 $0xFFFFE000  }
0x44: {  	[spmem:s1] =	stream.indirect.scatter.add.f32 [tilespmem:s20], [sflag:$0x3], $0x80, s18, s22, $0xb8;
	[tilespmem:$0x1E480] =	vst v63  }
0x45: {  	_ =	swait.ge [sflag:s28], $0x2000  }
0x46: {  	[sflag:s28] =	ssyncset.done $0x0  }
0x47: {  	[sflag:s28] =	ssyncadd.s32 $0xFFFFE000  }
0x48: {  	_ =	swait.ge [sflag:s28], $0x2000  }
0x49: {  	[sflag:s28] =	ssyncset.done $0x0  }
0x4a: {  	[sflag:s28] =	ssyncadd.s32 $0xFFFFE000  }
0x4b: {  	[spmem:s1] =	stream.indirect.scatter.add.f32 [tilespmem:s23], [sflag:$0x4], $0x80, s29, s22, $0xb8;
	[tilespmem:$0x1E480] =	vst v63  }
0x4c: {  	_ =	swait.ge [sflag:s30], $0x4000  }
0x4d: {  	[sflag:s30] =	ssyncset.done $0x0  }
0x4e: {  	s10 =	simm.s32 $0x100;
	[sflag:s30] =	ssyncadd.s32 $0xFFFFC000  }
0x4f: {  	[tilespmem:s20], [sflag:$0x1] =	stream.indirect.gather [hbm4b:s5+s19], $0x80, s10, s19, $0xb8;
	[tilespmem:$0x1E480] =	vst v63  }
0x50: {  	s8 =	simm.s32 $0x140  }
0x51: {  	[tilespmem:s21], [sflag:$0x1] =	stream.indirect.gather [hbm4b:s5+s19], $0x80, s8, s19, $0xb8;
	[tilespmem:$0x1E480] =	vst v63  }
0x52: {  	_ =	swait.ge [sflag:s31], $0x4000  }
0x53: {  	[sflag:s31] =	ssyncset.done $0x0  }
0x54: {  	s10 =	simm.s32 $0x180;
	[sflag:s31] =	ssyncadd.s32 $0xFFFFC000  }
0x55: {  	[tilespmem:s23], [sflag:$0x2] =	stream.indirect.gather [hbm4b:s5+s19], $0x80, s10, s19, $0xb8;
	[tilespmem:$0x1E480] =	vst v63  }
0x56: {  	s8 =	simm.s32 $0x1C0  }
0x57: {  	[tilespmem:s25], [sflag:$0x2] =	stream.indirect.gather [hbm4b:s5+s19], $0x80, s8, s19, $0xb8;
	[tilespmem:$0x1E480] =	vst v63  }
0x58: {  	_ =	swait.ge [sflag:s26], $0x2000  }
0x59: {  	[sflag:s26] =	ssyncset.done $0x0  }
0x5a: {  	[sflag:s26] =	ssyncadd.s32 $0xFFFFE000  }
0x5b: {  	_ =	swait.ge [sflag:s26], $0x2000  }
0x5c: {  	[sflag:s26] =	ssyncset.done $0x0  }
0x5d: {  	s10 =	simm.s32 $0x1500;
	[sflag:s26] =	ssyncadd.s32 $0xFFFFE000  }
0x5e: {  	[spmem:s1] =	stream.indirect.scatter.add.f32 [tilespmem:s20], [sflag:$0x3], $0x80, s10, s22, $0xb8;
	[tilespmem:$0x1E480] =	vst v63  }
0x5f: {  	_ =	swait.ge [sflag:s28], $0x2000  }
0x60: {  	[sflag:s28] =	ssyncset.done $0x0  }
0x61: {  	[sflag:s28] =	ssyncadd.s32 $0xFFFFE000  }
0x62: {  	_ =	swait.ge [sflag:s28], $0x2000  }
0x63: {  	[sflag:s28] =	ssyncset.done $0x0  }
0x64: {  	s0 =	simm.s32 $0x400;
	s8 =	simm.s32 $0x1580;
	[sflag:s28] =	ssyncadd.s32 $0xFFFFE000  }
.LBB2_6:
0x65: {  	[spmem:s1] =	stream.indirect.scatter.add.f32 [tilespmem:s23], [sflag:$0x4], $0x80, s8, s22, $0xb8;
	[tilespmem:$0x1E480] =	vst v63  }
0x66: {  	s8 =	smov.u32 s0  }
0x67: {  	p2 =	sne.s32 s0, $0x4800;
	s0 =	sadd.s32 $0x400, s0;
	_ =	swait.ge [sflag:s30], $0x4000  }
0x68: {  	s8 =	sshra.s32 s8, $0x2;
	[sflag:s30] =	ssyncset.done $0x0  }
0x69: {  	s10 =	sadd.s32 $0x100, s8;
	[sflag:s30] =	ssyncadd.s32 $0xFFFFC000  }
0x6a: {  	[tilespmem:s20], [sflag:$0x1] =	stream.indirect.gather [hbm4b:s5+s19], $0x80, s10, s19, $0xb8;
	[tilespmem:$0x1E480] =	vst v63  }
0x6b: {  	s10 =	sadd.s32 $0x140, s8  }
0x6c: {  	[tilespmem:s21], [sflag:$0x1] =	stream.indirect.gather [hbm4b:s5+s19], $0x80, s10, s19, $0xb8;
	[tilespmem:$0x1E480] =	vst v63  }
0x6d: {  	_ =	swait.ge [sflag:s31], $0x4000  }
0x6e: {  	[sflag:s31] =	ssyncset.done $0x0  }
0x6f: {  	s10 =	sadd.s32 $0x180, s8;
	[sflag:s31] =	ssyncadd.s32 $0xFFFFC000  }
0x70: {  	[tilespmem:s23], [sflag:$0x2] =	stream.indirect.gather [hbm4b:s5+s19], $0x80, s10, s19, $0xb8;
	[tilespmem:$0x1E480] =	vst v63  }
0x71: {  	s10 =	sadd.s32 $0x1C0, s8  }
0x72: {  	[tilespmem:s25], [sflag:$0x2] =	stream.indirect.gather [hbm4b:s5+s19], $0x80, s10, s19, $0xb8;
	[tilespmem:$0x1E480] =	vst v63  }
0x73: {  	_ =	swait.ge [sflag:s26], $0x2000  }
0x74: {  	[sflag:s26] =	ssyncset.done $0x0  }
0x75: {  	[sflag:s26] =	ssyncadd.s32 $0xFFFFE000  }
0x76: {  	_ =	swait.ge [sflag:s26], $0x2000  }
0x77: {  	[sflag:s26] =	ssyncset.done $0x0  }
0x78: {  	s10 =	sadd.s32 $0x1500, s8;
	[sflag:s26] =	ssyncadd.s32 $0xFFFFE000  }
0x79: {  	[spmem:s1] =	stream.indirect.scatter.add.f32 [tilespmem:s20], [sflag:$0x3], $0x80, s10, s22, $0xb8;
	[tilespmem:$0x1E480] =	vst v63  }
0x7a: {  	_ =	swait.ge [sflag:s28], $0x2000  }
.Ltmp3:
0x7b: {  	[sflag:s28] =	ssyncset.done $0x0;
	(pc) =	sbr.rel @p2 .LBB2_6-.Ltmp3, $4  }
0x7c: {  	[sflag:s28] =	ssyncadd.s32 $0xFFFFE000  }
0x7d: {  	_ =	swait.ge [sflag:s28], $0x2000  }
0x7e: {  	[sflag:s28] =	ssyncset.done $0x0  }
0x7f: {  	s8 =	sadd.s32 $0x1580, s8;
	[sflag:s28] =	ssyncadd.s32 $0xFFFFE000  }
0x80: {  	[spmem:s1] =	stream.indirect.scatter.add.f32 [tilespmem:s23], [sflag:$0x4], $0x80, s8, s22, $0xb8;
	[tilespmem:$0x1E480] =	vst v63  }
0x81: {  	s3 =	sadd.s32 $0x1, s3  }
0x82: {  	_ =	swait.ge [sflag:s30], $0x4000;
	p2 =	sne.s32 s3, $0x4  }
.Ltmp4:
0x83: {  	[sflag:s30] =	ssyncset.done $0x0;
	(pc) =	sbr.rel @p2 .LBB2_5-.Ltmp4, $4  }
.Ltmp5:
0x84: {  	[sflag:s30] =	ssyncadd.s32 $0xFFFFC000;
	(pc) =	sbr.rel @!p2 .LBB2_8-.Ltmp5, $4  }
0x85: {  	_ =	swait.ge [sflag:s31], $0x4000  }
0x86: {  	[sflag:s31] =	ssyncset.done $0x0  }
0x87: {  	[sflag:s31] =	ssyncadd.s32 $0xFFFFC000  }
0x88: {  	_ = 	snop  }
.LBB2_2:
0x89: {  	s3 =	smul.u32 $0x28, s0;
	_ =	sdelay $0x1  }
0x8a: {  	s3 =	sadd.s32 s11, s3  }
0x8b: {  	s3 =	sshll.u32 s3, $0x4  }
0x8c: {  	s10 =	simm.s32 $0x0;
	s8 =	sadd.s32 s6, s3  }
0x8d: {  	[tilespmem:s10], [sflag:$0x5] =	stream.linear.gather [hbm4b:s8+s10], $0x1400, $0x38;
	[tilespmem:$0x1E480] =	vst v63  }
0x8e: {  	_ =	swait.ge [sflag:s16], $0x1400  }
0x8f: {  	[sflag:s16] =	ssyncset.done $0x0  }
0x90: {  	s3 =	sadd.s32 s7, s3;
	[sflag:s16] =	ssyncadd.s32 $0xFFFFEC00  }
0x91: {  	[tilespmem:s18], [sflag:$0x5] =	stream.linear.gather [hbm4b:s3+s10], $0x1400, $0x38;
	[tilespmem:$0x1E480] =	vst v63  }
0x92: {  	_ =	swait.ge [sflag:s16], $0x1400  }
0x93: {  	[sflag:s16] =	ssyncset.done $0x0  }
0x94: {  	[sflag:s16] =	ssyncadd.s32 $0xFFFFEC00  }
0x95: {  	[tilespmem:s20], [sflag:$0x1] =	stream.indirect.gather [hbm4b:s4+s19], $0x80, s10, s19, $0xb8;
	[tilespmem:$0x1E480] =	vst v63  }
0x96: {  	_ = 	snop  }
0x97: {  	[tilespmem:s21], [sflag:$0x1] =	stream.indirect.gather [hbm4b:s4+s19], $0x80, s19, s19, $0xb8;
	[tilespmem:$0x1E480] =	vst v63  }
0x98: {  	_ = 	snop  }
0x99: {  	[tilespmem:s23], [sflag:$0x2] =	stream.indirect.gather [hbm4b:s4+s19], $0x80, s22, s19, $0xb8;
	[tilespmem:$0x1E480] =	vst v63  }
0x9a: {  	_ = 	snop  }
0x9b: {  	[tilespmem:s25], [sflag:$0x2] =	stream.indirect.gather [hbm4b:s4+s19], $0x80, s24, s19, $0xb8;
	[tilespmem:$0x1E480] =	vst v63  }
0x9c: {  	_ =	swait.ge [sflag:s26], $0x2000  }
0x9d: {  	[sflag:s26] =	ssyncset.done $0x0  }
0x9e: {  	[sflag:s26] =	ssyncadd.s32 $0xFFFFE000  }
0x9f: {  	_ =	swait.ge [sflag:s26], $0x2000  }
0xa0: {  	[sflag:s26] =	ssyncset.done $0x0  }
0xa1: {  	[sflag:s26] =	ssyncadd.s32 $0xFFFFE000  }
0xa2: {  	[spmem:s1] =	stream.indirect.scatter.add.f32 [tilespmem:s20], [sflag:$0x3], $0x80, s18, s22, $0xb8;
	[tilespmem:$0x1E480] =	vst v63  }
0xa3: {  	_ =	swait.ge [sflag:s28], $0x2000  }
0xa4: {  	[sflag:s28] =	ssyncset.done $0x0  }
0xa5: {  	[sflag:s28] =	ssyncadd.s32 $0xFFFFE000  }
0xa6: {  	_ =	swait.ge [sflag:s28], $0x2000  }
0xa7: {  	[sflag:s28] =	ssyncset.done $0x0  }
0xa8: {  	[sflag:s28] =	ssyncadd.s32 $0xFFFFE000  }
0xa9: {  	[spmem:s1] =	stream.indirect.scatter.add.f32 [tilespmem:s23], [sflag:$0x4], $0x80, s29, s22, $0xb8;
	[tilespmem:$0x1E480] =	vst v63  }
0xaa: {  	_ =	swait.ge [sflag:s30], $0x4000  }
0xab: {  	[sflag:s30] =	ssyncset.done $0x0  }
0xac: {  	s10 =	simm.s32 $0x100;
	[sflag:s30] =	ssyncadd.s32 $0xFFFFC000  }
0xad: {  	[tilespmem:s20], [sflag:$0x1] =	stream.indirect.gather [hbm4b:s4+s19], $0x80, s10, s19, $0xb8;
	[tilespmem:$0x1E480] =	vst v63  }
0xae: {  	s8 =	simm.s32 $0x140  }
0xaf: {  	[tilespmem:s21], [sflag:$0x1] =	stream.indirect.gather [hbm4b:s4+s19], $0x80, s8, s19, $0xb8;
	[tilespmem:$0x1E480] =	vst v63  }
0xb0: {  	_ =	swait.ge [sflag:s31], $0x4000  }
0xb1: {  	[sflag:s31] =	ssyncset.done $0x0  }
0xb2: {  	s10 =	simm.s32 $0x180;
	[sflag:s31] =	ssyncadd.s32 $0xFFFFC000  }
0xb3: {  	[tilespmem:s23], [sflag:$0x2] =	stream.indirect.gather [hbm4b:s4+s19], $0x80, s10, s19, $0xb8;
	[tilespmem:$0x1E480] =	vst v63  }
0xb4: {  	s8 =	simm.s32 $0x1C0  }
0xb5: {  	[tilespmem:s25], [sflag:$0x2] =	stream.indirect.gather [hbm4b:s4+s19], $0x80, s8, s19, $0xb8;
	[tilespmem:$0x1E480] =	vst v63  }
0xb6: {  	_ =	swait.ge [sflag:s26], $0x2000  }
0xb7: {  	[sflag:s26] =	ssyncset.done $0x0  }
0xb8: {  	[sflag:s26] =	ssyncadd.s32 $0xFFFFE000  }
0xb9: {  	_ =	swait.ge [sflag:s26], $0x2000  }
0xba: {  	[sflag:s26] =	ssyncset.done $0x0  }
0xbb: {  	s10 =	simm.s32 $0x1500;
	[sflag:s26] =	ssyncadd.s32 $0xFFFFE000  }
0xbc: {  	[spmem:s1] =	stream.indirect.scatter.add.f32 [tilespmem:s20], [sflag:$0x3], $0x80, s10, s22, $0xb8;
	[tilespmem:$0x1E480] =	vst v63  }
0xbd: {  	_ =	swait.ge [sflag:s28], $0x2000  }
0xbe: {  	[sflag:s28] =	ssyncset.done $0x0  }
0xbf: {  	[sflag:s28] =	ssyncadd.s32 $0xFFFFE000  }
0xc0: {  	_ =	swait.ge [sflag:s28], $0x2000  }
0xc1: {  	[sflag:s28] =	ssyncset.done $0x0  }
0xc2: {  	s3 =	simm.s32 $0x400;
	s8 =	simm.s32 $0x1580;
	[sflag:s28] =	ssyncadd.s32 $0xFFFFE000  }
.LBB2_3:
0xc3: {  	[spmem:s1] =	stream.indirect.scatter.add.f32 [tilespmem:s23], [sflag:$0x4], $0x80, s8, s22, $0xb8;
	[tilespmem:$0x1E480] =	vst v63  }
0xc4: {  	s8 =	smov.u32 s3  }
0xc5: {  	p2 =	sne.s32 s3, $0x4800;
	s3 =	sadd.s32 $0x400, s3;
	_ =	swait.ge [sflag:s30], $0x4000  }
0xc6: {  	s8 =	sshra.s32 s8, $0x2;
	[sflag:s30] =	ssyncset.done $0x0  }
0xc7: {  	s10 =	sadd.s32 $0x100, s8;
	[sflag:s30] =	ssyncadd.s32 $0xFFFFC000  }
0xc8: {  	[tilespmem:s20], [sflag:$0x1] =	stream.indirect.gather [hbm4b:s4+s19], $0x80, s10, s19, $0xb8;
	[tilespmem:$0x1E480] =	vst v63  }
0xc9: {  	s10 =	sadd.s32 $0x140, s8  }
0xca: {  	[tilespmem:s21], [sflag:$0x1] =	stream.indirect.gather [hbm4b:s4+s19], $0x80, s10, s19, $0xb8;
	[tilespmem:$0x1E480] =	vst v63  }
0xcb: {  	_ =	swait.ge [sflag:s31], $0x4000  }
0xcc: {  	[sflag:s31] =	ssyncset.done $0x0  }
0xcd: {  	s10 =	sadd.s32 $0x180, s8;
	[sflag:s31] =	ssyncadd.s32 $0xFFFFC000  }
0xce: {  	[tilespmem:s23], [sflag:$0x2] =	stream.indirect.gather [hbm4b:s4+s19], $0x80, s10, s19, $0xb8;
	[tilespmem:$0x1E480] =	vst v63  }
0xcf: {  	s10 =	sadd.s32 $0x1C0, s8  }
0xd0: {  	[tilespmem:s25], [sflag:$0x2] =	stream.indirect.gather [hbm4b:s4+s19], $0x80, s10, s19, $0xb8;
	[tilespmem:$0x1E480] =	vst v63  }
0xd1: {  	_ =	swait.ge [sflag:s26], $0x2000  }
0xd2: {  	[sflag:s26] =	ssyncset.done $0x0  }
0xd3: {  	[sflag:s26] =	ssyncadd.s32 $0xFFFFE000  }
0xd4: {  	_ =	swait.ge [sflag:s26], $0x2000  }
0xd5: {  	[sflag:s26] =	ssyncset.done $0x0  }
0xd6: {  	s10 =	sadd.s32 $0x1500, s8;
	[sflag:s26] =	ssyncadd.s32 $0xFFFFE000  }
0xd7: {  	[spmem:s1] =	stream.indirect.scatter.add.f32 [tilespmem:s20], [sflag:$0x3], $0x80, s10, s22, $0xb8;
	[tilespmem:$0x1E480] =	vst v63  }
0xd8: {  	_ =	swait.ge [sflag:s28], $0x2000  }
.Ltmp6:
0xd9: {  	[sflag:s28] =	ssyncset.done $0x0;
	(pc) =	sbr.rel @p2 .LBB2_3-.Ltmp6, $4  }
0xda: {  	[sflag:s28] =	ssyncadd.s32 $0xFFFFE000  }
0xdb: {  	_ =	swait.ge [sflag:s28], $0x2000  }
0xdc: {  	[sflag:s28] =	ssyncset.done $0x0  }
0xdd: {  	s8 =	sadd.s32 $0x1580, s8;
	[sflag:s28] =	ssyncadd.s32 $0xFFFFE000  }
0xde: {  	[spmem:s1] =	stream.indirect.scatter.add.f32 [tilespmem:s23], [sflag:$0x4], $0x80, s8, s22, $0xb8;
	[tilespmem:$0x1E480] =	vst v63  }
0xdf: {  	s0 =	sadd.s32 $0x1, s0  }
0xe0: {  	_ =	swait.ge [sflag:s30], $0x4000;
	p2 =	seq.s32 s0, $0x4  }
.Ltmp7:
0xe1: {  	[sflag:s30] =	ssyncset.done $0x0;
	(pc) =	sbr.rel @!p2 .LBB2_2-.Ltmp7, $4  }
.Ltmp8:
0xe2: {  	[sflag:s30] =	ssyncadd.s32 $0xFFFFC000;
	(pc) =	sbr.rel @p2 .LBB2_8-.Ltmp8, $4  }
0xe3: {  	_ =	swait.ge [sflag:s31], $0x4000  }
0xe4: {  	[sflag:s31] =	ssyncset.done $0x0  }
0xe5: {  	[sflag:s31] =	ssyncadd.s32 $0xFFFFC000  }
0xe6: {  	_ = 	snop  }
.LBB2_9:
0xe7: {  	_ =	sfence.sel $0x180000  }
0xe8: {  	[bflag:$0x0] =	sbarrier.arrive $0xFFFF  }
0xe9: {  	_ =	strace $0x90000050  }
0xea: {  	s0 =	stileid.u32;
	[bflag:$0x2] =	sbarrier.arrive $0xFFFF  }
0xeb: {  	p0 =	sne.s32 s0, $0x0;
	s0 =	rddreg [dreg:$0x4]  }
0xec: {  	s0 =	sadd.s32 @!p0 $0x100000, s0  }
0xed: {  	[sflag:s0] =	ssyncadd.tile.s32 @!p0 $0x1;
	_ =	shalt  }
.Lfunc_end2:
_tile_overlayer_lowered:
.L_overlay_start_2:
0xee: {  	(tag) =	ssettag $0x2  }
0xef: {  	s0 =	rddreg [dreg:$0x0];
	s2 =	stileid.u32  }
0xf0: {  	s1 =	rddreg [dreg:$0x1];
	p0 =	sne.s32 s2, $0x0  }
0xf1: {  	s3 =	rddreg [dreg:$0x2];
	[bflag:$0x3] =	sbarrier.arrive $0xFFFF;
	s2 =	simm.s32 @!p0 $0x1C05  }
0xf2: {  	[timem:s3], [sflag:s2] =	dma.local @!p0 [hbm:s0], s1  }
0xf3: {  	s0 =	simm.s32 @!p0 $0x5  }
0xf4: {  	_ =	swait.ge @!p0 [sflag:s0], s1  }
0xf5: {  	s1 =	ssub.s32 @!p0 $0x0, s1;
	[sflag:s0] =	ssyncset.done @!p0 $0x0  }
0xf6: {  	[sflag:s0] =	ssyncadd.s32 @!p0 s1  }
0xf7: {  	[bflag:$0x3] =	sbarrier.arrive $0xFFFF  }
0xf8: {  	_ =	shalt  }

// kernel: kernel.24.cloned.1.call-start
scs
__scs_entry_jumppad:
0x0: {  	(pc) =	sbr.rel $0x88, $3  }
0x1: {  	(tag) =	ssettag $0x0;
	lr =	simm.s32 $0x1  }
0x2: {  	[smem:$0x3F97] =	sst lr;
	_ =	strace $0xD0000000  }
0x3: {  	_ = 	snop  }
0x4: {  	_ = 	snop  }
0x5: {  	_ = 	snop  }
0x6: {  	_ = 	snop  }
0x7: {  	_ = 	snop  }
__scs_overlays_trampoline_lowered:
0x8: {  	[smem:$0x3FA6] =	sst s0  }
0x9: {  	[smem:$0x3FA7] =	sst s1  }
0xa: {  	[smem:$0x3FA8] =	sst s2  }
0xb: {  	[smem:$0x3FA9] =	sst s3  }
0xc: {  	[smem:$0x3FAA] =	sst s4  }
0xd: {  	[smem:$0x3FAB] =	sst s5  }
0xe: {  	[smem:$0x3FAC] =	sst s6  }
0xf: {  	[smem:$0x3FAD] =	sst s7  }
0x10: {  	[smem:$0x3FAE] =	sst s8  }
0x11: {  	[smem:$0x3FAF] =	sst s9;
	s0 =	simm.s32 @!p0 $0x0  }
0x12: {  	s1 =	sld [smem:$0x3F95];
	s0 =	simm.s32 @p0 $0x1  }
0x13: {  	[smem:$0x3FB0] =	sst s0;
	s0 =	simm.s32 @!p1 $0x0  }
0x14: {  	s2 =	sld [smem:$0x3F94];
	s0 =	simm.s32 @p1 $0x1  }
0x15: {  	[smem:$0x3FB1] =	sst s0;
	s0 =	simm.s32 @!p2 $0x0  }
0x16: {  	s3 =	sld [smem:$0x3FDB];
	s0 =	simm.s32 @p2 $0x1  }
0x17: {  	s4 =	simm.s32 $0x1BF5;
	[smem:$0x3FB3] =	sst s0  }
0x18: {  	s0 =	sld [smem:$0x3F96];
	_ =	swait.ge [sflag:s4], $0x0  }
0x19: {  	s7 =	sld [smem:$0x3F97]  }
0x1a: {  	s8 =	sadd.s32 $0xFFFFE003, lr  }
0x1b: {  	s9 =	sadd.s32 $0xFFFFFEF7, lr;
	s5 =	simm.s32 $0xFFFFFFFF;
	p2 =	slt.u32 s8, $0xFFFFF086  }
0x1c: {  	p1 =	slt.u32 s9, $0xF7A;
	s5 =	simm.s32 @!p2 $0x0  }
0x1d: {  	s5 =	simm.s32 @p1 $0x1;
	p0 =	seq.s32 s7, s2  }
0x1e: {  	s7 =	smul.u32 @!p0 $0xF7A, s2;
	p2 =	seq.s32 @!p0 s5, $0x0  }
0x1f: {  	s9 =	smul.u32 $0xF7A, s1;
	s8 =	simm.s32 @!p0 $0x1BF5;
	p2 =	por !p2, p0  }
0x20: {  	[sflag:s8] =	ssyncset.s32 @!p0 $0xFFFFF086;
	s6 =	sadd.s32 @!p0 s3, s7;
	s7 =	simm.s32 @!p0 $0x108  }
0x21: {  	s3 =	sadd.s32 s3, s9;
	s6 =	sadd.s32 @!p0 $0x88, s6;
	s7 =	simm.s32 @p2 $0x1082  }
0x22: {  	[simem:s7], [sflag:s8] =	dma.local @!p0 [hbm:s6], $0xF7A  }
0x23: {  	s9 =	sor.u32 $0xD0000000, s2;
	s6 =	simm.s32 $0x108;
	_ =	swait.ge @!p0 [sflag:s8], $0x0  }
0x24: {  	s3 =	sadd.s32 $0x88, s3;
	s6 =	simm.s32 @!p1 $0x1082;
	[sflag:s4] =	ssyncset.s32 $0xFFFFF086  }
0x25: {  	[simem:s6], [sflag:s4] =	dma.local [hbm:s3], $0xF7A  }
0x26: {  	[smem:$0x3F97] =	sst s1;
	(tag) =	ssettag s2;
	_ =	strace s9  }
0x27: {  	s1 =	sld [smem:$0x3FA7]  }
0x28: {  	s2 =	sld [smem:$0x3FA8]  }
0x29: {  	s4 =	sld [smem:$0x3FAA]  }
0x2a: {  	p0 =	seq.s32 s5, $0x0;
	s5 =	sld [smem:$0x3FAB]  }
0x2b: {  	s6 =	sld [smem:$0x3FAC]  }
0x2c: {  	s7 =	sld [smem:$0x3FAD]  }
0x2d: {  	s3 =	simm.s32 $0x108;
	s8 =	sld [smem:$0x3FAE]  }
0x2e: {  	s3 =	simm.s32 @!p0 $0x1082;
	s9 =	sld [smem:$0x3FAF]  }
0x2f: {  	lr =	sadd.s32 s0, s3;
	s0 =	sld [smem:$0x3FA6]  }
0x30: {  	s3 =	sld [smem:$0x3FA9]  }
0x31: {  	[smem:$0x3FB2] =	sst s10  }
0x32: {  	s10 =	sld [smem:$0x3FB0];
	_ =	sdelay $0x3  }
0x33: {  	p0 =	seq.s32 s10, $0x1;
	s10 =	sld [smem:$0x3FB2];
	_ =	sdelay $0x3  }
0x34: {  	[smem:$0x3FB2] =	sst s10  }
0x35: {  	s10 =	sld [smem:$0x3FB1];
	_ =	sdelay $0x3  }
0x36: {  	p1 =	seq.s32 s10, $0x1;
	s10 =	sld [smem:$0x3FB2];
	_ =	sdelay $0x3  }
0x37: {  	[smem:$0x3FB2] =	sst s10  }
0x38: {  	s10 =	sld [smem:$0x3FB3]  }
0x39: {  	_ = 	snop;
	(pc) =	sbr.ind lr, $3  }
0x3a: {  	_ = 	snop  }
0x3b: {  	_ = 	snop  }
0x3c: {  	p2 =	seq.s32 s10, $0x1;
	s10 =	sld [smem:$0x3FB2]  }
0x3d: {  	_ =	shalt  }
0x3e: {  	_ =	shalt  }
0x3f: {  	_ =	shalt  }
0x40: {  	_ =	shalt  }
0x41: {  	_ =	shalt  }
0x42: {  	_ =	shalt  }
0x43: {  	_ =	shalt  }
0x44: {  	_ =	shalt  }
0x45: {  	_ =	shalt  }
0x46: {  	_ =	shalt  }
0x47: {  	_ =	shalt  }
0x48: {  	_ =	shalt  }
0x49: {  	_ =	shalt  }
0x4a: {  	_ =	shalt  }
0x4b: {  	_ =	shalt  }
0x4c: {  	_ =	shalt  }
0x4d: {  	_ =	shalt  }
0x4e: {  	_ =	shalt  }
0x4f: {  	_ =	shalt  }
0x50: {  	_ =	shalt  }
0x51: {  	_ =	shalt  }
0x52: {  	_ =	shalt  }
0x53: {  	_ =	shalt  }
0x54: {  	_ =	shalt  }
0x55: {  	_ =	shalt  }
0x56: {  	_ =	shalt  }
0x57: {  	_ =	shalt  }
0x58: {  	_ =	shalt  }
0x59: {  	_ =	shalt  }
0x5a: {  	_ =	shalt  }
0x5b: {  	_ =	shalt  }
0x5c: {  	_ =	shalt  }
0x5d: {  	_ =	shalt  }
0x5e: {  	_ =	shalt  }
0x5f: {  	_ =	shalt  }
0x60: {  	_ =	shalt  }
0x61: {  	_ =	shalt  }
0x62: {  	_ =	shalt  }
0x63: {  	_ =	shalt  }
0x64: {  	_ =	shalt  }
0x65: {  	_ =	shalt  }
0x66: {  	_ =	shalt  }
0x67: {  	_ =	shalt  }
0x68: {  	_ =	shalt  }
0x69: {  	_ =	shalt  }
0x6a: {  	_ =	shalt  }
0x6b: {  	_ =	shalt  }
0x6c: {  	_ =	shalt  }
0x6d: {  	_ =	shalt  }
0x6e: {  	_ =	shalt  }
0x6f: {  	_ =	shalt  }
0x70: {  	_ =	shalt  }
0x71: {  	_ =	shalt  }
0x72: {  	_ =	shalt  }
0x73: {  	_ =	shalt  }
0x74: {  	_ =	shalt  }
0x75: {  	_ =	shalt  }
0x76: {  	_ =	shalt  }
0x77: {  	_ =	shalt  }
0x78: {  	_ =	shalt  }
0x79: {  	_ =	shalt  }
0x7a: {  	_ =	shalt  }
0x7b: {  	_ =	shalt  }
0x7c: {  	_ =	shalt  }
0x7d: {  	_ =	shalt  }
0x7e: {  	_ =	shalt  }
0x7f: {  	_ =	shalt  }
0x80: {  	_ =	shalt  }
0x81: {  	_ =	shalt  }
0x82: {  	_ =	shalt  }
0x83: {  	_ =	shalt  }
0x84: {  	_ =	shalt  }
0x85: {  	_ =	shalt  }
0x86: {  	_ =	shalt  }
0x87: {  	_ =	shalt  }
.Lfunc_end0:
.L_simem_size_0:
called_computation.4_lowered:
.L_overlay_start_0:
0x88: {  	s2 =	sld [smem:$0x3FD9]  }
0x89: {  	s3 =	sld [smem:$0x3FFE];
	_ =	sdelay $0x1  }
0x8a: {  	s1 =	srdreg.scid  }
0x8b: {  	s0 =	sand.u32 $0x1, s1  }
0x8c: {  	s14 =	sshll.u32 s0, $0xA;
	s2 =	sadd.s32 s3, s2  }
0x8d: {  	s2 =	sadd.s32 s2, s14  }
0x8e: {  	[smem:$0x3FBE] =	sst s2  }
0x8f: {  	_ = 	snop  }
0x90: {  	s2 =	sld [smem:$0x3FD0];
	_ =	sdelay $0x2  }
0x91: {  	s15 =	simm.s32 $0xA;
	s4 =	simm.s32 $0x10  }
0x92: {  	[smem:s4], [sflag:s15] =	dma.local [hbm:s2], $0x1  }
0x93: {  	_ =	swait.eq [sflag:s15], $0x1  }
0x94: {  	[sflag:s15] =	ssyncset.done $0x0  }
0x95: {  	[sflag:s15] =	ssyncadd.s32 $0xFFFFFFFF  }
0x96: {  	s16 =	sld [smem:$0x10];
	(tm) =	ssettm $0x1  }
0x97: {  	s17 =	sld [smem:$0x3FFB];
	_ =	sdelay $0x3  }
0x98: {  	_ =	strace s17  }
0x99: {  	s3 =	sld [smem:$0x3FFC];
	_ =	sdelay $0x3  }
0x9a: {  	_ =	strace s3  }
0x9b: {  	s3 =	sld [smem:$0x3FFD];
	_ =	sdelay $0x3  }
0x9c: {  	_ =	strace s3  }
0x9d: {  	_ =	strace $0x8FFFFFFF  }
0x9e: {  	s18 =	sld [smem:$0x3FDB];
	_ =	sdelay $0x1  }
0x9f: {  	s19 =	simm.s32 $_scs_section_size  }
0xa0: {  	s5 =	simm.s32 $_size__tile_overlayer_lowered;
	s6 =	simm.s32 $_tile_overlayer_lowered  }
0xa1: {  	s22 =	simm.s32 $0x1BFF;
	s21 =	sshll.u32 s6, $0x1;
	s3 =	sadd.s32 s19, s18  }
0xa2: {  	s7 =	simm.s32 $0x0;
	s20 =	sshll.u32 s5, $0x1;
	s5 =	sadd.s32 s21, s3  }
0xa3: {  	[timem:s7], [sflag:s22] =	dma.local [hbm:s5], s20  }
0xa4: {  	_ =	swait.ge [sflag:s22], s20  }
0xa5: {  	s4 =	ssub.s32 $0x0, s20;
	[sflag:s22] =	ssyncset.done $0x0  }
0xa6: {  	[sflag:s22] =	ssyncadd.s32 s4;
	_ =	sdelay $0x1  }
0xa7: {  	s23 =	simm.s32 $0x1B8B  }
0xa8: {  	_ =	swait.ge [sflag:s23], $0x1  }
0xa9: {  	[sflag:s23] =	ssyncset.done $0x0  }
0xaa: {  	s25 =	simm.s32 $0x1B8E;
	s24 =	sld [smem:$0x3FFE];
	[sflag:s23] =	ssyncadd.s32 $0xFFFFFFFF  }
0xab: {  	s26 =	simm.s32 $execute0_lowered;
	[smem:$0x3FD2] =	sst s25  }
0xac: {  	s5 =	sshll.u32 s26, $0x1;
	_ =	strace $0x80000052;
	[dreg:$0x1] =	wrdreg $0xFFFFFFFF  }
0xad: {  	s28 =	simm.s32 $_size_execute0_lowered;
	s3 =	sadd.s32 s3, s5;
	[dreg:$0x0] =	wrdreg $0x0  }
0xae: {  	s5 =	sshll.u32 s28, $0x1;
	[dreg:$0x2] =	wrdreg s3  }
0xaf: {  	[dreg:$0x3] =	wrdreg s5  }
0xb0: {  	[dreg:$0x4] =	wrdreg $0xC0  }
0xb1: {  	_ =	task [dreg:s7], $0x5FFFF  }
0xb2: {  	[dreg:$0x1] =	wrdreg $0xFFFFFFFF  }
0xb3: {  	[dreg:$0x0] =	wrdreg $0x60  }
0xb4: {  	[dreg:$0x2] =	wrdreg s24  }
0xb5: {  	[dreg:$0x3] =	wrdreg s16  }
0xb6: {  	[dreg:$0x4] =	wrdreg $0xA8000  }
0xb7: {  	[dreg:$0x5] =	wrdreg $0x9  }
0xb8: {  	_ =	task.clear_ibuf [dreg:s7], $0x6FFFF;
	_ =	strace $0x90000052  }
0xb9: {  	s29 =	simm.s32 $0x9;
	_ =	strace $0x80000054  }
0xba: {  	_ =	swait.ge [sflag:s29], $0x1  }
0xbb: {  	[sflag:s29] =	ssyncadd.s32 $0xFFFFFFFF  }
0xbc: {  	_ =	strace $0x90000054  }
0xbd: {  	_ =	sfence  }
0xbe: {  	s30 =	sld [smem:$0x0];
	_ =	sdelay $0x2  }
0xbf: {  	s31 =	sshll.u32 s1, $0xD;
	s1 =	sshrl.u32 s1, $0x2  }
0xc0: {  	s3 =	sand.u32 $0x4000, s31;
	s1 =	sadd.s32 s1, s30  }
0xc1: {  	s0 =	sor.u32 s3, s0;
	s1 =	sshll.u32 s1, $0x11  }
0xc2: {  	s0 =	sor.u32 s1, s0  }
0xc3: {  	s0 =	sadd.s32 $0x8F2B, s0  }
0xc4: {  	[sflag:s0] =	ssyncadd.remote.s32 $0x1  }
0xc5: {  	_ =	sfence.sel $0xFFFF  }
0xc6: {  	[dreg:$0x0] =	wrdreg $0xFFFFFFFF;
	(pc) =	sbr.abs _section_cstart, $3  }
0xc7: {  	[dreg:$0x1] =	wrdreg $0xFFFFFFFF  }
0xc8: {  	_ =	task.clear_ibuf [dreg:s7], $0x2FFFF;
	_ =	strace $0x9FFFFFFF  }
0xc9: {  	(tm) =	ssettm $0x7FFFFFFF  }
tec
execute0_lowered:
.L_overlay_start_1:
0x0: {  	(tag) =	ssettag $0x1  }
0x1: {  	s0 =	rddreg [dreg:$0x0]  }
0x2: {  	s9 =	rddreg [dreg:$0x1]  }
0x3: {  	s1 =	rddreg [dreg:$0x2];
	s3 =	simm.s32 $0x0;
	s5 =	srdreg.scid  }
0x4: {  	s2 =	stileid.u32;
	s17 =	simm.s32 $0x1400;
	s18 =	simm.s32 $0x40  }
0x5: {  	s19 =	simm.s32 $0x2800;
	s20 =	simm.s32 $0x4800;
	s21 =	simm.s32 $0x80  }
0x6: {  	s22 =	simm.s32 $0x6800;
	s23 =	simm.s32 $0xC0;
	s24 =	simm.s32 $0x8800  }
0x7: {  	s28 =	simm.s32 $0x1480;
	s29 =	simm.s32 $0x3;
	s30 =	simm.s32 $0x4  }
0x8: {  	[smem:$0x7FF] =	sst s3;
	s4 =	sadd.s32 $0x66E00, s0;
	s10 =	sand.u32 $0x1, s5  }
0x9: {  	s7 =	smul.u32 $0x4E000, s2;
	s5 =	sadd.s32 $0x4C00, s0;
	s6 =	sadd.s32 $0xEC00, s0  }
0xa: {  	s12 =	smul.u32 $0x2700, s2;
	s0 =	sadd.s32 $0x8E000, s0;
	s25 =	sshll.u32 s2, $0x6  }
0xb: {  	s16 =	sadd.s32 $0x138000, s1;
	p0 =	sne.s32 s2, $0xF;
	s26 =	smul.u32 $0x138800, s10  }
0xc: {  	_ =	strace $0x80000053;
	s8 =	ssub.s32 $0x2, s10;
	s15 =	smul.u32 $0x27100, s10  }
0xd: {  	s10 =	sshll.u32 s10, $0x4;
	s16 =	sshrl.u32 @!p0 s16, $0x3;
	s11 =	sshrl.u32 s8, $0x1  }
0xe: {  	s7 =	sshrl.u32 s7, $0x2;
	s10 =	sor.u32 s2, s10;
	s13 =	ssub.s32 s8, s11  }
0xf: {  	s14 =	sadd.s32 s7, s1;
	s7 =	sadd.s32 s9, s12;
	s8 =	sor.u32 $0x1C05, s25  }
0x10: {  	s9 =	sadd.s32 $0x27000, s9;
	s11 =	sshrl.u32 s26, $0x3;
	s12 =	sadd.s32 s12, s15  }
0x11: {  	s10 =	smul.u32 $0x50, s10;
	s15 =	simm.s32 $0x5;
	s25 =	simm.s32 $0x1  }
0x12: {  	s26 =	simm.s32 $0x2;
	s31 =	sadd.s32 s0, s11;
	s11 =	sadd.s32 s0, s12  }
0x13: {  	s13 =	smax.u32 s13, $0x1;
	s14 =	sshrl.u32 s14, $0x3;
	s12 =	sadd.s32 $0x27000, s31  }
.LBB2_1:
0x14: {  	[spmem:s14], [sflag:s8] =	dma.local [hbm:s7], $0x2700  }
0x15: {  	_ =	swait.ge [sflag:s15], $0x2700  }
0x16: {  	[sflag:s15] =	ssyncset.done $0x0  }
0x17: {  	s0 =	simm.s32 @!p0 $0x5;
	[sflag:s15] =	ssyncadd.s32 $0xFFFFD900  }
0x18: {  	[spmem:s16], [sflag:s8] =	dma.local @!p0 [hbm:s9], $0x100  }
0x19: {  	_ =	swait.ge @!p0 [sflag:s0], $0x100  }
0x1a: {  	[sflag:s0] =	ssyncset.done @!p0 $0x0  }
0x1b: {  	[sflag:s0] =	ssyncadd.s32 @!p0 $0xFFFFFF00  }
0x1c: {  	p2 =	por $0x1, $0x1;
	s0 =	simm.s32 $0x0;
	[bflag:$0x0] =	sbarrier.arrive $0xFFFF  }
.LBB2_2:
0x1d: {  	s0 =	sadd.s32 s10, s0  }
0x1e: {  	s0 =	sshll.u32 s0, $0x4  }
0x1f: {  	s2 =	simm.s32 $0x0;
	s31 =	sadd.s32 s5, s0  }
0x20: {  	[tilespmem:s2], [sflag:$0x5] =	stream.linear.gather [hbm4b:s31+s2], $0x1400, $0x38;
	[tilespmem:$0x1E480] =	vst v63  }
0x21: {  	_ =	swait.ge [sflag:s15], $0x1400  }
0x22: {  	[sflag:s15] =	ssyncset.done $0x0  }
0x23: {  	s0 =	sadd.s32 s6, s0;
	[sflag:s15] =	ssyncadd.s32 $0xFFFFEC00  }
0x24: {  	[tilespmem:s17], [sflag:$0x5] =	stream.linear.gather [hbm4b:s0+s2], $0x1400, $0x38;
	[tilespmem:$0x1E480] =	vst v63  }
0x25: {  	_ =	swait.ge [sflag:s15], $0x1400  }
0x26: {  	[sflag:s15] =	ssyncset.done $0x0  }
0x27: {  	[sflag:s15] =	ssyncadd.s32 $0xFFFFEC00  }
0x28: {  	[tilespmem:s19], [sflag:$0x1] =	stream.indirect.gather [hbm4b:s4+s18], $0x80, s2, s18, $0xb8;
	[tilespmem:$0x1E480] =	vst v63  }
0x29: {  	_ = 	snop  }
0x2a: {  	[tilespmem:s20], [sflag:$0x1] =	stream.indirect.gather [hbm4b:s4+s18], $0x80, s18, s18, $0xb8;
	[tilespmem:$0x1E480] =	vst v63  }
0x2b: {  	_ = 	snop  }
0x2c: {  	[tilespmem:s22], [sflag:$0x2] =	stream.indirect.gather [hbm4b:s4+s18], $0x80, s21, s18, $0xb8;
	[tilespmem:$0x1E480] =	vst v63  }
0x2d: {  	_ = 	snop  }
0x2e: {  	[tilespmem:s24], [sflag:$0x2] =	stream.indirect.gather [hbm4b:s4+s18], $0x80, s23, s18, $0xb8;
	[tilespmem:$0x1E480] =	vst v63  }
0x2f: {  	_ =	swait.ge [sflag:s25], $0x2000  }
0x30: {  	[sflag:s25] =	ssyncset.done $0x0  }
0x31: {  	[sflag:s25] =	ssyncadd.s32 $0xFFFFE000  }
0x32: {  	_ =	swait.ge [sflag:s25], $0x2000  }
0x33: {  	[sflag:s25] =	ssyncset.done $0x0  }
0x34: {  	[sflag:s25] =	ssyncadd.s32 $0xFFFFE000  }
0x35: {  	[spmem:s1] =	stream.indirect.scatter.add.f32 [tilespmem:s19], [sflag:$0x3], $0x80, s17, s21, $0xb8;
	[tilespmem:$0x1E480] =	vst v63  }
0x36: {  	_ =	swait.ge [sflag:s26], $0x2000  }
0x37: {  	[sflag:s26] =	ssyncset.done $0x0  }
0x38: {  	[sflag:s26] =	ssyncadd.s32 $0xFFFFE000  }
0x39: {  	_ =	swait.ge [sflag:s26], $0x2000  }
0x3a: {  	[sflag:s26] =	ssyncset.done $0x0  }
0x3b: {  	[sflag:s26] =	ssyncadd.s32 $0xFFFFE000  }
0x3c: {  	[spmem:s1] =	stream.indirect.scatter.add.f32 [tilespmem:s22], [sflag:$0x4], $0x80, s28, s21, $0xb8;
	[tilespmem:$0x1E480] =	vst v63  }
0x3d: {  	_ =	swait.ge [sflag:s29], $0x4000  }
0x3e: {  	[sflag:s29] =	ssyncset.done $0x0  }
0x3f: {  	s2 =	simm.s32 $0x100;
	[sflag:s29] =	ssyncadd.s32 $0xFFFFC000  }
0x40: {  	[tilespmem:s19], [sflag:$0x1] =	stream.indirect.gather [hbm4b:s4+s18], $0x80, s2, s18, $0xb8;
	[tilespmem:$0x1E480] =	vst v63  }
0x41: {  	s2 =	simm.s32 $0x140  }
0x42: {  	[tilespmem:s20], [sflag:$0x1] =	stream.indirect.gather [hbm4b:s4+s18], $0x80, s2, s18, $0xb8;
	[tilespmem:$0x1E480] =	vst v63  }
0x43: {  	_ =	swait.ge [sflag:s30], $0x4000  }
0x44: {  	[sflag:s30] =	ssyncset.done $0x0  }
0x45: {  	s2 =	simm.s32 $0x180;
	[sflag:s30] =	ssyncadd.s32 $0xFFFFC000  }
0x46: {  	[tilespmem:s22], [sflag:$0x2] =	stream.indirect.gather [hbm4b:s4+s18], $0x80, s2, s18, $0xb8;
	[tilespmem:$0x1E480] =	vst v63  }
0x47: {  	s2 =	simm.s32 $0x1C0  }
0x48: {  	[tilespmem:s24], [sflag:$0x2] =	stream.indirect.gather [hbm4b:s4+s18], $0x80, s2, s18, $0xb8;
	[tilespmem:$0x1E480] =	vst v63  }
0x49: {  	_ =	swait.ge [sflag:s25], $0x2000  }
0x4a: {  	[sflag:s25] =	ssyncset.done $0x0  }
0x4b: {  	[sflag:s25] =	ssyncadd.s32 $0xFFFFE000  }
0x4c: {  	_ =	swait.ge [sflag:s25], $0x2000  }
0x4d: {  	[sflag:s25] =	ssyncset.done $0x0  }
0x4e: {  	s2 =	simm.s32 $0x1500;
	[sflag:s25] =	ssyncadd.s32 $0xFFFFE000  }
0x4f: {  	[spmem:s1] =	stream.indirect.scatter.add.f32 [tilespmem:s19], [sflag:$0x3], $0x80, s2, s21, $0xb8;
	[tilespmem:$0x1E480] =	vst v63  }
0x50: {  	_ =	swait.ge [sflag:s26], $0x2000  }
0x51: {  	[sflag:s26] =	ssyncset.done $0x0  }
0x52: {  	[sflag:s26] =	ssyncadd.s32 $0xFFFFE000  }
0x53: {  	_ =	swait.ge [sflag:s26], $0x2000  }
0x54: {  	p1 =	por p2, p2;
	[sflag:s26] =	ssyncset.done $0x0  }
0x55: {  	s31 =	simm.s32 $0x400;
	s0 =	simm.s32 $0x1580;
	[sflag:s26] =	ssyncadd.s32 $0xFFFFE000  }
.LBB2_3:
0x56: {  	[spmem:s1] =	stream.indirect.scatter.add.f32 [tilespmem:s22], [sflag:$0x4], $0x80, s0, s21, $0xb8;
	[tilespmem:$0x1E480] =	vst v63  }
0x57: {  	s0 =	smov.u32 s31  }
0x58: {  	p2 =	sne.s32 s31, $0x4800;
	s31 =	sadd.s32 $0x400, s31;
	_ =	swait.ge [sflag:s29], $0x4000  }
0x59: {  	s0 =	sshra.s32 s0, $0x2;
	[sflag:s29] =	ssyncset.done $0x0  }
0x5a: {  	s2 =	sadd.s32 $0x100, s0;
	[sflag:s29] =	ssyncadd.s32 $0xFFFFC000  }
0x5b: {  	[tilespmem:s19], [sflag:$0x1] =	stream.indirect.gather [hbm4b:s4+s18], $0x80, s2, s18, $0xb8;
	[tilespmem:$0x1E480] =	vst v63  }
0x5c: {  	s2 =	sadd.s32 $0x140, s0  }
0x5d: {  	[tilespmem:s20], [sflag:$0x1] =	stream.indirect.gather [hbm4b:s4+s18], $0x80, s2, s18, $0xb8;
	[tilespmem:$0x1E480] =	vst v63  }
0x5e: {  	_ =	swait.ge [sflag:s30], $0x4000  }
0x5f: {  	[sflag:s30] =	ssyncset.done $0x0  }
0x60: {  	s2 =	sadd.s32 $0x180, s0;
	[sflag:s30] =	ssyncadd.s32 $0xFFFFC000  }
0x61: {  	[tilespmem:s22], [sflag:$0x2] =	stream.indirect.gather [hbm4b:s4+s18], $0x80, s2, s18, $0xb8;
	[tilespmem:$0x1E480] =	vst v63  }
0x62: {  	s2 =	sadd.s32 $0x1C0, s0  }
0x63: {  	[tilespmem:s24], [sflag:$0x2] =	stream.indirect.gather [hbm4b:s4+s18], $0x80, s2, s18, $0xb8;
	[tilespmem:$0x1E480] =	vst v63  }
0x64: {  	_ =	swait.ge [sflag:s25], $0x2000  }
0x65: {  	[sflag:s25] =	ssyncset.done $0x0  }
0x66: {  	[sflag:s25] =	ssyncadd.s32 $0xFFFFE000  }
0x67: {  	_ =	swait.ge [sflag:s25], $0x2000  }
0x68: {  	[sflag:s25] =	ssyncset.done $0x0  }
0x69: {  	s2 =	sadd.s32 $0x1500, s0;
	[sflag:s25] =	ssyncadd.s32 $0xFFFFE000  }
0x6a: {  	[spmem:s1] =	stream.indirect.scatter.add.f32 [tilespmem:s19], [sflag:$0x3], $0x80, s2, s21, $0xb8;
	[tilespmem:$0x1E480] =	vst v63  }
0x6b: {  	_ =	swait.ge [sflag:s26], $0x2000  }
.Ltmp0:
0x6c: {  	[sflag:s26] =	ssyncset.done $0x0;
	(pc) =	sbr.rel @p2 .LBB2_3-.Ltmp0, $4  }
0x6d: {  	[sflag:s26] =	ssyncadd.s32 $0xFFFFE000  }
0x6e: {  	_ =	swait.ge [sflag:s26], $0x2000  }
0x6f: {  	[sflag:s26] =	ssyncset.done $0x0  }
0x70: {  	s0 =	sadd.s32 $0x1580, s0;
	[sflag:s26] =	ssyncadd.s32 $0xFFFFE000  }
0x71: {  	[spmem:s1] =	stream.indirect.scatter.add.f32 [tilespmem:s22], [sflag:$0x4], $0x80, s0, s21, $0xb8;
	[tilespmem:$0x1E480] =	vst v63  }
0x72: {  	_ =	swait.ge [sflag:s29], $0x4000  }
.Ltmp1:
0x73: {  	[sflag:s29] =	ssyncset.done $0x0;
	(pc) =	sbr.rel @p1 .LBB2_2-.Ltmp1, $4  }
0x74: {  	[sflag:s29] =	ssyncadd.s32 $0xFFFFC000  }
0x75: {  	_ =	swait.ge [sflag:s30], $0x4000  }
0x76: {  	[sflag:s30] =	ssyncset.done $0x0  }
0x77: {  	s0 =	simm.s32 $0x28;
	p2 =	por $0x0, $0x0;
	[sflag:s30] =	ssyncadd.s32 $0xFFFFC000  }
0x78: {  	[bflag:$0x0] =	sbarrier.arrive $0xFFFF  }
0x79: {  	[hbm:s11], [sflag:s8] =	dma.local [spmem:s14], $0x2700  }
0x7a: {  	s3 =	sadd.s32 $0x1, s3;
	_ =	swait.ge [sflag:s15], $0x2700  }
0x7b: {  	p1 =	sne.s32 s3, s13;
	[sflag:s15] =	ssyncset.done $0x0  }
.Ltmp2:
0x7c: {  	s0 =	simm.s32 @!p0 $0x5;
	[sflag:s15] =	ssyncadd.s32 $0xFFFFD900;
	(pc) =	sbr.rel @p1 .LBB2_1-.Ltmp2, $4  }
0x7d: {  	[hbm:s12], [sflag:s8] =	dma.local @!p0 [spmem:s16], $0x100  }
0x7e: {  	_ =	swait.ge @!p0 [sflag:s0], $0x100  }
0x7f: {  	[sflag:s0] =	ssyncset.done @!p0 $0x0  }
0x80: {  	[sflag:s0] =	ssyncadd.s32 @!p0 $0xFFFFFF00  }
0x81: {  	_ =	sfence.sel $0x180000  }
0x82: {  	[bflag:$0x0] =	sbarrier.arrive $0xFFFF  }
0x83: {  	_ =	strace $0x90000053  }
0x84: {  	s0 =	stileid.u32;
	[bflag:$0x2] =	sbarrier.arrive $0xFFFF  }
0x85: {  	p0 =	sne.s32 s0, $0x0;
	s0 =	rddreg [dreg:$0x3]  }
0x86: {  	s0 =	sadd.s32 @!p0 $0x100000, s0  }
0x87: {  	[sflag:s0] =	ssyncadd.tile.s32 @!p0 $0x1;
	_ =	shalt  }
.Lfunc_end2:
_tile_overlayer_lowered:
.L_overlay_start_2:
0x88: {  	(tag) =	ssettag $0x2  }
0x89: {  	s0 =	rddreg [dreg:$0x0];
	s2 =	stileid.u32  }
0x8a: {  	s1 =	rddreg [dreg:$0x1];
	p0 =	sne.s32 s2, $0x0  }
0x8b: {  	s3 =	rddreg [dreg:$0x2];
	[bflag:$0x3] =	sbarrier.arrive $0xFFFF;
	s2 =	simm.s32 @!p0 $0x1C05  }
0x8c: {  	[timem:s3], [sflag:s2] =	dma.local @!p0 [hbm:s0], s1  }
0x8d: {  	s0 =	simm.s32 @!p0 $0x5  }
0x8e: {  	_ =	swait.ge @!p0 [sflag:s0], s1  }
0x8f: {  	s1 =	ssub.s32 @!p0 $0x0, s1;
	[sflag:s0] =	ssyncset.done @!p0 $0x0  }
0x90: {  	[sflag:s0] =	ssyncadd.s32 @!p0 s1  }
0x91: {  	[bflag:$0x3] =	sbarrier.arrive $0xFFFF  }
0x92: {  	_ =	shalt  }

</sc_bundles>
